<compile_context>
chip_gen: v7x
topology: tpu7x:2x2x1
jax: 0.10.2.dev20260603
libtpu: 0.0.44.dev20260713+nightly
codegen_flags: <defaults>
</compile_context>

<pallas_src>
import functools

import jax
import jax.numpy as jnp
from jax import lax
from jax.experimental import pallas as pl
from jax.experimental.pallas import tpu as pltpu
from jax.experimental.pallas import tpu_sc as plsc

N = 10000
F = 128
E = 320000
NC = 2
NS = 16
NW = NC * NS
NP = 10112
RPT = NP // NS
NPD = 10240
RPTD = NPD // NS
C = 80
NCHUNK = E // C
CPT = NCHUNK // NW
NG = 5
RG = CPT // NG
R = 1000
NBUF = 4

_MESH = dict(core_axis_name="c", subcore_axis_name="s", num_cores=NC,
             num_subcores=NS)


@functools.partial(
    pl.kernel,
    out_type=jax.ShapeDtypeStruct((NPD,), jnp.float32),
    mesh=plsc.VectorSubcoreMesh(**_MESH),
    scratch_types=[
        pltpu.VMEM((RG, C), jnp.int32),
        pltpu.VMEM((RPTD,), jnp.float32),
        pltpu.VMEM_SHARED((NPD,), jnp.float32),
        pltpu.SemaphoreType.DMA,
    ],
)
def _deg_kernel(row_hbm, out_hbm, row_v, ones_v, deg_sh, sem):
    c = lax.axis_index("c")
    s = lax.axis_index("s")

    def _fill(i, carry):
        ones_v[pl.ds(i * 16, 16)] = jnp.full((16,), 1.0, jnp.float32)
        return carry
    lax.fori_loop(0, RPTD // 16, _fill, 0)
    pltpu.sync_copy(ones_v, deg_sh.at[pl.ds(s * RPTD, RPTD)])
    plsc.subcore_barrier()

    ones_c = ones_v.at[pl.ds(0, C)]
    for k in range(2):
        def _grp(g, carry):
            pltpu.sync_copy(row_hbm.at[2 * s + k, g], row_v)

            def _fire(j, carry2):
                pltpu.async_copy(ones_c, deg_sh.at[row_v.at[j]], sem,
                                 add=True)
                return carry2
            lax.fori_loop(0, RG, _fire, carry)

            def _drain(j, carry2):
                pltpu.make_async_copy(ones_c, deg_sh.at[row_v.at[j]],
                                      sem).wait()
                return carry2
            return lax.fori_loop(0, RG, _drain, carry)
        lax.fori_loop(0, NG, _grp, 0)
    plsc.subcore_barrier()

    @pl.when(c == 0)
    def _():
        pltpu.sync_copy(deg_sh.at[pl.ds(s * RPTD, RPTD)],
                        out_hbm.at[pl.ds(s * RPTD, RPTD)])


@functools.partial(
    pl.kernel,
    out_type=jax.ShapeDtypeStruct((NC, NP, F), jnp.float32),
    mesh=plsc.VectorSubcoreMesh(**_MESH),
    scratch_types=[
        pltpu.VMEM((RG, C), jnp.int32),
        pltpu.VMEM((RG, C), jnp.int32),
        pltpu.VMEM((NBUF, C, F), jnp.float32),
        pltpu.VMEM_SHARED((NP, F), jnp.float32),
        [pltpu.SemaphoreType.DMA] * NBUF,
        [pltpu.SemaphoreType.DMA] * NBUF,
    ],
)
def _spmm_kernel(hp_hbm, row_hbm, col_hbm, out_hbm,
                 row_v, col_v, ring, acc_sh, gsem, ssem):
    c = lax.axis_index("c")
    s = lax.axis_index("s")
    wid = c * NS + s

    buf0 = ring.at[0]

    def _zrow(i, carry):
        for k in range(F // 16):
            ring[0, i, pl.ds(k * 16, 16)] = jnp.zeros((16,), jnp.float32)
        return carry
    lax.fori_loop(0, 40, _zrow, 0)
    base = s * RPT

    def _zcp(t, carry):
        pltpu.sync_copy(buf0.at[pl.ds(0, 40)],
                        acc_sh.at[pl.ds(base + t * 40, 40)])
        return carry
    lax.fori_loop(0, RPT // 40, _zcp, 0)
    zrem = RPT - (RPT // 40) * 40
    if zrem:
        pltpu.sync_copy(buf0.at[pl.ds(0, zrem)],
                        acc_sh.at[pl.ds(base + RPT - zrem, zrem)])
    plsc.subcore_barrier()

    def _grp(g, carry):
        pltpu.sync_copy(row_hbm.at[wid, g], row_v)
        pltpu.sync_copy(col_hbm.at[wid, g], col_v)
        for b in range(NBUF):
            pltpu.async_copy(hp_hbm.at[row_v.at[b]], ring.at[b], gsem[b])

        def _step(t, carry2):
            j0 = NBUF * t
            for b in range(NBUF):
                pltpu.make_async_copy(hp_hbm.at[row_v.at[j0 + b]], ring.at[b],
                                      gsem[b]).wait()
                pltpu.async_copy(ring.at[b], acc_sh.at[col_v.at[j0 + b]],
                                 ssem[b], add=True)
            for b in range(NBUF):
                pltpu.make_async_copy(ring.at[b], acc_sh.at[col_v.at[j0 + b]],
                                      ssem[b]).wait()

                @pl.when(j0 + b + NBUF < RG)
                def _():
                    pltpu.async_copy(hp_hbm.at[row_v.at[j0 + b + NBUF]],
                                     ring.at[b], gsem[b])
            return carry2
        carry = lax.fori_loop(0, RG // NBUF, _step, carry)
        bt = (RG - 1) % NBUF
        jt = RG - 1
        pltpu.make_async_copy(hp_hbm.at[row_v.at[jt]], ring.at[bt],
                              gsem[bt]).wait()
        pltpu.async_copy(ring.at[bt], acc_sh.at[col_v.at[jt]],
                         ssem[bt], add=True)
        pltpu.make_async_copy(ring.at[bt], acc_sh.at[col_v.at[jt]],
                              ssem[bt]).wait()
        return carry
    lax.fori_loop(0, NG, _grp, 0)
    plsc.subcore_barrier()
    pltpu.sync_copy(acc_sh.at[pl.ds(s * RPT, RPT)],
                    out_hbm.at[c].at[pl.ds(s * RPT, RPT)])


def _mm1_body(x_ref, w_ref, b_ref, d_ref, h_ref, hp_ref):
    dinv = lax.rsqrt(d_ref[...])
    h = lax.dot_general(x_ref[...], w_ref[...],
                        (((1,), (1,)), ((), ())),
                        preferred_element_type=jnp.float32) + b_ref[...]
    h_ref[...] = h
    hp_ref[...] = h * dinv


def _mm2_body(p0_ref, p1_ref, h1_ref, d_ref, w_ref, b_ref,
              h_ref, hp_ref):
    dinv = lax.rsqrt(d_ref[...])
    agg = p0_ref[0] + p1_ref[0]
    y = jnp.maximum(dinv * agg + (dinv * dinv) * h1_ref[...], 0.0)
    h = lax.dot_general(y, w_ref[...],
                        (((1,), (1,)), ((), ())),
                        preferred_element_type=jnp.float32) + b_ref[...]
    h_ref[...] = h
    hp_ref[...] = h * dinv


def _fin_body(q0_ref, q1_ref, h2_ref, d_ref, out_ref):
    dinv = lax.rsqrt(d_ref[...])
    agg = q0_ref[0] + q1_ref[0]
    out_ref[...] = jnp.maximum(dinv * agg + (dinv * dinv) * h2_ref[...], 0.0)


def _row_spec():
    return pl.BlockSpec((R, F), lambda i: (i, 0))


def _part_spec(j):
    return pl.BlockSpec((1, R, F), lambda i, j=j: (j, i, 0))


def _deg_spec():
    return pl.BlockSpec((R, 1), lambda i: (i, 0))


def _w_spec():
    return pl.BlockSpec((F, F), lambda i: (0, 0))


def _b_spec():
    return pl.BlockSpec((1, F), lambda i: (0, 0))


def _mm1(xf, W1, b1, degb):
    return pl.pallas_call(
        _mm1_body,
        grid=(N // R,),
        in_specs=[_row_spec(), _w_spec(), _b_spec(), _deg_spec()],
        out_specs=[_row_spec(), _row_spec()],
        out_shape=[jax.ShapeDtypeStruct((N, F), jnp.float32),
                   jax.ShapeDtypeStruct((N, F), jnp.float32)],
    )(xf, W1, b1, degb)


def _mm2(parts, h1, degb, W2, b2):
    return pl.pallas_call(
        _mm2_body,
        grid=(N // R,),
        in_specs=[_part_spec(0), _part_spec(1), _row_spec(), _deg_spec(),
                  _w_spec(), _b_spec()],
        out_specs=[_row_spec(), _row_spec()],
        out_shape=[jax.ShapeDtypeStruct((N, F), jnp.float32),
                   jax.ShapeDtypeStruct((N, F), jnp.float32)],
    )(parts, parts, h1, degb, W2, b2)


def _fin(parts, h2, degb):
    return pl.pallas_call(
        _fin_body,
        grid=(N // R,),
        in_specs=[_part_spec(0), _part_spec(1), _row_spec(), _deg_spec()],
        out_specs=_row_spec(),
        out_shape=jax.ShapeDtypeStruct((N, F), jnp.float32),
    )(parts, parts, h2, degb)


@jax.jit
def _run(x, edge_index, W1, b1, W2, b2):
    xf = x[0]
    ei = edge_index.astype(jnp.int32)
    row_d = ei[0].reshape(NW, NG, RG, C)
    col_d = ei[1].reshape(NW, NG, RG, C)

    degb = _deg_kernel(row_d).reshape(NPD, 1)

    h1, hp1 = _mm1(xf, W1, b1.reshape(1, F), degb)
    parts1 = _spmm_kernel(hp1, row_d, col_d)
    h2, hp2 = _mm2(parts1, h1, degb, W2, b2.reshape(1, F))
    parts2 = _spmm_kernel(hp2, row_d, col_d)
    out = _fin(parts2, h2, degb)
    return out[None]


def kernel(x, edge_index, W1, b1, W2, b2):
    return _run(x, edge_index, W1, b1, W2, b2)

# --- scband reference (transcript-rebuilt; emitter-appended) ---
"""Pipeline reference for scband-gconv-seq-7859790152279 (READ-ONLY COPY).

The authoritative reference and input builder live on the scoring server;
editing this copy changes nothing except your own understanding.
"""

import jax, jax.numpy as jnp
import numpy as np

N_NODES = 10000


def _gconv(x, edge_index, W, b):
    # add self loops
    n = N_NODES
    loops = jnp.arange(n, dtype=edge_index.dtype)
    ei = jnp.concatenate([edge_index, jnp.stack([loops, loops], axis=0)], axis=1)
    # linear layer
    x = x @ W.T + b
    row, col = ei[0], ei[1]
    # degree over row (source) nodes
    deg = jnp.zeros((n,), dtype=x.dtype).at[row].add(1.0)
    deg_inv_sqrt = deg ** -0.5
    norm = deg_inv_sqrt[row] * deg_inv_sqrt[col]
    # message: norm * x_j where x_j = x gathered at source nodes (node_dim=-2)
    msg = norm[None, :, None] * x[:, row, :]
    # aggregate (add) at target nodes
    out = jnp.zeros_like(x).at[:, col, :].add(msg)
    return out


def setup_inputs(seed: int = 0) -> dict:
    key = jax.random.key(seed)
    k1, k2, k3, k4 = jax.random.split(key, 4)
    x = jax.random.normal(k1, (1, N_NODES, 128), dtype=jnp.float32)
    edge_index = jax.random.randint(k2, (2, 320000), 0, N_NODES, dtype=jnp.int64)
    # xavier-uniform init for linear weights
    limit = np.sqrt(6.0 / (128 + 128))
    W1 = jax.random.uniform(k3, (128, 128), dtype=jnp.float32, minval=-limit, maxval=limit)
    b1 = jnp.zeros((128,), dtype=jnp.float32)
    W2 = jax.random.uniform(k4, (128, 128), dtype=jnp.float32, minval=-limit, maxval=limit)
    b2 = jnp.zeros((128,), dtype=jnp.float32)
    return {"x": x, "edge_index": edge_index, "W1": W1, "b1": b1, "W2": W2, "b2": b2}


def reference(x, edge_index, W1, b1, W2, b2):
    x = _gconv(x, edge_index, W1, b1)
    x = jax.nn.relu(x)
    x = _gconv(x, edge_index, W2, b2)
    x = jax.nn.relu(x)
    return x

if __name__ == "__main__":
    import jax
    _d = setup_inputs()
    print(jax.jit(kernel)(*tuple(_d.values())))

</pallas_src>

<mosaic_0001>
#map = affine_map<(d0, d1) -> (0, 0, 0, 0)>
#map1 = affine_map<(d0, d1) -> (0)>
module attributes {stable_mosaic.version = 14 : i64} {
  func.func @_deg_kernel(%arg0: i32, %arg1: i32, %arg2: memref<32x5x25x80xi32, #tpu.memory_space<hbm>>, %arg3: memref<10240xf32, #tpu.memory_space<hbm>>, %arg4: memref<25x80xi32, #tpu.memory_space<vmem>>, %arg5: memref<640xf32, #tpu.memory_space<vmem>>, %arg6: memref<10240xf32, #tpu.memory_space<vmem_shared>>, %arg7: memref<!tpu.dma_semaphore, #tpu.memory_space<semaphore_mem>>) attributes {dimension_semantics = [#tpu.dimension_semantics<core_parallel>, #tpu.dimension_semantics<subcore_parallel>], iteration_bounds = array<i64: 2, 16>, scalar_prefetch = 0 : i64, scratch_operands = 4 : i64, tpu.core_type = #tpu.core_type<sc_vector_subcore>, window_params = [{transform_indices = #map}, {transform_indices = #map1}]} {
    %scan3A = arith.constant 0 : i32
    %scan3A_0 = arith.constant 0 : i32
    %scan3A_1 = arith.constant 40 : i32
    %scan3A_2 = arith.addi %scan3A_0, %scan3A_1 : i32
    %scan3A_3 = arith.constant 1 : i32
    scf.for %scan3A_21 = %scan3A_0 to %scan3A_2 step %scan3A_3  : i32 {
      %broadcast_in_dim3A = arith.constant 1.000000e+00 : f32
      %broadcast_in_dim3A_22 = vector.broadcast %broadcast_in_dim3A : f32 to vector<16xf32>
      %mul3A_23 = arith.constant 16 : i32
      %mul3A_24 = arith.muli %scan3A_21, %mul3A_23 : i32
      %swap3A = arith.index_cast %mul3A_24 : i32 to index
      %swap3A_25 = tpu.vector_load %arg5[%swap3A] {strides = array<i32>} : memref<640xf32, #tpu.memory_space<vmem>>, vector<16xf32>,
      %swap3A_26 = vector.shape_cast %swap3A_25 : vector<16xf32> to vector<16xf32>
      %swap3A_27 = vector.shape_cast %broadcast_in_dim3A_22 : vector<16xf32> to vector<16xf32>
      tpu.vector_store %arg5[%swap3A], %swap3A_27 {strides = array<i32>} : memref<640xf32, #tpu.memory_space<vmem>>, vector<16xf32>,
    }
    %scan3A_4 = arith.constant 40 : i32
    %mul3A = arith.constant 640 : i32
    %mul3A_5 = arith.muli %arg1, %mul3A : i32
    "tpu.region"() ({
      %run_scoped3A = tpu.sem_alloc : memref<!tpu.dma_semaphore, #tpu.memory_space<semaphore_mem>>
      %dma_start3A = tpu.memref_slice %arg6[%mul3A_5] : memref<10240xf32, #tpu.memory_space<vmem_shared>> -> memref<640xf32, #tpu.memory_space<vmem_shared>>
      %dma_start3A_21 = tpu.memref_slice %arg6[%mul3A_5] : memref<10240xf32, #tpu.memory_space<vmem_shared>> -> memref<640xf32, #tpu.memory_space<vmem_shared>>
      tpu.enqueue_dma source(%arg5 : memref<640xf32, #tpu.memory_space<vmem>>) target(%dma_start3A_21 : memref<640xf32, #tpu.memory_space<vmem_shared>>) target_semaphore(%run_scoped3A : memref<!tpu.dma_semaphore, #tpu.memory_space<semaphore_mem>>)
      %dma_wait3A = tpu.memref_slice %arg6[%mul3A_5] : memref<10240xf32, #tpu.memory_space<vmem_shared>> -> memref<640xf32, #tpu.memory_space<vmem_shared>>
      %dma_wait3A_22 = tpu.memref_slice %arg6[%mul3A_5] : memref<10240xf32, #tpu.memory_space<vmem_shared>> -> memref<640xf32, #tpu.memory_space<vmem_shared>>
      tpu.wait_dma2 semaphore(%run_scoped3A : memref<!tpu.dma_semaphore, #tpu.memory_space<semaphore_mem>>) src(%arg5 : memref<640xf32, #tpu.memory_space<vmem>>) dst(%dma_wait3A_22 : memref<640xf32, #tpu.memory_space<vmem_shared>>)
      tpu.yield
    }) : () -> ()
    %barrier3A = arith.constant 0 : index
    tpu.barrier barrier_id(%barrier3A)
    %scan3A_6 = arith.constant 0 : i32
    %scan3A_7 = arith.constant 0 : i32
    %scan3A_8 = arith.constant 5 : i32
    %scan3A_9 = arith.addi %scan3A_7, %scan3A_8 : i32
    %scan3A_10 = arith.constant 1 : i32
    scf.for %scan3A_21 = %scan3A_7 to %scan3A_9 step %scan3A_10  : i32 {
      %mul3A_22 = arith.constant 2 : i32
      %mul3A_23 = arith.muli %mul3A_22, %arg1 : i32
      %add3A = arith.constant 0 : i32
      %add3A_24 = arith.addi %mul3A_23, %add3A : i32
      "tpu.region"() ({
        %run_scoped3A = tpu.sem_alloc : memref<!tpu.dma_semaphore, #tpu.memory_space<semaphore_mem>>
        %dma_start3A = arith.constant 0 : i32
        %dma_start3A_35 = arith.constant 0 : i32
        %dma_start3A_36 = tpu.memref_slice %arg2[%add3A_24, %scan3A_21, %dma_start3A, %dma_start3A_35] : memref<32x5x25x80xi32, #tpu.memory_space<hbm>> -> memref<1x1x25x80xi32, #tpu.memory_space<hbm>>
        %dma_start3A_37 = tpu.memref_squeeze %dma_start3A_36 : memref<1x1x25x80xi32, #tpu.memory_space<hbm>> -> memref<25x80xi32, #tpu.memory_space<hbm>>
        %dma_start3A_38 = arith.constant 0 : i32
        %dma_start3A_39 = arith.constant 0 : i32
        %dma_start3A_40 = tpu.memref_slice %arg2[%add3A_24, %scan3A_21, %dma_start3A_38, %dma_start3A_39] : memref<32x5x25x80xi32, #tpu.memory_space<hbm>> -> memref<1x1x25x80xi32, #tpu.memory_space<hbm>>
        %dma_start3A_41 = tpu.memref_squeeze %dma_start3A_40 : memref<1x1x25x80xi32, #tpu.memory_space<hbm>> -> memref<25x80xi32, #tpu.memory_space<hbm>>
        tpu.enqueue_dma source(%dma_start3A_41 : memref<25x80xi32, #tpu.memory_space<hbm>>) target(%arg4 : memref<25x80xi32, #tpu.memory_space<vmem>>) target_semaphore(%run_scoped3A : memref<!tpu.dma_semaphore, #tpu.memory_space<semaphore_mem>>)
        %dma_wait3A = arith.constant 0 : i32
        %dma_wait3A_42 = arith.constant 0 : i32
        %dma_wait3A_43 = tpu.memref_slice %arg2[%add3A_24, %scan3A_21, %dma_wait3A, %dma_wait3A_42] : memref<32x5x25x80xi32, #tpu.memory_space<hbm>> -> memref<1x1x25x80xi32, #tpu.memory_space<hbm>>
        %dma_wait3A_44 = tpu.memref_squeeze %dma_wait3A_43 : memref<1x1x25x80xi32, #tpu.memory_space<hbm>> -> memref<25x80xi32, #tpu.memory_space<hbm>>
        %dma_wait3A_45 = arith.constant 0 : i32
        %dma_wait3A_46 = arith.constant 0 : i32
        %dma_wait3A_47 = tpu.memref_slice %arg2[%add3A_24, %scan3A_21, %dma_wait3A_45, %dma_wait3A_46] : memref<32x5x25x80xi32, #tpu.memory_space<hbm>> -> memref<1x1x25x80xi32, #tpu.memory_space<hbm>>
        %dma_wait3A_48 = tpu.memref_squeeze %dma_wait3A_47 : memref<1x1x25x80xi32, #tpu.memory_space<hbm>> -> memref<25x80xi32, #tpu.memory_space<hbm>>
        tpu.wait_dma2 semaphore(%run_scoped3A : memref<!tpu.dma_semaphore, #tpu.memory_space<semaphore_mem>>) src(%dma_wait3A_48 : memref<25x80xi32, #tpu.memory_space<hbm>>) dst(%arg4 : memref<25x80xi32, #tpu.memory_space<vmem>>)
        tpu.yield
      }) : () -> ()
      %scan3A_25 = arith.constant 0 : i32
      %scan3A_26 = arith.constant 25 : i32
      %scan3A_27 = arith.addi %scan3A_25, %scan3A_26 : i32
      %scan3A_28 = arith.constant 1 : i32
      scf.for %scan3A_35 = %scan3A_25 to %scan3A_27 step %scan3A_28  : i32 {
        %dma_start3A = arith.constant 0 : i32
        %dma_start3A_36 = tpu.memref_slice %arg5[%dma_start3A] : memref<640xf32, #tpu.memory_space<vmem>> -> memref<80xf32, #tpu.memory_space<vmem>>
        %dma_start3A_37 = arith.constant 0 : i32
        %dma_start3A_38 = tpu.memref_slice %arg4[%scan3A_35, %dma_start3A_37] : memref<25x80xi32, #tpu.memory_space<vmem>> -> memref<1x80xi32, #tpu.memory_space<vmem>>
        %dma_start3A_39 = tpu.memref_squeeze %dma_start3A_38 : memref<1x80xi32, #tpu.memory_space<vmem>> -> memref<80xi32, #tpu.memory_space<vmem>>
        %dma_start3A_40 = arith.constant 0 : i32
        %dma_start3A_41 = tpu.memref_slice %arg6[%dma_start3A_40] : memref<10240xf32, #tpu.memory_space<vmem_shared>> -> memref<10240xf32, #tpu.memory_space<vmem_shared>>
        tpu.enqueue_indirect_dma source(%dma_start3A_36 : memref<80xf32, #tpu.memory_space<vmem>>) target(%dma_start3A_41 : memref<10240xf32, #tpu.memory_space<vmem_shared>>) offsets(%dma_start3A_39 : memref<80xi32, #tpu.memory_space<vmem>>) semaphore(%arg7 : memref<!tpu.dma_semaphore, #tpu.memory_space<semaphore_mem>>) {add = true}
      }
      %scan3A_29 = arith.constant 25 : i32
      %scan3A_30 = arith.constant 0 : i32
      %scan3A_31 = arith.constant 25 : i32
      %scan3A_32 = arith.addi %scan3A_30, %scan3A_31 : i32
      %scan3A_33 = arith.constant 1 : i32
      scf.for %scan3A_35 = %scan3A_30 to %scan3A_32 step %scan3A_33  : i32 {
        %dma_wait3A = arith.constant 0 : i32
        %dma_wait3A_36 = tpu.memref_slice %arg5[%dma_wait3A] : memref<640xf32, #tpu.memory_space<vmem>> -> memref<80xf32, #tpu.memory_space<vmem>>
        %dma_wait3A_37 = arith.constant 0 : i32
        %dma_wait3A_38 = tpu.memref_slice %arg4[%scan3A_35, %dma_wait3A_37] : memref<25x80xi32, #tpu.memory_space<vmem>> -> memref<1x80xi32, #tpu.memory_space<vmem>>
        %dma_wait3A_39 = tpu.memref_squeeze %dma_wait3A_38 : memref<1x80xi32, #tpu.memory_space<vmem>> -> memref<80xi32, #tpu.memory_space<vmem>>
        %dma_wait3A_40 = arith.constant 0 : i32
        %dma_wait3A_41 = tpu.memref_slice %arg6[%dma_wait3A_40] : memref<10240xf32, #tpu.memory_space<vmem_shared>> -> memref<10240xf32, #tpu.memory_space<vmem_shared>>
        tpu.wait_indirect_dma semaphore(%arg7 : memref<!tpu.dma_semaphore, #tpu.memory_space<semaphore_mem>>) src(%dma_wait3A_36 : memref<80xf32, #tpu.memory_space<vmem>>) dst(%dma_wait3A_41 : memref<10240xf32, #tpu.memory_space<vmem_shared>>)
      }
      %scan3A_34 = arith.constant 25 : i32
    }
    %scan3A_11 = arith.constant 5 : i32
    %scan3A_12 = arith.constant 0 : i32
    %scan3A_13 = arith.constant 0 : i32
    %scan3A_14 = arith.constant 5 : i32
    %scan3A_15 = arith.addi %scan3A_13, %scan3A_14 : i32
    %scan3A_16 = arith.constant 1 : i32
    scf.for %scan3A_21 = %scan3A_13 to %scan3A_15 step %scan3A_16  : i32 {
      %mul3A_22 = arith.constant 2 : i32
      %mul3A_23 = arith.muli %mul3A_22, %arg1 : i32
      %add3A = arith.constant 1 : i32
      %add3A_24 = arith.addi %mul3A_23, %add3A : i32
      "tpu.region"() ({
        %run_scoped3A = tpu.sem_alloc : memref<!tpu.dma_semaphore, #tpu.memory_space<semaphore_mem>>
        %dma_start3A = arith.constant 0 : i32
        %dma_start3A_35 = arith.constant 0 : i32
        %dma_start3A_36 = tpu.memref_slice %arg2[%add3A_24, %scan3A_21, %dma_start3A, %dma_start3A_35] : memref<32x5x25x80xi32, #tpu.memory_space<hbm>> -> memref<1x1x25x80xi32, #tpu.memory_space<hbm>>
        %dma_start3A_37 = tpu.memref_squeeze %dma_start3A_36 : memref<1x1x25x80xi32, #tpu.memory_space<hbm>> -> memref<25x80xi32, #tpu.memory_space<hbm>>
        %dma_start3A_38 = arith.constant 0 : i32
        %dma_start3A_39 = arith.constant 0 : i32
        %dma_start3A_40 = tpu.memref_slice %arg2[%add3A_24, %scan3A_21, %dma_start3A_38, %dma_start3A_39] : memref<32x5x25x80xi32, #tpu.memory_space<hbm>> -> memref<1x1x25x80xi32, #tpu.memory_space<hbm>>
        %dma_start3A_41 = tpu.memref_squeeze %dma_start3A_40 : memref<1x1x25x80xi32, #tpu.memory_space<hbm>> -> memref<25x80xi32, #tpu.memory_space<hbm>>
        tpu.enqueue_dma source(%dma_start3A_41 : memref<25x80xi32, #tpu.memory_space<hbm>>) target(%arg4 : memref<25x80xi32, #tpu.memory_space<vmem>>) target_semaphore(%run_scoped3A : memref<!tpu.dma_semaphore, #tpu.memory_space<semaphore_mem>>)
        %dma_wait3A = arith.constant 0 : i32
        %dma_wait3A_42 = arith.constant 0 : i32
        %dma_wait3A_43 = tpu.memref_slice %arg2[%add3A_24, %scan3A_21, %dma_wait3A, %dma_wait3A_42] : memref<32x5x25x80xi32, #tpu.memory_space<hbm>> -> memref<1x1x25x80xi32, #tpu.memory_space<hbm>>
        %dma_wait3A_44 = tpu.memref_squeeze %dma_wait3A_43 : memref<1x1x25x80xi32, #tpu.memory_space<hbm>> -> memref<25x80xi32, #tpu.memory_space<hbm>>
        %dma_wait3A_45 = arith.constant 0 : i32
        %dma_wait3A_46 = arith.constant 0 : i32
        %dma_wait3A_47 = tpu.memref_slice %arg2[%add3A_24, %scan3A_21, %dma_wait3A_45, %dma_wait3A_46] : memref<32x5x25x80xi32, #tpu.memory_space<hbm>> -> memref<1x1x25x80xi32, #tpu.memory_space<hbm>>
        %dma_wait3A_48 = tpu.memref_squeeze %dma_wait3A_47 : memref<1x1x25x80xi32, #tpu.memory_space<hbm>> -> memref<25x80xi32, #tpu.memory_space<hbm>>
        tpu.wait_dma2 semaphore(%run_scoped3A : memref<!tpu.dma_semaphore, #tpu.memory_space<semaphore_mem>>) src(%dma_wait3A_48 : memref<25x80xi32, #tpu.memory_space<hbm>>) dst(%arg4 : memref<25x80xi32, #tpu.memory_space<vmem>>)
        tpu.yield
      }) : () -> ()
      %scan3A_25 = arith.constant 0 : i32
      %scan3A_26 = arith.constant 25 : i32
      %scan3A_27 = arith.addi %scan3A_25, %scan3A_26 : i32
      %scan3A_28 = arith.constant 1 : i32
      scf.for %scan3A_35 = %scan3A_25 to %scan3A_27 step %scan3A_28  : i32 {
        %dma_start3A = arith.constant 0 : i32
        %dma_start3A_36 = tpu.memref_slice %arg5[%dma_start3A] : memref<640xf32, #tpu.memory_space<vmem>> -> memref<80xf32, #tpu.memory_space<vmem>>
        %dma_start3A_37 = arith.constant 0 : i32
        %dma_start3A_38 = tpu.memref_slice %arg4[%scan3A_35, %dma_start3A_37] : memref<25x80xi32, #tpu.memory_space<vmem>> -> memref<1x80xi32, #tpu.memory_space<vmem>>
        %dma_start3A_39 = tpu.memref_squeeze %dma_start3A_38 : memref<1x80xi32, #tpu.memory_space<vmem>> -> memref<80xi32, #tpu.memory_space<vmem>>
        %dma_start3A_40 = arith.constant 0 : i32
        %dma_start3A_41 = tpu.memref_slice %arg6[%dma_start3A_40] : memref<10240xf32, #tpu.memory_space<vmem_shared>> -> memref<10240xf32, #tpu.memory_space<vmem_shared>>
        tpu.enqueue_indirect_dma source(%dma_start3A_36 : memref<80xf32, #tpu.memory_space<vmem>>) target(%dma_start3A_41 : memref<10240xf32, #tpu.memory_space<vmem_shared>>) offsets(%dma_start3A_39 : memref<80xi32, #tpu.memory_space<vmem>>) semaphore(%arg7 : memref<!tpu.dma_semaphore, #tpu.memory_space<semaphore_mem>>) {add = true}
      }
      %scan3A_29 = arith.constant 25 : i32
      %scan3A_30 = arith.constant 0 : i32
      %scan3A_31 = arith.constant 25 : i32
      %scan3A_32 = arith.addi %scan3A_30, %scan3A_31 : i32
      %scan3A_33 = arith.constant 1 : i32
      scf.for %scan3A_35 = %scan3A_30 to %scan3A_32 step %scan3A_33  : i32 {
        %dma_wait3A = arith.constant 0 : i32
        %dma_wait3A_36 = tpu.memref_slice %arg5[%dma_wait3A] : memref<640xf32, #tpu.memory_space<vmem>> -> memref<80xf32, #tpu.memory_space<vmem>>
        %dma_wait3A_37 = arith.constant 0 : i32
        %dma_wait3A_38 = tpu.memref_slice %arg4[%scan3A_35, %dma_wait3A_37] : memref<25x80xi32, #tpu.memory_space<vmem>> -> memref<1x80xi32, #tpu.memory_space<vmem>>
        %dma_wait3A_39 = tpu.memref_squeeze %dma_wait3A_38 : memref<1x80xi32, #tpu.memory_space<vmem>> -> memref<80xi32, #tpu.memory_space<vmem>>
        %dma_wait3A_40 = arith.constant 0 : i32
        %dma_wait3A_41 = tpu.memref_slice %arg6[%dma_wait3A_40] : memref<10240xf32, #tpu.memory_space<vmem_shared>> -> memref<10240xf32, #tpu.memory_space<vmem_shared>>
        tpu.wait_indirect_dma semaphore(%arg7 : memref<!tpu.dma_semaphore, #tpu.memory_space<semaphore_mem>>) src(%dma_wait3A_36 : memref<80xf32, #tpu.memory_space<vmem>>) dst(%dma_wait3A_41 : memref<10240xf32, #tpu.memory_space<vmem_shared>>)
      }
      %scan3A_34 = arith.constant 25 : i32
    }
    %scan3A_17 = arith.constant 5 : i32
    %barrier3A_18 = arith.constant 0 : index
    tpu.barrier barrier_id(%barrier3A_18)
    %eq3A = arith.constant 0 : i32
    %eq3A_19 = arith.cmpi eq, %arg0, %eq3A : i32
    %convert_element_type3A = arith.extui %eq3A_19 : i1 to i32
    %cond3A = arith.constant 0 : i32
    %cond3A_20 = arith.cmpi ne, %convert_element_type3A, %cond3A : i32
    scf.if %cond3A_20 {
      %mul3A_21 = arith.constant 640 : i32
      %mul3A_22 = arith.muli %arg1, %mul3A_21 : i32
      %mul3A_23 = arith.constant 640 : i32
      %mul3A_24 = arith.muli %arg1, %mul3A_23 : i32
      "tpu.region"() ({
        %run_scoped3A = tpu.sem_alloc : memref<!tpu.dma_semaphore, #tpu.memory_space<semaphore_mem>>
        %dma_start3A = tpu.memref_slice %arg3[%mul3A_24] : memref<10240xf32, #tpu.memory_space<hbm>> -> memref<640xf32, #tpu.memory_space<hbm>>
        %dma_start3A_25 = tpu.memref_slice %arg6[%mul3A_22] : memref<10240xf32, #tpu.memory_space<vmem_shared>> -> memref<640xf32, #tpu.memory_space<vmem_shared>>
        tpu.enqueue_dma source(%dma_start3A_25 : memref<640xf32, #tpu.memory_space<vmem_shared>>) target(%dma_start3A : memref<640xf32, #tpu.memory_space<hbm>>) target_semaphore(%run_scoped3A : memref<!tpu.dma_semaphore, #tpu.memory_space<semaphore_mem>>)
        %dma_wait3A = tpu.memref_slice %arg3[%mul3A_24] : memref<10240xf32, #tpu.memory_space<hbm>> -> memref<640xf32, #tpu.memory_space<hbm>>
        %dma_wait3A_26 = tpu.memref_slice %arg6[%mul3A_22] : memref<10240xf32, #tpu.memory_space<vmem_shared>> -> memref<640xf32, #tpu.memory_space<vmem_shared>>
        tpu.wait_dma2 semaphore(%run_scoped3A : memref<!tpu.dma_semaphore, #tpu.memory_space<semaphore_mem>>) src(%dma_wait3A_26 : memref<640xf32, #tpu.memory_space<vmem_shared>>) dst(%dma_wait3A : memref<640xf32, #tpu.memory_space<hbm>>)
        tpu.yield
      }) : () -> ()
    } else {
    }
    return
  }
}

#map = affine_map<(d0, d1) -> (0, 0)>
#map1 = affine_map<(d0, d1) -> (0, 0, 0, 0)>
#map2 = affine_map<(d0, d1) -> (0, 0, 0)>
module attributes {stable_mosaic.version = 14 : i64} {
  func.func @_spmm_kernel(%arg0: i32, %arg1: i32, %arg2: memref<10000x128xf32, #tpu.memory_space<hbm>>, %arg3: memref<32x5x25x80xi32, #tpu.memory_space<hbm>>, %arg4: memref<32x5x25x80xi32, #tpu.memory_space<hbm>>, %arg5: memref<2x10112x128xf32, #tpu.memory_space<hbm>>, %arg6: memref<25x80xi32, #tpu.memory_space<vmem>>, %arg7: memref<25x80xi32, #tpu.memory_space<vmem>>, %arg8: memref<4x80x128xf32, #tpu.memory_space<vmem>>, %arg9: memref<10112x128xf32, #tpu.memory_space<vmem_shared>>, %arg10: memref<!tpu.dma_semaphore, #tpu.memory_space<semaphore_mem>>, %arg11: memref<!tpu.dma_semaphore, #tpu.memory_space<semaphore_mem>>, %arg12: memref<!tpu.dma_semaphore, #tpu.memory_space<semaphore_mem>>, %arg13: memref<!tpu.dma_semaphore, #tpu.memory_space<semaphore_mem>>, %arg14: memref<!tpu.dma_semaphore, #tpu.memory_space<semaphore_mem>>, %arg15: memref<!tpu.dma_semaphore, #tpu.memory_space<semaphore_mem>>, %arg16: memref<!tpu.dma_semaphore, #tpu.memory_space<semaphore_mem>>, %arg17: memref<!tpu.dma_semaphore, #tpu.memory_space<semaphore_mem>>) attributes {dimension_semantics = [#tpu.dimension_semantics<core_parallel>, #tpu.dimension_semantics<subcore_parallel>], iteration_bounds = array<i64: 2, 16>, scalar_prefetch = 0 : i64, scratch_operands = 12 : i64, tpu.core_type = #tpu.core_type<sc_vector_subcore>, window_params = [{transform_indices = #map}, {transform_indices = #map1}, {transform_indices = #map1}, {transform_indices = #map2}]} {
    %mul3A = arith.constant 16 : i32
    %mul3A_0 = arith.muli %arg0, %mul3A : i32
    %add3A = arith.addi %mul3A_0, %arg1 : i32
    %scan3A = arith.constant 0 : i32
    %scan3A_1 = arith.constant 0 : i32
    %scan3A_2 = arith.constant 40 : i32
    %scan3A_3 = arith.addi %scan3A_1, %scan3A_2 : i32
    %scan3A_4 = arith.constant 1 : i32
    scf.for %scan3A_29 = %scan3A_1 to %scan3A_3 step %scan3A_4  : i32 {
      %broadcast_in_dim3A = arith.constant 0.000000e+00 : f32
      %broadcast_in_dim3A_30 = vector.broadcast %broadcast_in_dim3A : f32 to vector<16xf32>
      %swap3A = arith.constant 0 : i32
      %swap3A_31 = arith.index_cast %swap3A : i32 to index
      %swap3A_32 = arith.index_cast %scan3A_29 : i32 to index
      %swap3A_33 = arith.constant 0 : index
      %swap3A_34 = tpu.vector_load %arg8[%swap3A_31, %swap3A_32, %swap3A_33] {strides = array<i32>} : memref<4x80x128xf32, #tpu.memory_space<vmem>>, vector<1x1x16xf32>,
      %swap3A_35 = vector.shape_cast %swap3A_34 : vector<1x1x16xf32> to vector<16xf32>
      %swap3A_36 = vector.shape_cast %broadcast_in_dim3A_30 : vector<16xf32> to vector<1x1x16xf32>
      tpu.vector_store %arg8[%swap3A_31, %swap3A_32, %swap3A_33], %swap3A_36 {strides = array<i32>} : memref<4x80x128xf32, #tpu.memory_space<vmem>>, vector<1x1x16xf32>,
      %broadcast_in_dim3A_37 = arith.constant 0.000000e+00 : f32
      %broadcast_in_dim3A_38 = vector.broadcast %broadcast_in_dim3A_37 : f32 to vector<16xf32>
      %swap3A_39 = arith.constant 0 : i32
      %swap3A_40 = arith.index_cast %swap3A_39 : i32 to index
      %swap3A_41 = arith.index_cast %scan3A_29 : i32 to index
      %swap3A_42 = arith.constant 16 : index
      %swap3A_43 = tpu.vector_load %arg8[%swap3A_40, %swap3A_41, %swap3A_42] {strides = array<i32>} : memref<4x80x128xf32, #tpu.memory_space<vmem>>, vector<1x1x16xf32>,
      %swap3A_44 = vector.shape_cast %swap3A_43 : vector<1x1x16xf32> to vector<16xf32>
      %swap3A_45 = vector.shape_cast %broadcast_in_dim3A_38 : vector<16xf32> to vector<1x1x16xf32>
      tpu.vector_store %arg8[%swap3A_40, %swap3A_41, %swap3A_42], %swap3A_45 {strides = array<i32>} : memref<4x80x128xf32, #tpu.memory_space<vmem>>, vector<1x1x16xf32>,
      %broadcast_in_dim3A_46 = arith.constant 0.000000e+00 : f32
      %broadcast_in_dim3A_47 = vector.broadcast %broadcast_in_dim3A_46 : f32 to vector<16xf32>
      %swap3A_48 = arith.constant 0 : i32
      %swap3A_49 = arith.index_cast %swap3A_48 : i32 to index
      %swap3A_50 = arith.index_cast %scan3A_29 : i32 to index
      %swap3A_51 = arith.constant 32 : index
      %swap3A_52 = tpu.vector_load %arg8[%swap3A_49, %swap3A_50, %swap3A_51] {strides = array<i32>} : memref<4x80x128xf32, #tpu.memory_space<vmem>>, vector<1x1x16xf32>,
      %swap3A_53 = vector.shape_cast %swap3A_52 : vector<1x1x16xf32> to vector<16xf32>
      %swap3A_54 = vector.shape_cast %broadcast_in_dim3A_47 : vector<16xf32> to vector<1x1x16xf32>
      tpu.vector_store %arg8[%swap3A_49, %swap3A_50, %swap3A_51], %swap3A_54 {strides = array<i32>} : memref<4x80x128xf32, #tpu.memory_space<vmem>>, vector<1x1x16xf32>,
      %broadcast_in_dim3A_55 = arith.constant 0.000000e+00 : f32
      %broadcast_in_dim3A_56 = vector.broadcast %broadcast_in_dim3A_55 : f32 to vector<16xf32>
      %swap3A_57 = arith.constant 0 : i32
      %swap3A_58 = arith.index_cast %swap3A_57 : i32 to index
      %swap3A_59 = arith.index_cast %scan3A_29 : i32 to index
      %swap3A_60 = arith.constant 48 : index
      %swap3A_61 = tpu.vector_load %arg8[%swap3A_58, %swap3A_59, %swap3A_60] {strides = array<i32>} : memref<4x80x128xf32, #tpu.memory_space<vmem>>, vector<1x1x16xf32>,
      %swap3A_62 = vector.shape_cast %swap3A_61 : vector<1x1x16xf32> to vector<16xf32>
      %swap3A_63 = vector.shape_cast %broadcast_in_dim3A_56 : vector<16xf32> to vector<1x1x16xf32>
      tpu.vector_store %arg8[%swap3A_58, %swap3A_59, %swap3A_60], %swap3A_63 {strides = array<i32>} : memref<4x80x128xf32, #tpu.memory_space<vmem>>, vector<1x1x16xf32>,
      %broadcast_in_dim3A_64 = arith.constant 0.000000e+00 : f32
      %broadcast_in_dim3A_65 = vector.broadcast %broadcast_in_dim3A_64 : f32 to vector<16xf32>
      %swap3A_66 = arith.constant 0 : i32
      %swap3A_67 = arith.index_cast %swap3A_66 : i32 to index
      %swap3A_68 = arith.index_cast %scan3A_29 : i32 to index
      %swap3A_69 = arith.constant 64 : index
      %swap3A_70 = tpu.vector_load %arg8[%swap3A_67, %swap3A_68, %swap3A_69] {strides = array<i32>} : memref<4x80x128xf32, #tpu.memory_space<vmem>>, vector<1x1x16xf32>,
      %swap3A_71 = vector.shape_cast %swap3A_70 : vector<1x1x16xf32> to vector<16xf32>
      %swap3A_72 = vector.shape_cast %broadcast_in_dim3A_65 : vector<16xf32> to vector<1x1x16xf32>
      tpu.vector_store %arg8[%swap3A_67, %swap3A_68, %swap3A_69], %swap3A_72 {strides = array<i32>} : memref<4x80x128xf32, #tpu.memory_space<vmem>>, vector<1x1x16xf32>,
      %broadcast_in_dim3A_73 = arith.constant 0.000000e+00 : f32
      %broadcast_in_dim3A_74 = vector.broadcast %broadcast_in_dim3A_73 : f32 to vector<16xf32>
      %swap3A_75 = arith.constant 0 : i32
      %swap3A_76 = arith.index_cast %swap3A_75 : i32 to index
      %swap3A_77 = arith.index_cast %scan3A_29 : i32 to index
      %swap3A_78 = arith.constant 80 : index
      %swap3A_79 = tpu.vector_load %arg8[%swap3A_76, %swap3A_77, %swap3A_78] {strides = array<i32>} : memref<4x80x128xf32, #tpu.memory_space<vmem>>, vector<1x1x16xf32>,
      %swap3A_80 = vector.shape_cast %swap3A_79 : vector<1x1x16xf32> to vector<16xf32>
      %swap3A_81 = vector.shape_cast %broadcast_in_dim3A_74 : vector<16xf32> to vector<1x1x16xf32>
      tpu.vector_store %arg8[%swap3A_76, %swap3A_77, %swap3A_78], %swap3A_81 {strides = array<i32>} : memref<4x80x128xf32, #tpu.memory_space<vmem>>, vector<1x1x16xf32>,
      %broadcast_in_dim3A_82 = arith.constant 0.000000e+00 : f32
      %broadcast_in_dim3A_83 = vector.broadcast %broadcast_in_dim3A_82 : f32 to vector<16xf32>
      %swap3A_84 = arith.constant 0 : i32
      %swap3A_85 = arith.index_cast %swap3A_84 : i32 to index
      %swap3A_86 = arith.index_cast %scan3A_29 : i32 to index
      %swap3A_87 = arith.constant 96 : index
      %swap3A_88 = tpu.vector_load %arg8[%swap3A_85, %swap3A_86, %swap3A_87] {strides = array<i32>} : memref<4x80x128xf32, #tpu.memory_space<vmem>>, vector<1x1x16xf32>,
      %swap3A_89 = vector.shape_cast %swap3A_88 : vector<1x1x16xf32> to vector<16xf32>
      %swap3A_90 = vector.shape_cast %broadcast_in_dim3A_83 : vector<16xf32> to vector<1x1x16xf32>
      tpu.vector_store %arg8[%swap3A_85, %swap3A_86, %swap3A_87], %swap3A_90 {strides = array<i32>} : memref<4x80x128xf32, #tpu.memory_space<vmem>>, vector<1x1x16xf32>,
      %broadcast_in_dim3A_91 = arith.constant 0.000000e+00 : f32
      %broadcast_in_dim3A_92 = vector.broadcast %broadcast_in_dim3A_91 : f32 to vector<16xf32>
      %swap3A_93 = arith.constant 0 : i32
      %swap3A_94 = arith.index_cast %swap3A_93 : i32 to index
      %swap3A_95 = arith.index_cast %scan3A_29 : i32 to index
      %swap3A_96 = arith.constant 112 : index
      %swap3A_97 = tpu.vector_load %arg8[%swap3A_94, %swap3A_95, %swap3A_96] {strides = array<i32>} : memref<4x80x128xf32, #tpu.memory_space<vmem>>, vector<1x1x16xf32>,
      %swap3A_98 = vector.shape_cast %swap3A_97 : vector<1x1x16xf32> to vector<16xf32>
      %swap3A_99 = vector.shape_cast %broadcast_in_dim3A_92 : vector<16xf32> to vector<1x1x16xf32>
      tpu.vector_store %arg8[%swap3A_94, %swap3A_95, %swap3A_96], %swap3A_99 {strides = array<i32>} : memref<4x80x128xf32, #tpu.memory_space<vmem>>, vector<1x1x16xf32>,
    }
    %scan3A_5 = arith.constant 40 : i32
    %mul3A_6 = arith.constant 632 : i32
    %mul3A_7 = arith.muli %arg1, %mul3A_6 : i32
    %scan3A_8 = arith.constant 0 : i32
    %scan3A_9 = arith.constant 0 : i32
    %scan3A_10 = arith.constant 0 : i32
    %scan3A_11 = arith.constant 15 : i32
    %scan3A_12 = arith.addi %scan3A_10, %scan3A_11 : i32
    %scan3A_13 = arith.constant 1 : i32
    scf.for %scan3A_29 = %scan3A_10 to %scan3A_12 step %scan3A_13  : i32 {
      %mul3A_30 = arith.constant 40 : i32
      %mul3A_31 = arith.muli %scan3A_29, %mul3A_30 : i32
      %add3A_32 = arith.addi %mul3A_7, %mul3A_31 : i32
      "tpu.region"() ({
        %run_scoped3A_33 = tpu.sem_alloc : memref<!tpu.dma_semaphore, #tpu.memory_space<semaphore_mem>>
        %dma_start3A = arith.constant 0 : i32
        %dma_start3A_34 = arith.constant 0 : i32
        %dma_start3A_35 = tpu.memref_slice %arg8[%scan3A_9, %dma_start3A, %dma_start3A_34] : memref<4x80x128xf32, #tpu.memory_space<vmem>> -> memref<1x80x128xf32, #tpu.memory_space<vmem>>
        %dma_start3A_36 = tpu.memref_squeeze %dma_start3A_35 : memref<1x80x128xf32, #tpu.memory_space<vmem>> -> memref<80x128xf32, #tpu.memory_space<vmem>>
        %dma_start3A_37 = arith.constant 0 : i32
        %dma_start3A_38 = arith.constant 0 : i32
        %dma_start3A_39 = tpu.memref_slice %dma_start3A_36[%dma_start3A_37, %dma_start3A_38] : memref<80x128xf32, #tpu.memory_space<vmem>> -> memref<40x128xf32, #tpu.memory_space<vmem>>
        %dma_start3A_40 = arith.constant 0 : i32
        %dma_start3A_41 = tpu.memref_slice %arg9[%add3A_32, %dma_start3A_40] : memref<10112x128xf32, #tpu.memory_space<vmem_shared>> -> memref<40x128xf32, #tpu.memory_space<vmem_shared>>
        %dma_start3A_42 = arith.constant 0 : i32
        %dma_start3A_43 = tpu.memref_slice %arg9[%add3A_32, %dma_start3A_42] : memref<10112x128xf32, #tpu.memory_space<vmem_shared>> -> memref<40x128xf32, #tpu.memory_space<vmem_shared>>
        %dma_start3A_44 = arith.constant 0 : i32
        %dma_start3A_45 = arith.constant 0 : i32
        %dma_start3A_46 = tpu.memref_slice %arg8[%scan3A_9, %dma_start3A_44, %dma_start3A_45] : memref<4x80x128xf32, #tpu.memory_space<vmem>> -> memref<1x80x128xf32, #tpu.memory_space<vmem>>
        %dma_start3A_47 = tpu.memref_squeeze %dma_start3A_46 : memref<1x80x128xf32, #tpu.memory_space<vmem>> -> memref<80x128xf32, #tpu.memory_space<vmem>>
        %dma_start3A_48 = arith.constant 0 : i32
        %dma_start3A_49 = arith.constant 0 : i32
        %dma_start3A_50 = tpu.memref_slice %dma_start3A_47[%dma_start3A_48, %dma_start3A_49] : memref<80x128xf32, #tpu.memory_space<vmem>> -> memref<40x128xf32, #tpu.memory_space<vmem>>
        tpu.enqueue_dma source(%dma_start3A_50 : memref<40x128xf32, #tpu.memory_space<vmem>>) target(%dma_start3A_43 : memref<40x128xf32, #tpu.memory_space<vmem_shared>>) target_semaphore(%run_scoped3A_33 : memref<!tpu.dma_semaphore, #tpu.memory_space<semaphore_mem>>)
        %dma_wait3A = arith.constant 0 : i32
        %dma_wait3A_51 = arith.constant 0 : i32
        %dma_wait3A_52 = tpu.memref_slice %arg8[%scan3A_9, %dma_wait3A, %dma_wait3A_51] : memref<4x80x128xf32, #tpu.memory_space<vmem>> -> memref<1x80x128xf32, #tpu.memory_space<vmem>>
        %dma_wait3A_53 = tpu.memref_squeeze %dma_wait3A_52 : memref<1x80x128xf32, #tpu.memory_space<vmem>> -> memref<80x128xf32, #tpu.memory_space<vmem>>
        %dma_wait3A_54 = arith.constant 0 : i32
        %dma_wait3A_55 = arith.constant 0 : i32
        %dma_wait3A_56 = tpu.memref_slice %dma_wait3A_53[%dma_wait3A_54, %dma_wait3A_55] : memref<80x128xf32, #tpu.memory_space<vmem>> -> memref<40x128xf32, #tpu.memory_space<vmem>>
        %dma_wait3A_57 = arith.constant 0 : i32
        %dma_wait3A_58 = tpu.memref_slice %arg9[%add3A_32, %dma_wait3A_57] : memref<10112x128xf32, #tpu.memory_space<vmem_shared>> -> memref<40x128xf32, #tpu.memory_space<vmem_shared>>
        %dma_wait3A_59 = arith.constant 0 : i32
        %dma_wait3A_60 = tpu.memref_slice %arg9[%add3A_32, %dma_wait3A_59] : memref<10112x128xf32, #tpu.memory_space<vmem_shared>> -> memref<40x128xf32, #tpu.memory_space<vmem_shared>>
        %dma_wait3A_61 = arith.constant 0 : i32
        %dma_wait3A_62 = arith.constant 0 : i32
        %dma_wait3A_63 = tpu.memref_slice %arg8[%scan3A_9, %dma_wait3A_61, %dma_wait3A_62] : memref<4x80x128xf32, #tpu.memory_space<vmem>> -> memref<1x80x128xf32, #tpu.memory_space<vmem>>
        %dma_wait3A_64 = tpu.memref_squeeze %dma_wait3A_63 : memref<1x80x128xf32, #tpu.memory_space<vmem>> -> memref<80x128xf32, #tpu.memory_space<vmem>>
        %dma_wait3A_65 = arith.constant 0 : i32
        %dma_wait3A_66 = arith.constant 0 : i32
        %dma_wait3A_67 = tpu.memref_slice %dma_wait3A_64[%dma_wait3A_65, %dma_wait3A_66] : memref<80x128xf32, #tpu.memory_space<vmem>> -> memref<40x128xf32, #tpu.memory_space<vmem>>
        tpu.wait_dma2 semaphore(%run_scoped3A_33 : memref<!tpu.dma_semaphore, #tpu.memory_space<semaphore_mem>>) src(%dma_wait3A_67 : memref<40x128xf32, #tpu.memory_space<vmem>>) dst(%dma_wait3A_60 : memref<40x128xf32, #tpu.memory_space<vmem_shared>>)
        tpu.yield
      }) : () -> ()
    }
    %scan3A_14 = arith.constant 15 : i32
    %add3A_15 = arith.constant 632 : i32
    %add3A_16 = arith.addi %mul3A_7, %add3A_15 : i32
    %sub3A = arith.constant 32 : i32
    %sub3A_17 = arith.subi %add3A_16, %sub3A : i32
    %run_scoped3A = arith.constant 0 : i32
    "tpu.region"() ({
      %run_scoped3A_29 = tpu.sem_alloc : memref<!tpu.dma_semaphore, #tpu.memory_space<semaphore_mem>>
      %dma_start3A = arith.constant 0 : i32
      %dma_start3A_30 = arith.constant 0 : i32
      %dma_start3A_31 = tpu.memref_slice %arg8[%run_scoped3A, %dma_start3A, %dma_start3A_30] : memref<4x80x128xf32, #tpu.memory_space<vmem>> -> memref<1x80x128xf32, #tpu.memory_space<vmem>>
      %dma_start3A_32 = tpu.memref_squeeze %dma_start3A_31 : memref<1x80x128xf32, #tpu.memory_space<vmem>> -> memref<80x128xf32, #tpu.memory_space<vmem>>
      %dma_start3A_33 = arith.constant 0 : i32
      %dma_start3A_34 = arith.constant 0 : i32
      %dma_start3A_35 = tpu.memref_slice %dma_start3A_32[%dma_start3A_33, %dma_start3A_34] : memref<80x128xf32, #tpu.memory_space<vmem>> -> memref<32x128xf32, #tpu.memory_space<vmem>>
      %dma_start3A_36 = arith.constant 0 : i32
      %dma_start3A_37 = tpu.memref_slice %arg9[%sub3A_17, %dma_start3A_36] : memref<10112x128xf32, #tpu.memory_space<vmem_shared>> -> memref<32x128xf32, #tpu.memory_space<vmem_shared>>
      %dma_start3A_38 = arith.constant 0 : i32
      %dma_start3A_39 = tpu.memref_slice %arg9[%sub3A_17, %dma_start3A_38] : memref<10112x128xf32, #tpu.memory_space<vmem_shared>> -> memref<32x128xf32, #tpu.memory_space<vmem_shared>>
      %dma_start3A_40 = arith.constant 0 : i32
      %dma_start3A_41 = arith.constant 0 : i32
      %dma_start3A_42 = tpu.memref_slice %arg8[%run_scoped3A, %dma_start3A_40, %dma_start3A_41] : memref<4x80x128xf32, #tpu.memory_space<vmem>> -> memref<1x80x128xf32, #tpu.memory_space<vmem>>
      %dma_start3A_43 = tpu.memref_squeeze %dma_start3A_42 : memref<1x80x128xf32, #tpu.memory_space<vmem>> -> memref<80x128xf32, #tpu.memory_space<vmem>>
      %dma_start3A_44 = arith.constant 0 : i32
      %dma_start3A_45 = arith.constant 0 : i32
      %dma_start3A_46 = tpu.memref_slice %dma_start3A_43[%dma_start3A_44, %dma_start3A_45] : memref<80x128xf32, #tpu.memory_space<vmem>> -> memref<32x128xf32, #tpu.memory_space<vmem>>
      tpu.enqueue_dma source(%dma_start3A_46 : memref<32x128xf32, #tpu.memory_space<vmem>>) target(%dma_start3A_39 : memref<32x128xf32, #tpu.memory_space<vmem_shared>>) target_semaphore(%run_scoped3A_29 : memref<!tpu.dma_semaphore, #tpu.memory_space<semaphore_mem>>)
      %dma_wait3A = arith.constant 0 : i32
      %dma_wait3A_47 = arith.constant 0 : i32
      %dma_wait3A_48 = tpu.memref_slice %arg8[%run_scoped3A, %dma_wait3A, %dma_wait3A_47] : memref<4x80x128xf32, #tpu.memory_space<vmem>> -> memref<1x80x128xf32, #tpu.memory_space<vmem>>
      %dma_wait3A_49 = tpu.memref_squeeze %dma_wait3A_48 : memref<1x80x128xf32, #tpu.memory_space<vmem>> -> memref<80x128xf32, #tpu.memory_space<vmem>>
      %dma_wait3A_50 = arith.constant 0 : i32
      %dma_wait3A_51 = arith.constant 0 : i32
      %dma_wait3A_52 = tpu.memref_slice %dma_wait3A_49[%dma_wait3A_50, %dma_wait3A_51] : memref<80x128xf32, #tpu.memory_space<vmem>> -> memref<32x128xf32, #tpu.memory_space<vmem>>
      %dma_wait3A_53 = arith.constant 0 : i32
      %dma_wait3A_54 = tpu.memref_slice %arg9[%sub3A_17, %dma_wait3A_53] : memref<10112x128xf32, #tpu.memory_space<vmem_shared>> -> memref<32x128xf32, #tpu.memory_space<vmem_shared>>
      %dma_wait3A_55 = arith.constant 0 : i32
      %dma_wait3A_56 = tpu.memref_slice %arg9[%sub3A_17, %dma_wait3A_55] : memref<10112x128xf32, #tpu.memory_space<vmem_shared>> -> memref<32x128xf32, #tpu.memory_space<vmem_shared>>
      %dma_wait3A_57 = arith.constant 0 : i32
      %dma_wait3A_58 = arith.constant 0 : i32
      %dma_wait3A_59 = tpu.memref_slice %arg8[%run_scoped3A, %dma_wait3A_57, %dma_wait3A_58] : memref<4x80x128xf32, #tpu.memory_space<vmem>> -> memref<1x80x128xf32, #tpu.memory_space<vmem>>
      %dma_wait3A_60 = tpu.memref_squeeze %dma_wait3A_59 : memref<1x80x128xf32, #tpu.memory_space<vmem>> -> memref<80x128xf32, #tpu.memory_space<vmem>>
      %dma_wait3A_61 = arith.constant 0 : i32
      %dma_wait3A_62 = arith.constant 0 : i32
      %dma_wait3A_63 = tpu.memref_slice %dma_wait3A_60[%dma_wait3A_61, %dma_wait3A_62] : memref<80x128xf32, #tpu.memory_space<vmem>> -> memref<32x128xf32, #tpu.memory_space<vmem>>
      tpu.wait_dma2 semaphore(%run_scoped3A_29 : memref<!tpu.dma_semaphore, #tpu.memory_space<semaphore_mem>>) src(%dma_wait3A_63 : memref<32x128xf32, #tpu.memory_space<vmem>>) dst(%dma_wait3A_56 : memref<32x128xf32, #tpu.memory_space<vmem_shared>>)
      tpu.yield
    }) : () -> ()
    %barrier3A = arith.constant 0 : index
    tpu.barrier barrier_id(%barrier3A)
    %scan3A_18 = arith.constant 0 : i32
    %scan3A_19 = arith.constant 0 : i32
    %scan3A_20 = arith.constant 5 : i32
    %scan3A_21 = arith.addi %scan3A_19, %scan3A_20 : i32
    %scan3A_22 = arith.constant 1 : i32
    scf.for %scan3A_29 = %scan3A_19 to %scan3A_21 step %scan3A_22  : i32 {
      "tpu.region"() ({
        %run_scoped3A_117 = tpu.sem_alloc : memref<!tpu.dma_semaphore, #tpu.memory_space<semaphore_mem>>
        %dma_start3A_118 = arith.constant 0 : i32
        %dma_start3A_119 = arith.constant 0 : i32
        %dma_start3A_120 = tpu.memref_slice %arg3[%add3A, %scan3A_29, %dma_start3A_118, %dma_start3A_119] : memref<32x5x25x80xi32, #tpu.memory_space<hbm>> -> memref<1x1x25x80xi32, #tpu.memory_space<hbm>>
        %dma_start3A_121 = tpu.memref_squeeze %dma_start3A_120 : memref<1x1x25x80xi32, #tpu.memory_space<hbm>> -> memref<25x80xi32, #tpu.memory_space<hbm>>
        %dma_start3A_122 = arith.constant 0 : i32
        %dma_start3A_123 = arith.constant 0 : i32
        %dma_start3A_124 = tpu.memref_slice %arg3[%add3A, %scan3A_29, %dma_start3A_122, %dma_start3A_123] : memref<32x5x25x80xi32, #tpu.memory_space<hbm>> -> memref<1x1x25x80xi32, #tpu.memory_space<hbm>>
        %dma_start3A_125 = tpu.memref_squeeze %dma_start3A_124 : memref<1x1x25x80xi32, #tpu.memory_space<hbm>> -> memref<25x80xi32, #tpu.memory_space<hbm>>
        tpu.enqueue_dma source(%dma_start3A_125 : memref<25x80xi32, #tpu.memory_space<hbm>>) target(%arg6 : memref<25x80xi32, #tpu.memory_space<vmem>>) target_semaphore(%run_scoped3A_117 : memref<!tpu.dma_semaphore, #tpu.memory_space<semaphore_mem>>)
        %dma_wait3A_126 = arith.constant 0 : i32
        %dma_wait3A_127 = arith.constant 0 : i32
        %dma_wait3A_128 = tpu.memref_slice %arg3[%add3A, %scan3A_29, %dma_wait3A_126, %dma_wait3A_127] : memref<32x5x25x80xi32, #tpu.memory_space<hbm>> -> memref<1x1x25x80xi32, #tpu.memory_space<hbm>>
        %dma_wait3A_129 = tpu.memref_squeeze %dma_wait3A_128 : memref<1x1x25x80xi32, #tpu.memory_space<hbm>> -> memref<25x80xi32, #tpu.memory_space<hbm>>
        %dma_wait3A_130 = arith.constant 0 : i32
        %dma_wait3A_131 = arith.constant 0 : i32
        %dma_wait3A_132 = tpu.memref_slice %arg3[%add3A, %scan3A_29, %dma_wait3A_130, %dma_wait3A_131] : memref<32x5x25x80xi32, #tpu.memory_space<hbm>> -> memref<1x1x25x80xi32, #tpu.memory_space<hbm>>
        %dma_wait3A_133 = tpu.memref_squeeze %dma_wait3A_132 : memref<1x1x25x80xi32, #tpu.memory_space<hbm>> -> memref<25x80xi32, #tpu.memory_space<hbm>>
        tpu.wait_dma2 semaphore(%run_scoped3A_117 : memref<!tpu.dma_semaphore, #tpu.memory_space<semaphore_mem>>) src(%dma_wait3A_133 : memref<25x80xi32, #tpu.memory_space<hbm>>) dst(%arg6 : memref<25x80xi32, #tpu.memory_space<vmem>>)
        tpu.yield
      }) : () -> ()
      "tpu.region"() ({
        %run_scoped3A_117 = tpu.sem_alloc : memref<!tpu.dma_semaphore, #tpu.memory_space<semaphore_mem>>
        %dma_start3A_118 = arith.constant 0 : i32
        %dma_start3A_119 = arith.constant 0 : i32
        %dma_start3A_120 = tpu.memref_slice %arg4[%add3A, %scan3A_29, %dma_start3A_118, %dma_start3A_119] : memref<32x5x25x80xi32, #tpu.memory_space<hbm>> -> memref<1x1x25x80xi32, #tpu.memory_space<hbm>>
        %dma_start3A_121 = tpu.memref_squeeze %dma_start3A_120 : memref<1x1x25x80xi32, #tpu.memory_space<hbm>> -> memref<25x80xi32, #tpu.memory_space<hbm>>
        %dma_start3A_122 = arith.constant 0 : i32
        %dma_start3A_123 = arith.constant 0 : i32
        %dma_start3A_124 = tpu.memref_slice %arg4[%add3A, %scan3A_29, %dma_start3A_122, %dma_start3A_123] : memref<32x5x25x80xi32, #tpu.memory_space<hbm>> -> memref<1x1x25x80xi32, #tpu.memory_space<hbm>>
        %dma_start3A_125 = tpu.memref_squeeze %dma_start3A_124 : memref<1x1x25x80xi32, #tpu.memory_space<hbm>> -> memref<25x80xi32, #tpu.memory_space<hbm>>
        tpu.enqueue_dma source(%dma_start3A_125 : memref<25x80xi32, #tpu.memory_space<hbm>>) target(%arg7 : memref<25x80xi32, #tpu.memory_space<vmem>>) target_semaphore(%run_scoped3A_117 : memref<!tpu.dma_semaphore, #tpu.memory_space<semaphore_mem>>)
        %dma_wait3A_126 = arith.constant 0 : i32
        %dma_wait3A_127 = arith.constant 0 : i32
        %dma_wait3A_128 = tpu.memref_slice %arg4[%add3A, %scan3A_29, %dma_wait3A_126, %dma_wait3A_127] : memref<32x5x25x80xi32, #tpu.memory_space<hbm>> -> memref<1x1x25x80xi32, #tpu.memory_space<hbm>>
        %dma_wait3A_129 = tpu.memref_squeeze %dma_wait3A_128 : memref<1x1x25x80xi32, #tpu.memory_space<hbm>> -> memref<25x80xi32, #tpu.memory_space<hbm>>
        %dma_wait3A_130 = arith.constant 0 : i32
        %dma_wait3A_131 = arith.constant 0 : i32
        %dma_wait3A_132 = tpu.memref_slice %arg4[%add3A, %scan3A_29, %dma_wait3A_130, %dma_wait3A_131] : memref<32x5x25x80xi32, #tpu.memory_space<hbm>> -> memref<1x1x25x80xi32, #tpu.memory_space<hbm>>
        %dma_wait3A_133 = tpu.memref_squeeze %dma_wait3A_132 : memref<1x1x25x80xi32, #tpu.memory_space<hbm>> -> memref<25x80xi32, #tpu.memory_space<hbm>>
        tpu.wait_dma2 semaphore(%run_scoped3A_117 : memref<!tpu.dma_semaphore, #tpu.memory_space<semaphore_mem>>) src(%dma_wait3A_133 : memref<25x80xi32, #tpu.memory_space<hbm>>) dst(%arg7 : memref<25x80xi32, #tpu.memory_space<vmem>>)
        tpu.yield
      }) : () -> ()
      %dma_start3A = arith.constant 0 : i32
      %dma_start3A_30 = arith.constant 0 : i32
      %dma_start3A_31 = arith.constant 0 : i32
      %dma_start3A_32 = arith.constant 0 : i32
      %dma_start3A_33 = tpu.memref_slice %arg8[%dma_start3A_30, %dma_start3A_31, %dma_start3A_32] : memref<4x80x128xf32, #tpu.memory_space<vmem>> -> memref<1x80x128xf32, #tpu.memory_space<vmem>>
      %dma_start3A_34 = tpu.memref_squeeze %dma_start3A_33 : memref<1x80x128xf32, #tpu.memory_space<vmem>> -> memref<80x128xf32, #tpu.memory_space<vmem>>
      %dma_start3A_35 = arith.constant 0 : i32
      %dma_start3A_36 = tpu.memref_slice %arg6[%dma_start3A, %dma_start3A_35] : memref<25x80xi32, #tpu.memory_space<vmem>> -> memref<1x80xi32, #tpu.memory_space<vmem>>
      %dma_start3A_37 = tpu.memref_squeeze %dma_start3A_36 : memref<1x80xi32, #tpu.memory_space<vmem>> -> memref<80xi32, #tpu.memory_space<vmem>>
      %dma_start3A_38 = arith.constant 0 : i32
      %dma_start3A_39 = arith.constant 0 : i32
      %dma_start3A_40 = tpu.memref_slice %arg2[%dma_start3A_38, %dma_start3A_39] : memref<10000x128xf32, #tpu.memory_space<hbm>> -> memref<10000x128xf32, #tpu.memory_space<hbm>>
      tpu.enqueue_indirect_dma source(%dma_start3A_40 : memref<10000x128xf32, #tpu.memory_space<hbm>>) target(%dma_start3A_34 : memref<80x128xf32, #tpu.memory_space<vmem>>) offsets(%dma_start3A_37 : memref<80xi32, #tpu.memory_space<vmem>>) semaphore(%arg10 : memref<!tpu.dma_semaphore, #tpu.memory_space<semaphore_mem>>)
      %dma_start3A_41 = arith.constant 1 : i32
      %dma_start3A_42 = arith.constant 1 : i32
      %dma_start3A_43 = arith.constant 0 : i32
      %dma_start3A_44 = arith.constant 0 : i32
      %dma_start3A_45 = tpu.memref_slice %arg8[%dma_start3A_42, %dma_start3A_43, %dma_start3A_44] : memref<4x80x128xf32, #tpu.memory_space<vmem>> -> memref<1x80x128xf32, #tpu.memory_space<vmem>>
      %dma_start3A_46 = tpu.memref_squeeze %dma_start3A_45 : memref<1x80x128xf32, #tpu.memory_space<vmem>> -> memref<80x128xf32, #tpu.memory_space<vmem>>
      %dma_start3A_47 = arith.constant 0 : i32
      %dma_start3A_48 = tpu.memref_slice %arg6[%dma_start3A_41, %dma_start3A_47] : memref<25x80xi32, #tpu.memory_space<vmem>> -> memref<1x80xi32, #tpu.memory_space<vmem>>
      %dma_start3A_49 = tpu.memref_squeeze %dma_start3A_48 : memref<1x80xi32, #tpu.memory_space<vmem>> -> memref<80xi32, #tpu.memory_space<vmem>>
      %dma_start3A_50 = arith.constant 0 : i32
      %dma_start3A_51 = arith.constant 0 : i32
      %dma_start3A_52 = tpu.memref_slice %arg2[%dma_start3A_50, %dma_start3A_51] : memref<10000x128xf32, #tpu.memory_space<hbm>> -> memref<10000x128xf32, #tpu.memory_space<hbm>>
      tpu.enqueue_indirect_dma source(%dma_start3A_52 : memref<10000x128xf32, #tpu.memory_space<hbm>>) target(%dma_start3A_46 : memref<80x128xf32, #tpu.memory_space<vmem>>) offsets(%dma_start3A_49 : memref<80xi32, #tpu.memory_space<vmem>>) semaphore(%arg11 : memref<!tpu.dma_semaphore, #tpu.memory_space<semaphore_mem>>)
      %dma_start3A_53 = arith.constant 2 : i32
      %dma_start3A_54 = arith.constant 2 : i32
      %dma_start3A_55 = arith.constant 0 : i32
      %dma_start3A_56 = arith.constant 0 : i32
      %dma_start3A_57 = tpu.memref_slice %arg8[%dma_start3A_54, %dma_start3A_55, %dma_start3A_56] : memref<4x80x128xf32, #tpu.memory_space<vmem>> -> memref<1x80x128xf32, #tpu.memory_space<vmem>>
      %dma_start3A_58 = tpu.memref_squeeze %dma_start3A_57 : memref<1x80x128xf32, #tpu.memory_space<vmem>> -> memref<80x128xf32, #tpu.memory_space<vmem>>
      %dma_start3A_59 = arith.constant 0 : i32
      %dma_start3A_60 = tpu.memref_slice %arg6[%dma_start3A_53, %dma_start3A_59] : memref<25x80xi32, #tpu.memory_space<vmem>> -> memref<1x80xi32, #tpu.memory_space<vmem>>
      %dma_start3A_61 = tpu.memref_squeeze %dma_start3A_60 : memref<1x80xi32, #tpu.memory_space<vmem>> -> memref<80xi32, #tpu.memory_space<vmem>>
      %dma_start3A_62 = arith.constant 0 : i32
      %dma_start3A_63 = arith.constant 0 : i32
      %dma_start3A_64 = tpu.memref_slice %arg2[%dma_start3A_62, %dma_start3A_63] : memref<10000x128xf32, #tpu.memory_space<hbm>> -> memref<10000x128xf32, #tpu.memory_space<hbm>>
      tpu.enqueue_indirect_dma source(%dma_start3A_64 : memref<10000x128xf32, #tpu.memory_space<hbm>>) target(%dma_start3A_58 : memref<80x128xf32, #tpu.memory_space<vmem>>) offsets(%dma_start3A_61 : memref<80xi32, #tpu.memory_space<vmem>>) semaphore(%arg12 : memref<!tpu.dma_semaphore, #tpu.memory_space<semaphore_mem>>)
      %dma_start3A_65 = arith.constant 3 : i32
      %dma_start3A_66 = arith.constant 3 : i32
      %dma_start3A_67 = arith.constant 0 : i32
      %dma_start3A_68 = arith.constant 0 : i32
      %dma_start3A_69 = tpu.memref_slice %arg8[%dma_start3A_66, %dma_start3A_67, %dma_start3A_68] : memref<4x80x128xf32, #tpu.memory_space<vmem>> -> memref<1x80x128xf32, #tpu.memory_space<vmem>>
      %dma_start3A_70 = tpu.memref_squeeze %dma_start3A_69 : memref<1x80x128xf32, #tpu.memory_space<vmem>> -> memref<80x128xf32, #tpu.memory_space<vmem>>
      %dma_start3A_71 = arith.constant 0 : i32
      %dma_start3A_72 = tpu.memref_slice %arg6[%dma_start3A_65, %dma_start3A_71] : memref<25x80xi32, #tpu.memory_space<vmem>> -> memref<1x80xi32, #tpu.memory_space<vmem>>
      %dma_start3A_73 = tpu.memref_squeeze %dma_start3A_72 : memref<1x80xi32, #tpu.memory_space<vmem>> -> memref<80xi32, #tpu.memory_space<vmem>>
      %dma_start3A_74 = arith.constant 0 : i32
      %dma_start3A_75 = arith.constant 0 : i32
      %dma_start3A_76 = tpu.memref_slice %arg2[%dma_start3A_74, %dma_start3A_75] : memref<10000x128xf32, #tpu.memory_space<hbm>> -> memref<10000x128xf32, #tpu.memory_space<hbm>>
      tpu.enqueue_indirect_dma source(%dma_start3A_76 : memref<10000x128xf32, #tpu.memory_space<hbm>>) target(%dma_start3A_70 : memref<80x128xf32, #tpu.memory_space<vmem>>) offsets(%dma_start3A_73 : memref<80xi32, #tpu.memory_space<vmem>>) semaphore(%arg13 : memref<!tpu.dma_semaphore, #tpu.memory_space<semaphore_mem>>)
      %scan3A_77 = arith.constant 0 : i32
      %scan3A_78 = arith.constant 6 : i32
      %scan3A_79 = arith.addi %scan3A_77, %scan3A_78 : i32
      %scan3A_80 = arith.constant 1 : i32
      scf.for %scan3A_117 = %scan3A_77 to %scan3A_79 step %scan3A_80  : i32 {
        %mul3A_118 = arith.constant 4 : i32
        %mul3A_119 = arith.muli %mul3A_118, %scan3A_117 : i32
        %add3A_120 = arith.constant 0 : i32
        %add3A_121 = arith.addi %mul3A_119, %add3A_120 : i32
        %dma_wait3A_122 = arith.constant 0 : i32
        %dma_wait3A_123 = arith.constant 0 : i32
        %dma_wait3A_124 = arith.constant 0 : i32
        %dma_wait3A_125 = tpu.memref_slice %arg8[%dma_wait3A_122, %dma_wait3A_123, %dma_wait3A_124] : memref<4x80x128xf32, #tpu.memory_space<vmem>> -> memref<1x80x128xf32, #tpu.memory_space<vmem>>
        %dma_wait3A_126 = tpu.memref_squeeze %dma_wait3A_125 : memref<1x80x128xf32, #tpu.memory_space<vmem>> -> memref<80x128xf32, #tpu.memory_space<vmem>>
        %dma_wait3A_127 = arith.constant 0 : i32
        %dma_wait3A_128 = tpu.memref_slice %arg6[%add3A_121, %dma_wait3A_127] : memref<25x80xi32, #tpu.memory_space<vmem>> -> memref<1x80xi32, #tpu.memory_space<vmem>>
        %dma_wait3A_129 = tpu.memref_squeeze %dma_wait3A_128 : memref<1x80xi32, #tpu.memory_space<vmem>> -> memref<80xi32, #tpu.memory_space<vmem>>
        %dma_wait3A_130 = arith.constant 0 : i32
        %dma_wait3A_131 = arith.constant 0 : i32
        %dma_wait3A_132 = tpu.memref_slice %arg2[%dma_wait3A_130, %dma_wait3A_131] : memref<10000x128xf32, #tpu.memory_space<hbm>> -> memref<10000x128xf32, #tpu.memory_space<hbm>>
        tpu.wait_indirect_dma semaphore(%arg10 : memref<!tpu.dma_semaphore, #tpu.memory_space<semaphore_mem>>) src(%dma_wait3A_132 : memref<10000x128xf32, #tpu.memory_space<hbm>>) dst(%dma_wait3A_126 : memref<80x128xf32, #tpu.memory_space<vmem>>)
        %add3A_133 = arith.constant 0 : i32
        %add3A_134 = arith.addi %mul3A_119, %add3A_133 : i32
        %dma_start3A_135 = arith.constant 0 : i32
        %dma_start3A_136 = arith.constant 0 : i32
        %dma_start3A_137 = arith.constant 0 : i32
        %dma_start3A_138 = tpu.memref_slice %arg8[%dma_start3A_135, %dma_start3A_136, %dma_start3A_137] : memref<4x80x128xf32, #tpu.memory_space<vmem>> -> memref<1x80x128xf32, #tpu.memory_space<vmem>>
        %dma_start3A_139 = tpu.memref_squeeze %dma_start3A_138 : memref<1x80x128xf32, #tpu.memory_space<vmem>> -> memref<80x128xf32, #tpu.memory_space<vmem>>
        %dma_start3A_140 = arith.constant 0 : i32
        %dma_start3A_141 = tpu.memref_slice %arg7[%add3A_134, %dma_start3A_140] : memref<25x80xi32, #tpu.memory_space<vmem>> -> memref<1x80xi32, #tpu.memory_space<vmem>>
        %dma_start3A_142 = tpu.memref_squeeze %dma_start3A_141 : memref<1x80xi32, #tpu.memory_space<vmem>> -> memref<80xi32, #tpu.memory_space<vmem>>
        %dma_start3A_143 = arith.constant 0 : i32
        %dma_start3A_144 = arith.constant 0 : i32
        %dma_start3A_145 = tpu.memref_slice %arg9[%dma_start3A_143, %dma_start3A_144] : memref<10112x128xf32, #tpu.memory_space<vmem_shared>> -> memref<10112x128xf32, #tpu.memory_space<vmem_shared>>
        tpu.enqueue_indirect_dma source(%dma_start3A_139 : memref<80x128xf32, #tpu.memory_space<vmem>>) target(%dma_start3A_145 : memref<10112x128xf32, #tpu.memory_space<vmem_shared>>) offsets(%dma_start3A_142 : memref<80xi32, #tpu.memory_space<vmem>>) semaphore(%arg14 : memref<!tpu.dma_semaphore, #tpu.memory_space<semaphore_mem>>) {add = true}
        %add3A_146 = arith.constant 1 : i32
        %add3A_147 = arith.addi %mul3A_119, %add3A_146 : i32
        %dma_wait3A_148 = arith.constant 1 : i32
        %dma_wait3A_149 = arith.constant 0 : i32
        %dma_wait3A_150 = arith.constant 0 : i32
        %dma_wait3A_151 = tpu.memref_slice %arg8[%dma_wait3A_148, %dma_wait3A_149, %dma_wait3A_150] : memref<4x80x128xf32, #tpu.memory_space<vmem>> -> memref<1x80x128xf32, #tpu.memory_space<vmem>>
        %dma_wait3A_152 = tpu.memref_squeeze %dma_wait3A_151 : memref<1x80x128xf32, #tpu.memory_space<vmem>> -> memref<80x128xf32, #tpu.memory_space<vmem>>
        %dma_wait3A_153 = arith.constant 0 : i32
        %dma_wait3A_154 = tpu.memref_slice %arg6[%add3A_147, %dma_wait3A_153] : memref<25x80xi32, #tpu.memory_space<vmem>> -> memref<1x80xi32, #tpu.memory_space<vmem>>
        %dma_wait3A_155 = tpu.memref_squeeze %dma_wait3A_154 : memref<1x80xi32, #tpu.memory_space<vmem>> -> memref<80xi32, #tpu.memory_space<vmem>>
        %dma_wait3A_156 = arith.constant 0 : i32
        %dma_wait3A_157 = arith.constant 0 : i32
        %dma_wait3A_158 = tpu.memref_slice %arg2[%dma_wait3A_156, %dma_wait3A_157] : memref<10000x128xf32, #tpu.memory_space<hbm>> -> memref<10000x128xf32, #tpu.memory_space<hbm>>
        tpu.wait_indirect_dma semaphore(%arg11 : memref<!tpu.dma_semaphore, #tpu.memory_space<semaphore_mem>>) src(%dma_wait3A_158 : memref<10000x128xf32, #tpu.memory_space<hbm>>) dst(%dma_wait3A_152 : memref<80x128xf32, #tpu.memory_space<vmem>>)
        %add3A_159 = arith.constant 1 : i32
        %add3A_160 = arith.addi %mul3A_119, %add3A_159 : i32
        %dma_start3A_161 = arith.constant 1 : i32
        %dma_start3A_162 = arith.constant 0 : i32
        %dma_start3A_163 = arith.constant 0 : i32
        %dma_start3A_164 = tpu.memref_slice %arg8[%dma_start3A_161, %dma_start3A_162, %dma_start3A_163] : memref<4x80x128xf32, #tpu.memory_space<vmem>> -> memref<1x80x128xf32, #tpu.memory_space<vmem>>
        %dma_start3A_165 = tpu.memref_squeeze %dma_start3A_164 : memref<1x80x128xf32, #tpu.memory_space<vmem>> -> memref<80x128xf32, #tpu.memory_space<vmem>>
        %dma_start3A_166 = arith.constant 0 : i32
        %dma_start3A_167 = tpu.memref_slice %arg7[%add3A_160, %dma_start3A_166] : memref<25x80xi32, #tpu.memory_space<vmem>> -> memref<1x80xi32, #tpu.memory_space<vmem>>
        %dma_start3A_168 = tpu.memref_squeeze %dma_start3A_167 : memref<1x80xi32, #tpu.memory_space<vmem>> -> memref<80xi32, #tpu.memory_space<vmem>>
        %dma_start3A_169 = arith.constant 0 : i32
        %dma_start3A_170 = arith.constant 0 : i32
        %dma_start3A_171 = tpu.memref_slice %arg9[%dma_start3A_169, %dma_start3A_170] : memref<10112x128xf32, #tpu.memory_space<vmem_shared>> -> memref<10112x128xf32, #tpu.memory_space<vmem_shared>>
        tpu.enqueue_indirect_dma source(%dma_start3A_165 : memref<80x128xf32, #tpu.memory_space<vmem>>) target(%dma_start3A_171 : memref<10112x128xf32, #tpu.memory_space<vmem_shared>>) offsets(%dma_start3A_168 : memref<80xi32, #tpu.memory_space<vmem>>) semaphore(%arg15 : memref<!tpu.dma_semaphore, #tpu.memory_space<semaphore_mem>>) {add = true}
        %add3A_172 = arith.constant 2 : i32
        %add3A_173 = arith.addi %mul3A_119, %add3A_172 : i32
        %dma_wait3A_174 = arith.constant 2 : i32
        %dma_wait3A_175 = arith.constant 0 : i32
        %dma_wait3A_176 = arith.constant 0 : i32
        %dma_wait3A_177 = tpu.memref_slice %arg8[%dma_wait3A_174, %dma_wait3A_175, %dma_wait3A_176] : memref<4x80x128xf32, #tpu.memory_space<vmem>> -> memref<1x80x128xf32, #tpu.memory_space<vmem>>
        %dma_wait3A_178 = tpu.memref_squeeze %dma_wait3A_177 : memref<1x80x128xf32, #tpu.memory_space<vmem>> -> memref<80x128xf32, #tpu.memory_space<vmem>>
        %dma_wait3A_179 = arith.constant 0 : i32
        %dma_wait3A_180 = tpu.memref_slice %arg6[%add3A_173, %dma_wait3A_179] : memref<25x80xi32, #tpu.memory_space<vmem>> -> memref<1x80xi32, #tpu.memory_space<vmem>>
        %dma_wait3A_181 = tpu.memref_squeeze %dma_wait3A_180 : memref<1x80xi32, #tpu.memory_space<vmem>> -> memref<80xi32, #tpu.memory_space<vmem>>
        %dma_wait3A_182 = arith.constant 0 : i32
        %dma_wait3A_183 = arith.constant 0 : i32
        %dma_wait3A_184 = tpu.memref_slice %arg2[%dma_wait3A_182, %dma_wait3A_183] : memref<10000x128xf32, #tpu.memory_space<hbm>> -> memref<10000x128xf32, #tpu.memory_space<hbm>>
        tpu.wait_indirect_dma semaphore(%arg12 : memref<!tpu.dma_semaphore, #tpu.memory_space<semaphore_mem>>) src(%dma_wait3A_184 : memref<10000x128xf32, #tpu.memory_space<hbm>>) dst(%dma_wait3A_178 : memref<80x128xf32, #tpu.memory_space<vmem>>)
        %add3A_185 = arith.constant 2 : i32
        %add3A_186 = arith.addi %mul3A_119, %add3A_185 : i32
        %dma_start3A_187 = arith.constant 2 : i32
        %dma_start3A_188 = arith.constant 0 : i32
        %dma_start3A_189 = arith.constant 0 : i32
        %dma_start3A_190 = tpu.memref_slice %arg8[%dma_start3A_187, %dma_start3A_188, %dma_start3A_189] : memref<4x80x128xf32, #tpu.memory_space<vmem>> -> memref<1x80x128xf32, #tpu.memory_space<vmem>>
        %dma_start3A_191 = tpu.memref_squeeze %dma_start3A_190 : memref<1x80x128xf32, #tpu.memory_space<vmem>> -> memref<80x128xf32, #tpu.memory_space<vmem>>
        %dma_start3A_192 = arith.constant 0 : i32
        %dma_start3A_193 = tpu.memref_slice %arg7[%add3A_186, %dma_start3A_192] : memref<25x80xi32, #tpu.memory_space<vmem>> -> memref<1x80xi32, #tpu.memory_space<vmem>>
        %dma_start3A_194 = tpu.memref_squeeze %dma_start3A_193 : memref<1x80xi32, #tpu.memory_space<vmem>> -> memref<80xi32, #tpu.memory_space<vmem>>
        %dma_start3A_195 = arith.constant 0 : i32
        %dma_start3A_196 = arith.constant 0 : i32
        %dma_start3A_197 = tpu.memref_slice %arg9[%dma_start3A_195, %dma_start3A_196] : memref<10112x128xf32, #tpu.memory_space<vmem_shared>> -> memref<10112x128xf32, #tpu.memory_space<vmem_shared>>
        tpu.enqueue_indirect_dma source(%dma_start3A_191 : memref<80x128xf32, #tpu.memory_space<vmem>>) target(%dma_start3A_197 : memref<10112x128xf32, #tpu.memory_space<vmem_shared>>) offsets(%dma_start3A_194 : memref<80xi32, #tpu.memory_space<vmem>>) semaphore(%arg16 : memref<!tpu.dma_semaphore, #tpu.memory_space<semaphore_mem>>) {add = true}
        %add3A_198 = arith.constant 3 : i32
        %add3A_199 = arith.addi %mul3A_119, %add3A_198 : i32
        %dma_wait3A_200 = arith.constant 3 : i32
        %dma_wait3A_201 = arith.constant 0 : i32
        %dma_wait3A_202 = arith.constant 0 : i32
        %dma_wait3A_203 = tpu.memref_slice %arg8[%dma_wait3A_200, %dma_wait3A_201, %dma_wait3A_202] : memref<4x80x128xf32, #tpu.memory_space<vmem>> -> memref<1x80x128xf32, #tpu.memory_space<vmem>>
        %dma_wait3A_204 = tpu.memref_squeeze %dma_wait3A_203 : memref<1x80x128xf32, #tpu.memory_space<vmem>> -> memref<80x128xf32, #tpu.memory_space<vmem>>
        %dma_wait3A_205 = arith.constant 0 : i32
        %dma_wait3A_206 = tpu.memref_slice %arg6[%add3A_199, %dma_wait3A_205] : memref<25x80xi32, #tpu.memory_space<vmem>> -> memref<1x80xi32, #tpu.memory_space<vmem>>
        %dma_wait3A_207 = tpu.memref_squeeze %dma_wait3A_206 : memref<1x80xi32, #tpu.memory_space<vmem>> -> memref<80xi32, #tpu.memory_space<vmem>>
        %dma_wait3A_208 = arith.constant 0 : i32
        %dma_wait3A_209 = arith.constant 0 : i32
        %dma_wait3A_210 = tpu.memref_slice %arg2[%dma_wait3A_208, %dma_wait3A_209] : memref<10000x128xf32, #tpu.memory_space<hbm>> -> memref<10000x128xf32, #tpu.memory_space<hbm>>
        tpu.wait_indirect_dma semaphore(%arg13 : memref<!tpu.dma_semaphore, #tpu.memory_space<semaphore_mem>>) src(%dma_wait3A_210 : memref<10000x128xf32, #tpu.memory_space<hbm>>) dst(%dma_wait3A_204 : memref<80x128xf32, #tpu.memory_space<vmem>>)
        %add3A_211 = arith.constant 3 : i32
        %add3A_212 = arith.addi %mul3A_119, %add3A_211 : i32
        %dma_start3A_213 = arith.constant 3 : i32
        %dma_start3A_214 = arith.constant 0 : i32
        %dma_start3A_215 = arith.constant 0 : i32
        %dma_start3A_216 = tpu.memref_slice %arg8[%dma_start3A_213, %dma_start3A_214, %dma_start3A_215] : memref<4x80x128xf32, #tpu.memory_space<vmem>> -> memref<1x80x128xf32, #tpu.memory_space<vmem>>
        %dma_start3A_217 = tpu.memref_squeeze %dma_start3A_216 : memref<1x80x128xf32, #tpu.memory_space<vmem>> -> memref<80x128xf32, #tpu.memory_space<vmem>>
        %dma_start3A_218 = arith.constant 0 : i32
        %dma_start3A_219 = tpu.memref_slice %arg7[%add3A_212, %dma_start3A_218] : memref<25x80xi32, #tpu.memory_space<vmem>> -> memref<1x80xi32, #tpu.memory_space<vmem>>
        %dma_start3A_220 = tpu.memref_squeeze %dma_start3A_219 : memref<1x80xi32, #tpu.memory_space<vmem>> -> memref<80xi32, #tpu.memory_space<vmem>>
        %dma_start3A_221 = arith.constant 0 : i32
        %dma_start3A_222 = arith.constant 0 : i32
        %dma_start3A_223 = tpu.memref_slice %arg9[%dma_start3A_221, %dma_start3A_222] : memref<10112x128xf32, #tpu.memory_space<vmem_shared>> -> memref<10112x128xf32, #tpu.memory_space<vmem_shared>>
        tpu.enqueue_indirect_dma source(%dma_start3A_217 : memref<80x128xf32, #tpu.memory_space<vmem>>) target(%dma_start3A_223 : memref<10112x128xf32, #tpu.memory_space<vmem_shared>>) offsets(%dma_start3A_220 : memref<80xi32, #tpu.memory_space<vmem>>) semaphore(%arg17 : memref<!tpu.dma_semaphore, #tpu.memory_space<semaphore_mem>>) {add = true}
        %add3A_224 = arith.constant 0 : i32
        %add3A_225 = arith.addi %mul3A_119, %add3A_224 : i32
        %dma_wait3A_226 = arith.constant 0 : i32
        %dma_wait3A_227 = arith.constant 0 : i32
        %dma_wait3A_228 = arith.constant 0 : i32
        %dma_wait3A_229 = tpu.memref_slice %arg8[%dma_wait3A_226, %dma_wait3A_227, %dma_wait3A_228] : memref<4x80x128xf32, #tpu.memory_space<vmem>> -> memref<1x80x128xf32, #tpu.memory_space<vmem>>
        %dma_wait3A_230 = tpu.memref_squeeze %dma_wait3A_229 : memref<1x80x128xf32, #tpu.memory_space<vmem>> -> memref<80x128xf32, #tpu.memory_space<vmem>>
        %dma_wait3A_231 = arith.constant 0 : i32
        %dma_wait3A_232 = tpu.memref_slice %arg7[%add3A_225, %dma_wait3A_231] : memref<25x80xi32, #tpu.memory_space<vmem>> -> memref<1x80xi32, #tpu.memory_space<vmem>>
        %dma_wait3A_233 = tpu.memref_squeeze %dma_wait3A_232 : memref<1x80xi32, #tpu.memory_space<vmem>> -> memref<80xi32, #tpu.memory_space<vmem>>
        %dma_wait3A_234 = arith.constant 0 : i32
        %dma_wait3A_235 = arith.constant 0 : i32
        %dma_wait3A_236 = tpu.memref_slice %arg9[%dma_wait3A_234, %dma_wait3A_235] : memref<10112x128xf32, #tpu.memory_space<vmem_shared>> -> memref<10112x128xf32, #tpu.memory_space<vmem_shared>>
        tpu.wait_indirect_dma semaphore(%arg14 : memref<!tpu.dma_semaphore, #tpu.memory_space<semaphore_mem>>) src(%dma_wait3A_230 : memref<80x128xf32, #tpu.memory_space<vmem>>) dst(%dma_wait3A_236 : memref<10112x128xf32, #tpu.memory_space<vmem_shared>>)
        %add3A_237 = arith.constant 0 : i32
        %add3A_238 = arith.addi %mul3A_119, %add3A_237 : i32
        %add3A_239 = arith.constant 4 : i32
        %add3A_240 = arith.addi %add3A_238, %add3A_239 : i32
        %lt3A = arith.constant 25 : i32
        %lt3A_241 = arith.cmpi slt, %add3A_240, %lt3A : i32
        %convert_element_type3A = arith.extui %lt3A_241 : i1 to i32
        %cond3A = arith.constant 0 : i32
        %cond3A_242 = arith.cmpi ne, %convert_element_type3A, %cond3A : i32
        scf.if %cond3A_242 {
          %add3A_309 = arith.constant 0 : i32
          %add3A_310 = arith.addi %mul3A_119, %add3A_309 : i32
          %add3A_311 = arith.constant 4 : i32
          %add3A_312 = arith.addi %add3A_310, %add3A_311 : i32
          %dma_start3A_313 = arith.constant 0 : i32
          %dma_start3A_314 = arith.constant 0 : i32
          %dma_start3A_315 = arith.constant 0 : i32
          %dma_start3A_316 = tpu.memref_slice %arg8[%dma_start3A_313, %dma_start3A_314, %dma_start3A_315] : memref<4x80x128xf32, #tpu.memory_space<vmem>> -> memref<1x80x128xf32, #tpu.memory_space<vmem>>
          %dma_start3A_317 = tpu.memref_squeeze %dma_start3A_316 : memref<1x80x128xf32, #tpu.memory_space<vmem>> -> memref<80x128xf32, #tpu.memory_space<vmem>>
          %dma_start3A_318 = arith.constant 0 : i32
          %dma_start3A_319 = tpu.memref_slice %arg6[%add3A_312, %dma_start3A_318] : memref<25x80xi32, #tpu.memory_space<vmem>> -> memref<1x80xi32, #tpu.memory_space<vmem>>
          %dma_start3A_320 = tpu.memref_squeeze %dma_start3A_319 : memref<1x80xi32, #tpu.memory_space<vmem>> -> memref<80xi32, #tpu.memory_space<vmem>>
          %dma_start3A_321 = arith.constant 0 : i32
          %dma_start3A_322 = arith.constant 0 : i32
          %dma_start3A_323 = tpu.memref_slice %arg2[%dma_start3A_321, %dma_start3A_322] : memref<10000x128xf32, #tpu.memory_space<hbm>> -> memref<10000x128xf32, #tpu.memory_space<hbm>>
          tpu.enqueue_indirect_dma source(%dma_start3A_323 : memref<10000x128xf32, #tpu.memory_space<hbm>>) target(%dma_start3A_317 : memref<80x128xf32, #tpu.memory_space<vmem>>) offsets(%dma_start3A_320 : memref<80xi32, #tpu.memory_space<vmem>>) semaphore(%arg10 : memref<!tpu.dma_semaphore, #tpu.memory_space<semaphore_mem>>)
        } else {
        }
        %add3A_243 = arith.constant 1 : i32
        %add3A_244 = arith.addi %mul3A_119, %add3A_243 : i32
        %dma_wait3A_245 = arith.constant 1 : i32
        %dma_wait3A_246 = arith.constant 0 : i32
        %dma_wait3A_247 = arith.constant 0 : i32
        %dma_wait3A_248 = tpu.memref_slice %arg8[%dma_wait3A_245, %dma_wait3A_246, %dma_wait3A_247] : memref<4x80x128xf32, #tpu.memory_space<vmem>> -> memref<1x80x128xf32, #tpu.memory_space<vmem>>
        %dma_wait3A_249 = tpu.memref_squeeze %dma_wait3A_248 : memref<1x80x128xf32, #tpu.memory_space<vmem>> -> memref<80x128xf32, #tpu.memory_space<vmem>>
        %dma_wait3A_250 = arith.constant 0 : i32
        %dma_wait3A_251 = tpu.memref_slice %arg7[%add3A_244, %dma_wait3A_250] : memref<25x80xi32, #tpu.memory_space<vmem>> -> memref<1x80xi32, #tpu.memory_space<vmem>>
        %dma_wait3A_252 = tpu.memref_squeeze %dma_wait3A_251 : memref<1x80xi32, #tpu.memory_space<vmem>> -> memref<80xi32, #tpu.memory_space<vmem>>
        %dma_wait3A_253 = arith.constant 0 : i32
        %dma_wait3A_254 = arith.constant 0 : i32
        %dma_wait3A_255 = tpu.memref_slice %arg9[%dma_wait3A_253, %dma_wait3A_254] : memref<10112x128xf32, #tpu.memory_space<vmem_shared>> -> memref<10112x128xf32, #tpu.memory_space<vmem_shared>>
        tpu.wait_indirect_dma semaphore(%arg15 : memref<!tpu.dma_semaphore, #tpu.memory_space<semaphore_mem>>) src(%dma_wait3A_249 : memref<80x128xf32, #tpu.memory_space<vmem>>) dst(%dma_wait3A_255 : memref<10112x128xf32, #tpu.memory_space<vmem_shared>>)
        %add3A_256 = arith.constant 1 : i32
        %add3A_257 = arith.addi %mul3A_119, %add3A_256 : i32
        %add3A_258 = arith.constant 4 : i32
        %add3A_259 = arith.addi %add3A_257, %add3A_258 : i32
        %lt3A_260 = arith.constant 25 : i32
        %lt3A_261 = arith.cmpi slt, %add3A_259, %lt3A_260 : i32
        %convert_element_type3A_262 = arith.extui %lt3A_261 : i1 to i32
        %cond3A_263 = arith.constant 0 : i32
        %cond3A_264 = arith.cmpi ne, %convert_element_type3A_262, %cond3A_263 : i32
        scf.if %cond3A_264 {
          %add3A_309 = arith.constant 1 : i32
          %add3A_310 = arith.addi %mul3A_119, %add3A_309 : i32
          %add3A_311 = arith.constant 4 : i32
          %add3A_312 = arith.addi %add3A_310, %add3A_311 : i32
          %dma_start3A_313 = arith.constant 1 : i32
          %dma_start3A_314 = arith.constant 0 : i32
          %dma_start3A_315 = arith.constant 0 : i32
          %dma_start3A_316 = tpu.memref_slice %arg8[%dma_start3A_313, %dma_start3A_314, %dma_start3A_315] : memref<4x80x128xf32, #tpu.memory_space<vmem>> -> memref<1x80x128xf32, #tpu.memory_space<vmem>>
          %dma_start3A_317 = tpu.memref_squeeze %dma_start3A_316 : memref<1x80x128xf32, #tpu.memory_space<vmem>> -> memref<80x128xf32, #tpu.memory_space<vmem>>
          %dma_start3A_318 = arith.constant 0 : i32
          %dma_start3A_319 = tpu.memref_slice %arg6[%add3A_312, %dma_start3A_318] : memref<25x80xi32, #tpu.memory_space<vmem>> -> memref<1x80xi32, #tpu.memory_space<vmem>>
          %dma_start3A_320 = tpu.memref_squeeze %dma_start3A_319 : memref<1x80xi32, #tpu.memory_space<vmem>> -> memref<80xi32, #tpu.memory_space<vmem>>
          %dma_start3A_321 = arith.constant 0 : i32
          %dma_start3A_322 = arith.constant 0 : i32
          %dma_start3A_323 = tpu.memref_slice %arg2[%dma_start3A_321, %dma_start3A_322] : memref<10000x128xf32, #tpu.memory_space<hbm>> -> memref<10000x128xf32, #tpu.memory_space<hbm>>
          tpu.enqueue_indirect_dma source(%dma_start3A_323 : memref<10000x128xf32, #tpu.memory_space<hbm>>) target(%dma_start3A_317 : memref<80x128xf32, #tpu.memory_space<vmem>>) offsets(%dma_start3A_320 : memref<80xi32, #tpu.memory_space<vmem>>) semaphore(%arg11 : memref<!tpu.dma_semaphore, #tpu.memory_space<semaphore_mem>>)
        } else {
        }
        %add3A_265 = arith.constant 2 : i32
        %add3A_266 = arith.addi %mul3A_119, %add3A_265 : i32
        %dma_wait3A_267 = arith.constant 2 : i32
        %dma_wait3A_268 = arith.constant 0 : i32
        %dma_wait3A_269 = arith.constant 0 : i32
        %dma_wait3A_270 = tpu.memref_slice %arg8[%dma_wait3A_267, %dma_wait3A_268, %dma_wait3A_269] : memref<4x80x128xf32, #tpu.memory_space<vmem>> -> memref<1x80x128xf32, #tpu.memory_space<vmem>>
        %dma_wait3A_271 = tpu.memref_squeeze %dma_wait3A_270 : memref<1x80x128xf32, #tpu.memory_space<vmem>> -> memref<80x128xf32, #tpu.memory_space<vmem>>
        %dma_wait3A_272 = arith.constant 0 : i32
        %dma_wait3A_273 = tpu.memref_slice %arg7[%add3A_266, %dma_wait3A_272] : memref<25x80xi32, #tpu.memory_space<vmem>> -> memref<1x80xi32, #tpu.memory_space<vmem>>
        %dma_wait3A_274 = tpu.memref_squeeze %dma_wait3A_273 : memref<1x80xi32, #tpu.memory_space<vmem>> -> memref<80xi32, #tpu.memory_space<vmem>>
        %dma_wait3A_275 = arith.constant 0 : i32
        %dma_wait3A_276 = arith.constant 0 : i32
        %dma_wait3A_277 = tpu.memref_slice %arg9[%dma_wait3A_275, %dma_wait3A_276] : memref<10112x128xf32, #tpu.memory_space<vmem_shared>> -> memref<10112x128xf32, #tpu.memory_space<vmem_shared>>
        tpu.wait_indirect_dma semaphore(%arg16 : memref<!tpu.dma_semaphore, #tpu.memory_space<semaphore_mem>>) src(%dma_wait3A_271 : memref<80x128xf32, #tpu.memory_space<vmem>>) dst(%dma_wait3A_277 : memref<10112x128xf32, #tpu.memory_space<vmem_shared>>)
        %add3A_278 = arith.constant 2 : i32
        %add3A_279 = arith.addi %mul3A_119, %add3A_278 : i32
        %add3A_280 = arith.constant 4 : i32
        %add3A_281 = arith.addi %add3A_279, %add3A_280 : i32
        %lt3A_282 = arith.constant 25 : i32
        %lt3A_283 = arith.cmpi slt, %add3A_281, %lt3A_282 : i32
        %convert_element_type3A_284 = arith.extui %lt3A_283 : i1 to i32
        %cond3A_285 = arith.constant 0 : i32
        %cond3A_286 = arith.cmpi ne, %convert_element_type3A_284, %cond3A_285 : i32
        scf.if %cond3A_286 {
          %add3A_309 = arith.constant 2 : i32
          %add3A_310 = arith.addi %mul3A_119, %add3A_309 : i32
          %add3A_311 = arith.constant 4 : i32
          %add3A_312 = arith.addi %add3A_310, %add3A_311 : i32
          %dma_start3A_313 = arith.constant 2 : i32
          %dma_start3A_314 = arith.constant 0 : i32
          %dma_start3A_315 = arith.constant 0 : i32
          %dma_start3A_316 = tpu.memref_slice %arg8[%dma_start3A_313, %dma_start3A_314, %dma_start3A_315] : memref<4x80x128xf32, #tpu.memory_space<vmem>> -> memref<1x80x128xf32, #tpu.memory_space<vmem>>
          %dma_start3A_317 = tpu.memref_squeeze %dma_start3A_316 : memref<1x80x128xf32, #tpu.memory_space<vmem>> -> memref<80x128xf32, #tpu.memory_space<vmem>>
          %dma_start3A_318 = arith.constant 0 : i32
          %dma_start3A_319 = tpu.memref_slice %arg6[%add3A_312, %dma_start3A_318] : memref<25x80xi32, #tpu.memory_space<vmem>> -> memref<1x80xi32, #tpu.memory_space<vmem>>
          %dma_start3A_320 = tpu.memref_squeeze %dma_start3A_319 : memref<1x80xi32, #tpu.memory_space<vmem>> -> memref<80xi32, #tpu.memory_space<vmem>>
          %dma_start3A_321 = arith.constant 0 : i32
          %dma_start3A_322 = arith.constant 0 : i32
          %dma_start3A_323 = tpu.memref_slice %arg2[%dma_start3A_321, %dma_start3A_322] : memref<10000x128xf32, #tpu.memory_space<hbm>> -> memref<10000x128xf32, #tpu.memory_space<hbm>>
          tpu.enqueue_indirect_dma source(%dma_start3A_323 : memref<10000x128xf32, #tpu.memory_space<hbm>>) target(%dma_start3A_317 : memref<80x128xf32, #tpu.memory_space<vmem>>) offsets(%dma_start3A_320 : memref<80xi32, #tpu.memory_space<vmem>>) semaphore(%arg12 : memref<!tpu.dma_semaphore, #tpu.memory_space<semaphore_mem>>)
        } else {
        }
        %add3A_287 = arith.constant 3 : i32
        %add3A_288 = arith.addi %mul3A_119, %add3A_287 : i32
        %dma_wait3A_289 = arith.constant 3 : i32
        %dma_wait3A_290 = arith.constant 0 : i32
        %dma_wait3A_291 = arith.constant 0 : i32
        %dma_wait3A_292 = tpu.memref_slice %arg8[%dma_wait3A_289, %dma_wait3A_290, %dma_wait3A_291] : memref<4x80x128xf32, #tpu.memory_space<vmem>> -> memref<1x80x128xf32, #tpu.memory_space<vmem>>
        %dma_wait3A_293 = tpu.memref_squeeze %dma_wait3A_292 : memref<1x80x128xf32, #tpu.memory_space<vmem>> -> memref<80x128xf32, #tpu.memory_space<vmem>>
        %dma_wait3A_294 = arith.constant 0 : i32
        %dma_wait3A_295 = tpu.memref_slice %arg7[%add3A_288, %dma_wait3A_294] : memref<25x80xi32, #tpu.memory_space<vmem>> -> memref<1x80xi32, #tpu.memory_space<vmem>>
        %dma_wait3A_296 = tpu.memref_squeeze %dma_wait3A_295 : memref<1x80xi32, #tpu.memory_space<vmem>> -> memref<80xi32, #tpu.memory_space<vmem>>
        %dma_wait3A_297 = arith.constant 0 : i32
        %dma_wait3A_298 = arith.constant 0 : i32
        %dma_wait3A_299 = tpu.memref_slice %arg9[%dma_wait3A_297, %dma_wait3A_298] : memref<10112x128xf32, #tpu.memory_space<vmem_shared>> -> memref<10112x128xf32, #tpu.memory_space<vmem_shared>>
        tpu.wait_indirect_dma semaphore(%arg17 : memref<!tpu.dma_semaphore, #tpu.memory_space<semaphore_mem>>) src(%dma_wait3A_293 : memref<80x128xf32, #tpu.memory_space<vmem>>) dst(%dma_wait3A_299 : memref<10112x128xf32, #tpu.memory_space<vmem_shared>>)
        %add3A_300 = arith.constant 3 : i32
        %add3A_301 = arith.addi %mul3A_119, %add3A_300 : i32
        %add3A_302 = arith.constant 4 : i32
        %add3A_303 = arith.addi %add3A_301, %add3A_302 : i32
        %lt3A_304 = arith.constant 25 : i32
        %lt3A_305 = arith.cmpi slt, %add3A_303, %lt3A_304 : i32
        %convert_element_type3A_306 = arith.extui %lt3A_305 : i1 to i32
        %cond3A_307 = arith.constant 0 : i32
        %cond3A_308 = arith.cmpi ne, %convert_element_type3A_306, %cond3A_307 : i32
        scf.if %cond3A_308 {
          %add3A_309 = arith.constant 3 : i32
          %add3A_310 = arith.addi %mul3A_119, %add3A_309 : i32
          %add3A_311 = arith.constant 4 : i32
          %add3A_312 = arith.addi %add3A_310, %add3A_311 : i32
          %dma_start3A_313 = arith.constant 3 : i32
          %dma_start3A_314 = arith.constant 0 : i32
          %dma_start3A_315 = arith.constant 0 : i32
          %dma_start3A_316 = tpu.memref_slice %arg8[%dma_start3A_313, %dma_start3A_314, %dma_start3A_315] : memref<4x80x128xf32, #tpu.memory_space<vmem>> -> memref<1x80x128xf32, #tpu.memory_space<vmem>>
          %dma_start3A_317 = tpu.memref_squeeze %dma_start3A_316 : memref<1x80x128xf32, #tpu.memory_space<vmem>> -> memref<80x128xf32, #tpu.memory_space<vmem>>
          %dma_start3A_318 = arith.constant 0 : i32
          %dma_start3A_319 = tpu.memref_slice %arg6[%add3A_312, %dma_start3A_318] : memref<25x80xi32, #tpu.memory_space<vmem>> -> memref<1x80xi32, #tpu.memory_space<vmem>>
          %dma_start3A_320 = tpu.memref_squeeze %dma_start3A_319 : memref<1x80xi32, #tpu.memory_space<vmem>> -> memref<80xi32, #tpu.memory_space<vmem>>
          %dma_start3A_321 = arith.constant 0 : i32
          %dma_start3A_322 = arith.constant 0 : i32
          %dma_start3A_323 = tpu.memref_slice %arg2[%dma_start3A_321, %dma_start3A_322] : memref<10000x128xf32, #tpu.memory_space<hbm>> -> memref<10000x128xf32, #tpu.memory_space<hbm>>
          tpu.enqueue_indirect_dma source(%dma_start3A_323 : memref<10000x128xf32, #tpu.memory_space<hbm>>) target(%dma_start3A_317 : memref<80x128xf32, #tpu.memory_space<vmem>>) offsets(%dma_start3A_320 : memref<80xi32, #tpu.memory_space<vmem>>) semaphore(%arg13 : memref<!tpu.dma_semaphore, #tpu.memory_space<semaphore_mem>>)
        } else {
        }
      }
      %scan3A_81 = arith.constant 6 : i32
      %dma_wait3A = arith.constant 24 : i32
      %dma_wait3A_82 = arith.constant 0 : i32
      %dma_wait3A_83 = arith.constant 0 : i32
      %dma_wait3A_84 = arith.constant 0 : i32
      %dma_wait3A_85 = tpu.memref_slice %arg8[%dma_wait3A_82, %dma_wait3A_83, %dma_wait3A_84] : memref<4x80x128xf32, #tpu.memory_space<vmem>> -> memref<1x80x128xf32, #tpu.memory_space<vmem>>
      %dma_wait3A_86 = tpu.memref_squeeze %dma_wait3A_85 : memref<1x80x128xf32, #tpu.memory_space<vmem>> -> memref<80x128xf32, #tpu.memory_space<vmem>>
      %dma_wait3A_87 = arith.constant 0 : i32
      %dma_wait3A_88 = tpu.memref_slice %arg6[%dma_wait3A, %dma_wait3A_87] : memref<25x80xi32, #tpu.memory_space<vmem>> -> memref<1x80xi32, #tpu.memory_space<vmem>>
      %dma_wait3A_89 = tpu.memref_squeeze %dma_wait3A_88 : memref<1x80xi32, #tpu.memory_space<vmem>> -> memref<80xi32, #tpu.memory_space<vmem>>
      %dma_wait3A_90 = arith.constant 0 : i32
      %dma_wait3A_91 = arith.constant 0 : i32
      %dma_wait3A_92 = tpu.memref_slice %arg2[%dma_wait3A_90, %dma_wait3A_91] : memref<10000x128xf32, #tpu.memory_space<hbm>> -> memref<10000x128xf32, #tpu.memory_space<hbm>>
      tpu.wait_indirect_dma semaphore(%arg10 : memref<!tpu.dma_semaphore, #tpu.memory_space<semaphore_mem>>) src(%dma_wait3A_92 : memref<10000x128xf32, #tpu.memory_space<hbm>>) dst(%dma_wait3A_86 : memref<80x128xf32, #tpu.memory_space<vmem>>)
      %dma_start3A_93 = arith.constant 0 : i32
      %dma_start3A_94 = arith.constant 24 : i32
      %dma_start3A_95 = arith.constant 0 : i32
      %dma_start3A_96 = arith.constant 0 : i32
      %dma_start3A_97 = tpu.memref_slice %arg8[%dma_start3A_93, %dma_start3A_95, %dma_start3A_96] : memref<4x80x128xf32, #tpu.memory_space<vmem>> -> memref<1x80x128xf32, #tpu.memory_space<vmem>>
      %dma_start3A_98 = tpu.memref_squeeze %dma_start3A_97 : memref<1x80x128xf32, #tpu.memory_space<vmem>> -> memref<80x128xf32, #tpu.memory_space<vmem>>
      %dma_start3A_99 = arith.constant 0 : i32
      %dma_start3A_100 = tpu.memref_slice %arg7[%dma_start3A_94, %dma_start3A_99] : memref<25x80xi32, #tpu.memory_space<vmem>> -> memref<1x80xi32, #tpu.memory_space<vmem>>
      %dma_start3A_101 = tpu.memref_squeeze %dma_start3A_100 : memref<1x80xi32, #tpu.memory_space<vmem>> -> memref<80xi32, #tpu.memory_space<vmem>>
      %dma_start3A_102 = arith.constant 0 : i32
      %dma_start3A_103 = arith.constant 0 : i32
      %dma_start3A_104 = tpu.memref_slice %arg9[%dma_start3A_102, %dma_start3A_103] : memref<10112x128xf32, #tpu.memory_space<vmem_shared>> -> memref<10112x128xf32, #tpu.memory_space<vmem_shared>>
      tpu.enqueue_indirect_dma source(%dma_start3A_98 : memref<80x128xf32, #tpu.memory_space<vmem>>) target(%dma_start3A_104 : memref<10112x128xf32, #tpu.memory_space<vmem_shared>>) offsets(%dma_start3A_101 : memref<80xi32, #tpu.memory_space<vmem>>) semaphore(%arg14 : memref<!tpu.dma_semaphore, #tpu.memory_space<semaphore_mem>>) {add = true}
      %dma_wait3A_105 = arith.constant 0 : i32
      %dma_wait3A_106 = arith.constant 24 : i32
      %dma_wait3A_107 = arith.constant 0 : i32
      %dma_wait3A_108 = arith.constant 0 : i32
      %dma_wait3A_109 = tpu.memref_slice %arg8[%dma_wait3A_105, %dma_wait3A_107, %dma_wait3A_108] : memref<4x80x128xf32, #tpu.memory_space<vmem>> -> memref<1x80x128xf32, #tpu.memory_space<vmem>>
      %dma_wait3A_110 = tpu.memref_squeeze %dma_wait3A_109 : memref<1x80x128xf32, #tpu.memory_space<vmem>> -> memref<80x128xf32, #tpu.memory_space<vmem>>
      %dma_wait3A_111 = arith.constant 0 : i32
      %dma_wait3A_112 = tpu.memref_slice %arg7[%dma_wait3A_106, %dma_wait3A_111] : memref<25x80xi32, #tpu.memory_space<vmem>> -> memref<1x80xi32, #tpu.memory_space<vmem>>
      %dma_wait3A_113 = tpu.memref_squeeze %dma_wait3A_112 : memref<1x80xi32, #tpu.memory_space<vmem>> -> memref<80xi32, #tpu.memory_space<vmem>>
      %dma_wait3A_114 = arith.constant 0 : i32
      %dma_wait3A_115 = arith.constant 0 : i32
      %dma_wait3A_116 = tpu.memref_slice %arg9[%dma_wait3A_114, %dma_wait3A_115] : memref<10112x128xf32, #tpu.memory_space<vmem_shared>> -> memref<10112x128xf32, #tpu.memory_space<vmem_shared>>
      tpu.wait_indirect_dma semaphore(%arg14 : memref<!tpu.dma_semaphore, #tpu.memory_space<semaphore_mem>>) src(%dma_wait3A_110 : memref<80x128xf32, #tpu.memory_space<vmem>>) dst(%dma_wait3A_116 : memref<10112x128xf32, #tpu.memory_space<vmem_shared>>)
    }
    %scan3A_23 = arith.constant 5 : i32
    %barrier3A_24 = arith.constant 0 : index
    tpu.barrier barrier_id(%barrier3A_24)
    %mul3A_25 = arith.constant 632 : i32
    %mul3A_26 = arith.muli %arg1, %mul3A_25 : i32
    %mul3A_27 = arith.constant 632 : i32
    %mul3A_28 = arith.muli %arg1, %mul3A_27 : i32
    "tpu.region"() ({
      %run_scoped3A_29 = tpu.sem_alloc : memref<!tpu.dma_semaphore, #tpu.memory_space<semaphore_mem>>
      %dma_start3A = arith.constant 0 : i32
      %dma_start3A_30 = arith.constant 0 : i32
      %dma_start3A_31 = tpu.memref_slice %arg5[%arg0, %dma_start3A, %dma_start3A_30] : memref<2x10112x128xf32, #tpu.memory_space<hbm>> -> memref<1x10112x128xf32, #tpu.memory_space<hbm>>
      %dma_start3A_32 = tpu.memref_squeeze %dma_start3A_31 : memref<1x10112x128xf32, #tpu.memory_space<hbm>> -> memref<10112x128xf32, #tpu.memory_space<hbm>>
      %dma_start3A_33 = arith.constant 0 : i32
      %dma_start3A_34 = tpu.memref_slice %dma_start3A_32[%mul3A_28, %dma_start3A_33] : memref<10112x128xf32, #tpu.memory_space<hbm>> -> memref<632x128xf32, #tpu.memory_space<hbm>>
      %dma_start3A_35 = arith.constant 0 : i32
      %dma_start3A_36 = tpu.memref_slice %arg9[%mul3A_26, %dma_start3A_35] : memref<10112x128xf32, #tpu.memory_space<vmem_shared>> -> memref<632x128xf32, #tpu.memory_space<vmem_shared>>
      tpu.enqueue_dma source(%dma_start3A_36 : memref<632x128xf32, #tpu.memory_space<vmem_shared>>) target(%dma_start3A_34 : memref<632x128xf32, #tpu.memory_space<hbm>>) target_semaphore(%run_scoped3A_29 : memref<!tpu.dma_semaphore, #tpu.memory_space<semaphore_mem>>)
      %dma_wait3A = arith.constant 0 : i32
      %dma_wait3A_37 = arith.constant 0 : i32
      %dma_wait3A_38 = tpu.memref_slice %arg5[%arg0, %dma_wait3A, %dma_wait3A_37] : memref<2x10112x128xf32, #tpu.memory_space<hbm>> -> memref<1x10112x128xf32, #tpu.memory_space<hbm>>
      %dma_wait3A_39 = tpu.memref_squeeze %dma_wait3A_38 : memref<1x10112x128xf32, #tpu.memory_space<hbm>> -> memref<10112x128xf32, #tpu.memory_space<hbm>>
      %dma_wait3A_40 = arith.constant 0 : i32
      %dma_wait3A_41 = tpu.memref_slice %dma_wait3A_39[%mul3A_28, %dma_wait3A_40] : memref<10112x128xf32, #tpu.memory_space<hbm>> -> memref<632x128xf32, #tpu.memory_space<hbm>>
      %dma_wait3A_42 = arith.constant 0 : i32
      %dma_wait3A_43 = tpu.memref_slice %arg9[%mul3A_26, %dma_wait3A_42] : memref<10112x128xf32, #tpu.memory_space<vmem_shared>> -> memref<632x128xf32, #tpu.memory_space<vmem_shared>>
      tpu.wait_dma2 semaphore(%run_scoped3A_29 : memref<!tpu.dma_semaphore, #tpu.memory_space<semaphore_mem>>) src(%dma_wait3A_43 : memref<632x128xf32, #tpu.memory_space<vmem_shared>>) dst(%dma_wait3A_41 : memref<632x128xf32, #tpu.memory_space<hbm>>)
      tpu.yield
    }) : () -> ()
    return
  }
}

#map = affine_map<(d0, d1) -> (0, 0)>
#map1 = affine_map<(d0, d1) -> (0, 0, 0, 0)>
#map2 = affine_map<(d0, d1) -> (0, 0, 0)>
module attributes {stable_mosaic.version = 14 : i64} {
  func.func @_spmm_kernel(%arg0: i32, %arg1: i32, %arg2: memref<10000x128xf32, #tpu.memory_space<hbm>>, %arg3: memref<32x5x25x80xi32, #tpu.memory_space<hbm>>, %arg4: memref<32x5x25x80xi32, #tpu.memory_space<hbm>>, %arg5: memref<2x10112x128xf32, #tpu.memory_space<hbm>>, %arg6: memref<25x80xi32, #tpu.memory_space<vmem>>, %arg7: memref<25x80xi32, #tpu.memory_space<vmem>>, %arg8: memref<4x80x128xf32, #tpu.memory_space<vmem>>, %arg9: memref<10112x128xf32, #tpu.memory_space<vmem_shared>>, %arg10: memref<!tpu.dma_semaphore, #tpu.memory_space<semaphore_mem>>, %arg11: memref<!tpu.dma_semaphore, #tpu.memory_space<semaphore_mem>>, %arg12: memref<!tpu.dma_semaphore, #tpu.memory_space<semaphore_mem>>, %arg13: memref<!tpu.dma_semaphore, #tpu.memory_space<semaphore_mem>>, %arg14: memref<!tpu.dma_semaphore, #tpu.memory_space<semaphore_mem>>, %arg15: memref<!tpu.dma_semaphore, #tpu.memory_space<semaphore_mem>>, %arg16: memref<!tpu.dma_semaphore, #tpu.memory_space<semaphore_mem>>, %arg17: memref<!tpu.dma_semaphore, #tpu.memory_space<semaphore_mem>>) attributes {dimension_semantics = [#tpu.dimension_semantics<core_parallel>, #tpu.dimension_semantics<subcore_parallel>], iteration_bounds = array<i64: 2, 16>, scalar_prefetch = 0 : i64, scratch_operands = 12 : i64, tpu.core_type = #tpu.core_type<sc_vector_subcore>, window_params = [{transform_indices = #map}, {transform_indices = #map1}, {transform_indices = #map1}, {transform_indices = #map2}]} {
    %mul3A = arith.constant 16 : i32
    %mul3A_0 = arith.muli %arg0, %mul3A : i32
    %add3A = arith.addi %mul3A_0, %arg1 : i32
    %scan3A = arith.constant 0 : i32
    %scan3A_1 = arith.constant 0 : i32
    %scan3A_2 = arith.constant 40 : i32
    %scan3A_3 = arith.addi %scan3A_1, %scan3A_2 : i32
    %scan3A_4 = arith.constant 1 : i32
    scf.for %scan3A_29 = %scan3A_1 to %scan3A_3 step %scan3A_4  : i32 {
      %broadcast_in_dim3A = arith.constant 0.000000e+00 : f32
      %broadcast_in_dim3A_30 = vector.broadcast %broadcast_in_dim3A : f32 to vector<16xf32>
      %swap3A = arith.constant 0 : i32
      %swap3A_31 = arith.index_cast %swap3A : i32 to index
      %swap3A_32 = arith.index_cast %scan3A_29 : i32 to index
      %swap3A_33 = arith.constant 0 : index
      %swap3A_34 = tpu.vector_load %arg8[%swap3A_31, %swap3A_32, %swap3A_33] {strides = array<i32>} : memref<4x80x128xf32, #tpu.memory_space<vmem>>, vector<1x1x16xf32>,
      %swap3A_35 = vector.shape_cast %swap3A_34 : vector<1x1x16xf32> to vector<16xf32>
      %swap3A_36 = vector.shape_cast %broadcast_in_dim3A_30 : vector<16xf32> to vector<1x1x16xf32>
      tpu.vector_store %arg8[%swap3A_31, %swap3A_32, %swap3A_33], %swap3A_36 {strides = array<i32>} : memref<4x80x128xf32, #tpu.memory_space<vmem>>, vector<1x1x16xf32>,
      %broadcast_in_dim3A_37 = arith.constant 0.000000e+00 : f32
      %broadcast_in_dim3A_38 = vector.broadcast %broadcast_in_dim3A_37 : f32 to vector<16xf32>
      %swap3A_39 = arith.constant 0 : i32
      %swap3A_40 = arith.index_cast %swap3A_39 : i32 to index
      %swap3A_41 = arith.index_cast %scan3A_29 : i32 to index
      %swap3A_42 = arith.constant 16 : index
      %swap3A_43 = tpu.vector_load %arg8[%swap3A_40, %swap3A_41, %swap3A_42] {strides = array<i32>} : memref<4x80x128xf32, #tpu.memory_space<vmem>>, vector<1x1x16xf32>,
      %swap3A_44 = vector.shape_cast %swap3A_43 : vector<1x1x16xf32> to vector<16xf32>
      %swap3A_45 = vector.shape_cast %broadcast_in_dim3A_38 : vector<16xf32> to vector<1x1x16xf32>
      tpu.vector_store %arg8[%swap3A_40, %swap3A_41, %swap3A_42], %swap3A_45 {strides = array<i32>} : memref<4x80x128xf32, #tpu.memory_space<vmem>>, vector<1x1x16xf32>,
      %broadcast_in_dim3A_46 = arith.constant 0.000000e+00 : f32
      %broadcast_in_dim3A_47 = vector.broadcast %broadcast_in_dim3A_46 : f32 to vector<16xf32>
      %swap3A_48 = arith.constant 0 : i32
      %swap3A_49 = arith.index_cast %swap3A_48 : i32 to index
      %swap3A_50 = arith.index_cast %scan3A_29 : i32 to index
      %swap3A_51 = arith.constant 32 : index
      %swap3A_52 = tpu.vector_load %arg8[%swap3A_49, %swap3A_50, %swap3A_51] {strides = array<i32>} : memref<4x80x128xf32, #tpu.memory_space<vmem>>, vector<1x1x16xf32>,
      %swap3A_53 = vector.shape_cast %swap3A_52 : vector<1x1x16xf32> to vector<16xf32>
      %swap3A_54 = vector.shape_cast %broadcast_in_dim3A_47 : vector<16xf32> to vector<1x1x16xf32>
      tpu.vector_store %arg8[%swap3A_49, %swap3A_50, %swap3A_51], %swap3A_54 {strides = array<i32>} : memref<4x80x128xf32, #tpu.memory_space<vmem>>, vector<1x1x16xf32>,
      %broadcast_in_dim3A_55 = arith.constant 0.000000e+00 : f32
      %broadcast_in_dim3A_56 = vector.broadcast %broadcast_in_dim3A_55 : f32 to vector<16xf32>
      %swap3A_57 = arith.constant 0 : i32
      %swap3A_58 = arith.index_cast %swap3A_57 : i32 to index
      %swap3A_59 = arith.index_cast %scan3A_29 : i32 to index
      %swap3A_60 = arith.constant 48 : index
      %swap3A_61 = tpu.vector_load %arg8[%swap3A_58, %swap3A_59, %swap3A_60] {strides = array<i32>} : memref<4x80x128xf32, #tpu.memory_space<vmem>>, vector<1x1x16xf32>,
      %swap3A_62 = vector.shape_cast %swap3A_61 : vector<1x1x16xf32> to vector<16xf32>
      %swap3A_63 = vector.shape_cast %broadcast_in_dim3A_56 : vector<16xf32> to vector<1x1x16xf32>
      tpu.vector_store %arg8[%swap3A_58, %swap3A_59, %swap3A_60], %swap3A_63 {strides = array<i32>} : memref<4x80x128xf32, #tpu.memory_space<vmem>>, vector<1x1x16xf32>,
      %broadcast_in_dim3A_64 = arith.constant 0.000000e+00 : f32
      %broadcast_in_dim3A_65 = vector.broadcast %broadcast_in_dim3A_64 : f32 to vector<16xf32>
      %swap3A_66 = arith.constant 0 : i32
      %swap3A_67 = arith.index_cast %swap3A_66 : i32 to index
      %swap3A_68 = arith.index_cast %scan3A_29 : i32 to index
      %swap3A_69 = arith.constant 64 : index
      %swap3A_70 = tpu.vector_load %arg8[%swap3A_67, %swap3A_68, %swap3A_69] {strides = array<i32>} : memref<4x80x128xf32, #tpu.memory_space<vmem>>, vector<1x1x16xf32>,
      %swap3A_71 = vector.shape_cast %swap3A_70 : vector<1x1x16xf32> to vector<16xf32>
      %swap3A_72 = vector.shape_cast %broadcast_in_dim3A_65 : vector<16xf32> to vector<1x1x16xf32>
      tpu.vector_store %arg8[%swap3A_67, %swap3A_68, %swap3A_69], %swap3A_72 {strides = array<i32>} : memref<4x80x128xf32, #tpu.memory_space<vmem>>, vector<1x1x16xf32>,
      %broadcast_in_dim3A_73 = arith.constant 0.000000e+00 : f32
      %broadcast_in_dim3A_74 = vector.broadcast %broadcast_in_dim3A_73 : f32 to vector<16xf32>
      %swap3A_75 = arith.constant 0 : i32
      %swap3A_76 = arith.index_cast %swap3A_75 : i32 to index
      %swap3A_77 = arith.index_cast %scan3A_29 : i32 to index
      %swap3A_78 = arith.constant 80 : index
      %swap3A_79 = tpu.vector_load %arg8[%swap3A_76, %swap3A_77, %swap3A_78] {strides = array<i32>} : memref<4x80x128xf32, #tpu.memory_space<vmem>>, vector<1x1x16xf32>,
      %swap3A_80 = vector.shape_cast %swap3A_79 : vector<1x1x16xf32> to vector<16xf32>
      %swap3A_81 = vector.shape_cast %broadcast_in_dim3A_74 : vector<16xf32> to vector<1x1x16xf32>
      tpu.vector_store %arg8[%swap3A_76, %swap3A_77, %swap3A_78], %swap3A_81 {strides = array<i32>} : memref<4x80x128xf32, #tpu.memory_space<vmem>>, vector<1x1x16xf32>,
      %broadcast_in_dim3A_82 = arith.constant 0.000000e+00 : f32
      %broadcast_in_dim3A_83 = vector.broadcast %broadcast_in_dim3A_82 : f32 to vector<16xf32>
      %swap3A_84 = arith.constant 0 : i32
      %swap3A_85 = arith.index_cast %swap3A_84 : i32 to index
      %swap3A_86 = arith.index_cast %scan3A_29 : i32 to index
      %swap3A_87 = arith.constant 96 : index
      %swap3A_88 = tpu.vector_load %arg8[%swap3A_85, %swap3A_86, %swap3A_87] {strides = array<i32>} : memref<4x80x128xf32, #tpu.memory_space<vmem>>, vector<1x1x16xf32>,
      %swap3A_89 = vector.shape_cast %swap3A_88 : vector<1x1x16xf32> to vector<16xf32>
      %swap3A_90 = vector.shape_cast %broadcast_in_dim3A_83 : vector<16xf32> to vector<1x1x16xf32>
      tpu.vector_store %arg8[%swap3A_85, %swap3A_86, %swap3A_87], %swap3A_90 {strides = array<i32>} : memref<4x80x128xf32, #tpu.memory_space<vmem>>, vector<1x1x16xf32>,
      %broadcast_in_dim3A_91 = arith.constant 0.000000e+00 : f32
      %broadcast_in_dim3A_92 = vector.broadcast %broadcast_in_dim3A_91 : f32 to vector<16xf32>
      %swap3A_93 = arith.constant 0 : i32
      %swap3A_94 = arith.index_cast %swap3A_93 : i32 to index
      %swap3A_95 = arith.index_cast %scan3A_29 : i32 to index
      %swap3A_96 = arith.constant 112 : index
      %swap3A_97 = tpu.vector_load %arg8[%swap3A_94, %swap3A_95, %swap3A_96] {strides = array<i32>} : memref<4x80x128xf32, #tpu.memory_space<vmem>>, vector<1x1x16xf32>,
      %swap3A_98 = vector.shape_cast %swap3A_97 : vector<1x1x16xf32> to vector<16xf32>
      %swap3A_99 = vector.shape_cast %broadcast_in_dim3A_92 : vector<16xf32> to vector<1x1x16xf32>
      tpu.vector_store %arg8[%swap3A_94, %swap3A_95, %swap3A_96], %swap3A_99 {strides = array<i32>} : memref<4x80x128xf32, #tpu.memory_space<vmem>>, vector<1x1x16xf32>,
    }
    %scan3A_5 = arith.constant 40 : i32
    %mul3A_6 = arith.constant 632 : i32
    %mul3A_7 = arith.muli %arg1, %mul3A_6 : i32
    %scan3A_8 = arith.constant 0 : i32
    %scan3A_9 = arith.constant 0 : i32
    %scan3A_10 = arith.constant 0 : i32
    %scan3A_11 = arith.constant 15 : i32
    %scan3A_12 = arith.addi %scan3A_10, %scan3A_11 : i32
    %scan3A_13 = arith.constant 1 : i32
    scf.for %scan3A_29 = %scan3A_10 to %scan3A_12 step %scan3A_13  : i32 {
      %mul3A_30 = arith.constant 40 : i32
      %mul3A_31 = arith.muli %scan3A_29, %mul3A_30 : i32
      %add3A_32 = arith.addi %mul3A_7, %mul3A_31 : i32
      "tpu.region"() ({
        %run_scoped3A_33 = tpu.sem_alloc : memref<!tpu.dma_semaphore, #tpu.memory_space<semaphore_mem>>
        %dma_start3A = arith.constant 0 : i32
        %dma_start3A_34 = arith.constant 0 : i32
        %dma_start3A_35 = tpu.memref_slice %arg8[%scan3A_9, %dma_start3A, %dma_start3A_34] : memref<4x80x128xf32, #tpu.memory_space<vmem>> -> memref<1x80x128xf32, #tpu.memory_space<vmem>>
        %dma_start3A_36 = tpu.memref_squeeze %dma_start3A_35 : memref<1x80x128xf32, #tpu.memory_space<vmem>> -> memref<80x128xf32, #tpu.memory_space<vmem>>
        %dma_start3A_37 = arith.constant 0 : i32
        %dma_start3A_38 = arith.constant 0 : i32
        %dma_start3A_39 = tpu.memref_slice %dma_start3A_36[%dma_start3A_37, %dma_start3A_38] : memref<80x128xf32, #tpu.memory_space<vmem>> -> memref<40x128xf32, #tpu.memory_space<vmem>>
        %dma_start3A_40 = arith.constant 0 : i32
        %dma_start3A_41 = tpu.memref_slice %arg9[%add3A_32, %dma_start3A_40] : memref<10112x128xf32, #tpu.memory_space<vmem_shared>> -> memref<40x128xf32, #tpu.memory_space<vmem_shared>>
        %dma_start3A_42 = arith.constant 0 : i32
        %dma_start3A_43 = tpu.memref_slice %arg9[%add3A_32, %dma_start3A_42] : memref<10112x128xf32, #tpu.memory_space<vmem_shared>> -> memref<40x128xf32, #tpu.memory_space<vmem_shared>>
        %dma_start3A_44 = arith.constant 0 : i32
        %dma_start3A_45 = arith.constant 0 : i32
        %dma_start3A_46 = tpu.memref_slice %arg8[%scan3A_9, %dma_start3A_44, %dma_start3A_45] : memref<4x80x128xf32, #tpu.memory_space<vmem>> -> memref<1x80x128xf32, #tpu.memory_space<vmem>>
        %dma_start3A_47 = tpu.memref_squeeze %dma_start3A_46 : memref<1x80x128xf32, #tpu.memory_space<vmem>> -> memref<80x128xf32, #tpu.memory_space<vmem>>
        %dma_start3A_48 = arith.constant 0 : i32
        %dma_start3A_49 = arith.constant 0 : i32
        %dma_start3A_50 = tpu.memref_slice %dma_start3A_47[%dma_start3A_48, %dma_start3A_49] : memref<80x128xf32, #tpu.memory_space<vmem>> -> memref<40x128xf32, #tpu.memory_space<vmem>>
        tpu.enqueue_dma source(%dma_start3A_50 : memref<40x128xf32, #tpu.memory_space<vmem>>) target(%dma_start3A_43 : memref<40x128xf32, #tpu.memory_space<vmem_shared>>) target_semaphore(%run_scoped3A_33 : memref<!tpu.dma_semaphore, #tpu.memory_space<semaphore_mem>>)
        %dma_wait3A = arith.constant 0 : i32
        %dma_wait3A_51 = arith.constant 0 : i32
        %dma_wait3A_52 = tpu.memref_slice %arg8[%scan3A_9, %dma_wait3A, %dma_wait3A_51] : memref<4x80x128xf32, #tpu.memory_space<vmem>> -> memref<1x80x128xf32, #tpu.memory_space<vmem>>
        %dma_wait3A_53 = tpu.memref_squeeze %dma_wait3A_52 : memref<1x80x128xf32, #tpu.memory_space<vmem>> -> memref<80x128xf32, #tpu.memory_space<vmem>>
        %dma_wait3A_54 = arith.constant 0 : i32
        %dma_wait3A_55 = arith.constant 0 : i32
        %dma_wait3A_56 = tpu.memref_slice %dma_wait3A_53[%dma_wait3A_54, %dma_wait3A_55] : memref<80x128xf32, #tpu.memory_space<vmem>> -> memref<40x128xf32, #tpu.memory_space<vmem>>
        %dma_wait3A_57 = arith.constant 0 : i32
        %dma_wait3A_58 = tpu.memref_slice %arg9[%add3A_32, %dma_wait3A_57] : memref<10112x128xf32, #tpu.memory_space<vmem_shared>> -> memref<40x128xf32, #tpu.memory_space<vmem_shared>>
        %dma_wait3A_59 = arith.constant 0 : i32
        %dma_wait3A_60 = tpu.memref_slice %arg9[%add3A_32, %dma_wait3A_59] : memref<10112x128xf32, #tpu.memory_space<vmem_shared>> -> memref<40x128xf32, #tpu.memory_space<vmem_shared>>
        %dma_wait3A_61 = arith.constant 0 : i32
        %dma_wait3A_62 = arith.constant 0 : i32
        %dma_wait3A_63 = tpu.memref_slice %arg8[%scan3A_9, %dma_wait3A_61, %dma_wait3A_62] : memref<4x80x128xf32, #tpu.memory_space<vmem>> -> memref<1x80x128xf32, #tpu.memory_space<vmem>>
        %dma_wait3A_64 = tpu.memref_squeeze %dma_wait3A_63 : memref<1x80x128xf32, #tpu.memory_space<vmem>> -> memref<80x128xf32, #tpu.memory_space<vmem>>
        %dma_wait3A_65 = arith.constant 0 : i32
        %dma_wait3A_66 = arith.constant 0 : i32
        %dma_wait3A_67 = tpu.memref_slice %dma_wait3A_64[%dma_wait3A_65, %dma_wait3A_66] : memref<80x128xf32, #tpu.memory_space<vmem>> -> memref<40x128xf32, #tpu.memory_space<vmem>>
        tpu.wait_dma2 semaphore(%run_scoped3A_33 : memref<!tpu.dma_semaphore, #tpu.memory_space<semaphore_mem>>) src(%dma_wait3A_67 : memref<40x128xf32, #tpu.memory_space<vmem>>) dst(%dma_wait3A_60 : memref<40x128xf32, #tpu.memory_space<vmem_shared>>)
        tpu.yield
      }) : () -> ()
    }
    %scan3A_14 = arith.constant 15 : i32
    %add3A_15 = arith.constant 632 : i32
    %add3A_16 = arith.addi %mul3A_7, %add3A_15 : i32
    %sub3A = arith.constant 32 : i32
    %sub3A_17 = arith.subi %add3A_16, %sub3A : i32
    %run_scoped3A = arith.constant 0 : i32
    "tpu.region"() ({
      %run_scoped3A_29 = tpu.sem_alloc : memref<!tpu.dma_semaphore, #tpu.memory_space<semaphore_mem>>
      %dma_start3A = arith.constant 0 : i32
      %dma_start3A_30 = arith.constant 0 : i32
      %dma_start3A_31 = tpu.memref_slice %arg8[%run_scoped3A, %dma_start3A, %dma_start3A_30] : memref<4x80x128xf32, #tpu.memory_space<vmem>> -> memref<1x80x128xf32, #tpu.memory_space<vmem>>
      %dma_start3A_32 = tpu.memref_squeeze %dma_start3A_31 : memref<1x80x128xf32, #tpu.memory_space<vmem>> -> memref<80x128xf32, #tpu.memory_space<vmem>>
      %dma_start3A_33 = arith.constant 0 : i32
      %dma_start3A_34 = arith.constant 0 : i32
      %dma_start3A_35 = tpu.memref_slice %dma_start3A_32[%dma_start3A_33, %dma_start3A_34] : memref<80x128xf32, #tpu.memory_space<vmem>> -> memref<32x128xf32, #tpu.memory_space<vmem>>
      %dma_start3A_36 = arith.constant 0 : i32
      %dma_start3A_37 = tpu.memref_slice %arg9[%sub3A_17, %dma_start3A_36] : memref<10112x128xf32, #tpu.memory_space<vmem_shared>> -> memref<32x128xf32, #tpu.memory_space<vmem_shared>>
      %dma_start3A_38 = arith.constant 0 : i32
      %dma_start3A_39 = tpu.memref_slice %arg9[%sub3A_17, %dma_start3A_38] : memref<10112x128xf32, #tpu.memory_space<vmem_shared>> -> memref<32x128xf32, #tpu.memory_space<vmem_shared>>
      %dma_start3A_40 = arith.constant 0 : i32
      %dma_start3A_41 = arith.constant 0 : i32
      %dma_start3A_42 = tpu.memref_slice %arg8[%run_scoped3A, %dma_start3A_40, %dma_start3A_41] : memref<4x80x128xf32, #tpu.memory_space<vmem>> -> memref<1x80x128xf32, #tpu.memory_space<vmem>>
      %dma_start3A_43 = tpu.memref_squeeze %dma_start3A_42 : memref<1x80x128xf32, #tpu.memory_space<vmem>> -> memref<80x128xf32, #tpu.memory_space<vmem>>
      %dma_start3A_44 = arith.constant 0 : i32
      %dma_start3A_45 = arith.constant 0 : i32
      %dma_start3A_46 = tpu.memref_slice %dma_start3A_43[%dma_start3A_44, %dma_start3A_45] : memref<80x128xf32, #tpu.memory_space<vmem>> -> memref<32x128xf32, #tpu.memory_space<vmem>>
      tpu.enqueue_dma source(%dma_start3A_46 : memref<32x128xf32, #tpu.memory_space<vmem>>) target(%dma_start3A_39 : memref<32x128xf32, #tpu.memory_space<vmem_shared>>) target_semaphore(%run_scoped3A_29 : memref<!tpu.dma_semaphore, #tpu.memory_space<semaphore_mem>>)
      %dma_wait3A = arith.constant 0 : i32
      %dma_wait3A_47 = arith.constant 0 : i32
      %dma_wait3A_48 = tpu.memref_slice %arg8[%run_scoped3A, %dma_wait3A, %dma_wait3A_47] : memref<4x80x128xf32, #tpu.memory_space<vmem>> -> memref<1x80x128xf32, #tpu.memory_space<vmem>>
      %dma_wait3A_49 = tpu.memref_squeeze %dma_wait3A_48 : memref<1x80x128xf32, #tpu.memory_space<vmem>> -> memref<80x128xf32, #tpu.memory_space<vmem>>
      %dma_wait3A_50 = arith.constant 0 : i32
      %dma_wait3A_51 = arith.constant 0 : i32
      %dma_wait3A_52 = tpu.memref_slice %dma_wait3A_49[%dma_wait3A_50, %dma_wait3A_51] : memref<80x128xf32, #tpu.memory_space<vmem>> -> memref<32x128xf32, #tpu.memory_space<vmem>>
      %dma_wait3A_53 = arith.constant 0 : i32
      %dma_wait3A_54 = tpu.memref_slice %arg9[%sub3A_17, %dma_wait3A_53] : memref<10112x128xf32, #tpu.memory_space<vmem_shared>> -> memref<32x128xf32, #tpu.memory_space<vmem_shared>>
      %dma_wait3A_55 = arith.constant 0 : i32
      %dma_wait3A_56 = tpu.memref_slice %arg9[%sub3A_17, %dma_wait3A_55] : memref<10112x128xf32, #tpu.memory_space<vmem_shared>> -> memref<32x128xf32, #tpu.memory_space<vmem_shared>>
      %dma_wait3A_57 = arith.constant 0 : i32
      %dma_wait3A_58 = arith.constant 0 : i32
      %dma_wait3A_59 = tpu.memref_slice %arg8[%run_scoped3A, %dma_wait3A_57, %dma_wait3A_58] : memref<4x80x128xf32, #tpu.memory_space<vmem>> -> memref<1x80x128xf32, #tpu.memory_space<vmem>>
      %dma_wait3A_60 = tpu.memref_squeeze %dma_wait3A_59 : memref<1x80x128xf32, #tpu.memory_space<vmem>> -> memref<80x128xf32, #tpu.memory_space<vmem>>
      %dma_wait3A_61 = arith.constant 0 : i32
      %dma_wait3A_62 = arith.constant 0 : i32
      %dma_wait3A_63 = tpu.memref_slice %dma_wait3A_60[%dma_wait3A_61, %dma_wait3A_62] : memref<80x128xf32, #tpu.memory_space<vmem>> -> memref<32x128xf32, #tpu.memory_space<vmem>>
      tpu.wait_dma2 semaphore(%run_scoped3A_29 : memref<!tpu.dma_semaphore, #tpu.memory_space<semaphore_mem>>) src(%dma_wait3A_63 : memref<32x128xf32, #tpu.memory_space<vmem>>) dst(%dma_wait3A_56 : memref<32x128xf32, #tpu.memory_space<vmem_shared>>)
      tpu.yield
    }) : () -> ()
    %barrier3A = arith.constant 0 : index
    tpu.barrier barrier_id(%barrier3A)
    %scan3A_18 = arith.constant 0 : i32
    %scan3A_19 = arith.constant 0 : i32
    %scan3A_20 = arith.constant 5 : i32
    %scan3A_21 = arith.addi %scan3A_19, %scan3A_20 : i32
    %scan3A_22 = arith.constant 1 : i32
    scf.for %scan3A_29 = %scan3A_19 to %scan3A_21 step %scan3A_22  : i32 {
      "tpu.region"() ({
        %run_scoped3A_117 = tpu.sem_alloc : memref<!tpu.dma_semaphore, #tpu.memory_space<semaphore_mem>>
        %dma_start3A_118 = arith.constant 0 : i32
        %dma_start3A_119 = arith.constant 0 : i32
        %dma_start3A_120 = tpu.memref_slice %arg3[%add3A, %scan3A_29, %dma_start3A_118, %dma_start3A_119] : memref<32x5x25x80xi32, #tpu.memory_space<hbm>> -> memref<1x1x25x80xi32, #tpu.memory_space<hbm>>
        %dma_start3A_121 = tpu.memref_squeeze %dma_start3A_120 : memref<1x1x25x80xi32, #tpu.memory_space<hbm>> -> memref<25x80xi32, #tpu.memory_space<hbm>>
        %dma_start3A_122 = arith.constant 0 : i32
        %dma_start3A_123 = arith.constant 0 : i32
        %dma_start3A_124 = tpu.memref_slice %arg3[%add3A, %scan3A_29, %dma_start3A_122, %dma_start3A_123] : memref<32x5x25x80xi32, #tpu.memory_space<hbm>> -> memref<1x1x25x80xi32, #tpu.memory_space<hbm>>
        %dma_start3A_125 = tpu.memref_squeeze %dma_start3A_124 : memref<1x1x25x80xi32, #tpu.memory_space<hbm>> -> memref<25x80xi32, #tpu.memory_space<hbm>>
        tpu.enqueue_dma source(%dma_start3A_125 : memref<25x80xi32, #tpu.memory_space<hbm>>) target(%arg6 : memref<25x80xi32, #tpu.memory_space<vmem>>) target_semaphore(%run_scoped3A_117 : memref<!tpu.dma_semaphore, #tpu.memory_space<semaphore_mem>>)
        %dma_wait3A_126 = arith.constant 0 : i32
        %dma_wait3A_127 = arith.constant 0 : i32
        %dma_wait3A_128 = tpu.memref_slice %arg3[%add3A, %scan3A_29, %dma_wait3A_126, %dma_wait3A_127] : memref<32x5x25x80xi32, #tpu.memory_space<hbm>> -> memref<1x1x25x80xi32, #tpu.memory_space<hbm>>
        %dma_wait3A_129 = tpu.memref_squeeze %dma_wait3A_128 : memref<1x1x25x80xi32, #tpu.memory_space<hbm>> -> memref<25x80xi32, #tpu.memory_space<hbm>>
        %dma_wait3A_130 = arith.constant 0 : i32
        %dma_wait3A_131 = arith.constant 0 : i32
        %dma_wait3A_132 = tpu.memref_slice %arg3[%add3A, %scan3A_29, %dma_wait3A_130, %dma_wait3A_131] : memref<32x5x25x80xi32, #tpu.memory_space<hbm>> -> memref<1x1x25x80xi32, #tpu.memory_space<hbm>>
        %dma_wait3A_133 = tpu.memref_squeeze %dma_wait3A_132 : memref<1x1x25x80xi32, #tpu.memory_space<hbm>> -> memref<25x80xi32, #tpu.memory_space<hbm>>
        tpu.wait_dma2 semaphore(%run_scoped3A_117 : memref<!tpu.dma_semaphore, #tpu.memory_space<semaphore_mem>>) src(%dma_wait3A_133 : memref<25x80xi32, #tpu.memory_space<hbm>>) dst(%arg6 : memref<25x80xi32, #tpu.memory_space<vmem>>)
        tpu.yield
      }) : () -> ()
      "tpu.region"() ({
        %run_scoped3A_117 = tpu.sem_alloc : memref<!tpu.dma_semaphore, #tpu.memory_space<semaphore_mem>>
        %dma_start3A_118 = arith.constant 0 : i32
        %dma_start3A_119 = arith.constant 0 : i32
        %dma_start3A_120 = tpu.memref_slice %arg4[%add3A, %scan3A_29, %dma_start3A_118, %dma_start3A_119] : memref<32x5x25x80xi32, #tpu.memory_space<hbm>> -> memref<1x1x25x80xi32, #tpu.memory_space<hbm>>
        %dma_start3A_121 = tpu.memref_squeeze %dma_start3A_120 : memref<1x1x25x80xi32, #tpu.memory_space<hbm>> -> memref<25x80xi32, #tpu.memory_space<hbm>>
        %dma_start3A_122 = arith.constant 0 : i32
        %dma_start3A_123 = arith.constant 0 : i32
        %dma_start3A_124 = tpu.memref_slice %arg4[%add3A, %scan3A_29, %dma_start3A_122, %dma_start3A_123] : memref<32x5x25x80xi32, #tpu.memory_space<hbm>> -> memref<1x1x25x80xi32, #tpu.memory_space<hbm>>
        %dma_start3A_125 = tpu.memref_squeeze %dma_start3A_124 : memref<1x1x25x80xi32, #tpu.memory_space<hbm>> -> memref<25x80xi32, #tpu.memory_space<hbm>>
        tpu.enqueue_dma source(%dma_start3A_125 : memref<25x80xi32, #tpu.memory_space<hbm>>) target(%arg7 : memref<25x80xi32, #tpu.memory_space<vmem>>) target_semaphore(%run_scoped3A_117 : memref<!tpu.dma_semaphore, #tpu.memory_space<semaphore_mem>>)
        %dma_wait3A_126 = arith.constant 0 : i32
        %dma_wait3A_127 = arith.constant 0 : i32
        %dma_wait3A_128 = tpu.memref_slice %arg4[%add3A, %scan3A_29, %dma_wait3A_126, %dma_wait3A_127] : memref<32x5x25x80xi32, #tpu.memory_space<hbm>> -> memref<1x1x25x80xi32, #tpu.memory_space<hbm>>
        %dma_wait3A_129 = tpu.memref_squeeze %dma_wait3A_128 : memref<1x1x25x80xi32, #tpu.memory_space<hbm>> -> memref<25x80xi32, #tpu.memory_space<hbm>>
        %dma_wait3A_130 = arith.constant 0 : i32
        %dma_wait3A_131 = arith.constant 0 : i32
        %dma_wait3A_132 = tpu.memref_slice %arg4[%add3A, %scan3A_29, %dma_wait3A_130, %dma_wait3A_131] : memref<32x5x25x80xi32, #tpu.memory_space<hbm>> -> memref<1x1x25x80xi32, #tpu.memory_space<hbm>>
        %dma_wait3A_133 = tpu.memref_squeeze %dma_wait3A_132 : memref<1x1x25x80xi32, #tpu.memory_space<hbm>> -> memref<25x80xi32, #tpu.memory_space<hbm>>
        tpu.wait_dma2 semaphore(%run_scoped3A_117 : memref<!tpu.dma_semaphore, #tpu.memory_space<semaphore_mem>>) src(%dma_wait3A_133 : memref<25x80xi32, #tpu.memory_space<hbm>>) dst(%arg7 : memref<25x80xi32, #tpu.memory_space<vmem>>)
        tpu.yield
      }) : () -> ()
      %dma_start3A = arith.constant 0 : i32
      %dma_start3A_30 = arith.constant 0 : i32
      %dma_start3A_31 = arith.constant 0 : i32
      %dma_start3A_32 = arith.constant 0 : i32
      %dma_start3A_33 = tpu.memref_slice %arg8[%dma_start3A_30, %dma_start3A_31, %dma_start3A_32] : memref<4x80x128xf32, #tpu.memory_space<vmem>> -> memref<1x80x128xf32, #tpu.memory_space<vmem>>
      %dma_start3A_34 = tpu.memref_squeeze %dma_start3A_33 : memref<1x80x128xf32, #tpu.memory_space<vmem>> -> memref<80x128xf32, #tpu.memory_space<vmem>>
      %dma_start3A_35 = arith.constant 0 : i32
      %dma_start3A_36 = tpu.memref_slice %arg6[%dma_start3A, %dma_start3A_35] : memref<25x80xi32, #tpu.memory_space<vmem>> -> memref<1x80xi32, #tpu.memory_space<vmem>>
      %dma_start3A_37 = tpu.memref_squeeze %dma_start3A_36 : memref<1x80xi32, #tpu.memory_space<vmem>> -> memref<80xi32, #tpu.memory_space<vmem>>
      %dma_start3A_38 = arith.constant 0 : i32
      %dma_start3A_39 = arith.constant 0 : i32
      %dma_start3A_40 = tpu.memref_slice %arg2[%dma_start3A_38, %dma_start3A_39] : memref<10000x128xf32, #tpu.memory_space<hbm>> -> memref<10000x128xf32, #tpu.memory_space<hbm>>
      tpu.enqueue_indirect_dma source(%dma_start3A_40 : memref<10000x128xf32, #tpu.memory_space<hbm>>) target(%dma_start3A_34 : memref<80x128xf32, #tpu.memory_space<vmem>>) offsets(%dma_start3A_37 : memref<80xi32, #tpu.memory_space<vmem>>) semaphore(%arg10 : memref<!tpu.dma_semaphore, #tpu.memory_space<semaphore_mem>>)
      %dma_start3A_41 = arith.constant 1 : i32
      %dma_start3A_42 = arith.constant 1 : i32
      %dma_start3A_43 = arith.constant 0 : i32
      %dma_start3A_44 = arith.constant 0 : i32
      %dma_start3A_45 = tpu.memref_slice %arg8[%dma_start3A_42, %dma_start3A_43, %dma_start3A_44] : memref<4x80x128xf32, #tpu.memory_space<vmem>> -> memref<1x80x128xf32, #tpu.memory_space<vmem>>
      %dma_start3A_46 = tpu.memref_squeeze %dma_start3A_45 : memref<1x80x128xf32, #tpu.memory_space<vmem>> -> memref<80x128xf32, #tpu.memory_space<vmem>>
      %dma_start3A_47 = arith.constant 0 : i32
      %dma_start3A_48 = tpu.memref_slice %arg6[%dma_start3A_41, %dma_start3A_47] : memref<25x80xi32, #tpu.memory_space<vmem>> -> memref<1x80xi32, #tpu.memory_space<vmem>>
      %dma_start3A_49 = tpu.memref_squeeze %dma_start3A_48 : memref<1x80xi32, #tpu.memory_space<vmem>> -> memref<80xi32, #tpu.memory_space<vmem>>
      %dma_start3A_50 = arith.constant 0 : i32
      %dma_start3A_51 = arith.constant 0 : i32
      %dma_start3A_52 = tpu.memref_slice %arg2[%dma_start3A_50, %dma_start3A_51] : memref<10000x128xf32, #tpu.memory_space<hbm>> -> memref<10000x128xf32, #tpu.memory_space<hbm>>
      tpu.enqueue_indirect_dma source(%dma_start3A_52 : memref<10000x128xf32, #tpu.memory_space<hbm>>) target(%dma_start3A_46 : memref<80x128xf32, #tpu.memory_space<vmem>>) offsets(%dma_start3A_49 : memref<80xi32, #tpu.memory_space<vmem>>) semaphore(%arg11 : memref<!tpu.dma_semaphore, #tpu.memory_space<semaphore_mem>>)
      %dma_start3A_53 = arith.constant 2 : i32
      %dma_start3A_54 = arith.constant 2 : i32
      %dma_start3A_55 = arith.constant 0 : i32
      %dma_start3A_56 = arith.constant 0 : i32
      %dma_start3A_57 = tpu.memref_slice %arg8[%dma_start3A_54, %dma_start3A_55, %dma_start3A_56] : memref<4x80x128xf32, #tpu.memory_space<vmem>> -> memref<1x80x128xf32, #tpu.memory_space<vmem>>
      %dma_start3A_58 = tpu.memref_squeeze %dma_start3A_57 : memref<1x80x128xf32, #tpu.memory_space<vmem>> -> memref<80x128xf32, #tpu.memory_space<vmem>>
      %dma_start3A_59 = arith.constant 0 : i32
      %dma_start3A_60 = tpu.memref_slice %arg6[%dma_start3A_53, %dma_start3A_59] : memref<25x80xi32, #tpu.memory_space<vmem>> -> memref<1x80xi32, #tpu.memory_space<vmem>>
      %dma_start3A_61 = tpu.memref_squeeze %dma_start3A_60 : memref<1x80xi32, #tpu.memory_space<vmem>> -> memref<80xi32, #tpu.memory_space<vmem>>
      %dma_start3A_62 = arith.constant 0 : i32
      %dma_start3A_63 = arith.constant 0 : i32
      %dma_start3A_64 = tpu.memref_slice %arg2[%dma_start3A_62, %dma_start3A_63] : memref<10000x128xf32, #tpu.memory_space<hbm>> -> memref<10000x128xf32, #tpu.memory_space<hbm>>
      tpu.enqueue_indirect_dma source(%dma_start3A_64 : memref<10000x128xf32, #tpu.memory_space<hbm>>) target(%dma_start3A_58 : memref<80x128xf32, #tpu.memory_space<vmem>>) offsets(%dma_start3A_61 : memref<80xi32, #tpu.memory_space<vmem>>) semaphore(%arg12 : memref<!tpu.dma_semaphore, #tpu.memory_space<semaphore_mem>>)
      %dma_start3A_65 = arith.constant 3 : i32
      %dma_start3A_66 = arith.constant 3 : i32
      %dma_start3A_67 = arith.constant 0 : i32
      %dma_start3A_68 = arith.constant 0 : i32
      %dma_start3A_69 = tpu.memref_slice %arg8[%dma_start3A_66, %dma_start3A_67, %dma_start3A_68] : memref<4x80x128xf32, #tpu.memory_space<vmem>> -> memref<1x80x128xf32, #tpu.memory_space<vmem>>
      %dma_start3A_70 = tpu.memref_squeeze %dma_start3A_69 : memref<1x80x128xf32, #tpu.memory_space<vmem>> -> memref<80x128xf32, #tpu.memory_space<vmem>>
      %dma_start3A_71 = arith.constant 0 : i32
      %dma_start3A_72 = tpu.memref_slice %arg6[%dma_start3A_65, %dma_start3A_71] : memref<25x80xi32, #tpu.memory_space<vmem>> -> memref<1x80xi32, #tpu.memory_space<vmem>>
      %dma_start3A_73 = tpu.memref_squeeze %dma_start3A_72 : memref<1x80xi32, #tpu.memory_space<vmem>> -> memref<80xi32, #tpu.memory_space<vmem>>
      %dma_start3A_74 = arith.constant 0 : i32
      %dma_start3A_75 = arith.constant 0 : i32
      %dma_start3A_76 = tpu.memref_slice %arg2[%dma_start3A_74, %dma_start3A_75] : memref<10000x128xf32, #tpu.memory_space<hbm>> -> memref<10000x128xf32, #tpu.memory_space<hbm>>
      tpu.enqueue_indirect_dma source(%dma_start3A_76 : memref<10000x128xf32, #tpu.memory_space<hbm>>) target(%dma_start3A_70 : memref<80x128xf32, #tpu.memory_space<vmem>>) offsets(%dma_start3A_73 : memref<80xi32, #tpu.memory_space<vmem>>) semaphore(%arg13 : memref<!tpu.dma_semaphore, #tpu.memory_space<semaphore_mem>>)
      %scan3A_77 = arith.constant 0 : i32
      %scan3A_78 = arith.constant 6 : i32
      %scan3A_79 = arith.addi %scan3A_77, %scan3A_78 : i32
      %scan3A_80 = arith.constant 1 : i32
      scf.for %scan3A_117 = %scan3A_77 to %scan3A_79 step %scan3A_80  : i32 {
        %mul3A_118 = arith.constant 4 : i32
        %mul3A_119 = arith.muli %mul3A_118, %scan3A_117 : i32
        %add3A_120 = arith.constant 0 : i32
        %add3A_121 = arith.addi %mul3A_119, %add3A_120 : i32
        %dma_wait3A_122 = arith.constant 0 : i32
        %dma_wait3A_123 = arith.constant 0 : i32
        %dma_wait3A_124 = arith.constant 0 : i32
        %dma_wait3A_125 = tpu.memref_slice %arg8[%dma_wait3A_122, %dma_wait3A_123, %dma_wait3A_124] : memref<4x80x128xf32, #tpu.memory_space<vmem>> -> memref<1x80x128xf32, #tpu.memory_space<vmem>>
        %dma_wait3A_126 = tpu.memref_squeeze %dma_wait3A_125 : memref<1x80x128xf32, #tpu.memory_space<vmem>> -> memref<80x128xf32, #tpu.memory_space<vmem>>
        %dma_wait3A_127 = arith.constant 0 : i32
        %dma_wait3A_128 = tpu.memref_slice %arg6[%add3A_121, %dma_wait3A_127] : memref<25x80xi32, #tpu.memory_space<vmem>> -> memref<1x80xi32, #tpu.memory_space<vmem>>
        %dma_wait3A_129 = tpu.memref_squeeze %dma_wait3A_128 : memref<1x80xi32, #tpu.memory_space<vmem>> -> memref<80xi32, #tpu.memory_space<vmem>>
        %dma_wait3A_130 = arith.constant 0 : i32
        %dma_wait3A_131 = arith.constant 0 : i32
        %dma_wait3A_132 = tpu.memref_slice %arg2[%dma_wait3A_130, %dma_wait3A_131] : memref<10000x128xf32, #tpu.memory_space<hbm>> -> memref<10000x128xf32, #tpu.memory_space<hbm>>
        tpu.wait_indirect_dma semaphore(%arg10 : memref<!tpu.dma_semaphore, #tpu.memory_space<semaphore_mem>>) src(%dma_wait3A_132 : memref<10000x128xf32, #tpu.memory_space<hbm>>) dst(%dma_wait3A_126 : memref<80x128xf32, #tpu.memory_space<vmem>>)
        %add3A_133 = arith.constant 0 : i32
        %add3A_134 = arith.addi %mul3A_119, %add3A_133 : i32
        %dma_start3A_135 = arith.constant 0 : i32
        %dma_start3A_136 = arith.constant 0 : i32
        %dma_start3A_137 = arith.constant 0 : i32
        %dma_start3A_138 = tpu.memref_slice %arg8[%dma_start3A_135, %dma_start3A_136, %dma_start3A_137] : memref<4x80x128xf32, #tpu.memory_space<vmem>> -> memref<1x80x128xf32, #tpu.memory_space<vmem>>
        %dma_start3A_139 = tpu.memref_squeeze %dma_start3A_138 : memref<1x80x128xf32, #tpu.memory_space<vmem>> -> memref<80x128xf32, #tpu.memory_space<vmem>>
        %dma_start3A_140 = arith.constant 0 : i32
        %dma_start3A_141 = tpu.memref_slice %arg7[%add3A_134, %dma_start3A_140] : memref<25x80xi32, #tpu.memory_space<vmem>> -> memref<1x80xi32, #tpu.memory_space<vmem>>
        %dma_start3A_142 = tpu.memref_squeeze %dma_start3A_141 : memref<1x80xi32, #tpu.memory_space<vmem>> -> memref<80xi32, #tpu.memory_space<vmem>>
        %dma_start3A_143 = arith.constant 0 : i32
        %dma_start3A_144 = arith.constant 0 : i32
        %dma_start3A_145 = tpu.memref_slice %arg9[%dma_start3A_143, %dma_start3A_144] : memref<10112x128xf32, #tpu.memory_space<vmem_shared>> -> memref<10112x128xf32, #tpu.memory_space<vmem_shared>>
        tpu.enqueue_indirect_dma source(%dma_start3A_139 : memref<80x128xf32, #tpu.memory_space<vmem>>) target(%dma_start3A_145 : memref<10112x128xf32, #tpu.memory_space<vmem_shared>>) offsets(%dma_start3A_142 : memref<80xi32, #tpu.memory_space<vmem>>) semaphore(%arg14 : memref<!tpu.dma_semaphore, #tpu.memory_space<semaphore_mem>>) {add = true}
        %add3A_146 = arith.constant 1 : i32
        %add3A_147 = arith.addi %mul3A_119, %add3A_146 : i32
        %dma_wait3A_148 = arith.constant 1 : i32
        %dma_wait3A_149 = arith.constant 0 : i32
        %dma_wait3A_150 = arith.constant 0 : i32
        %dma_wait3A_151 = tpu.memref_slice %arg8[%dma_wait3A_148, %dma_wait3A_149, %dma_wait3A_150] : memref<4x80x128xf32, #tpu.memory_space<vmem>> -> memref<1x80x128xf32, #tpu.memory_space<vmem>>
        %dma_wait3A_152 = tpu.memref_squeeze %dma_wait3A_151 : memref<1x80x128xf32, #tpu.memory_space<vmem>> -> memref<80x128xf32, #tpu.memory_space<vmem>>
        %dma_wait3A_153 = arith.constant 0 : i32
        %dma_wait3A_154 = tpu.memref_slice %arg6[%add3A_147, %dma_wait3A_153] : memref<25x80xi32, #tpu.memory_space<vmem>> -> memref<1x80xi32, #tpu.memory_space<vmem>>
        %dma_wait3A_155 = tpu.memref_squeeze %dma_wait3A_154 : memref<1x80xi32, #tpu.memory_space<vmem>> -> memref<80xi32, #tpu.memory_space<vmem>>
        %dma_wait3A_156 = arith.constant 0 : i32
        %dma_wait3A_157 = arith.constant 0 : i32
        %dma_wait3A_158 = tpu.memref_slice %arg2[%dma_wait3A_156, %dma_wait3A_157] : memref<10000x128xf32, #tpu.memory_space<hbm>> -> memref<10000x128xf32, #tpu.memory_space<hbm>>
        tpu.wait_indirect_dma semaphore(%arg11 : memref<!tpu.dma_semaphore, #tpu.memory_space<semaphore_mem>>) src(%dma_wait3A_158 : memref<10000x128xf32, #tpu.memory_space<hbm>>) dst(%dma_wait3A_152 : memref<80x128xf32, #tpu.memory_space<vmem>>)
        %add3A_159 = arith.constant 1 : i32
        %add3A_160 = arith.addi %mul3A_119, %add3A_159 : i32
        %dma_start3A_161 = arith.constant 1 : i32
        %dma_start3A_162 = arith.constant 0 : i32
        %dma_start3A_163 = arith.constant 0 : i32
        %dma_start3A_164 = tpu.memref_slice %arg8[%dma_start3A_161, %dma_start3A_162, %dma_start3A_163] : memref<4x80x128xf32, #tpu.memory_space<vmem>> -> memref<1x80x128xf32, #tpu.memory_space<vmem>>
        %dma_start3A_165 = tpu.memref_squeeze %dma_start3A_164 : memref<1x80x128xf32, #tpu.memory_space<vmem>> -> memref<80x128xf32, #tpu.memory_space<vmem>>
        %dma_start3A_166 = arith.constant 0 : i32
        %dma_start3A_167 = tpu.memref_slice %arg7[%add3A_160, %dma_start3A_166] : memref<25x80xi32, #tpu.memory_space<vmem>> -> memref<1x80xi32, #tpu.memory_space<vmem>>
        %dma_start3A_168 = tpu.memref_squeeze %dma_start3A_167 : memref<1x80xi32, #tpu.memory_space<vmem>> -> memref<80xi32, #tpu.memory_space<vmem>>
        %dma_start3A_169 = arith.constant 0 : i32
        %dma_start3A_170 = arith.constant 0 : i32
        %dma_start3A_171 = tpu.memref_slice %arg9[%dma_start3A_169, %dma_start3A_170] : memref<10112x128xf32, #tpu.memory_space<vmem_shared>> -> memref<10112x128xf32, #tpu.memory_space<vmem_shared>>
        tpu.enqueue_indirect_dma source(%dma_start3A_165 : memref<80x128xf32, #tpu.memory_space<vmem>>) target(%dma_start3A_171 : memref<10112x128xf32, #tpu.memory_space<vmem_shared>>) offsets(%dma_start3A_168 : memref<80xi32, #tpu.memory_space<vmem>>) semaphore(%arg15 : memref<!tpu.dma_semaphore, #tpu.memory_space<semaphore_mem>>) {add = true}
        %add3A_172 = arith.constant 2 : i32
        %add3A_173 = arith.addi %mul3A_119, %add3A_172 : i32
        %dma_wait3A_174 = arith.constant 2 : i32
        %dma_wait3A_175 = arith.constant 0 : i32
        %dma_wait3A_176 = arith.constant 0 : i32
        %dma_wait3A_177 = tpu.memref_slice %arg8[%dma_wait3A_174, %dma_wait3A_175, %dma_wait3A_176] : memref<4x80x128xf32, #tpu.memory_space<vmem>> -> memref<1x80x128xf32, #tpu.memory_space<vmem>>
        %dma_wait3A_178 = tpu.memref_squeeze %dma_wait3A_177 : memref<1x80x128xf32, #tpu.memory_space<vmem>> -> memref<80x128xf32, #tpu.memory_space<vmem>>
        %dma_wait3A_179 = arith.constant 0 : i32
        %dma_wait3A_180 = tpu.memref_slice %arg6[%add3A_173, %dma_wait3A_179] : memref<25x80xi32, #tpu.memory_space<vmem>> -> memref<1x80xi32, #tpu.memory_space<vmem>>
        %dma_wait3A_181 = tpu.memref_squeeze %dma_wait3A_180 : memref<1x80xi32, #tpu.memory_space<vmem>> -> memref<80xi32, #tpu.memory_space<vmem>>
        %dma_wait3A_182 = arith.constant 0 : i32
        %dma_wait3A_183 = arith.constant 0 : i32
        %dma_wait3A_184 = tpu.memref_slice %arg2[%dma_wait3A_182, %dma_wait3A_183] : memref<10000x128xf32, #tpu.memory_space<hbm>> -> memref<10000x128xf32, #tpu.memory_space<hbm>>
        tpu.wait_indirect_dma semaphore(%arg12 : memref<!tpu.dma_semaphore, #tpu.memory_space<semaphore_mem>>) src(%dma_wait3A_184 : memref<10000x128xf32, #tpu.memory_space<hbm>>) dst(%dma_wait3A_178 : memref<80x128xf32, #tpu.memory_space<vmem>>)
        %add3A_185 = arith.constant 2 : i32
        %add3A_186 = arith.addi %mul3A_119, %add3A_185 : i32
        %dma_start3A_187 = arith.constant 2 : i32
        %dma_start3A_188 = arith.constant 0 : i32
        %dma_start3A_189 = arith.constant 0 : i32
        %dma_start3A_190 = tpu.memref_slice %arg8[%dma_start3A_187, %dma_start3A_188, %dma_start3A_189] : memref<4x80x128xf32, #tpu.memory_space<vmem>> -> memref<1x80x128xf32, #tpu.memory_space<vmem>>
        %dma_start3A_191 = tpu.memref_squeeze %dma_start3A_190 : memref<1x80x128xf32, #tpu.memory_space<vmem>> -> memref<80x128xf32, #tpu.memory_space<vmem>>
        %dma_start3A_192 = arith.constant 0 : i32
        %dma_start3A_193 = tpu.memref_slice %arg7[%add3A_186, %dma_start3A_192] : memref<25x80xi32, #tpu.memory_space<vmem>> -> memref<1x80xi32, #tpu.memory_space<vmem>>
        %dma_start3A_194 = tpu.memref_squeeze %dma_start3A_193 : memref<1x80xi32, #tpu.memory_space<vmem>> -> memref<80xi32, #tpu.memory_space<vmem>>
        %dma_start3A_195 = arith.constant 0 : i32
        %dma_start3A_196 = arith.constant 0 : i32
        %dma_start3A_197 = tpu.memref_slice %arg9[%dma_start3A_195, %dma_start3A_196] : memref<10112x128xf32, #tpu.memory_space<vmem_shared>> -> memref<10112x128xf32, #tpu.memory_space<vmem_shared>>
        tpu.enqueue_indirect_dma source(%dma_start3A_191 : memref<80x128xf32, #tpu.memory_space<vmem>>) target(%dma_start3A_197 : memref<10112x128xf32, #tpu.memory_space<vmem_shared>>) offsets(%dma_start3A_194 : memref<80xi32, #tpu.memory_space<vmem>>) semaphore(%arg16 : memref<!tpu.dma_semaphore, #tpu.memory_space<semaphore_mem>>) {add = true}
        %add3A_198 = arith.constant 3 : i32
        %add3A_199 = arith.addi %mul3A_119, %add3A_198 : i32
        %dma_wait3A_200 = arith.constant 3 : i32
        %dma_wait3A_201 = arith.constant 0 : i32
        %dma_wait3A_202 = arith.constant 0 : i32
        %dma_wait3A_203 = tpu.memref_slice %arg8[%dma_wait3A_200, %dma_wait3A_201, %dma_wait3A_202] : memref<4x80x128xf32, #tpu.memory_space<vmem>> -> memref<1x80x128xf32, #tpu.memory_space<vmem>>
        %dma_wait3A_204 = tpu.memref_squeeze %dma_wait3A_203 : memref<1x80x128xf32, #tpu.memory_space<vmem>> -> memref<80x128xf32, #tpu.memory_space<vmem>>
        %dma_wait3A_205 = arith.constant 0 : i32
        %dma_wait3A_206 = tpu.memref_slice %arg6[%add3A_199, %dma_wait3A_205] : memref<25x80xi32, #tpu.memory_space<vmem>> -> memref<1x80xi32, #tpu.memory_space<vmem>>
        %dma_wait3A_207 = tpu.memref_squeeze %dma_wait3A_206 : memref<1x80xi32, #tpu.memory_space<vmem>> -> memref<80xi32, #tpu.memory_space<vmem>>
        %dma_wait3A_208 = arith.constant 0 : i32
        %dma_wait3A_209 = arith.constant 0 : i32
        %dma_wait3A_210 = tpu.memref_slice %arg2[%dma_wait3A_208, %dma_wait3A_209] : memref<10000x128xf32, #tpu.memory_space<hbm>> -> memref<10000x128xf32, #tpu.memory_space<hbm>>
        tpu.wait_indirect_dma semaphore(%arg13 : memref<!tpu.dma_semaphore, #tpu.memory_space<semaphore_mem>>) src(%dma_wait3A_210 : memref<10000x128xf32, #tpu.memory_space<hbm>>) dst(%dma_wait3A_204 : memref<80x128xf32, #tpu.memory_space<vmem>>)
        %add3A_211 = arith.constant 3 : i32
        %add3A_212 = arith.addi %mul3A_119, %add3A_211 : i32
        %dma_start3A_213 = arith.constant 3 : i32
        %dma_start3A_214 = arith.constant 0 : i32
        %dma_start3A_215 = arith.constant 0 : i32
        %dma_start3A_216 = tpu.memref_slice %arg8[%dma_start3A_213, %dma_start3A_214, %dma_start3A_215] : memref<4x80x128xf32, #tpu.memory_space<vmem>> -> memref<1x80x128xf32, #tpu.memory_space<vmem>>
        %dma_start3A_217 = tpu.memref_squeeze %dma_start3A_216 : memref<1x80x128xf32, #tpu.memory_space<vmem>> -> memref<80x128xf32, #tpu.memory_space<vmem>>
        %dma_start3A_218 = arith.constant 0 : i32
        %dma_start3A_219 = tpu.memref_slice %arg7[%add3A_212, %dma_start3A_218] : memref<25x80xi32, #tpu.memory_space<vmem>> -> memref<1x80xi32, #tpu.memory_space<vmem>>
        %dma_start3A_220 = tpu.memref_squeeze %dma_start3A_219 : memref<1x80xi32, #tpu.memory_space<vmem>> -> memref<80xi32, #tpu.memory_space<vmem>>
        %dma_start3A_221 = arith.constant 0 : i32
        %dma_start3A_222 = arith.constant 0 : i32
        %dma_start3A_223 = tpu.memref_slice %arg9[%dma_start3A_221, %dma_start3A_222] : memref<10112x128xf32, #tpu.memory_space<vmem_shared>> -> memref<10112x128xf32, #tpu.memory_space<vmem_shared>>
        tpu.enqueue_indirect_dma source(%dma_start3A_217 : memref<80x128xf32, #tpu.memory_space<vmem>>) target(%dma_start3A_223 : memref<10112x128xf32, #tpu.memory_space<vmem_shared>>) offsets(%dma_start3A_220 : memref<80xi32, #tpu.memory_space<vmem>>) semaphore(%arg17 : memref<!tpu.dma_semaphore, #tpu.memory_space<semaphore_mem>>) {add = true}
        %add3A_224 = arith.constant 0 : i32
        %add3A_225 = arith.addi %mul3A_119, %add3A_224 : i32
        %dma_wait3A_226 = arith.constant 0 : i32
        %dma_wait3A_227 = arith.constant 0 : i32
        %dma_wait3A_228 = arith.constant 0 : i32
        %dma_wait3A_229 = tpu.memref_slice %arg8[%dma_wait3A_226, %dma_wait3A_227, %dma_wait3A_228] : memref<4x80x128xf32, #tpu.memory_space<vmem>> -> memref<1x80x128xf32, #tpu.memory_space<vmem>>
        %dma_wait3A_230 = tpu.memref_squeeze %dma_wait3A_229 : memref<1x80x128xf32, #tpu.memory_space<vmem>> -> memref<80x128xf32, #tpu.memory_space<vmem>>
        %dma_wait3A_231 = arith.constant 0 : i32
        %dma_wait3A_232 = tpu.memref_slice %arg7[%add3A_225, %dma_wait3A_231] : memref<25x80xi32, #tpu.memory_space<vmem>> -> memref<1x80xi32, #tpu.memory_space<vmem>>
        %dma_wait3A_233 = tpu.memref_squeeze %dma_wait3A_232 : memref<1x80xi32, #tpu.memory_space<vmem>> -> memref<80xi32, #tpu.memory_space<vmem>>
        %dma_wait3A_234 = arith.constant 0 : i32
        %dma_wait3A_235 = arith.constant 0 : i32
        %dma_wait3A_236 = tpu.memref_slice %arg9[%dma_wait3A_234, %dma_wait3A_235] : memref<10112x128xf32, #tpu.memory_space<vmem_shared>> -> memref<10112x128xf32, #tpu.memory_space<vmem_shared>>
        tpu.wait_indirect_dma semaphore(%arg14 : memref<!tpu.dma_semaphore, #tpu.memory_space<semaphore_mem>>) src(%dma_wait3A_230 : memref<80x128xf32, #tpu.memory_space<vmem>>) dst(%dma_wait3A_236 : memref<10112x128xf32, #tpu.memory_space<vmem_shared>>)
        %add3A_237 = arith.constant 0 : i32
        %add3A_238 = arith.addi %mul3A_119, %add3A_237 : i32
        %add3A_239 = arith.constant 4 : i32
        %add3A_240 = arith.addi %add3A_238, %add3A_239 : i32
        %lt3A = arith.constant 25 : i32
        %lt3A_241 = arith.cmpi slt, %add3A_240, %lt3A : i32
        %convert_element_type3A = arith.extui %lt3A_241 : i1 to i32
        %cond3A = arith.constant 0 : i32
        %cond3A_242 = arith.cmpi ne, %convert_element_type3A, %cond3A : i32
        scf.if %cond3A_242 {
          %add3A_309 = arith.constant 0 : i32
          %add3A_310 = arith.addi %mul3A_119, %add3A_309 : i32
          %add3A_311 = arith.constant 4 : i32
          %add3A_312 = arith.addi %add3A_310, %add3A_311 : i32
          %dma_start3A_313 = arith.constant 0 : i32
          %dma_start3A_314 = arith.constant 0 : i32
          %dma_start3A_315 = arith.constant 0 : i32
          %dma_start3A_316 = tpu.memref_slice %arg8[%dma_start3A_313, %dma_start3A_314, %dma_start3A_315] : memref<4x80x128xf32, #tpu.memory_space<vmem>> -> memref<1x80x128xf32, #tpu.memory_space<vmem>>
          %dma_start3A_317 = tpu.memref_squeeze %dma_start3A_316 : memref<1x80x128xf32, #tpu.memory_space<vmem>> -> memref<80x128xf32, #tpu.memory_space<vmem>>
          %dma_start3A_318 = arith.constant 0 : i32
          %dma_start3A_319 = tpu.memref_slice %arg6[%add3A_312, %dma_start3A_318] : memref<25x80xi32, #tpu.memory_space<vmem>> -> memref<1x80xi32, #tpu.memory_space<vmem>>
          %dma_start3A_320 = tpu.memref_squeeze %dma_start3A_319 : memref<1x80xi32, #tpu.memory_space<vmem>> -> memref<80xi32, #tpu.memory_space<vmem>>
          %dma_start3A_321 = arith.constant 0 : i32
          %dma_start3A_322 = arith.constant 0 : i32
          %dma_start3A_323 = tpu.memref_slice %arg2[%dma_start3A_321, %dma_start3A_322] : memref<10000x128xf32, #tpu.memory_space<hbm>> -> memref<10000x128xf32, #tpu.memory_space<hbm>>
          tpu.enqueue_indirect_dma source(%dma_start3A_323 : memref<10000x128xf32, #tpu.memory_space<hbm>>) target(%dma_start3A_317 : memref<80x128xf32, #tpu.memory_space<vmem>>) offsets(%dma_start3A_320 : memref<80xi32, #tpu.memory_space<vmem>>) semaphore(%arg10 : memref<!tpu.dma_semaphore, #tpu.memory_space<semaphore_mem>>)
        } else {
        }
        %add3A_243 = arith.constant 1 : i32
        %add3A_244 = arith.addi %mul3A_119, %add3A_243 : i32
        %dma_wait3A_245 = arith.constant 1 : i32
        %dma_wait3A_246 = arith.constant 0 : i32
        %dma_wait3A_247 = arith.constant 0 : i32
        %dma_wait3A_248 = tpu.memref_slice %arg8[%dma_wait3A_245, %dma_wait3A_246, %dma_wait3A_247] : memref<4x80x128xf32, #tpu.memory_space<vmem>> -> memref<1x80x128xf32, #tpu.memory_space<vmem>>
        %dma_wait3A_249 = tpu.memref_squeeze %dma_wait3A_248 : memref<1x80x128xf32, #tpu.memory_space<vmem>> -> memref<80x128xf32, #tpu.memory_space<vmem>>
        %dma_wait3A_250 = arith.constant 0 : i32
        %dma_wait3A_251 = tpu.memref_slice %arg7[%add3A_244, %dma_wait3A_250] : memref<25x80xi32, #tpu.memory_space<vmem>> -> memref<1x80xi32, #tpu.memory_space<vmem>>
        %dma_wait3A_252 = tpu.memref_squeeze %dma_wait3A_251 : memref<1x80xi32, #tpu.memory_space<vmem>> -> memref<80xi32, #tpu.memory_space<vmem>>
        %dma_wait3A_253 = arith.constant 0 : i32
        %dma_wait3A_254 = arith.constant 0 : i32
        %dma_wait3A_255 = tpu.memref_slice %arg9[%dma_wait3A_253, %dma_wait3A_254] : memref<10112x128xf32, #tpu.memory_space<vmem_shared>> -> memref<10112x128xf32, #tpu.memory_space<vmem_shared>>
        tpu.wait_indirect_dma semaphore(%arg15 : memref<!tpu.dma_semaphore, #tpu.memory_space<semaphore_mem>>) src(%dma_wait3A_249 : memref<80x128xf32, #tpu.memory_space<vmem>>) dst(%dma_wait3A_255 : memref<10112x128xf32, #tpu.memory_space<vmem_shared>>)
        %add3A_256 = arith.constant 1 : i32
        %add3A_257 = arith.addi %mul3A_119, %add3A_256 : i32
        %add3A_258 = arith.constant 4 : i32
        %add3A_259 = arith.addi %add3A_257, %add3A_258 : i32
        %lt3A_260 = arith.constant 25 : i32
        %lt3A_261 = arith.cmpi slt, %add3A_259, %lt3A_260 : i32
        %convert_element_type3A_262 = arith.extui %lt3A_261 : i1 to i32
        %cond3A_263 = arith.constant 0 : i32
        %cond3A_264 = arith.cmpi ne, %convert_element_type3A_262, %cond3A_263 : i32
        scf.if %cond3A_264 {
          %add3A_309 = arith.constant 1 : i32
          %add3A_310 = arith.addi %mul3A_119, %add3A_309 : i32
          %add3A_311 = arith.constant 4 : i32
          %add3A_312 = arith.addi %add3A_310, %add3A_311 : i32
          %dma_start3A_313 = arith.constant 1 : i32
          %dma_start3A_314 = arith.constant 0 : i32
          %dma_start3A_315 = arith.constant 0 : i32
          %dma_start3A_316 = tpu.memref_slice %arg8[%dma_start3A_313, %dma_start3A_314, %dma_start3A_315] : memref<4x80x128xf32, #tpu.memory_space<vmem>> -> memref<1x80x128xf32, #tpu.memory_space<vmem>>
          %dma_start3A_317 = tpu.memref_squeeze %dma_start3A_316 : memref<1x80x128xf32, #tpu.memory_space<vmem>> -> memref<80x128xf32, #tpu.memory_space<vmem>>
          %dma_start3A_318 = arith.constant 0 : i32
          %dma_start3A_319 = tpu.memref_slice %arg6[%add3A_312, %dma_start3A_318] : memref<25x80xi32, #tpu.memory_space<vmem>> -> memref<1x80xi32, #tpu.memory_space<vmem>>
          %dma_start3A_320 = tpu.memref_squeeze %dma_start3A_319 : memref<1x80xi32, #tpu.memory_space<vmem>> -> memref<80xi32, #tpu.memory_space<vmem>>
          %dma_start3A_321 = arith.constant 0 : i32
          %dma_start3A_322 = arith.constant 0 : i32
          %dma_start3A_323 = tpu.memref_slice %arg2[%dma_start3A_321, %dma_start3A_322] : memref<10000x128xf32, #tpu.memory_space<hbm>> -> memref<10000x128xf32, #tpu.memory_space<hbm>>
          tpu.enqueue_indirect_dma source(%dma_start3A_323 : memref<10000x128xf32, #tpu.memory_space<hbm>>) target(%dma_start3A_317 : memref<80x128xf32, #tpu.memory_space<vmem>>) offsets(%dma_start3A_320 : memref<80xi32, #tpu.memory_space<vmem>>) semaphore(%arg11 : memref<!tpu.dma_semaphore, #tpu.memory_space<semaphore_mem>>)
        } else {
        }
        %add3A_265 = arith.constant 2 : i32
        %add3A_266 = arith.addi %mul3A_119, %add3A_265 : i32
        %dma_wait3A_267 = arith.constant 2 : i32
        %dma_wait3A_268 = arith.constant 0 : i32
        %dma_wait3A_269 = arith.constant 0 : i32
        %dma_wait3A_270 = tpu.memref_slice %arg8[%dma_wait3A_267, %dma_wait3A_268, %dma_wait3A_269] : memref<4x80x128xf32, #tpu.memory_space<vmem>> -> memref<1x80x128xf32, #tpu.memory_space<vmem>>
        %dma_wait3A_271 = tpu.memref_squeeze %dma_wait3A_270 : memref<1x80x128xf32, #tpu.memory_space<vmem>> -> memref<80x128xf32, #tpu.memory_space<vmem>>
        %dma_wait3A_272 = arith.constant 0 : i32
        %dma_wait3A_273 = tpu.memref_slice %arg7[%add3A_266, %dma_wait3A_272] : memref<25x80xi32, #tpu.memory_space<vmem>> -> memref<1x80xi32, #tpu.memory_space<vmem>>
        %dma_wait3A_274 = tpu.memref_squeeze %dma_wait3A_273 : memref<1x80xi32, #tpu.memory_space<vmem>> -> memref<80xi32, #tpu.memory_space<vmem>>
        %dma_wait3A_275 = arith.constant 0 : i32
        %dma_wait3A_276 = arith.constant 0 : i32
        %dma_wait3A_277 = tpu.memref_slice %arg9[%dma_wait3A_275, %dma_wait3A_276] : memref<10112x128xf32, #tpu.memory_space<vmem_shared>> -> memref<10112x128xf32, #tpu.memory_space<vmem_shared>>
        tpu.wait_indirect_dma semaphore(%arg16 : memref<!tpu.dma_semaphore, #tpu.memory_space<semaphore_mem>>) src(%dma_wait3A_271 : memref<80x128xf32, #tpu.memory_space<vmem>>) dst(%dma_wait3A_277 : memref<10112x128xf32, #tpu.memory_space<vmem_shared>>)
        %add3A_278 = arith.constant 2 : i32
        %add3A_279 = arith.addi %mul3A_119, %add3A_278 : i32
        %add3A_280 = arith.constant 4 : i32
        %add3A_281 = arith.addi %add3A_279, %add3A_280 : i32
        %lt3A_282 = arith.constant 25 : i32
        %lt3A_283 = arith.cmpi slt, %add3A_281, %lt3A_282 : i32
        %convert_element_type3A_284 = arith.extui %lt3A_283 : i1 to i32
        %cond3A_285 = arith.constant 0 : i32
        %cond3A_286 = arith.cmpi ne, %convert_element_type3A_284, %cond3A_285 : i32
        scf.if %cond3A_286 {
          %add3A_309 = arith.constant 2 : i32
          %add3A_310 = arith.addi %mul3A_119, %add3A_309 : i32
          %add3A_311 = arith.constant 4 : i32
          %add3A_312 = arith.addi %add3A_310, %add3A_311 : i32
          %dma_start3A_313 = arith.constant 2 : i32
          %dma_start3A_314 = arith.constant 0 : i32
          %dma_start3A_315 = arith.constant 0 : i32
          %dma_start3A_316 = tpu.memref_slice %arg8[%dma_start3A_313, %dma_start3A_314, %dma_start3A_315] : memref<4x80x128xf32, #tpu.memory_space<vmem>> -> memref<1x80x128xf32, #tpu.memory_space<vmem>>
          %dma_start3A_317 = tpu.memref_squeeze %dma_start3A_316 : memref<1x80x128xf32, #tpu.memory_space<vmem>> -> memref<80x128xf32, #tpu.memory_space<vmem>>
          %dma_start3A_318 = arith.constant 0 : i32
          %dma_start3A_319 = tpu.memref_slice %arg6[%add3A_312, %dma_start3A_318] : memref<25x80xi32, #tpu.memory_space<vmem>> -> memref<1x80xi32, #tpu.memory_space<vmem>>
          %dma_start3A_320 = tpu.memref_squeeze %dma_start3A_319 : memref<1x80xi32, #tpu.memory_space<vmem>> -> memref<80xi32, #tpu.memory_space<vmem>>
          %dma_start3A_321 = arith.constant 0 : i32
          %dma_start3A_322 = arith.constant 0 : i32
          %dma_start3A_323 = tpu.memref_slice %arg2[%dma_start3A_321, %dma_start3A_322] : memref<10000x128xf32, #tpu.memory_space<hbm>> -> memref<10000x128xf32, #tpu.memory_space<hbm>>
          tpu.enqueue_indirect_dma source(%dma_start3A_323 : memref<10000x128xf32, #tpu.memory_space<hbm>>) target(%dma_start3A_317 : memref<80x128xf32, #tpu.memory_space<vmem>>) offsets(%dma_start3A_320 : memref<80xi32, #tpu.memory_space<vmem>>) semaphore(%arg12 : memref<!tpu.dma_semaphore, #tpu.memory_space<semaphore_mem>>)
        } else {
        }
        %add3A_287 = arith.constant 3 : i32
        %add3A_288 = arith.addi %mul3A_119, %add3A_287 : i32
        %dma_wait3A_289 = arith.constant 3 : i32
        %dma_wait3A_290 = arith.constant 0 : i32
        %dma_wait3A_291 = arith.constant 0 : i32
        %dma_wait3A_292 = tpu.memref_slice %arg8[%dma_wait3A_289, %dma_wait3A_290, %dma_wait3A_291] : memref<4x80x128xf32, #tpu.memory_space<vmem>> -> memref<1x80x128xf32, #tpu.memory_space<vmem>>
        %dma_wait3A_293 = tpu.memref_squeeze %dma_wait3A_292 : memref<1x80x128xf32, #tpu.memory_space<vmem>> -> memref<80x128xf32, #tpu.memory_space<vmem>>
        %dma_wait3A_294 = arith.constant 0 : i32
        %dma_wait3A_295 = tpu.memref_slice %arg7[%add3A_288, %dma_wait3A_294] : memref<25x80xi32, #tpu.memory_space<vmem>> -> memref<1x80xi32, #tpu.memory_space<vmem>>
        %dma_wait3A_296 = tpu.memref_squeeze %dma_wait3A_295 : memref<1x80xi32, #tpu.memory_space<vmem>> -> memref<80xi32, #tpu.memory_space<vmem>>
        %dma_wait3A_297 = arith.constant 0 : i32
        %dma_wait3A_298 = arith.constant 0 : i32
        %dma_wait3A_299 = tpu.memref_slice %arg9[%dma_wait3A_297, %dma_wait3A_298] : memref<10112x128xf32, #tpu.memory_space<vmem_shared>> -> memref<10112x128xf32, #tpu.memory_space<vmem_shared>>
        tpu.wait_indirect_dma semaphore(%arg17 : memref<!tpu.dma_semaphore, #tpu.memory_space<semaphore_mem>>) src(%dma_wait3A_293 : memref<80x128xf32, #tpu.memory_space<vmem>>) dst(%dma_wait3A_299 : memref<10112x128xf32, #tpu.memory_space<vmem_shared>>)
        %add3A_300 = arith.constant 3 : i32
        %add3A_301 = arith.addi %mul3A_119, %add3A_300 : i32
        %add3A_302 = arith.constant 4 : i32
        %add3A_303 = arith.addi %add3A_301, %add3A_302 : i32
        %lt3A_304 = arith.constant 25 : i32
        %lt3A_305 = arith.cmpi slt, %add3A_303, %lt3A_304 : i32
        %convert_element_type3A_306 = arith.extui %lt3A_305 : i1 to i32
        %cond3A_307 = arith.constant 0 : i32
        %cond3A_308 = arith.cmpi ne, %convert_element_type3A_306, %cond3A_307 : i32
        scf.if %cond3A_308 {
          %add3A_309 = arith.constant 3 : i32
          %add3A_310 = arith.addi %mul3A_119, %add3A_309 : i32
          %add3A_311 = arith.constant 4 : i32
          %add3A_312 = arith.addi %add3A_310, %add3A_311 : i32
          %dma_start3A_313 = arith.constant 3 : i32
          %dma_start3A_314 = arith.constant 0 : i32
          %dma_start3A_315 = arith.constant 0 : i32
          %dma_start3A_316 = tpu.memref_slice %arg8[%dma_start3A_313, %dma_start3A_314, %dma_start3A_315] : memref<4x80x128xf32, #tpu.memory_space<vmem>> -> memref<1x80x128xf32, #tpu.memory_space<vmem>>
          %dma_start3A_317 = tpu.memref_squeeze %dma_start3A_316 : memref<1x80x128xf32, #tpu.memory_space<vmem>> -> memref<80x128xf32, #tpu.memory_space<vmem>>
          %dma_start3A_318 = arith.constant 0 : i32
          %dma_start3A_319 = tpu.memref_slice %arg6[%add3A_312, %dma_start3A_318] : memref<25x80xi32, #tpu.memory_space<vmem>> -> memref<1x80xi32, #tpu.memory_space<vmem>>
          %dma_start3A_320 = tpu.memref_squeeze %dma_start3A_319 : memref<1x80xi32, #tpu.memory_space<vmem>> -> memref<80xi32, #tpu.memory_space<vmem>>
          %dma_start3A_321 = arith.constant 0 : i32
          %dma_start3A_322 = arith.constant 0 : i32
          %dma_start3A_323 = tpu.memref_slice %arg2[%dma_start3A_321, %dma_start3A_322] : memref<10000x128xf32, #tpu.memory_space<hbm>> -> memref<10000x128xf32, #tpu.memory_space<hbm>>
          tpu.enqueue_indirect_dma source(%dma_start3A_323 : memref<10000x128xf32, #tpu.memory_space<hbm>>) target(%dma_start3A_317 : memref<80x128xf32, #tpu.memory_space<vmem>>) offsets(%dma_start3A_320 : memref<80xi32, #tpu.memory_space<vmem>>) semaphore(%arg13 : memref<!tpu.dma_semaphore, #tpu.memory_space<semaphore_mem>>)
        } else {
        }
      }
      %scan3A_81 = arith.constant 6 : i32
      %dma_wait3A = arith.constant 24 : i32
      %dma_wait3A_82 = arith.constant 0 : i32
      %dma_wait3A_83 = arith.constant 0 : i32
      %dma_wait3A_84 = arith.constant 0 : i32
      %dma_wait3A_85 = tpu.memref_slice %arg8[%dma_wait3A_82, %dma_wait3A_83, %dma_wait3A_84] : memref<4x80x128xf32, #tpu.memory_space<vmem>> -> memref<1x80x128xf32, #tpu.memory_space<vmem>>
      %dma_wait3A_86 = tpu.memref_squeeze %dma_wait3A_85 : memref<1x80x128xf32, #tpu.memory_space<vmem>> -> memref<80x128xf32, #tpu.memory_space<vmem>>
      %dma_wait3A_87 = arith.constant 0 : i32
      %dma_wait3A_88 = tpu.memref_slice %arg6[%dma_wait3A, %dma_wait3A_87] : memref<25x80xi32, #tpu.memory_space<vmem>> -> memref<1x80xi32, #tpu.memory_space<vmem>>
      %dma_wait3A_89 = tpu.memref_squeeze %dma_wait3A_88 : memref<1x80xi32, #tpu.memory_space<vmem>> -> memref<80xi32, #tpu.memory_space<vmem>>
      %dma_wait3A_90 = arith.constant 0 : i32
      %dma_wait3A_91 = arith.constant 0 : i32
      %dma_wait3A_92 = tpu.memref_slice %arg2[%dma_wait3A_90, %dma_wait3A_91] : memref<10000x128xf32, #tpu.memory_space<hbm>> -> memref<10000x128xf32, #tpu.memory_space<hbm>>
      tpu.wait_indirect_dma semaphore(%arg10 : memref<!tpu.dma_semaphore, #tpu.memory_space<semaphore_mem>>) src(%dma_wait3A_92 : memref<10000x128xf32, #tpu.memory_space<hbm>>) dst(%dma_wait3A_86 : memref<80x128xf32, #tpu.memory_space<vmem>>)
      %dma_start3A_93 = arith.constant 0 : i32
      %dma_start3A_94 = arith.constant 24 : i32
      %dma_start3A_95 = arith.constant 0 : i32
      %dma_start3A_96 = arith.constant 0 : i32
      %dma_start3A_97 = tpu.memref_slice %arg8[%dma_start3A_93, %dma_start3A_95, %dma_start3A_96] : memref<4x80x128xf32, #tpu.memory_space<vmem>> -> memref<1x80x128xf32, #tpu.memory_space<vmem>>
      %dma_start3A_98 = tpu.memref_squeeze %dma_start3A_97 : memref<1x80x128xf32, #tpu.memory_space<vmem>> -> memref<80x128xf32, #tpu.memory_space<vmem>>
      %dma_start3A_99 = arith.constant 0 : i32
      %dma_start3A_100 = tpu.memref_slice %arg7[%dma_start3A_94, %dma_start3A_99] : memref<25x80xi32, #tpu.memory_space<vmem>> -> memref<1x80xi32, #tpu.memory_space<vmem>>
      %dma_start3A_101 = tpu.memref_squeeze %dma_start3A_100 : memref<1x80xi32, #tpu.memory_space<vmem>> -> memref<80xi32, #tpu.memory_space<vmem>>
      %dma_start3A_102 = arith.constant 0 : i32
      %dma_start3A_103 = arith.constant 0 : i32
      %dma_start3A_104 = tpu.memref_slice %arg9[%dma_start3A_102, %dma_start3A_103] : memref<10112x128xf32, #tpu.memory_space<vmem_shared>> -> memref<10112x128xf32, #tpu.memory_space<vmem_shared>>
      tpu.enqueue_indirect_dma source(%dma_start3A_98 : memref<80x128xf32, #tpu.memory_space<vmem>>) target(%dma_start3A_104 : memref<10112x128xf32, #tpu.memory_space<vmem_shared>>) offsets(%dma_start3A_101 : memref<80xi32, #tpu.memory_space<vmem>>) semaphore(%arg14 : memref<!tpu.dma_semaphore, #tpu.memory_space<semaphore_mem>>) {add = true}
      %dma_wait3A_105 = arith.constant 0 : i32
      %dma_wait3A_106 = arith.constant 24 : i32
      %dma_wait3A_107 = arith.constant 0 : i32
      %dma_wait3A_108 = arith.constant 0 : i32
      %dma_wait3A_109 = tpu.memref_slice %arg8[%dma_wait3A_105, %dma_wait3A_107, %dma_wait3A_108] : memref<4x80x128xf32, #tpu.memory_space<vmem>> -> memref<1x80x128xf32, #tpu.memory_space<vmem>>
      %dma_wait3A_110 = tpu.memref_squeeze %dma_wait3A_109 : memref<1x80x128xf32, #tpu.memory_space<vmem>> -> memref<80x128xf32, #tpu.memory_space<vmem>>
      %dma_wait3A_111 = arith.constant 0 : i32
      %dma_wait3A_112 = tpu.memref_slice %arg7[%dma_wait3A_106, %dma_wait3A_111] : memref<25x80xi32, #tpu.memory_space<vmem>> -> memref<1x80xi32, #tpu.memory_space<vmem>>
      %dma_wait3A_113 = tpu.memref_squeeze %dma_wait3A_112 : memref<1x80xi32, #tpu.memory_space<vmem>> -> memref<80xi32, #tpu.memory_space<vmem>>
      %dma_wait3A_114 = arith.constant 0 : i32
      %dma_wait3A_115 = arith.constant 0 : i32
      %dma_wait3A_116 = tpu.memref_slice %arg9[%dma_wait3A_114, %dma_wait3A_115] : memref<10112x128xf32, #tpu.memory_space<vmem_shared>> -> memref<10112x128xf32, #tpu.memory_space<vmem_shared>>
      tpu.wait_indirect_dma semaphore(%arg14 : memref<!tpu.dma_semaphore, #tpu.memory_space<semaphore_mem>>) src(%dma_wait3A_110 : memref<80x128xf32, #tpu.memory_space<vmem>>) dst(%dma_wait3A_116 : memref<10112x128xf32, #tpu.memory_space<vmem_shared>>)
    }
    %scan3A_23 = arith.constant 5 : i32
    %barrier3A_24 = arith.constant 0 : index
    tpu.barrier barrier_id(%barrier3A_24)
    %mul3A_25 = arith.constant 632 : i32
    %mul3A_26 = arith.muli %arg1, %mul3A_25 : i32
    %mul3A_27 = arith.constant 632 : i32
    %mul3A_28 = arith.muli %arg1, %mul3A_27 : i32
    "tpu.region"() ({
      %run_scoped3A_29 = tpu.sem_alloc : memref<!tpu.dma_semaphore, #tpu.memory_space<semaphore_mem>>
      %dma_start3A = arith.constant 0 : i32
      %dma_start3A_30 = arith.constant 0 : i32
      %dma_start3A_31 = tpu.memref_slice %arg5[%arg0, %dma_start3A, %dma_start3A_30] : memref<2x10112x128xf32, #tpu.memory_space<hbm>> -> memref<1x10112x128xf32, #tpu.memory_space<hbm>>
      %dma_start3A_32 = tpu.memref_squeeze %dma_start3A_31 : memref<1x10112x128xf32, #tpu.memory_space<hbm>> -> memref<10112x128xf32, #tpu.memory_space<hbm>>
      %dma_start3A_33 = arith.constant 0 : i32
      %dma_start3A_34 = tpu.memref_slice %dma_start3A_32[%mul3A_28, %dma_start3A_33] : memref<10112x128xf32, #tpu.memory_space<hbm>> -> memref<632x128xf32, #tpu.memory_space<hbm>>
      %dma_start3A_35 = arith.constant 0 : i32
      %dma_start3A_36 = tpu.memref_slice %arg9[%mul3A_26, %dma_start3A_35] : memref<10112x128xf32, #tpu.memory_space<vmem_shared>> -> memref<632x128xf32, #tpu.memory_space<vmem_shared>>
      tpu.enqueue_dma source(%dma_start3A_36 : memref<632x128xf32, #tpu.memory_space<vmem_shared>>) target(%dma_start3A_34 : memref<632x128xf32, #tpu.memory_space<hbm>>) target_semaphore(%run_scoped3A_29 : memref<!tpu.dma_semaphore, #tpu.memory_space<semaphore_mem>>)
      %dma_wait3A = arith.constant 0 : i32
      %dma_wait3A_37 = arith.constant 0 : i32
      %dma_wait3A_38 = tpu.memref_slice %arg5[%arg0, %dma_wait3A, %dma_wait3A_37] : memref<2x10112x128xf32, #tpu.memory_space<hbm>> -> memref<1x10112x128xf32, #tpu.memory_space<hbm>>
      %dma_wait3A_39 = tpu.memref_squeeze %dma_wait3A_38 : memref<1x10112x128xf32, #tpu.memory_space<hbm>> -> memref<10112x128xf32, #tpu.memory_space<hbm>>
      %dma_wait3A_40 = arith.constant 0 : i32
      %dma_wait3A_41 = tpu.memref_slice %dma_wait3A_39[%mul3A_28, %dma_wait3A_40] : memref<10112x128xf32, #tpu.memory_space<hbm>> -> memref<632x128xf32, #tpu.memory_space<hbm>>
      %dma_wait3A_42 = arith.constant 0 : i32
      %dma_wait3A_43 = tpu.memref_slice %arg9[%mul3A_26, %dma_wait3A_42] : memref<10112x128xf32, #tpu.memory_space<vmem_shared>> -> memref<632x128xf32, #tpu.memory_space<vmem_shared>>
      tpu.wait_dma2 semaphore(%run_scoped3A_29 : memref<!tpu.dma_semaphore, #tpu.memory_space<semaphore_mem>>) src(%dma_wait3A_43 : memref<632x128xf32, #tpu.memory_space<vmem_shared>>) dst(%dma_wait3A_41 : memref<632x128xf32, #tpu.memory_space<hbm>>)
      tpu.yield
    }) : () -> ()
    return
  }
}

module attributes {stable_mosaic.version = 14 : i64} {
  func.func @_mm1_body(%arg0: i32, %arg1: memref<1000x128xf32, #tpu.memory_space<vmem>>, %arg2: memref<128x128xf32, #tpu.memory_space<vmem>>, %arg3: memref<1x128xf32, #tpu.memory_space<vmem>>, %arg4: memref<1000x1xf32, #tpu.memory_space<vmem>>, %arg5: memref<1000x128xf32, #tpu.memory_space<vmem>>, %arg6: memref<1000x128xf32, #tpu.memory_space<vmem>>) attributes {dimension_semantics = [#tpu.dimension_semantics<arbitrary>], iteration_bounds = array<i64: 10>, scalar_prefetch = 0 : i64, scratch_operands = 0 : i64, tpu.core_type = #tpu.core_type<tc>, window_params = [{transform_indices = @transform_0, window_bounds = array<i64: 1000, 128>}, {pipeline_mode = #tpu.pipeline_mode<synchronous>, transform_indices = @transform_1, window_bounds = array<i64: 128, 128>}, {pipeline_mode = #tpu.pipeline_mode<synchronous>, transform_indices = @transform_2, window_bounds = array<i64: 1, 128>}, {transform_indices = @transform_3, window_bounds = array<i64: 1000, 1>}, {transform_indices = @transform_4, window_bounds = array<i64: 1000, 128>}, {transform_indices = @transform_5, window_bounds = array<i64: 1000, 128>}]} {
    %get3A = arith.constant 0 : index
    %get3A_0 = arith.constant 0 : index
    %get3A_1 = vector.load %arg4[%get3A, %get3A_0] : memref<1000x1xf32, #tpu.memory_space<vmem>>, vector<1000x1xf32>
    %rsqrt3A = math.rsqrt %get3A_1 : vector<1000x1xf32>
    %get3A_2 = arith.constant 0 : index
    %get3A_3 = arith.constant 0 : index
    %get3A_4 = vector.load %arg1[%get3A_2, %get3A_3] : memref<1000x128xf32, #tpu.memory_space<vmem>>, vector<1000x128xf32>
    %get3A_5 = arith.constant 0 : index
    %get3A_6 = arith.constant 0 : index
    %get3A_7 = vector.load %arg2[%get3A_5, %get3A_6] : memref<128x128xf32, #tpu.memory_space<vmem>>, vector<128x128xf32>
    %dot_general3A = arith.constant dense<0.000000e+00> : vector<1000x128xf32>
    %dot_general3A_8 = tpu.matmul %get3A_4, %get3A_7, %dot_general3A {dimension_numbers = #tpu.dot_dimension_numbers<[1], [1], [0], [0], [0, 0, 1, 0], [], []>, transpose_lhs_hint = false} : vector<1000x128xf32>, vector<128x128xf32>, vector<1000x128xf32> -> vector<1000x128xf32>
    %get3A_9 = arith.constant 0 : index
    %get3A_10 = arith.constant 0 : index
    %get3A_11 = vector.load %arg3[%get3A_9, %get3A_10] : memref<1x128xf32, #tpu.memory_space<vmem>>, vector<1x128xf32>
    %add3A = vector.broadcast %get3A_11 : vector<1x128xf32> to vector<1000x128xf32>
    %add3A_12 = arith.addf %dot_general3A_8, %add3A : vector<1000x128xf32>
    %swap3A = arith.constant 0 : index
    %swap3A_13 = arith.constant 0 : index
    %swap3A_14 = vector.load %arg5[%swap3A, %swap3A_13] : memref<1000x128xf32, #tpu.memory_space<vmem>>, vector<1000x128xf32>
    tpu.vector_store %arg5[%swap3A, %swap3A_13], %add3A_12 {strides = array<i32>} : memref<1000x128xf32, #tpu.memory_space<vmem>>, vector<1000x128xf32>,
    %mul3A = vector.broadcast %rsqrt3A : vector<1000x1xf32> to vector<1000x128xf32>
    %mul3A_15 = arith.mulf %add3A_12, %mul3A : vector<1000x128xf32>
    %swap3A_16 = arith.constant 0 : index
    %swap3A_17 = arith.constant 0 : index
    %swap3A_18 = vector.load %arg6[%swap3A_16, %swap3A_17] : memref<1000x128xf32, #tpu.memory_space<vmem>>, vector<1000x128xf32>
    tpu.vector_store %arg6[%swap3A_16, %swap3A_17], %mul3A_15 {strides = array<i32>} : memref<1000x128xf32, #tpu.memory_space<vmem>>, vector<1000x128xf32>,
    return
  }
  func.func @transform_0(%arg0: i32) -> (i32, i32) {
    %c0_i32 = arith.constant 0 : i32
    %c0_i32_0 = arith.constant 0 : i32
    return %arg0, %c0_i32 : i32, i32
  }
  func.func @transform_1(%arg0: i32) -> (i32, i32) {
    %c0_i32 = arith.constant 0 : i32
    %c0_i32_0 = arith.constant 0 : i32
    %c0_i32_1 = arith.constant 0 : i32
    return %c0_i32, %c0_i32_0 : i32, i32
  }
  func.func @transform_2(%arg0: i32) -> (i32, i32) {
    %c0_i32 = arith.constant 0 : i32
    %c0_i32_0 = arith.constant 0 : i32
    %c0_i32_1 = arith.constant 0 : i32
    return %c0_i32, %c0_i32_0 : i32, i32
  }
  func.func @transform_3(%arg0: i32) -> (i32, i32) {
    %c0_i32 = arith.constant 0 : i32
    %c0_i32_0 = arith.constant 0 : i32
    return %arg0, %c0_i32 : i32, i32
  }
  func.func @transform_4(%arg0: i32) -> (i32, i32) {
    %c0_i32 = arith.constant 0 : i32
    %c0_i32_0 = arith.constant 0 : i32
    return %arg0, %c0_i32 : i32, i32
  }
  func.func @transform_5(%arg0: i32) -> (i32, i32) {
    %c0_i32 = arith.constant 0 : i32
    %c0_i32_0 = arith.constant 0 : i32
    return %arg0, %c0_i32 : i32, i32
  }
}

module attributes {stable_mosaic.version = 14 : i64} {
  func.func @_mm2_body(%arg0: i32, %arg1: memref<1x1000x128xf32, #tpu.memory_space<vmem>>, %arg2: memref<1x1000x128xf32, #tpu.memory_space<vmem>>, %arg3: memref<1000x128xf32, #tpu.memory_space<vmem>>, %arg4: memref<1000x1xf32, #tpu.memory_space<vmem>>, %arg5: memref<128x128xf32, #tpu.memory_space<vmem>>, %arg6: memref<1x128xf32, #tpu.memory_space<vmem>>, %arg7: memref<1000x128xf32, #tpu.memory_space<vmem>>, %arg8: memref<1000x128xf32, #tpu.memory_space<vmem>>) attributes {dimension_semantics = [#tpu.dimension_semantics<arbitrary>], iteration_bounds = array<i64: 10>, scalar_prefetch = 0 : i64, scratch_operands = 0 : i64, tpu.core_type = #tpu.core_type<tc>, window_params = [{transform_indices = @transform_0, window_bounds = array<i64: 1, 1000, 128>}, {transform_indices = @transform_1, window_bounds = array<i64: 1, 1000, 128>}, {transform_indices = @transform_2, window_bounds = array<i64: 1000, 128>}, {transform_indices = @transform_3, window_bounds = array<i64: 1000, 1>}, {pipeline_mode = #tpu.pipeline_mode<synchronous>, transform_indices = @transform_4, window_bounds = array<i64: 128, 128>}, {pipeline_mode = #tpu.pipeline_mode<synchronous>, transform_indices = @transform_5, window_bounds = array<i64: 1, 128>}, {transform_indices = @transform_6, window_bounds = array<i64: 1000, 128>}, {transform_indices = @transform_7, window_bounds = array<i64: 1000, 128>}]} {
    %get3A = arith.constant 0 : index
    %get3A_0 = arith.constant 0 : index
    %get3A_1 = vector.load %arg4[%get3A, %get3A_0] : memref<1000x1xf32, #tpu.memory_space<vmem>>, vector<1000x1xf32>
    %rsqrt3A = math.rsqrt %get3A_1 : vector<1000x1xf32>
    %get3A_2 = arith.constant 0 : index
    %get3A_3 = arith.constant 0 : index
    %get3A_4 = arith.constant 0 : index
    %get3A_5 = vector.load %arg1[%get3A_2, %get3A_3, %get3A_4] : memref<1x1000x128xf32, #tpu.memory_space<vmem>>, vector<1x1000x128xf32>
    %get3A_6 = vector.shape_cast %get3A_5 : vector<1x1000x128xf32> to vector<1000x128xf32>
    %get3A_7 = arith.constant 0 : index
    %get3A_8 = arith.constant 0 : index
    %get3A_9 = arith.constant 0 : index
    %get3A_10 = vector.load %arg2[%get3A_7, %get3A_8, %get3A_9] : memref<1x1000x128xf32, #tpu.memory_space<vmem>>, vector<1x1000x128xf32>
    %get3A_11 = vector.shape_cast %get3A_10 : vector<1x1000x128xf32> to vector<1000x128xf32>
    %add3A = arith.addf %get3A_6, %get3A_11 : vector<1000x128xf32>
    %mul3A = vector.broadcast %rsqrt3A : vector<1000x1xf32> to vector<1000x128xf32>
    %mul3A_12 = arith.mulf %mul3A, %add3A : vector<1000x128xf32>
    %mul3A_13 = arith.mulf %rsqrt3A, %rsqrt3A : vector<1000x1xf32>
    %get3A_14 = arith.constant 0 : index
    %get3A_15 = arith.constant 0 : index
    %get3A_16 = vector.load %arg3[%get3A_14, %get3A_15] : memref<1000x128xf32, #tpu.memory_space<vmem>>, vector<1000x128xf32>
    %mul3A_17 = vector.broadcast %mul3A_13 : vector<1000x1xf32> to vector<1000x128xf32>
    %mul3A_18 = arith.mulf %mul3A_17, %get3A_16 : vector<1000x128xf32>
    %add3A_19 = arith.addf %mul3A_12, %mul3A_18 : vector<1000x128xf32>
    %max3A = arith.constant 0.000000e+00 : f32
    %max3A_20 = vector.broadcast %max3A : f32 to vector<1000x128xf32>
    %max3A_21 = arith.maximumf %add3A_19, %max3A_20 : vector<1000x128xf32>
    %get3A_22 = arith.constant 0 : index
    %get3A_23 = arith.constant 0 : index
    %get3A_24 = vector.load %arg5[%get3A_22, %get3A_23] : memref<128x128xf32, #tpu.memory_space<vmem>>, vector<128x128xf32>
    %dot_general3A = arith.constant dense<0.000000e+00> : vector<1000x128xf32>
    %dot_general3A_25 = tpu.matmul %max3A_21, %get3A_24, %dot_general3A {dimension_numbers = #tpu.dot_dimension_numbers<[1], [1], [0], [0], [0, 0, 1, 0], [], []>, transpose_lhs_hint = false} : vector<1000x128xf32>, vector<128x128xf32>, vector<1000x128xf32> -> vector<1000x128xf32>
    %get3A_26 = arith.constant 0 : index
    %get3A_27 = arith.constant 0 : index
    %get3A_28 = vector.load %arg6[%get3A_26, %get3A_27] : memref<1x128xf32, #tpu.memory_space<vmem>>, vector<1x128xf32>
    %add3A_29 = vector.broadcast %get3A_28 : vector<1x128xf32> to vector<1000x128xf32>
    %add3A_30 = arith.addf %dot_general3A_25, %add3A_29 : vector<1000x128xf32>
    %swap3A = arith.constant 0 : index
    %swap3A_31 = arith.constant 0 : index
    %swap3A_32 = vector.load %arg7[%swap3A, %swap3A_31] : memref<1000x128xf32, #tpu.memory_space<vmem>>, vector<1000x128xf32>
    tpu.vector_store %arg7[%swap3A, %swap3A_31], %add3A_30 {strides = array<i32>} : memref<1000x128xf32, #tpu.memory_space<vmem>>, vector<1000x128xf32>,
    %mul3A_33 = vector.broadcast %rsqrt3A : vector<1000x1xf32> to vector<1000x128xf32>
    %mul3A_34 = arith.mulf %add3A_30, %mul3A_33 : vector<1000x128xf32>
    %swap3A_35 = arith.constant 0 : index
    %swap3A_36 = arith.constant 0 : index
    %swap3A_37 = vector.load %arg8[%swap3A_35, %swap3A_36] : memref<1000x128xf32, #tpu.memory_space<vmem>>, vector<1000x128xf32>
    tpu.vector_store %arg8[%swap3A_35, %swap3A_36], %mul3A_34 {strides = array<i32>} : memref<1000x128xf32, #tpu.memory_space<vmem>>, vector<1000x128xf32>,
    return
  }
  func.func @transform_0(%arg0: i32) -> (i32, i32, i32) {
    %c0_i32 = arith.constant 0 : i32
    %c0_i32_0 = arith.constant 0 : i32
    %c0_i32_1 = arith.constant 0 : i32
    return %c0_i32, %arg0, %c0_i32_0 : i32, i32, i32
  }
  func.func @transform_1(%arg0: i32) -> (i32, i32, i32) {
    %c1_i32 = arith.constant 1 : i32
    %c0_i32 = arith.constant 0 : i32
    %c0_i32_0 = arith.constant 0 : i32
    return %c1_i32, %arg0, %c0_i32 : i32, i32, i32
  }
  func.func @transform_2(%arg0: i32) -> (i32, i32) {
    %c0_i32 = arith.constant 0 : i32
    %c0_i32_0 = arith.constant 0 : i32
    return %arg0, %c0_i32 : i32, i32
  }
  func.func @transform_3(%arg0: i32) -> (i32, i32) {
    %c0_i32 = arith.constant 0 : i32
    %c0_i32_0 = arith.constant 0 : i32
    return %arg0, %c0_i32 : i32, i32
  }
  func.func @transform_4(%arg0: i32) -> (i32, i32) {
    %c0_i32 = arith.constant 0 : i32
    %c0_i32_0 = arith.constant 0 : i32
    %c0_i32_1 = arith.constant 0 : i32
    return %c0_i32, %c0_i32_0 : i32, i32
  }
  func.func @transform_5(%arg0: i32) -> (i32, i32) {
    %c0_i32 = arith.constant 0 : i32
    %c0_i32_0 = arith.constant 0 : i32
    %c0_i32_1 = arith.constant 0 : i32
    return %c0_i32, %c0_i32_0 : i32, i32
  }
  func.func @transform_6(%arg0: i32) -> (i32, i32) {
    %c0_i32 = arith.constant 0 : i32
    %c0_i32_0 = arith.constant 0 : i32
    return %arg0, %c0_i32 : i32, i32
  }
  func.func @transform_7(%arg0: i32) -> (i32, i32) {
    %c0_i32 = arith.constant 0 : i32
    %c0_i32_0 = arith.constant 0 : i32
    return %arg0, %c0_i32 : i32, i32
  }
}

module attributes {stable_mosaic.version = 14 : i64} {
  func.func @_fin_body(%arg0: i32, %arg1: memref<1x1000x128xf32, #tpu.memory_space<vmem>>, %arg2: memref<1x1000x128xf32, #tpu.memory_space<vmem>>, %arg3: memref<1000x128xf32, #tpu.memory_space<vmem>>, %arg4: memref<1000x1xf32, #tpu.memory_space<vmem>>, %arg5: memref<1000x128xf32, #tpu.memory_space<vmem>>) attributes {dimension_semantics = [#tpu.dimension_semantics<arbitrary>], iteration_bounds = array<i64: 10>, scalar_prefetch = 0 : i64, scratch_operands = 0 : i64, tpu.core_type = #tpu.core_type<tc>, window_params = [{transform_indices = @transform_0, window_bounds = array<i64: 1, 1000, 128>}, {transform_indices = @transform_1, window_bounds = array<i64: 1, 1000, 128>}, {transform_indices = @transform_2, window_bounds = array<i64: 1000, 128>}, {transform_indices = @transform_3, window_bounds = array<i64: 1000, 1>}, {transform_indices = @transform_4, window_bounds = array<i64: 1000, 128>}]} {
    %get3A = arith.constant 0 : index
    %get3A_0 = arith.constant 0 : index
    %get3A_1 = vector.load %arg4[%get3A, %get3A_0] : memref<1000x1xf32, #tpu.memory_space<vmem>>, vector<1000x1xf32>
    %rsqrt3A = math.rsqrt %get3A_1 : vector<1000x1xf32>
    %get3A_2 = arith.constant 0 : index
    %get3A_3 = arith.constant 0 : index
    %get3A_4 = arith.constant 0 : index
    %get3A_5 = vector.load %arg1[%get3A_2, %get3A_3, %get3A_4] : memref<1x1000x128xf32, #tpu.memory_space<vmem>>, vector<1x1000x128xf32>
    %get3A_6 = vector.shape_cast %get3A_5 : vector<1x1000x128xf32> to vector<1000x128xf32>
    %get3A_7 = arith.constant 0 : index
    %get3A_8 = arith.constant 0 : index
    %get3A_9 = arith.constant 0 : index
    %get3A_10 = vector.load %arg2[%get3A_7, %get3A_8, %get3A_9] : memref<1x1000x128xf32, #tpu.memory_space<vmem>>, vector<1x1000x128xf32>
    %get3A_11 = vector.shape_cast %get3A_10 : vector<1x1000x128xf32> to vector<1000x128xf32>
    %add3A = arith.addf %get3A_6, %get3A_11 : vector<1000x128xf32>
    %mul3A = vector.broadcast %rsqrt3A : vector<1000x1xf32> to vector<1000x128xf32>
    %mul3A_12 = arith.mulf %mul3A, %add3A : vector<1000x128xf32>
    %mul3A_13 = arith.mulf %rsqrt3A, %rsqrt3A : vector<1000x1xf32>
    %get3A_14 = arith.constant 0 : index
    %get3A_15 = arith.constant 0 : index
    %get3A_16 = vector.load %arg3[%get3A_14, %get3A_15] : memref<1000x128xf32, #tpu.memory_space<vmem>>, vector<1000x128xf32>
    %mul3A_17 = vector.broadcast %mul3A_13 : vector<1000x1xf32> to vector<1000x128xf32>
    %mul3A_18 = arith.mulf %mul3A_17, %get3A_16 : vector<1000x128xf32>
    %add3A_19 = arith.addf %mul3A_12, %mul3A_18 : vector<1000x128xf32>
    %max3A = arith.constant 0.000000e+00 : f32
    %max3A_20 = vector.broadcast %max3A : f32 to vector<1000x128xf32>
    %max3A_21 = arith.maximumf %add3A_19, %max3A_20 : vector<1000x128xf32>
    %swap3A = arith.constant 0 : index
    %swap3A_22 = arith.constant 0 : index
    %swap3A_23 = vector.load %arg5[%swap3A, %swap3A_22] : memref<1000x128xf32, #tpu.memory_space<vmem>>, vector<1000x128xf32>
    tpu.vector_store %arg5[%swap3A, %swap3A_22], %max3A_21 {strides = array<i32>} : memref<1000x128xf32, #tpu.memory_space<vmem>>, vector<1000x128xf32>,
    return
  }
  func.func @transform_0(%arg0: i32) -> (i32, i32, i32) {
    %c0_i32 = arith.constant 0 : i32
    %c0_i32_0 = arith.constant 0 : i32
    %c0_i32_1 = arith.constant 0 : i32
    return %c0_i32, %arg0, %c0_i32_0 : i32, i32, i32
  }
  func.func @transform_1(%arg0: i32) -> (i32, i32, i32) {
    %c1_i32 = arith.constant 1 : i32
    %c0_i32 = arith.constant 0 : i32
    %c0_i32_0 = arith.constant 0 : i32
    return %c1_i32, %arg0, %c0_i32 : i32, i32, i32
  }
  func.func @transform_2(%arg0: i32) -> (i32, i32) {
    %c0_i32 = arith.constant 0 : i32
    %c0_i32_0 = arith.constant 0 : i32
    return %arg0, %c0_i32 : i32, i32
  }
  func.func @transform_3(%arg0: i32) -> (i32, i32) {
    %c0_i32 = arith.constant 0 : i32
    %c0_i32_0 = arith.constant 0 : i32
    return %arg0, %c0_i32 : i32, i32
  }
  func.func @transform_4(%arg0: i32) -> (i32, i32) {
    %c0_i32 = arith.constant 0 : i32
    %c0_i32_0 = arith.constant 0 : i32
    return %arg0, %c0_i32 : i32, i32
  }
}

</mosaic_0001>

<sc_bundles>
// kernel: _run.11.cloned.1.call-start
scs
__scs_entry_jumppad:
0x0: {  	(pc) =	sbr.rel $0x88, $3  }
0x1: {  	(tag) =	ssettag $0x0;
	lr =	simm.s32 $0x1  }
0x2: {  	[smem:$0x3F9B] =	sst lr;
	_ =	strace $0xD0000000  }
0x3: {  	_ = 	snop  }
0x4: {  	_ = 	snop  }
0x5: {  	_ = 	snop  }
0x6: {  	_ = 	snop  }
0x7: {  	_ = 	snop  }
__scs_overlays_trampoline_lowered:
0x8: {  	[smem:$0x3FAA] =	sst s0  }
0x9: {  	[smem:$0x3FAB] =	sst s1  }
0xa: {  	[smem:$0x3FAC] =	sst s2  }
0xb: {  	[smem:$0x3FAD] =	sst s3  }
0xc: {  	[smem:$0x3FAE] =	sst s4  }
0xd: {  	[smem:$0x3FAF] =	sst s5  }
0xe: {  	[smem:$0x3FB0] =	sst s6  }
0xf: {  	[smem:$0x3FB1] =	sst s7  }
0x10: {  	[smem:$0x3FB2] =	sst s8  }
0x11: {  	[smem:$0x3FB3] =	sst s9;
	s0 =	simm.s32 @!p0 $0x0  }
0x12: {  	s1 =	sld [smem:$0x3F99];
	s0 =	simm.s32 @p0 $0x1  }
0x13: {  	[smem:$0x3FB4] =	sst s0;
	s0 =	simm.s32 @!p1 $0x0  }
0x14: {  	s2 =	sld [smem:$0x3F98];
	s0 =	simm.s32 @p1 $0x1  }
0x15: {  	[smem:$0x3FB5] =	sst s0;
	s0 =	simm.s32 @!p2 $0x0  }
0x16: {  	s3 =	sld [smem:$0x3FDB];
	s0 =	simm.s32 @p2 $0x1  }
0x17: {  	s4 =	simm.s32 $0x1BF5;
	[smem:$0x3FB7] =	sst s0  }
0x18: {  	s0 =	sld [smem:$0x3F9A];
	_ =	swait.ge [sflag:s4], $0x0  }
0x19: {  	s7 =	sld [smem:$0x3F9B]  }
0x1a: {  	s8 =	sadd.s32 $0xFFFFE003, lr  }
0x1b: {  	s9 =	sadd.s32 $0xFFFFFEF7, lr;
	s5 =	simm.s32 $0xFFFFFFFF;
	p2 =	slt.u32 s8, $0xFFFFF086  }
0x1c: {  	p1 =	slt.u32 s9, $0xF7A;
	s5 =	simm.s32 @!p2 $0x0  }
0x1d: {  	s5 =	simm.s32 @p1 $0x1;
	p0 =	seq.s32 s7, s2  }
0x1e: {  	s7 =	smul.u32 @!p0 $0xF7A, s2;
	p2 =	seq.s32 @!p0 s5, $0x0  }
0x1f: {  	s9 =	smul.u32 $0xF7A, s1;
	s8 =	simm.s32 @!p0 $0x1BF5;
	p2 =	por !p2, p0  }
0x20: {  	[sflag:s8] =	ssyncset.s32 @!p0 $0xFFFFF086;
	s6 =	sadd.s32 @!p0 s3, s7;
	s7 =	simm.s32 @!p0 $0x108  }
0x21: {  	s3 =	sadd.s32 s3, s9;
	s6 =	sadd.s32 @!p0 $0x88, s6;
	s7 =	simm.s32 @p2 $0x1082  }
0x22: {  	[simem:s7], [sflag:s8] =	dma.local @!p0 [hbm:s6], $0xF7A  }
0x23: {  	s9 =	sor.u32 $0xD0000000, s2;
	s6 =	simm.s32 $0x108;
	_ =	swait.ge @!p0 [sflag:s8], $0x0  }
0x24: {  	s3 =	sadd.s32 $0x88, s3;
	s6 =	simm.s32 @!p1 $0x1082;
	[sflag:s4] =	ssyncset.s32 $0xFFFFF086  }
0x25: {  	[simem:s6], [sflag:s4] =	dma.local [hbm:s3], $0xF7A  }
0x26: {  	[smem:$0x3F9B] =	sst s1;
	(tag) =	ssettag s2;
	_ =	strace s9  }
0x27: {  	s1 =	sld [smem:$0x3FAB]  }
0x28: {  	s2 =	sld [smem:$0x3FAC]  }
0x29: {  	s4 =	sld [smem:$0x3FAE]  }
0x2a: {  	p0 =	seq.s32 s5, $0x0;
	s5 =	sld [smem:$0x3FAF]  }
0x2b: {  	s6 =	sld [smem:$0x3FB0]  }
0x2c: {  	s7 =	sld [smem:$0x3FB1]  }
0x2d: {  	s3 =	simm.s32 $0x108;
	s8 =	sld [smem:$0x3FB2]  }
0x2e: {  	s3 =	simm.s32 @!p0 $0x1082;
	s9 =	sld [smem:$0x3FB3]  }
0x2f: {  	lr =	sadd.s32 s0, s3;
	s0 =	sld [smem:$0x3FAA]  }
0x30: {  	s3 =	sld [smem:$0x3FAD]  }
0x31: {  	[smem:$0x3FB6] =	sst s10  }
0x32: {  	s10 =	sld [smem:$0x3FB4];
	_ =	sdelay $0x3  }
0x33: {  	p0 =	seq.s32 s10, $0x1;
	s10 =	sld [smem:$0x3FB6];
	_ =	sdelay $0x3  }
0x34: {  	[smem:$0x3FB6] =	sst s10  }
0x35: {  	s10 =	sld [smem:$0x3FB5];
	_ =	sdelay $0x3  }
0x36: {  	p1 =	seq.s32 s10, $0x1;
	s10 =	sld [smem:$0x3FB6];
	_ =	sdelay $0x3  }
0x37: {  	[smem:$0x3FB6] =	sst s10  }
0x38: {  	s10 =	sld [smem:$0x3FB7]  }
0x39: {  	_ = 	snop;
	(pc) =	sbr.ind lr, $3  }
0x3a: {  	_ = 	snop  }
0x3b: {  	_ = 	snop  }
0x3c: {  	p2 =	seq.s32 s10, $0x1;
	s10 =	sld [smem:$0x3FB6]  }
0x3d: {  	_ =	shalt  }
0x3e: {  	_ =	shalt  }
0x3f: {  	_ =	shalt  }
0x40: {  	_ =	shalt  }
0x41: {  	_ =	shalt  }
0x42: {  	_ =	shalt  }
0x43: {  	_ =	shalt  }
0x44: {  	_ =	shalt  }
0x45: {  	_ =	shalt  }
0x46: {  	_ =	shalt  }
0x47: {  	_ =	shalt  }
0x48: {  	_ =	shalt  }
0x49: {  	_ =	shalt  }
0x4a: {  	_ =	shalt  }
0x4b: {  	_ =	shalt  }
0x4c: {  	_ =	shalt  }
0x4d: {  	_ =	shalt  }
0x4e: {  	_ =	shalt  }
0x4f: {  	_ =	shalt  }
0x50: {  	_ =	shalt  }
0x51: {  	_ =	shalt  }
0x52: {  	_ =	shalt  }
0x53: {  	_ =	shalt  }
0x54: {  	_ =	shalt  }
0x55: {  	_ =	shalt  }
0x56: {  	_ =	shalt  }
0x57: {  	_ =	shalt  }
0x58: {  	_ =	shalt  }
0x59: {  	_ =	shalt  }
0x5a: {  	_ =	shalt  }
0x5b: {  	_ =	shalt  }
0x5c: {  	_ =	shalt  }
0x5d: {  	_ =	shalt  }
0x5e: {  	_ =	shalt  }
0x5f: {  	_ =	shalt  }
0x60: {  	_ =	shalt  }
0x61: {  	_ =	shalt  }
0x62: {  	_ =	shalt  }
0x63: {  	_ =	shalt  }
0x64: {  	_ =	shalt  }
0x65: {  	_ =	shalt  }
0x66: {  	_ =	shalt  }
0x67: {  	_ =	shalt  }
0x68: {  	_ =	shalt  }
0x69: {  	_ =	shalt  }
0x6a: {  	_ =	shalt  }
0x6b: {  	_ =	shalt  }
0x6c: {  	_ =	shalt  }
0x6d: {  	_ =	shalt  }
0x6e: {  	_ =	shalt  }
0x6f: {  	_ =	shalt  }
0x70: {  	_ =	shalt  }
0x71: {  	_ =	shalt  }
0x72: {  	_ =	shalt  }
0x73: {  	_ =	shalt  }
0x74: {  	_ =	shalt  }
0x75: {  	_ =	shalt  }
0x76: {  	_ =	shalt  }
0x77: {  	_ =	shalt  }
0x78: {  	_ =	shalt  }
0x79: {  	_ =	shalt  }
0x7a: {  	_ =	shalt  }
0x7b: {  	_ =	shalt  }
0x7c: {  	_ =	shalt  }
0x7d: {  	_ =	shalt  }
0x7e: {  	_ =	shalt  }
0x7f: {  	_ =	shalt  }
0x80: {  	_ =	shalt  }
0x81: {  	_ =	shalt  }
0x82: {  	_ =	shalt  }
0x83: {  	_ =	shalt  }
0x84: {  	_ =	shalt  }
0x85: {  	_ =	shalt  }
0x86: {  	_ =	shalt  }
0x87: {  	_ =	shalt  }
.Lfunc_end0:
.L_simem_size_0:
called_computation.1_lowered:
.L_overlay_start_0:
0x88: {  	s2 =	sld [smem:$0x3FD9]  }
0x89: {  	s3 =	sld [smem:$0x3FFE];
	_ =	sdelay $0x1  }
0x8a: {  	s1 =	srdreg.scid  }
0x8b: {  	s0 =	sand.u32 $0x1, s1  }
0x8c: {  	s17 =	sshll.u32 s0, $0xA;
	s2 =	sadd.s32 s3, s2  }
0x8d: {  	s2 =	sadd.s32 s2, s17  }
0x8e: {  	[smem:$0x3FC2] =	sst s2  }
0x8f: {  	_ = 	snop  }
0x90: {  	s2 =	sld [smem:$0x3FD0];
	(tm) =	ssettm $0x1  }
0x91: {  	s18 =	sld [smem:$0x3FFB];
	_ =	sdelay $0x3  }
0x92: {  	_ =	strace s18  }
0x93: {  	s3 =	sld [smem:$0x3FFC];
	_ =	sdelay $0x3  }
0x94: {  	_ =	strace s3  }
0x95: {  	s3 =	sld [smem:$0x3FFD];
	_ =	sdelay $0x3  }
0x96: {  	_ =	strace s3  }
0x97: {  	_ =	strace $0x8FFFFFFF  }
0x98: {  	s19 =	sld [smem:$0x3FDB];
	_ =	sdelay $0x1  }
0x99: {  	s4 =	simm.s32 $_scs_section_size  }
0x9a: {  	s5 =	simm.s32 $_size__tile_overlayer_lowered;
	s6 =	simm.s32 $_tile_overlayer_lowered  }
0x9b: {  	s22 =	simm.s32 $0x1BFF;
	s21 =	sshll.u32 s6, $0x1;
	s3 =	sadd.s32 s4, s19  }
0x9c: {  	s7 =	simm.s32 $0x0;
	s20 =	sshll.u32 s5, $0x1;
	s5 =	sadd.s32 s21, s3  }
0x9d: {  	[timem:s7], [sflag:s22] =	dma.local [hbm:s5], s20  }
0x9e: {  	_ =	swait.ge [sflag:s22], s20  }
0x9f: {  	s4 =	ssub.s32 $0x0, s20;
	[sflag:s22] =	ssyncset.done $0x0  }
0xa0: {  	[sflag:s22] =	ssyncadd.s32 s4;
	_ =	sdelay $0x1  }
0xa1: {  	s23 =	simm.s32 $0x1B8B  }
0xa2: {  	_ =	swait.ge [sflag:s23], $0x1  }
0xa3: {  	[sflag:s23] =	ssyncset.done $0x0  }
0xa4: {  	s25 =	simm.s32 $0x1B8E;
	s24 =	sld [smem:$0x3FFE];
	[sflag:s23] =	ssyncadd.s32 $0xFFFFFFFF  }
0xa5: {  	s26 =	simm.s32 $execute0_lowered;
	[smem:$0x3FD2] =	sst s25  }
0xa6: {  	s5 =	sshll.u32 s26, $0x1;
	_ =	strace $0x80000049;
	[dreg:$0x1] =	wrdreg $0xFFFFFFFF  }
0xa7: {  	s28 =	simm.s32 $_size_execute0_lowered;
	s3 =	sadd.s32 s3, s5;
	[dreg:$0x0] =	wrdreg $0x0  }
0xa8: {  	s5 =	sshll.u32 s28, $0x1;
	[dreg:$0x2] =	wrdreg s3  }
0xa9: {  	[dreg:$0x3] =	wrdreg s5  }
0xaa: {  	[dreg:$0x4] =	wrdreg $0xC0  }
0xab: {  	_ =	task [dreg:s7], $0x5FFFF  }
0xac: {  	[dreg:$0x1] =	wrdreg $0xFFFFFFFF  }
0xad: {  	[dreg:$0x0] =	wrdreg $0x60  }
0xae: {  	[dreg:$0x2] =	wrdreg s2  }
0xaf: {  	[dreg:$0x3] =	wrdreg s24  }
0xb0: {  	[dreg:$0x4] =	wrdreg $0xC0000  }
0xb1: {  	[dreg:$0x5] =	wrdreg $0x9  }
0xb2: {  	_ =	task.clear_ibuf [dreg:s7], $0x6FFFF;
	_ =	strace $0x90000049  }
0xb3: {  	s29 =	simm.s32 $0x9;
	_ =	strace $0x8000004B  }
0xb4: {  	_ =	swait.ge [sflag:s29], $0x1  }
0xb5: {  	[sflag:s29] =	ssyncadd.s32 $0xFFFFFFFF  }
0xb6: {  	_ =	strace $0x9000004B  }
0xb7: {  	_ =	sfence  }
0xb8: {  	s30 =	sld [smem:$0x0];
	_ =	sdelay $0x2  }
0xb9: {  	s31 =	sshll.u32 s1, $0xD;
	s1 =	sshrl.u32 s1, $0x2  }
0xba: {  	s3 =	sand.u32 $0x4000, s31;
	s1 =	sadd.s32 s1, s30  }
0xbb: {  	s0 =	sor.u32 s3, s0;
	s1 =	sshll.u32 s1, $0x11  }
0xbc: {  	s0 =	sor.u32 s1, s0  }
0xbd: {  	s0 =	sadd.s32 $0x8F2B, s0  }
0xbe: {  	[sflag:s0] =	ssyncadd.remote.s32 $0x1  }
0xbf: {  	_ =	sfence.sel $0xFFFF  }
0xc0: {  	[dreg:$0x0] =	wrdreg $0xFFFFFFFF;
	(pc) =	sbr.abs _section_cstart, $3  }
0xc1: {  	[dreg:$0x1] =	wrdreg $0xFFFFFFFF  }
0xc2: {  	_ =	task.clear_ibuf [dreg:s7], $0x2FFFF;
	_ =	strace $0x9FFFFFFF  }
0xc3: {  	(tm) =	ssettm $0x7FFFFFFF  }
tec
execute0_lowered:
.L_overlay_start_1:
0x0: {  	(tag) =	ssettag $0x1  }
0x1: {  	s0 =	srdreg.scid;
	s8 =	stileid.u32  }
0x2: {  	s0 =	sand.u32 $0x1, s0;
	s4 =	smul.u32 $0x5000, s8  }
0x3: {  	s2 =	rddreg [dreg:$0x0];
	s1 =	smul.u32 $0x50000, s0  }
0x4: {  	s5 =	rddreg [dreg:$0x1]  }
0x5: {  	s3 =	rddreg [dreg:$0x2];
	s1 =	sadd.s32 s4, s1;
	s4 =	simm.s32 $0x0  }
0x6: {  	s7 =	simm.s32 $0x100;
	[smem:$0x7FF] =	sst s4  }
0x7: {  	s9 =	simm.s32 $0x180;
	_ =	strace $0x8000004A;
	[dreg:$0x7] =	wrdreg s7  }
0x8: {  	s10 =	simm.s32 $0x1080;
	[dreg:$0x8] =	wrdreg s9  }
0x9: {  	s11 =	simm.s32 $0x1100;
	[dreg:$0x9] =	wrdreg s10  }
0xa: {  	s12 =	simm.s32 $0x1180;
	[dreg:$0xa] =	wrdreg s11  }
0xb: {  	s13 =	simm.s32 $0x200;
	[dreg:$0xb] =	wrdreg s12  }
0xc: {  	s14 =	simm.s32 $0x280;
	[dreg:$0xc] =	wrdreg s13  }
0xd: {  	s15 =	simm.s32 $0x300;
	[dreg:$0xd] =	wrdreg s14  }
0xe: {  	s16 =	simm.s32 $0x380;
	[dreg:$0xe] =	wrdreg s15  }
0xf: {  	s17 =	simm.s32 $0x1200;
	[dreg:$0xf] =	wrdreg s16  }
0x10: {  	s18 =	simm.s32 $0x1280;
	[dreg:$0x10] =	wrdreg s17  }
0x11: {  	s20 =	simm.s32 $0x1300;
	[dreg:$0x11] =	wrdreg s18  }
0x12: {  	s21 =	simm.s32 $0x1380;
	[dreg:$0x12] =	wrdreg s20  }
0x13: {  	s22 =	simm.s32 $0x400;
	s23 =	simm.s32 $0x480;
	[dreg:$0x13] =	wrdreg s21  }
0x14: {  	s19 =	smul.u32 $0x27800, s0;
	s0 =	ssub.s32 $0x2, s0;
	[dreg:$0x14] =	wrdreg s22  }
0x15: {  	s25 =	simm.s32 $0x500;
	s24 =	sshrl.u32 s0, $0x1;
	[dreg:$0x15] =	wrdreg s23  }
0x16: {  	s26 =	simm.s32 $0x580;
	s0 =	ssub.s32 s0, s24;
	[dreg:$0x16] =	wrdreg s25  }
0x17: {  	s0 =	smax.u32 s0, $0x1;
	[dreg:$0x17] =	wrdreg s26  }
0x18: {  	s24 =	simm.s32 $0x1700;
	[smem:$0x7E0] =	sst s0  }
0x19: {  	s9 =	simm.s32 $0x1400;
	[smem:$0x7E8] =	sst s24  }
0x1a: {  	s11 =	simm.s32 $0x1480;
	[dreg:$0x18] =	wrdreg s9  }
0x1b: {  	s12 =	simm.s32 $0x1500;
	[dreg:$0x19] =	wrdreg s11  }
0x1c: {  	s13 =	simm.s32 $0x1580;
	[dreg:$0x1a] =	wrdreg s12  }
0x1d: {  	s14 =	simm.s32 $0x600;
	[dreg:$0x1b] =	wrdreg s13  }
0x1e: {  	s15 =	simm.s32 $0x680;
	[dreg:$0x1c] =	wrdreg s14  }
0x1f: {  	s16 =	simm.s32 $0x700;
	[dreg:$0x1d] =	wrdreg s15  }
0x20: {  	s18 =	simm.s32 $0x780;
	[dreg:$0x1e] =	wrdreg s16  }
0x21: {  	s20 =	simm.s32 $0x1600;
	[dreg:$0x1f] =	wrdreg s18  }
0x22: {  	s1 =	sshrl.u32 s1, $0x3;
	s22 =	simm.s32 $0x1680;
	[smem:$0x7E4] =	sst s20  }
0x23: {  	s1 =	sadd.s32 s1, s5;
	s26 =	simm.s32 $0x1780;
	[smem:$0x7E6] =	sst s22  }
0x24: {  	s6 =	sadd.s32 $0x15E00, s1;
	[smem:$0x7EA] =	sst s26  }
0x25: {  	s1 =	sadd.s32 $0x1E00, s1;
	[dreg:$0x4] =	wrdreg s6  }
0x26: {  	s9 =	simm.s32 $0x800;
	[dreg:$0x5] =	wrdreg s1  }
0x27: {  	s11 =	simm.s32 $0x880;
	[smem:$0x7EC] =	sst s9  }
0x28: {  	s7 =	smul.u32 $0x4F000, s8;
	s13 =	simm.s32 $0x900;
	[smem:$0x7EE] =	sst s11  }
0x29: {  	s15 =	simm.s32 $0x980;
	[smem:$0x7F0] =	sst s13  }
0x2a: {  	s6 =	simm.s32 $0x80;
	s10 =	sshrl.u32 s7, $0x2;
	[smem:$0x7F2] =	sst s15  }
0x2b: {  	[dreg:$0x6] =	wrdreg s6;
	s7 =	sadd.s32 s10, s3  }
0x2c: {  	s6 =	sadd.s32 $0x12C00, s7;
	[smem:$0x7F9] =	sst s7  }
0x2d: {  	s28 =	simm.s32 $0x4800;
	s17 =	sadd.s32 $0x1400, s7;
	[smem:$0x7DF] =	sst s6  }
0x2e: {  	s5 =	sadd.s32 s19, s5;
	s19 =	sadd.s32 $0x2800, s7;
	[smem:$0x7E1] =	sst s17  }
0x2f: {  	s29 =	simm.s32 $0x7000;
	s21 =	sadd.s32 $0x3C00, s7;
	[smem:$0x7E2] =	sst s19  }
0x30: {  	s30 =	simm.s32 $0x9800;
	s23 =	sadd.s32 $0x5000, s7;
	[smem:$0x7E3] =	sst s21  }
0x31: {  	s31 =	simm.s32 $0x1;
	s25 =	sadd.s32 $0x6400, s7;
	[smem:$0x7E5] =	sst s23  }
0x32: {  	s0 =	simm.s32 $0x3;
	s10 =	sadd.s32 $0x8C00, s7;
	[smem:$0x7E7] =	sst s25  }
0x33: {  	s5 =	sadd.s32 $0x29E00, s5;
	s12 =	sadd.s32 $0xA000, s7;
	[smem:$0x7EB] =	sst s10  }
0x34: {  	s1 =	simm.s32 $0x2;
	s14 =	sadd.s32 $0xB400, s7;
	[smem:$0x7ED] =	sst s12  }
0x35: {  	s9 =	simm.s32 $0x7;
	s16 =	sadd.s32 $0xC800, s7;
	[smem:$0x7EF] =	sst s14  }
0x36: {  	s11 =	simm.s32 $0xA80;
	s18 =	sadd.s32 $0xDC00, s7;
	[smem:$0x7F1] =	sst s16  }
0x37: {  	s13 =	simm.s32 $0xB80;
	s20 =	sadd.s32 $0xF000, s7;
	[smem:$0x7F3] =	sst s18  }
0x38: {  	s15 =	simm.s32 $0x1A80;
	s22 =	sadd.s32 $0x10400, s7;
	[smem:$0x7F5] =	sst s20  }
0x39: {  	s24 =	sadd.s32 $0x11800, s7;
	s6 =	smul.u32 $0x2780, s8;
	[smem:$0x7F7] =	sst s22  }
0x3a: {  	s8 =	sadd.s32 $0x7800, s7;
	s17 =	simm.s32 $0x1800;
	[smem:$0x7FA] =	sst s24  }
0x3b: {  	s19 =	simm.s32 $0x1880;
	s21 =	simm.s32 $0x1900;
	[smem:$0x7E9] =	sst s8  }
0x3c: {  	s23 =	simm.s32 $0x1980;
	s25 =	simm.s32 $0xA00;
	[smem:$0x7F4] =	sst s17  }
0x3d: {  	s22 =	simm.s32 $0x2000;
	s7 =	simm.s32 $0x5;
	[smem:$0x7F6] =	sst s19  }
0x3e: {  	s10 =	simm.s32 $0x8;
	s12 =	simm.s32 $0xB00;
	[smem:$0x7F8] =	sst s21  }
0x3f: {  	s14 =	simm.s32 $0x1A00;
	s16 =	simm.s32 $0x1B00;
	[smem:$0x7FB] =	sst s23  }
0x40: {  	s18 =	simm.s32 $0xC00;
	s20 =	simm.s32 $0x0;
	[smem:$0x7FC] =	sst s25  }
0x41: {  	s23 =	simm.s32 $0x9;
	s25 =	simm.s32 $0x1000;
	s8 =	simm.s32 $0x6  }
0x42: {  	s17 =	simm.s32 $0x1B80;
	s19 =	simm.s32 $0x1C00;
	s26 =	sadd.s32 s6, s5  }
0x43: {  	v0 =	vimm.f32 $0.0e+00;
	s6 =	simm.s32 $0x4;
	[smem:$0x7FD] =	sst s26;
	s26 =	simm.s32 $0x50  }
.LBB2_1:
0x44: {  	s21 =	simm.s32 $0x0;
	s24 =	simm.s32 $0x200  }
.LBB2_2:
0x45: {  	p0 =	sne.s32 s24, $0x4E00;
	[tilespmem:s21+$0x2070] =	vst v0  }
0x46: {  	[tilespmem:s21+$0x2000] =	vst v0  }
0x47: {  	[tilespmem:s21+$0x2010] =	vst v0  }
.Ltmp0:
0x48: {  	[tilespmem:s21+$0x2020] =	vst v0;
	(pc) =	sbr.rel @p0 .LBB2_2-.Ltmp0, $4  }
0x49: {  	[tilespmem:s21+$0x2030] =	vst v0  }
0x4a: {  	[tilespmem:s21+$0x2040] =	vst v0  }
0x4b: {  	[tilespmem:s21+$0x2050] =	vst v0  }
0x4c: {  	[tilespmem:s21+$0x2060] =	vst v0;
	s21 =	sshra.s32 s24, $0x2;
	s24 =	sadd.s32 $0x200, s24  }
0x4d: {  	[tilespmem:s21+$0x2070] =	vst v0  }
0x4e: {  	[tilespmem:s21+$0x2000] =	vst v0  }
0x4f: {  	[tilespmem:s21+$0x2010] =	vst v0  }
0x50: {  	[tilespmem:s21+$0x2020] =	vst v0  }
0x51: {  	[tilespmem:s21+$0x2030] =	vst v0  }
0x52: {  	[tilespmem:s21+$0x2040] =	vst v0;
	s5 =	sld [smem:$0x7F9]  }
0x53: {  	[tilespmem:s21+$0x2050] =	vst v0  }
0x54: {  	[smem:$0x7DE] =	sst s20;
	[tilespmem:s21+$0x2060] =	vst v0  }
0x55: {  	[spmem:s5] =	stream.linear.scatter [tilespmem:s22], [sflag:$0x9], $0x1400, $0x38;
	[tilespmem:$0x1FC00] =	vst v63  }
0x56: {  	_ =	swait.ge [sflag:s23], $0x1400  }
0x57: {  	s20 =	sld [smem:$0x7E1]  }
0x58: {  	[sflag:s23] =	ssyncset.done $0x0  }
0x59: {  	[sflag:s23] =	ssyncadd.s32 $0xFFFFEC00  }
0x5a: {  	[spmem:s20] =	stream.linear.scatter [tilespmem:s22], [sflag:$0x9], $0x1400, $0x38;
	[tilespmem:$0x1FC00] =	vst v63  }
0x5b: {  	_ =	swait.ge [sflag:s23], $0x1400  }
0x5c: {  	s21 =	sld [smem:$0x7E2]  }
0x5d: {  	[sflag:s23] =	ssyncset.done $0x0  }
0x5e: {  	[sflag:s23] =	ssyncadd.s32 $0xFFFFEC00  }
0x5f: {  	[spmem:s21] =	stream.linear.scatter [tilespmem:s22], [sflag:$0x9], $0x1400, $0x38;
	[tilespmem:$0x1FC00] =	vst v63  }
0x60: {  	_ =	swait.ge [sflag:s23], $0x1400  }
0x61: {  	s24 =	sld [smem:$0x7E3]  }
0x62: {  	[sflag:s23] =	ssyncset.done $0x0  }
0x63: {  	[sflag:s23] =	ssyncadd.s32 $0xFFFFEC00  }
0x64: {  	[spmem:s24] =	stream.linear.scatter [tilespmem:s22], [sflag:$0x9], $0x1400, $0x38;
	[tilespmem:$0x1FC00] =	vst v63  }
0x65: {  	_ =	swait.ge [sflag:s23], $0x1400  }
0x66: {  	s20 =	sld [smem:$0x7E5]  }
0x67: {  	[sflag:s23] =	ssyncset.done $0x0  }
0x68: {  	[sflag:s23] =	ssyncadd.s32 $0xFFFFEC00  }
0x69: {  	[spmem:s20] =	stream.linear.scatter [tilespmem:s22], [sflag:$0x9], $0x1400, $0x38;
	[tilespmem:$0x1FC00] =	vst v63  }
0x6a: {  	_ =	swait.ge [sflag:s23], $0x1400  }
0x6b: {  	s21 =	sld [smem:$0x7E7]  }
0x6c: {  	[sflag:s23] =	ssyncset.done $0x0  }
0x6d: {  	[sflag:s23] =	ssyncadd.s32 $0xFFFFEC00  }
0x6e: {  	[spmem:s21] =	stream.linear.scatter [tilespmem:s22], [sflag:$0x9], $0x1400, $0x38;
	[tilespmem:$0x1FC00] =	vst v63  }
0x6f: {  	_ =	swait.ge [sflag:s23], $0x1400  }
0x70: {  	s24 =	sld [smem:$0x7E9]  }
0x71: {  	[sflag:s23] =	ssyncset.done $0x0  }
0x72: {  	[sflag:s23] =	ssyncadd.s32 $0xFFFFEC00  }
0x73: {  	[spmem:s24] =	stream.linear.scatter [tilespmem:s22], [sflag:$0x9], $0x1400, $0x38;
	[tilespmem:$0x1FC00] =	vst v63  }
0x74: {  	_ =	swait.ge [sflag:s23], $0x1400  }
0x75: {  	s20 =	sld [smem:$0x7EB]  }
0x76: {  	[sflag:s23] =	ssyncset.done $0x0  }
0x77: {  	[sflag:s23] =	ssyncadd.s32 $0xFFFFEC00  }
0x78: {  	[spmem:s20] =	stream.linear.scatter [tilespmem:s22], [sflag:$0x9], $0x1400, $0x38;
	[tilespmem:$0x1FC00] =	vst v63  }
0x79: {  	_ =	swait.ge [sflag:s23], $0x1400  }
0x7a: {  	s21 =	sld [smem:$0x7ED]  }
0x7b: {  	[sflag:s23] =	ssyncset.done $0x0  }
0x7c: {  	[sflag:s23] =	ssyncadd.s32 $0xFFFFEC00  }
0x7d: {  	[spmem:s21] =	stream.linear.scatter [tilespmem:s22], [sflag:$0x9], $0x1400, $0x38;
	[tilespmem:$0x1FC00] =	vst v63  }
0x7e: {  	_ =	swait.ge [sflag:s23], $0x1400  }
0x7f: {  	s24 =	sld [smem:$0x7EF]  }
0x80: {  	[sflag:s23] =	ssyncset.done $0x0  }
0x81: {  	[sflag:s23] =	ssyncadd.s32 $0xFFFFEC00  }
0x82: {  	[spmem:s24] =	stream.linear.scatter [tilespmem:s22], [sflag:$0x9], $0x1400, $0x38;
	[tilespmem:$0x1FC00] =	vst v63  }
0x83: {  	_ =	swait.ge [sflag:s23], $0x1400  }
0x84: {  	s20 =	sld [smem:$0x7F1]  }
0x85: {  	[sflag:s23] =	ssyncset.done $0x0  }
0x86: {  	[sflag:s23] =	ssyncadd.s32 $0xFFFFEC00  }
0x87: {  	[spmem:s20] =	stream.linear.scatter [tilespmem:s22], [sflag:$0x9], $0x1400, $0x38;
	[tilespmem:$0x1FC00] =	vst v63  }
0x88: {  	_ =	swait.ge [sflag:s23], $0x1400  }
0x89: {  	s21 =	sld [smem:$0x7F3]  }
0x8a: {  	[sflag:s23] =	ssyncset.done $0x0  }
0x8b: {  	[sflag:s23] =	ssyncadd.s32 $0xFFFFEC00  }
0x8c: {  	[spmem:s21] =	stream.linear.scatter [tilespmem:s22], [sflag:$0x9], $0x1400, $0x38;
	[tilespmem:$0x1FC00] =	vst v63  }
0x8d: {  	_ =	swait.ge [sflag:s23], $0x1400  }
0x8e: {  	s24 =	sld [smem:$0x7F5]  }
0x8f: {  	[sflag:s23] =	ssyncset.done $0x0  }
0x90: {  	[sflag:s23] =	ssyncadd.s32 $0xFFFFEC00  }
0x91: {  	[spmem:s24] =	stream.linear.scatter [tilespmem:s22], [sflag:$0x9], $0x1400, $0x38;
	[tilespmem:$0x1FC00] =	vst v63  }
0x92: {  	_ =	swait.ge [sflag:s23], $0x1400  }
0x93: {  	s20 =	sld [smem:$0x7F7]  }
0x94: {  	[sflag:s23] =	ssyncset.done $0x0  }
0x95: {  	[sflag:s23] =	ssyncadd.s32 $0xFFFFEC00  }
0x96: {  	[spmem:s20] =	stream.linear.scatter [tilespmem:s22], [sflag:$0x9], $0x1400, $0x38;
	[tilespmem:$0x1FC00] =	vst v63  }
0x97: {  	_ =	swait.ge [sflag:s23], $0x1400  }
0x98: {  	s21 =	sld [smem:$0x7FA]  }
0x99: {  	[sflag:s23] =	ssyncset.done $0x0  }
0x9a: {  	[sflag:s23] =	ssyncadd.s32 $0xFFFFEC00  }
0x9b: {  	[spmem:s21] =	stream.linear.scatter [tilespmem:s22], [sflag:$0x9], $0x1400, $0x38;
	[tilespmem:$0x1FC00] =	vst v63  }
0x9c: {  	_ =	swait.ge [sflag:s23], $0x1400  }
0x9d: {  	s24 =	sld [smem:$0x7DF]  }
0x9e: {  	[sflag:s23] =	ssyncset.done $0x0  }
0x9f: {  	[sflag:s23] =	ssyncadd.s32 $0xFFFFEC00  }
0xa0: {  	[spmem:s24] =	stream.linear.scatter [tilespmem:s22], [sflag:$0x9], $0x1000, $0x38;
	[tilespmem:$0x1FC00] =	vst v63  }
0xa1: {  	_ =	swait.ge [sflag:s23], $0x1000  }
0xa2: {  	[sflag:s23] =	ssyncset.done $0x0  }
0xa3: {  	[sflag:s23] =	ssyncadd.s32 $0xFFFFF000  }
0xa4: {  	[bflag:$0x0] =	sbarrier.arrive $0xFFFF  }
0xa5: {  	s20 =	rddreg [dreg:$0x5]  }
0xa6: {  	s5 =	sadd.s32 $0x0, s20  }
0xa7: {  	[tilespmem:s4], [sflag:$0x9] =	stream.linear.gather [hbm4b:s5+s4], $0xC80, $0x38;
	[tilespmem:$0x1FC00] =	vst v63  }
0xa8: {  	_ =	swait.ge [sflag:s23], $0xC80  }
0xa9: {  	s21 =	rddreg [dreg:$0x4];
	[sflag:s23] =	ssyncset.done $0x0  }
0xaa: {  	[sflag:s23] =	ssyncadd.s32 $0xFFFFF380;
	s5 =	sadd.s32 $0x0, s21  }
0xab: {  	[tilespmem:s25], [sflag:$0x9] =	stream.linear.gather [hbm4b:s5+s4], $0xC80, $0x38;
	[tilespmem:$0x1FC00] =	vst v63  }
0xac: {  	_ =	swait.ge [sflag:s23], $0xC80  }
0xad: {  	[sflag:s23] =	ssyncset.done $0x0  }
0xae: {  	[sflag:s23] =	ssyncadd.s32 $0xFFFFF380  }
0xaf: {  	[tilespmem:s22], [sflag:$0x1] =	stream.indirect.gather [hbm4b:s2+s26], $0x80, s4, s26, $0xb8;
	[tilespmem:$0x1FC00] =	vst v63  }
0xb0: {  	s24 =	rddreg [dreg:$0x6]  }
0xb1: {  	[tilespmem:s28], [sflag:$0x2] =	stream.indirect.gather [hbm4b:s2+s26], $0x80, s24, s26, $0xb8;
	[tilespmem:$0x1FC00] =	vst v63  }
0xb2: {  	s20 =	rddreg [dreg:$0x7]  }
0xb3: {  	[tilespmem:s29], [sflag:$0x3] =	stream.indirect.gather [hbm4b:s2+s26], $0x80, s20, s26, $0xb8;
	[tilespmem:$0x1FC00] =	vst v63  }
0xb4: {  	s24 =	rddreg [dreg:$0x8]  }
0xb5: {  	[tilespmem:s30], [sflag:$0x4] =	stream.indirect.gather [hbm4b:s2+s26], $0x80, s24, s26, $0xb8;
	[tilespmem:$0x1FC00] =	vst v63  }
0xb6: {  	_ =	swait.ge [sflag:s31], $0x2800  }
0xb7: {  	[sflag:s31] =	ssyncset.done $0x0  }
0xb8: {  	[sflag:s31] =	ssyncadd.s32 $0xFFFFD800  }
0xb9: {  	[spmem:s3] =	stream.indirect.scatter.add.f32 [tilespmem:s22], [sflag:$0x5], $0x80, s25, s26, $0xb8;
	[tilespmem:$0x1FC00] =	vst v63  }
0xba: {  	_ =	swait.ge [sflag:s1], $0x2800  }
0xbb: {  	[sflag:s1] =	ssyncset.done $0x0  }
0xbc: {  	s20 =	rddreg [dreg:$0x9];
	[sflag:s1] =	ssyncadd.s32 $0xFFFFD800  }
0xbd: {  	[spmem:s3] =	stream.indirect.scatter.add.f32 [tilespmem:s28], [sflag:$0x6], $0x80, s20, s26, $0xb8;
	[tilespmem:$0x1FC00] =	vst v63  }
0xbe: {  	_ =	swait.ge [sflag:s0], $0x2800  }
0xbf: {  	[sflag:s0] =	ssyncset.done $0x0  }
0xc0: {  	s21 =	rddreg [dreg:$0xa];
	[sflag:s0] =	ssyncadd.s32 $0xFFFFD800  }
0xc1: {  	[spmem:s3] =	stream.indirect.scatter.add.f32 [tilespmem:s29], [sflag:$0x7], $0x80, s21, s26, $0xb8;
	[tilespmem:$0x1FC00] =	vst v63  }
0xc2: {  	_ =	swait.ge [sflag:s6], $0x2800  }
0xc3: {  	[sflag:s6] =	ssyncset.done $0x0  }
0xc4: {  	s24 =	rddreg [dreg:$0xb];
	[sflag:s6] =	ssyncadd.s32 $0xFFFFD800  }
0xc5: {  	[spmem:s3] =	stream.indirect.scatter.add.f32 [tilespmem:s30], [sflag:$0x8], $0x80, s24, s26, $0xb8;
	[tilespmem:$0x1FC00] =	vst v63  }
0xc6: {  	_ =	swait.ge [sflag:s7], $0x2800  }
0xc7: {  	[sflag:s7] =	ssyncset.done $0x0  }
0xc8: {  	s20 =	rddreg [dreg:$0xc];
	[sflag:s7] =	ssyncadd.s32 $0xFFFFD800  }
0xc9: {  	[tilespmem:s22], [sflag:$0x1] =	stream.indirect.gather [hbm4b:s2+s26], $0x80, s20, s26, $0xb8;
	[tilespmem:$0x1FC00] =	vst v63  }
0xca: {  	_ =	swait.ge [sflag:s8], $0x2800  }
0xcb: {  	[sflag:s8] =	ssyncset.done $0x0  }
0xcc: {  	s21 =	rddreg [dreg:$0xd];
	[sflag:s8] =	ssyncadd.s32 $0xFFFFD800  }
0xcd: {  	[tilespmem:s28], [sflag:$0x2] =	stream.indirect.gather [hbm4b:s2+s26], $0x80, s21, s26, $0xb8;
	[tilespmem:$0x1FC00] =	vst v63  }
0xce: {  	_ =	swait.ge [sflag:s9], $0x2800  }
0xcf: {  	[sflag:s9] =	ssyncset.done $0x0  }
0xd0: {  	s24 =	rddreg [dreg:$0xe];
	[sflag:s9] =	ssyncadd.s32 $0xFFFFD800  }
0xd1: {  	[tilespmem:s29], [sflag:$0x3] =	stream.indirect.gather [hbm4b:s2+s26], $0x80, s24, s26, $0xb8;
	[tilespmem:$0x1FC00] =	vst v63  }
0xd2: {  	_ =	swait.ge [sflag:s10], $0x2800  }
0xd3: {  	[sflag:s10] =	ssyncset.done $0x0  }
0xd4: {  	s20 =	rddreg [dreg:$0xf];
	[sflag:s10] =	ssyncadd.s32 $0xFFFFD800  }
0xd5: {  	[tilespmem:s30], [sflag:$0x4] =	stream.indirect.gather [hbm4b:s2+s26], $0x80, s20, s26, $0xb8;
	[tilespmem:$0x1FC00] =	vst v63  }
0xd6: {  	_ =	swait.ge [sflag:s31], $0x2800  }
0xd7: {  	[sflag:s31] =	ssyncset.done $0x0  }
0xd8: {  	s21 =	rddreg [dreg:$0x10];
	[sflag:s31] =	ssyncadd.s32 $0xFFFFD800  }
0xd9: {  	[spmem:s3] =	stream.indirect.scatter.add.f32 [tilespmem:s22], [sflag:$0x5], $0x80, s21, s26, $0xb8;
	[tilespmem:$0x1FC00] =	vst v63  }
0xda: {  	_ =	swait.ge [sflag:s1], $0x2800  }
0xdb: {  	[sflag:s1] =	ssyncset.done $0x0  }
0xdc: {  	s24 =	rddreg [dreg:$0x11];
	[sflag:s1] =	ssyncadd.s32 $0xFFFFD800  }
0xdd: {  	[spmem:s3] =	stream.indirect.scatter.add.f32 [tilespmem:s28], [sflag:$0x6], $0x80, s24, s26, $0xb8;
	[tilespmem:$0x1FC00] =	vst v63  }
0xde: {  	_ =	swait.ge [sflag:s0], $0x2800  }
0xdf: {  	[sflag:s0] =	ssyncset.done $0x0  }
0xe0: {  	s20 =	rddreg [dreg:$0x12];
	[sflag:s0] =	ssyncadd.s32 $0xFFFFD800  }
0xe1: {  	[spmem:s3] =	stream.indirect.scatter.add.f32 [tilespmem:s29], [sflag:$0x7], $0x80, s20, s26, $0xb8;
	[tilespmem:$0x1FC00] =	vst v63  }
0xe2: {  	_ =	swait.ge [sflag:s6], $0x2800  }
0xe3: {  	[sflag:s6] =	ssyncset.done $0x0  }
0xe4: {  	s21 =	rddreg [dreg:$0x13];
	[sflag:s6] =	ssyncadd.s32 $0xFFFFD800  }
0xe5: {  	[spmem:s3] =	stream.indirect.scatter.add.f32 [tilespmem:s30], [sflag:$0x8], $0x80, s21, s26, $0xb8;
	[tilespmem:$0x1FC00] =	vst v63  }
0xe6: {  	_ =	swait.ge [sflag:s7], $0x2800  }
0xe7: {  	[sflag:s7] =	ssyncset.done $0x0  }
0xe8: {  	s24 =	rddreg [dreg:$0x14];
	[sflag:s7] =	ssyncadd.s32 $0xFFFFD800  }
0xe9: {  	[tilespmem:s22], [sflag:$0x1] =	stream.indirect.gather [hbm4b:s2+s26], $0x80, s24, s26, $0xb8;
	[tilespmem:$0x1FC00] =	vst v63  }
0xea: {  	_ =	swait.ge [sflag:s8], $0x2800  }
0xeb: {  	[sflag:s8] =	ssyncset.done $0x0  }
0xec: {  	s20 =	rddreg [dreg:$0x15];
	[sflag:s8] =	ssyncadd.s32 $0xFFFFD800  }
0xed: {  	[tilespmem:s28], [sflag:$0x2] =	stream.indirect.gather [hbm4b:s2+s26], $0x80, s20, s26, $0xb8;
	[tilespmem:$0x1FC00] =	vst v63  }
0xee: {  	_ =	swait.ge [sflag:s9], $0x2800  }
0xef: {  	[sflag:s9] =	ssyncset.done $0x0  }
0xf0: {  	s21 =	rddreg [dreg:$0x16];
	[sflag:s9] =	ssyncadd.s32 $0xFFFFD800  }
0xf1: {  	[tilespmem:s29], [sflag:$0x3] =	stream.indirect.gather [hbm4b:s2+s26], $0x80, s21, s26, $0xb8;
	[tilespmem:$0x1FC00] =	vst v63  }
0xf2: {  	_ =	swait.ge [sflag:s10], $0x2800  }
0xf3: {  	[sflag:s10] =	ssyncset.done $0x0  }
0xf4: {  	s24 =	rddreg [dreg:$0x17];
	[sflag:s10] =	ssyncadd.s32 $0xFFFFD800  }
0xf5: {  	[tilespmem:s30], [sflag:$0x4] =	stream.indirect.gather [hbm4b:s2+s26], $0x80, s24, s26, $0xb8;
	[tilespmem:$0x1FC00] =	vst v63  }
0xf6: {  	_ =	swait.ge [sflag:s31], $0x2800  }
0xf7: {  	[sflag:s31] =	ssyncset.done $0x0  }
0xf8: {  	s20 =	rddreg [dreg:$0x18];
	[sflag:s31] =	ssyncadd.s32 $0xFFFFD800  }
0xf9: {  	[spmem:s3] =	stream.indirect.scatter.add.f32 [tilespmem:s22], [sflag:$0x5], $0x80, s20, s26, $0xb8;
	[tilespmem:$0x1FC00] =	vst v63  }
0xfa: {  	_ =	swait.ge [sflag:s1], $0x2800  }
0xfb: {  	[sflag:s1] =	ssyncset.done $0x0  }
0xfc: {  	s21 =	rddreg [dreg:$0x19];
	[sflag:s1] =	ssyncadd.s32 $0xFFFFD800  }
0xfd: {  	[spmem:s3] =	stream.indirect.scatter.add.f32 [tilespmem:s28], [sflag:$0x6], $0x80, s21, s26, $0xb8;
	[tilespmem:$0x1FC00] =	vst v63  }
0xfe: {  	_ =	swait.ge [sflag:s0], $0x2800  }
0xff: {  	[sflag:s0] =	ssyncset.done $0x0  }
0x100: {  	s24 =	rddreg [dreg:$0x1a];
	[sflag:s0] =	ssyncadd.s32 $0xFFFFD800  }
0x101: {  	[spmem:s3] =	stream.indirect.scatter.add.f32 [tilespmem:s29], [sflag:$0x7], $0x80, s24, s26, $0xb8;
	[tilespmem:$0x1FC00] =	vst v63  }
0x102: {  	_ =	swait.ge [sflag:s6], $0x2800  }
0x103: {  	[sflag:s6] =	ssyncset.done $0x0  }
0x104: {  	s20 =	rddreg [dreg:$0x1b];
	[sflag:s6] =	ssyncadd.s32 $0xFFFFD800  }
0x105: {  	[spmem:s3] =	stream.indirect.scatter.add.f32 [tilespmem:s30], [sflag:$0x8], $0x80, s20, s26, $0xb8;
	[tilespmem:$0x1FC00] =	vst v63  }
0x106: {  	_ =	swait.ge [sflag:s7], $0x2800  }
0x107: {  	[sflag:s7] =	ssyncset.done $0x0  }
0x108: {  	s21 =	rddreg [dreg:$0x1c];
	[sflag:s7] =	ssyncadd.s32 $0xFFFFD800  }
0x109: {  	[tilespmem:s22], [sflag:$0x1] =	stream.indirect.gather [hbm4b:s2+s26], $0x80, s21, s26, $0xb8;
	[tilespmem:$0x1FC00] =	vst v63  }
0x10a: {  	_ =	swait.ge [sflag:s8], $0x2800  }
0x10b: {  	[sflag:s8] =	ssyncset.done $0x0  }
0x10c: {  	s24 =	rddreg [dreg:$0x1d];
	[sflag:s8] =	ssyncadd.s32 $0xFFFFD800  }
0x10d: {  	[tilespmem:s28], [sflag:$0x2] =	stream.indirect.gather [hbm4b:s2+s26], $0x80, s24, s26, $0xb8;
	[tilespmem:$0x1FC00] =	vst v63  }
0x10e: {  	_ =	swait.ge [sflag:s9], $0x2800  }
0x10f: {  	[sflag:s9] =	ssyncset.done $0x0  }
0x110: {  	s20 =	rddreg [dreg:$0x1e];
	[sflag:s9] =	ssyncadd.s32 $0xFFFFD800  }
0x111: {  	[tilespmem:s29], [sflag:$0x3] =	stream.indirect.gather [hbm4b:s2+s26], $0x80, s20, s26, $0xb8;
	[tilespmem:$0x1FC00] =	vst v63  }
0x112: {  	_ =	swait.ge [sflag:s10], $0x2800  }
0x113: {  	[sflag:s10] =	ssyncset.done $0x0  }
0x114: {  	s21 =	rddreg [dreg:$0x1f];
	[sflag:s10] =	ssyncadd.s32 $0xFFFFD800  }
0x115: {  	[tilespmem:s30], [sflag:$0x4] =	stream.indirect.gather [hbm4b:s2+s26], $0x80, s21, s26, $0xb8;
	[tilespmem:$0x1FC00] =	vst v63  }
0x116: {  	_ =	swait.ge [sflag:s31], $0x2800  }
0x117: {  	s24 =	sld [smem:$0x7E4]  }
0x118: {  	[sflag:s31] =	ssyncset.done $0x0  }
0x119: {  	[sflag:s31] =	ssyncadd.s32 $0xFFFFD800  }
0x11a: {  	[spmem:s3] =	stream.indirect.scatter.add.f32 [tilespmem:s22], [sflag:$0x5], $0x80, s24, s26, $0xb8;
	[tilespmem:$0x1FC00] =	vst v63  }
0x11b: {  	_ =	swait.ge [sflag:s1], $0x2800  }
0x11c: {  	s20 =	sld [smem:$0x7E6]  }
0x11d: {  	[sflag:s1] =	ssyncset.done $0x0  }
0x11e: {  	[sflag:s1] =	ssyncadd.s32 $0xFFFFD800  }
0x11f: {  	[spmem:s3] =	stream.indirect.scatter.add.f32 [tilespmem:s28], [sflag:$0x6], $0x80, s20, s26, $0xb8;
	[tilespmem:$0x1FC00] =	vst v63  }
0x120: {  	_ =	swait.ge [sflag:s0], $0x2800  }
0x121: {  	s21 =	sld [smem:$0x7E8]  }
0x122: {  	[sflag:s0] =	ssyncset.done $0x0  }
0x123: {  	[sflag:s0] =	ssyncadd.s32 $0xFFFFD800  }
0x124: {  	[spmem:s3] =	stream.indirect.scatter.add.f32 [tilespmem:s29], [sflag:$0x7], $0x80, s21, s26, $0xb8;
	[tilespmem:$0x1FC00] =	vst v63  }
0x125: {  	_ =	swait.ge [sflag:s6], $0x2800  }
0x126: {  	s24 =	sld [smem:$0x7EA]  }
0x127: {  	[sflag:s6] =	ssyncset.done $0x0  }
0x128: {  	[sflag:s6] =	ssyncadd.s32 $0xFFFFD800  }
0x129: {  	[spmem:s3] =	stream.indirect.scatter.add.f32 [tilespmem:s30], [sflag:$0x8], $0x80, s24, s26, $0xb8;
	[tilespmem:$0x1FC00] =	vst v63  }
0x12a: {  	_ =	swait.ge [sflag:s7], $0x2800  }
0x12b: {  	s20 =	sld [smem:$0x7EC]  }
0x12c: {  	[sflag:s7] =	ssyncset.done $0x0  }
0x12d: {  	[sflag:s7] =	ssyncadd.s32 $0xFFFFD800  }
0x12e: {  	[tilespmem:s22], [sflag:$0x1] =	stream.indirect.gather [hbm4b:s2+s26], $0x80, s20, s26, $0xb8;
	[tilespmem:$0x1FC00] =	vst v63  }
0x12f: {  	_ =	swait.ge [sflag:s8], $0x2800  }
0x130: {  	s21 =	sld [smem:$0x7EE]  }
0x131: {  	[sflag:s8] =	ssyncset.done $0x0  }
0x132: {  	[sflag:s8] =	ssyncadd.s32 $0xFFFFD800  }
0x133: {  	[tilespmem:s28], [sflag:$0x2] =	stream.indirect.gather [hbm4b:s2+s26], $0x80, s21, s26, $0xb8;
	[tilespmem:$0x1FC00] =	vst v63  }
0x134: {  	_ =	swait.ge [sflag:s9], $0x2800  }
0x135: {  	s24 =	sld [smem:$0x7F0]  }
0x136: {  	[sflag:s9] =	ssyncset.done $0x0  }
0x137: {  	[sflag:s9] =	ssyncadd.s32 $0xFFFFD800  }
0x138: {  	[tilespmem:s29], [sflag:$0x3] =	stream.indirect.gather [hbm4b:s2+s26], $0x80, s24, s26, $0xb8;
	[tilespmem:$0x1FC00] =	vst v63  }
0x139: {  	_ =	swait.ge [sflag:s10], $0x2800  }
0x13a: {  	s20 =	sld [smem:$0x7F2]  }
0x13b: {  	[sflag:s10] =	ssyncset.done $0x0  }
0x13c: {  	[sflag:s10] =	ssyncadd.s32 $0xFFFFD800  }
0x13d: {  	[tilespmem:s30], [sflag:$0x4] =	stream.indirect.gather [hbm4b:s2+s26], $0x80, s20, s26, $0xb8;
	[tilespmem:$0x1FC00] =	vst v63  }
0x13e: {  	_ =	swait.ge [sflag:s31], $0x2800  }
0x13f: {  	s21 =	sld [smem:$0x7F4]  }
0x140: {  	[sflag:s31] =	ssyncset.done $0x0  }
0x141: {  	[sflag:s31] =	ssyncadd.s32 $0xFFFFD800  }
0x142: {  	[spmem:s3] =	stream.indirect.scatter.add.f32 [tilespmem:s22], [sflag:$0x5], $0x80, s21, s26, $0xb8;
	[tilespmem:$0x1FC00] =	vst v63  }
0x143: {  	_ =	swait.ge [sflag:s1], $0x2800  }
0x144: {  	s24 =	sld [smem:$0x7F6]  }
0x145: {  	[sflag:s1] =	ssyncset.done $0x0  }
0x146: {  	[sflag:s1] =	ssyncadd.s32 $0xFFFFD800  }
0x147: {  	[spmem:s3] =	stream.indirect.scatter.add.f32 [tilespmem:s28], [sflag:$0x6], $0x80, s24, s26, $0xb8;
	[tilespmem:$0x1FC00] =	vst v63  }
0x148: {  	_ =	swait.ge [sflag:s0], $0x2800  }
0x149: {  	s20 =	sld [smem:$0x7F8]  }
0x14a: {  	[sflag:s0] =	ssyncset.done $0x0  }
0x14b: {  	[sflag:s0] =	ssyncadd.s32 $0xFFFFD800  }
0x14c: {  	[spmem:s3] =	stream.indirect.scatter.add.f32 [tilespmem:s29], [sflag:$0x7], $0x80, s20, s26, $0xb8;
	[tilespmem:$0x1FC00] =	vst v63  }
0x14d: {  	_ =	swait.ge [sflag:s6], $0x2800  }
0x14e: {  	s21 =	sld [smem:$0x7FB]  }
0x14f: {  	[sflag:s6] =	ssyncset.done $0x0  }
0x150: {  	[sflag:s6] =	ssyncadd.s32 $0xFFFFD800  }
0x151: {  	[spmem:s3] =	stream.indirect.scatter.add.f32 [tilespmem:s30], [sflag:$0x8], $0x80, s21, s26, $0xb8;
	[tilespmem:$0x1FC00] =	vst v63  }
0x152: {  	_ =	swait.ge [sflag:s7], $0x2800  }
0x153: {  	s24 =	sld [smem:$0x7FC]  }
0x154: {  	[sflag:s7] =	ssyncset.done $0x0  }
0x155: {  	[sflag:s7] =	ssyncadd.s32 $0xFFFFD800  }
0x156: {  	[tilespmem:s22], [sflag:$0x1] =	stream.indirect.gather [hbm4b:s2+s26], $0x80, s24, s26, $0xb8;
	[tilespmem:$0x1FC00] =	vst v63  }
0x157: {  	_ =	swait.ge [sflag:s8], $0x2800  }
0x158: {  	[sflag:s8] =	ssyncset.done $0x0  }
0x159: {  	[sflag:s8] =	ssyncadd.s32 $0xFFFFD800  }
0x15a: {  	[tilespmem:s28], [sflag:$0x2] =	stream.indirect.gather [hbm4b:s2+s26], $0x80, s11, s26, $0xb8;
	[tilespmem:$0x1FC00] =	vst v63  }
0x15b: {  	_ =	swait.ge [sflag:s9], $0x2800  }
0x15c: {  	[sflag:s9] =	ssyncset.done $0x0  }
0x15d: {  	[sflag:s9] =	ssyncadd.s32 $0xFFFFD800  }
0x15e: {  	[tilespmem:s29], [sflag:$0x3] =	stream.indirect.gather [hbm4b:s2+s26], $0x80, s12, s26, $0xb8;
	[tilespmem:$0x1FC00] =	vst v63  }
0x15f: {  	_ =	swait.ge [sflag:s10], $0x2800  }
0x160: {  	[sflag:s10] =	ssyncset.done $0x0  }
0x161: {  	[sflag:s10] =	ssyncadd.s32 $0xFFFFD800  }
0x162: {  	[tilespmem:s30], [sflag:$0x4] =	stream.indirect.gather [hbm4b:s2+s26], $0x80, s13, s26, $0xb8;
	[tilespmem:$0x1FC00] =	vst v63  }
0x163: {  	_ =	swait.ge [sflag:s31], $0x2800  }
0x164: {  	[sflag:s31] =	ssyncset.done $0x0  }
0x165: {  	[sflag:s31] =	ssyncadd.s32 $0xFFFFD800  }
0x166: {  	[spmem:s3] =	stream.indirect.scatter.add.f32 [tilespmem:s22], [sflag:$0x5], $0x80, s14, s26, $0xb8;
	[tilespmem:$0x1FC00] =	vst v63  }
0x167: {  	_ =	swait.ge [sflag:s1], $0x2800  }
0x168: {  	[sflag:s1] =	ssyncset.done $0x0  }
0x169: {  	[sflag:s1] =	ssyncadd.s32 $0xFFFFD800  }
0x16a: {  	[spmem:s3] =	stream.indirect.scatter.add.f32 [tilespmem:s28], [sflag:$0x6], $0x80, s15, s26, $0xb8;
	[tilespmem:$0x1FC00] =	vst v63  }
0x16b: {  	_ =	swait.ge [sflag:s0], $0x2800  }
0x16c: {  	[sflag:s0] =	ssyncset.done $0x0  }
0x16d: {  	[sflag:s0] =	ssyncadd.s32 $0xFFFFD800  }
0x16e: {  	[spmem:s3] =	stream.indirect.scatter.add.f32 [tilespmem:s29], [sflag:$0x7], $0x80, s16, s26, $0xb8;
	[tilespmem:$0x1FC00] =	vst v63  }
0x16f: {  	_ =	swait.ge [sflag:s6], $0x2800  }
0x170: {  	[sflag:s6] =	ssyncset.done $0x0  }
0x171: {  	[sflag:s6] =	ssyncadd.s32 $0xFFFFD800  }
0x172: {  	[spmem:s3] =	stream.indirect.scatter.add.f32 [tilespmem:s30], [sflag:$0x8], $0x80, s17, s26, $0xb8;
	[tilespmem:$0x1FC00] =	vst v63  }
0x173: {  	_ =	swait.ge [sflag:s7], $0x2800  }
0x174: {  	[sflag:s7] =	ssyncset.done $0x0  }
0x175: {  	[sflag:s7] =	ssyncadd.s32 $0xFFFFD800  }
0x176: {  	[tilespmem:s22], [sflag:$0x1] =	stream.indirect.gather [hbm4b:s2+s26], $0x80, s18, s26, $0xb8;
	[tilespmem:$0x1FC00] =	vst v63  }
0x177: {  	_ =	swait.ge [sflag:s8], $0x2800  }
0x178: {  	[sflag:s8] =	ssyncset.done $0x0  }
0x179: {  	[sflag:s8] =	ssyncadd.s32 $0xFFFFD800  }
0x17a: {  	_ =	swait.ge [sflag:s9], $0x2800  }
0x17b: {  	[sflag:s9] =	ssyncset.done $0x0  }
0x17c: {  	[sflag:s9] =	ssyncadd.s32 $0xFFFFD800  }
0x17d: {  	_ =	swait.ge [sflag:s10], $0x2800  }
0x17e: {  	[sflag:s10] =	ssyncset.done $0x0  }
0x17f: {  	[sflag:s10] =	ssyncadd.s32 $0xFFFFD800  }
0x180: {  	_ =	swait.ge [sflag:s31], $0x2800  }
0x181: {  	[sflag:s31] =	ssyncset.done $0x0  }
0x182: {  	[sflag:s31] =	ssyncadd.s32 $0xFFFFD800  }
0x183: {  	[spmem:s3] =	stream.indirect.scatter.add.f32 [tilespmem:s22], [sflag:$0x5], $0x80, s19, s26, $0xb8;
	[tilespmem:$0x1FC00] =	vst v63  }
0x184: {  	s21 =	simm.s32 $0x200;
	_ =	swait.ge [sflag:s7], $0x2800  }
0x185: {  	s24 =	simm.s32 $0x400;
	s5 =	rddreg [dreg:$0x5];
	[sflag:s7] =	ssyncset.done $0x0  }
.LBB2_4:
0x186: {  	[sflag:s7] =	ssyncadd.s32 $0xFFFFD800;
	s5 =	sadd.s32 s21, s5  }
0x187: {  	[tilespmem:s4], [sflag:$0x9] =	stream.linear.gather [hbm4b:s5+s4], $0xC80, $0x38;
	[tilespmem:$0x1FC00] =	vst v63  }
0x188: {  	_ =	swait.ge [sflag:s23], $0xC80  }
0x189: {  	s5 =	rddreg [dreg:$0x4];
	[sflag:s23] =	ssyncset.done $0x0  }
0x18a: {  	[sflag:s23] =	ssyncadd.s32 $0xFFFFF380;
	s5 =	sadd.s32 s21, s5  }
0x18b: {  	[tilespmem:s25], [sflag:$0x9] =	stream.linear.gather [hbm4b:s5+s4], $0xC80, $0x38;
	[tilespmem:$0x1FC00] =	vst v63  }
0x18c: {  	_ =	swait.ge [sflag:s23], $0xC80  }
0x18d: {  	[sflag:s23] =	ssyncset.done $0x0  }
0x18e: {  	[sflag:s23] =	ssyncadd.s32 $0xFFFFF380  }
0x18f: {  	[tilespmem:s22], [sflag:$0x1] =	stream.indirect.gather [hbm4b:s2+s26], $0x80, s4, s26, $0xb8;
	[tilespmem:$0x1FC00] =	vst v63  }
0x190: {  	s20 =	smov.u32 s24;
	s5 =	rddreg [dreg:$0x6]  }
0x191: {  	[tilespmem:s28], [sflag:$0x2] =	stream.indirect.gather [hbm4b:s2+s26], $0x80, s5, s26, $0xb8;
	[tilespmem:$0x1FC00] =	vst v63  }
0x192: {  	s21 =	smov.u32 s20;
	s20 =	rddreg [dreg:$0x7]  }
0x193: {  	[tilespmem:s29], [sflag:$0x3] =	stream.indirect.gather [hbm4b:s2+s26], $0x80, s20, s26, $0xb8;
	[tilespmem:$0x1FC00] =	vst v63  }
0x194: {  	s5 =	rddreg [dreg:$0x8]  }
0x195: {  	[tilespmem:s30], [sflag:$0x4] =	stream.indirect.gather [hbm4b:s2+s26], $0x80, s5, s26, $0xb8;
	[tilespmem:$0x1FC00] =	vst v63  }
0x196: {  	_ =	swait.ge [sflag:s31], $0x2800  }
0x197: {  	[sflag:s31] =	ssyncset.done $0x0  }
0x198: {  	[sflag:s31] =	ssyncadd.s32 $0xFFFFD800  }
0x199: {  	[spmem:s3] =	stream.indirect.scatter.add.f32 [tilespmem:s22], [sflag:$0x5], $0x80, s25, s26, $0xb8;
	[tilespmem:$0x1FC00] =	vst v63  }
0x19a: {  	_ =	swait.ge [sflag:s1], $0x2800  }
0x19b: {  	[sflag:s1] =	ssyncset.done $0x0  }
0x19c: {  	s20 =	rddreg [dreg:$0x9];
	[sflag:s1] =	ssyncadd.s32 $0xFFFFD800  }
0x19d: {  	[spmem:s3] =	stream.indirect.scatter.add.f32 [tilespmem:s28], [sflag:$0x6], $0x80, s20, s26, $0xb8;
	[tilespmem:$0x1FC00] =	vst v63  }
0x19e: {  	_ =	swait.ge [sflag:s0], $0x2800  }
0x19f: {  	[sflag:s0] =	ssyncset.done $0x0  }
0x1a0: {  	s20 =	rddreg [dreg:$0xa];
	[sflag:s0] =	ssyncadd.s32 $0xFFFFD800  }
0x1a1: {  	[spmem:s3] =	stream.indirect.scatter.add.f32 [tilespmem:s29], [sflag:$0x7], $0x80, s20, s26, $0xb8;
	[tilespmem:$0x1FC00] =	vst v63  }
0x1a2: {  	_ =	swait.ge [sflag:s6], $0x2800  }
0x1a3: {  	[sflag:s6] =	ssyncset.done $0x0  }
0x1a4: {  	s20 =	rddreg [dreg:$0xb];
	[sflag:s6] =	ssyncadd.s32 $0xFFFFD800  }
0x1a5: {  	[spmem:s3] =	stream.indirect.scatter.add.f32 [tilespmem:s30], [sflag:$0x8], $0x80, s20, s26, $0xb8;
	[tilespmem:$0x1FC00] =	vst v63  }
0x1a6: {  	_ =	swait.ge [sflag:s7], $0x2800  }
0x1a7: {  	[sflag:s7] =	ssyncset.done $0x0  }
0x1a8: {  	s20 =	rddreg [dreg:$0xc];
	[sflag:s7] =	ssyncadd.s32 $0xFFFFD800  }
0x1a9: {  	[tilespmem:s22], [sflag:$0x1] =	stream.indirect.gather [hbm4b:s2+s26], $0x80, s20, s26, $0xb8;
	[tilespmem:$0x1FC00] =	vst v63  }
0x1aa: {  	_ =	swait.ge [sflag:s8], $0x2800  }
0x1ab: {  	[sflag:s8] =	ssyncset.done $0x0  }
0x1ac: {  	s20 =	rddreg [dreg:$0xd];
	[sflag:s8] =	ssyncadd.s32 $0xFFFFD800  }
0x1ad: {  	[tilespmem:s28], [sflag:$0x2] =	stream.indirect.gather [hbm4b:s2+s26], $0x80, s20, s26, $0xb8;
	[tilespmem:$0x1FC00] =	vst v63  }
0x1ae: {  	_ =	swait.ge [sflag:s9], $0x2800  }
0x1af: {  	[sflag:s9] =	ssyncset.done $0x0  }
0x1b0: {  	s20 =	rddreg [dreg:$0xe];
	[sflag:s9] =	ssyncadd.s32 $0xFFFFD800  }
0x1b1: {  	[tilespmem:s29], [sflag:$0x3] =	stream.indirect.gather [hbm4b:s2+s26], $0x80, s20, s26, $0xb8;
	[tilespmem:$0x1FC00] =	vst v63  }
0x1b2: {  	_ =	swait.ge [sflag:s10], $0x2800  }
0x1b3: {  	[sflag:s10] =	ssyncset.done $0x0  }
0x1b4: {  	s20 =	rddreg [dreg:$0xf];
	[sflag:s10] =	ssyncadd.s32 $0xFFFFD800  }
0x1b5: {  	[tilespmem:s30], [sflag:$0x4] =	stream.indirect.gather [hbm4b:s2+s26], $0x80, s20, s26, $0xb8;
	[tilespmem:$0x1FC00] =	vst v63  }
0x1b6: {  	_ =	swait.ge [sflag:s31], $0x2800  }
0x1b7: {  	[sflag:s31] =	ssyncset.done $0x0  }
0x1b8: {  	s20 =	rddreg [dreg:$0x10];
	[sflag:s31] =	ssyncadd.s32 $0xFFFFD800  }
0x1b9: {  	[spmem:s3] =	stream.indirect.scatter.add.f32 [tilespmem:s22], [sflag:$0x5], $0x80, s20, s26, $0xb8;
	[tilespmem:$0x1FC00] =	vst v63  }
0x1ba: {  	_ =	swait.ge [sflag:s1], $0x2800  }
0x1bb: {  	[sflag:s1] =	ssyncset.done $0x0  }
0x1bc: {  	s20 =	rddreg [dreg:$0x11];
	[sflag:s1] =	ssyncadd.s32 $0xFFFFD800  }
0x1bd: {  	[spmem:s3] =	stream.indirect.scatter.add.f32 [tilespmem:s28], [sflag:$0x6], $0x80, s20, s26, $0xb8;
	[tilespmem:$0x1FC00] =	vst v63  }
0x1be: {  	_ =	swait.ge [sflag:s0], $0x2800  }
0x1bf: {  	[sflag:s0] =	ssyncset.done $0x0  }
0x1c0: {  	s20 =	rddreg [dreg:$0x12];
	[sflag:s0] =	ssyncadd.s32 $0xFFFFD800  }
0x1c1: {  	[spmem:s3] =	stream.indirect.scatter.add.f32 [tilespmem:s29], [sflag:$0x7], $0x80, s20, s26, $0xb8;
	[tilespmem:$0x1FC00] =	vst v63  }
0x1c2: {  	_ =	swait.ge [sflag:s6], $0x2800  }
0x1c3: {  	[sflag:s6] =	ssyncset.done $0x0  }
0x1c4: {  	s20 =	rddreg [dreg:$0x13];
	[sflag:s6] =	ssyncadd.s32 $0xFFFFD800  }
0x1c5: {  	[spmem:s3] =	stream.indirect.scatter.add.f32 [tilespmem:s30], [sflag:$0x8], $0x80, s20, s26, $0xb8;
	[tilespmem:$0x1FC00] =	vst v63  }
0x1c6: {  	_ =	swait.ge [sflag:s7], $0x2800  }
0x1c7: {  	[sflag:s7] =	ssyncset.done $0x0  }
0x1c8: {  	s20 =	rddreg [dreg:$0x14];
	[sflag:s7] =	ssyncadd.s32 $0xFFFFD800  }
0x1c9: {  	[tilespmem:s22], [sflag:$0x1] =	stream.indirect.gather [hbm4b:s2+s26], $0x80, s20, s26, $0xb8;
	[tilespmem:$0x1FC00] =	vst v63  }
0x1ca: {  	_ =	swait.ge [sflag:s8], $0x2800  }
0x1cb: {  	[sflag:s8] =	ssyncset.done $0x0  }
0x1cc: {  	s20 =	rddreg [dreg:$0x15];
	[sflag:s8] =	ssyncadd.s32 $0xFFFFD800  }
0x1cd: {  	[tilespmem:s28], [sflag:$0x2] =	stream.indirect.gather [hbm4b:s2+s26], $0x80, s20, s26, $0xb8;
	[tilespmem:$0x1FC00] =	vst v63  }
0x1ce: {  	_ =	swait.ge [sflag:s9], $0x2800  }
0x1cf: {  	[sflag:s9] =	ssyncset.done $0x0  }
0x1d0: {  	s20 =	rddreg [dreg:$0x16];
	[sflag:s9] =	ssyncadd.s32 $0xFFFFD800  }
0x1d1: {  	[tilespmem:s29], [sflag:$0x3] =	stream.indirect.gather [hbm4b:s2+s26], $0x80, s20, s26, $0xb8;
	[tilespmem:$0x1FC00] =	vst v63  }
0x1d2: {  	_ =	swait.ge [sflag:s10], $0x2800  }
0x1d3: {  	[sflag:s10] =	ssyncset.done $0x0  }
0x1d4: {  	s20 =	rddreg [dreg:$0x17];
	[sflag:s10] =	ssyncadd.s32 $0xFFFFD800  }
0x1d5: {  	[tilespmem:s30], [sflag:$0x4] =	stream.indirect.gather [hbm4b:s2+s26], $0x80, s20, s26, $0xb8;
	[tilespmem:$0x1FC00] =	vst v63  }
0x1d6: {  	_ =	swait.ge [sflag:s31], $0x2800  }
0x1d7: {  	[sflag:s31] =	ssyncset.done $0x0  }
0x1d8: {  	s20 =	rddreg [dreg:$0x18];
	[sflag:s31] =	ssyncadd.s32 $0xFFFFD800  }
0x1d9: {  	[spmem:s3] =	stream.indirect.scatter.add.f32 [tilespmem:s22], [sflag:$0x5], $0x80, s20, s26, $0xb8;
	[tilespmem:$0x1FC00] =	vst v63  }
0x1da: {  	_ =	swait.ge [sflag:s1], $0x2800  }
0x1db: {  	[sflag:s1] =	ssyncset.done $0x0  }
0x1dc: {  	s20 =	rddreg [dreg:$0x19];
	[sflag:s1] =	ssyncadd.s32 $0xFFFFD800  }
0x1dd: {  	[spmem:s3] =	stream.indirect.scatter.add.f32 [tilespmem:s28], [sflag:$0x6], $0x80, s20, s26, $0xb8;
	[tilespmem:$0x1FC00] =	vst v63  }
0x1de: {  	_ =	swait.ge [sflag:s0], $0x2800  }
0x1df: {  	[sflag:s0] =	ssyncset.done $0x0  }
0x1e0: {  	s20 =	rddreg [dreg:$0x1a];
	[sflag:s0] =	ssyncadd.s32 $0xFFFFD800  }
0x1e1: {  	[spmem:s3] =	stream.indirect.scatter.add.f32 [tilespmem:s29], [sflag:$0x7], $0x80, s20, s26, $0xb8;
	[tilespmem:$0x1FC00] =	vst v63  }
0x1e2: {  	_ =	swait.ge [sflag:s6], $0x2800  }
0x1e3: {  	[sflag:s6] =	ssyncset.done $0x0  }
0x1e4: {  	s20 =	rddreg [dreg:$0x1b];
	[sflag:s6] =	ssyncadd.s32 $0xFFFFD800  }
0x1e5: {  	[spmem:s3] =	stream.indirect.scatter.add.f32 [tilespmem:s30], [sflag:$0x8], $0x80, s20, s26, $0xb8;
	[tilespmem:$0x1FC00] =	vst v63  }
0x1e6: {  	_ =	swait.ge [sflag:s7], $0x2800  }
0x1e7: {  	[sflag:s7] =	ssyncset.done $0x0  }
0x1e8: {  	s20 =	rddreg [dreg:$0x1c];
	[sflag:s7] =	ssyncadd.s32 $0xFFFFD800  }
0x1e9: {  	[tilespmem:s22], [sflag:$0x1] =	stream.indirect.gather [hbm4b:s2+s26], $0x80, s20, s26, $0xb8;
	[tilespmem:$0x1FC00] =	vst v63  }
0x1ea: {  	_ =	swait.ge [sflag:s8], $0x2800  }
0x1eb: {  	[sflag:s8] =	ssyncset.done $0x0  }
0x1ec: {  	s20 =	rddreg [dreg:$0x1d];
	[sflag:s8] =	ssyncadd.s32 $0xFFFFD800  }
0x1ed: {  	[tilespmem:s28], [sflag:$0x2] =	stream.indirect.gather [hbm4b:s2+s26], $0x80, s20, s26, $0xb8;
	[tilespmem:$0x1FC00] =	vst v63  }
0x1ee: {  	_ =	swait.ge [sflag:s9], $0x2800  }
0x1ef: {  	[sflag:s9] =	ssyncset.done $0x0  }
0x1f0: {  	s20 =	rddreg [dreg:$0x1e];
	[sflag:s9] =	ssyncadd.s32 $0xFFFFD800  }
0x1f1: {  	[tilespmem:s29], [sflag:$0x3] =	stream.indirect.gather [hbm4b:s2+s26], $0x80, s20, s26, $0xb8;
	[tilespmem:$0x1FC00] =	vst v63  }
0x1f2: {  	_ =	swait.ge [sflag:s10], $0x2800  }
0x1f3: {  	[sflag:s10] =	ssyncset.done $0x0  }
0x1f4: {  	s20 =	rddreg [dreg:$0x1f];
	[sflag:s10] =	ssyncadd.s32 $0xFFFFD800  }
0x1f5: {  	[tilespmem:s30], [sflag:$0x4] =	stream.indirect.gather [hbm4b:s2+s26], $0x80, s20, s26, $0xb8;
	[tilespmem:$0x1FC00] =	vst v63  }
0x1f6: {  	_ =	swait.ge [sflag:s31], $0x2800  }
0x1f7: {  	s20 =	sld [smem:$0x7E4]  }
0x1f8: {  	[sflag:s31] =	ssyncset.done $0x0  }
0x1f9: {  	[sflag:s31] =	ssyncadd.s32 $0xFFFFD800  }
0x1fa: {  	[spmem:s3] =	stream.indirect.scatter.add.f32 [tilespmem:s22], [sflag:$0x5], $0x80, s20, s26, $0xb8;
	[tilespmem:$0x1FC00] =	vst v63  }
0x1fb: {  	_ =	swait.ge [sflag:s1], $0x2800  }
0x1fc: {  	s20 =	sld [smem:$0x7E6]  }
0x1fd: {  	[sflag:s1] =	ssyncset.done $0x0  }
0x1fe: {  	[sflag:s1] =	ssyncadd.s32 $0xFFFFD800  }
0x1ff: {  	[spmem:s3] =	stream.indirect.scatter.add.f32 [tilespmem:s28], [sflag:$0x6], $0x80, s20, s26, $0xb8;
	[tilespmem:$0x1FC00] =	vst v63  }
0x200: {  	_ =	swait.ge [sflag:s0], $0x2800  }
0x201: {  	s20 =	sld [smem:$0x7E8]  }
0x202: {  	[sflag:s0] =	ssyncset.done $0x0  }
0x203: {  	[sflag:s0] =	ssyncadd.s32 $0xFFFFD800  }
0x204: {  	[spmem:s3] =	stream.indirect.scatter.add.f32 [tilespmem:s29], [sflag:$0x7], $0x80, s20, s26, $0xb8;
	[tilespmem:$0x1FC00] =	vst v63  }
0x205: {  	_ =	swait.ge [sflag:s6], $0x2800  }
0x206: {  	s20 =	sld [smem:$0x7EA]  }
0x207: {  	[sflag:s6] =	ssyncset.done $0x0  }
0x208: {  	[sflag:s6] =	ssyncadd.s32 $0xFFFFD800  }
0x209: {  	[spmem:s3] =	stream.indirect.scatter.add.f32 [tilespmem:s30], [sflag:$0x8], $0x80, s20, s26, $0xb8;
	[tilespmem:$0x1FC00] =	vst v63  }
0x20a: {  	_ =	swait.ge [sflag:s7], $0x2800  }
0x20b: {  	s20 =	sld [smem:$0x7EC]  }
0x20c: {  	[sflag:s7] =	ssyncset.done $0x0  }
0x20d: {  	[sflag:s7] =	ssyncadd.s32 $0xFFFFD800  }
0x20e: {  	[tilespmem:s22], [sflag:$0x1] =	stream.indirect.gather [hbm4b:s2+s26], $0x80, s20, s26, $0xb8;
	[tilespmem:$0x1FC00] =	vst v63  }
0x20f: {  	_ =	swait.ge [sflag:s8], $0x2800  }
0x210: {  	s20 =	sld [smem:$0x7EE]  }
0x211: {  	[sflag:s8] =	ssyncset.done $0x0  }
0x212: {  	[sflag:s8] =	ssyncadd.s32 $0xFFFFD800  }
0x213: {  	[tilespmem:s28], [sflag:$0x2] =	stream.indirect.gather [hbm4b:s2+s26], $0x80, s20, s26, $0xb8;
	[tilespmem:$0x1FC00] =	vst v63  }
0x214: {  	_ =	swait.ge [sflag:s9], $0x2800  }
0x215: {  	s20 =	sld [smem:$0x7F0]  }
0x216: {  	[sflag:s9] =	ssyncset.done $0x0  }
0x217: {  	[sflag:s9] =	ssyncadd.s32 $0xFFFFD800  }
0x218: {  	[tilespmem:s29], [sflag:$0x3] =	stream.indirect.gather [hbm4b:s2+s26], $0x80, s20, s26, $0xb8;
	[tilespmem:$0x1FC00] =	vst v63  }
0x219: {  	_ =	swait.ge [sflag:s10], $0x2800  }
0x21a: {  	s20 =	sld [smem:$0x7F2]  }
0x21b: {  	[sflag:s10] =	ssyncset.done $0x0  }
0x21c: {  	[sflag:s10] =	ssyncadd.s32 $0xFFFFD800  }
0x21d: {  	[tilespmem:s30], [sflag:$0x4] =	stream.indirect.gather [hbm4b:s2+s26], $0x80, s20, s26, $0xb8;
	[tilespmem:$0x1FC00] =	vst v63  }
0x21e: {  	_ =	swait.ge [sflag:s31], $0x2800  }
0x21f: {  	s20 =	sld [smem:$0x7F4]  }
0x220: {  	[sflag:s31] =	ssyncset.done $0x0  }
0x221: {  	[sflag:s31] =	ssyncadd.s32 $0xFFFFD800  }
0x222: {  	[spmem:s3] =	stream.indirect.scatter.add.f32 [tilespmem:s22], [sflag:$0x5], $0x80, s20, s26, $0xb8;
	[tilespmem:$0x1FC00] =	vst v63  }
0x223: {  	_ =	swait.ge [sflag:s1], $0x2800  }
0x224: {  	s20 =	sld [smem:$0x7F6]  }
0x225: {  	[sflag:s1] =	ssyncset.done $0x0  }
0x226: {  	[sflag:s1] =	ssyncadd.s32 $0xFFFFD800  }
0x227: {  	[spmem:s3] =	stream.indirect.scatter.add.f32 [tilespmem:s28], [sflag:$0x6], $0x80, s20, s26, $0xb8;
	[tilespmem:$0x1FC00] =	vst v63  }
0x228: {  	_ =	swait.ge [sflag:s0], $0x2800  }
0x229: {  	s20 =	sld [smem:$0x7F8]  }
0x22a: {  	[sflag:s0] =	ssyncset.done $0x0  }
0x22b: {  	[sflag:s0] =	ssyncadd.s32 $0xFFFFD800  }
0x22c: {  	[spmem:s3] =	stream.indirect.scatter.add.f32 [tilespmem:s29], [sflag:$0x7], $0x80, s20, s26, $0xb8;
	[tilespmem:$0x1FC00] =	vst v63  }
0x22d: {  	_ =	swait.ge [sflag:s6], $0x2800  }
0x22e: {  	s20 =	sld [smem:$0x7FB]  }
0x22f: {  	[sflag:s6] =	ssyncset.done $0x0  }
0x230: {  	[sflag:s6] =	ssyncadd.s32 $0xFFFFD800  }
0x231: {  	[spmem:s3] =	stream.indirect.scatter.add.f32 [tilespmem:s30], [sflag:$0x8], $0x80, s20, s26, $0xb8;
	[tilespmem:$0x1FC00] =	vst v63  }
0x232: {  	_ =	swait.ge [sflag:s7], $0x2800  }
0x233: {  	s20 =	sld [smem:$0x7FC]  }
0x234: {  	[sflag:s7] =	ssyncset.done $0x0  }
0x235: {  	[sflag:s7] =	ssyncadd.s32 $0xFFFFD800  }
0x236: {  	[tilespmem:s22], [sflag:$0x1] =	stream.indirect.gather [hbm4b:s2+s26], $0x80, s20, s26, $0xb8;
	[tilespmem:$0x1FC00] =	vst v63  }
0x237: {  	_ =	swait.ge [sflag:s8], $0x2800  }
0x238: {  	[sflag:s8] =	ssyncset.done $0x0  }
0x239: {  	[sflag:s8] =	ssyncadd.s32 $0xFFFFD800  }
0x23a: {  	[tilespmem:s28], [sflag:$0x2] =	stream.indirect.gather [hbm4b:s2+s26], $0x80, s11, s26, $0xb8;
	[tilespmem:$0x1FC00] =	vst v63  }
0x23b: {  	_ =	swait.ge [sflag:s9], $0x2800  }
0x23c: {  	[sflag:s9] =	ssyncset.done $0x0  }
0x23d: {  	[sflag:s9] =	ssyncadd.s32 $0xFFFFD800  }
0x23e: {  	[tilespmem:s29], [sflag:$0x3] =	stream.indirect.gather [hbm4b:s2+s26], $0x80, s12, s26, $0xb8;
	[tilespmem:$0x1FC00] =	vst v63  }
0x23f: {  	_ =	swait.ge [sflag:s10], $0x2800  }
0x240: {  	[sflag:s10] =	ssyncset.done $0x0  }
0x241: {  	[sflag:s10] =	ssyncadd.s32 $0xFFFFD800  }
0x242: {  	[tilespmem:s30], [sflag:$0x4] =	stream.indirect.gather [hbm4b:s2+s26], $0x80, s13, s26, $0xb8;
	[tilespmem:$0x1FC00] =	vst v63  }
0x243: {  	_ =	swait.ge [sflag:s31], $0x2800  }
0x244: {  	[sflag:s31] =	ssyncset.done $0x0  }
0x245: {  	[sflag:s31] =	ssyncadd.s32 $0xFFFFD800  }
0x246: {  	[spmem:s3] =	stream.indirect.scatter.add.f32 [tilespmem:s22], [sflag:$0x5], $0x80, s14, s26, $0xb8;
	[tilespmem:$0x1FC00] =	vst v63  }
0x247: {  	_ =	swait.ge [sflag:s1], $0x2800  }
0x248: {  	[sflag:s1] =	ssyncset.done $0x0  }
0x249: {  	[sflag:s1] =	ssyncadd.s32 $0xFFFFD800  }
0x24a: {  	[spmem:s3] =	stream.indirect.scatter.add.f32 [tilespmem:s28], [sflag:$0x6], $0x80, s15, s26, $0xb8;
	[tilespmem:$0x1FC00] =	vst v63  }
0x24b: {  	_ =	swait.ge [sflag:s0], $0x2800  }
0x24c: {  	[sflag:s0] =	ssyncset.done $0x0  }
0x24d: {  	[sflag:s0] =	ssyncadd.s32 $0xFFFFD800  }
0x24e: {  	[spmem:s3] =	stream.indirect.scatter.add.f32 [tilespmem:s29], [sflag:$0x7], $0x80, s16, s26, $0xb8;
	[tilespmem:$0x1FC00] =	vst v63  }
0x24f: {  	_ =	swait.ge [sflag:s6], $0x2800  }
0x250: {  	[sflag:s6] =	ssyncset.done $0x0  }
0x251: {  	[sflag:s6] =	ssyncadd.s32 $0xFFFFD800  }
0x252: {  	[spmem:s3] =	stream.indirect.scatter.add.f32 [tilespmem:s30], [sflag:$0x8], $0x80, s17, s26, $0xb8;
	[tilespmem:$0x1FC00] =	vst v63  }
0x253: {  	_ =	swait.ge [sflag:s7], $0x2800  }
0x254: {  	[sflag:s7] =	ssyncset.done $0x0  }
0x255: {  	[sflag:s7] =	ssyncadd.s32 $0xFFFFD800  }
0x256: {  	[tilespmem:s22], [sflag:$0x1] =	stream.indirect.gather [hbm4b:s2+s26], $0x80, s18, s26, $0xb8;
	[tilespmem:$0x1FC00] =	vst v63  }
0x257: {  	_ =	swait.ge [sflag:s8], $0x2800  }
0x258: {  	[sflag:s8] =	ssyncset.done $0x0  }
0x259: {  	[sflag:s8] =	ssyncadd.s32 $0xFFFFD800  }
0x25a: {  	_ =	swait.ge [sflag:s9], $0x2800  }
0x25b: {  	[sflag:s9] =	ssyncset.done $0x0  }
0x25c: {  	[sflag:s9] =	ssyncadd.s32 $0xFFFFD800  }
0x25d: {  	_ =	swait.ge [sflag:s10], $0x2800  }
0x25e: {  	[sflag:s10] =	ssyncset.done $0x0  }
0x25f: {  	[sflag:s10] =	ssyncadd.s32 $0xFFFFD800  }
0x260: {  	p0 =	sne.s32 s24, $0x800;
	_ =	swait.ge [sflag:s31], $0x2800  }
.Ltmp1:
0x261: {  	[sflag:s31] =	ssyncset.done $0x0;
	(pc) =	sbr.rel @p0 .LBB2_4-.Ltmp1, $4  }
0x262: {  	[sflag:s31] =	ssyncadd.s32 $0xFFFFD800  }
0x263: {  	[spmem:s3] =	stream.indirect.scatter.add.f32 [tilespmem:s22], [sflag:$0x5], $0x80, s19, s26, $0xb8;
	[tilespmem:$0x1FC00] =	vst v63  }
0x264: {  	_ =	swait.ge [sflag:s7], $0x2800  }
0x265: {  	s24 =	sadd.s32 $0x200, s24;
	s5 =	rddreg [dreg:$0x5];
	[sflag:s7] =	ssyncset.done $0x0  }
0x266: {  	[sflag:s7] =	ssyncadd.s32 $0xFFFFD800;
	s5 =	sadd.s32 s21, s5  }
0x267: {  	[tilespmem:s4], [sflag:$0x9] =	stream.linear.gather [hbm4b:s5+s4], $0xC80, $0x38;
	[tilespmem:$0x1FC00] =	vst v63  }
0x268: {  	_ =	swait.ge [sflag:s23], $0xC80  }
0x269: {  	s20 =	rddreg [dreg:$0x4];
	[sflag:s23] =	ssyncset.done $0x0  }
0x26a: {  	[sflag:s23] =	ssyncadd.s32 $0xFFFFF380;
	s5 =	sadd.s32 s21, s20  }
0x26b: {  	[tilespmem:s25], [sflag:$0x9] =	stream.linear.gather [hbm4b:s5+s4], $0xC80, $0x38;
	[tilespmem:$0x1FC00] =	vst v63  }
0x26c: {  	_ =	swait.ge [sflag:s23], $0xC80  }
0x26d: {  	[sflag:s23] =	ssyncset.done $0x0  }
0x26e: {  	[sflag:s23] =	ssyncadd.s32 $0xFFFFF380  }
0x26f: {  	[tilespmem:s22], [sflag:$0x1] =	stream.indirect.gather [hbm4b:s2+s26], $0x80, s4, s26, $0xb8;
	[tilespmem:$0x1FC00] =	vst v63  }
0x270: {  	s21 =	rddreg [dreg:$0x6]  }
0x271: {  	[tilespmem:s28], [sflag:$0x2] =	stream.indirect.gather [hbm4b:s2+s26], $0x80, s21, s26, $0xb8;
	[tilespmem:$0x1FC00] =	vst v63  }
0x272: {  	s20 =	rddreg [dreg:$0x7]  }
0x273: {  	[tilespmem:s29], [sflag:$0x3] =	stream.indirect.gather [hbm4b:s2+s26], $0x80, s20, s26, $0xb8;
	[tilespmem:$0x1FC00] =	vst v63  }
0x274: {  	s24 =	rddreg [dreg:$0x8]  }
0x275: {  	[tilespmem:s30], [sflag:$0x4] =	stream.indirect.gather [hbm4b:s2+s26], $0x80, s24, s26, $0xb8;
	[tilespmem:$0x1FC00] =	vst v63  }
0x276: {  	_ =	swait.ge [sflag:s31], $0x2800  }
0x277: {  	[sflag:s31] =	ssyncset.done $0x0  }
0x278: {  	[sflag:s31] =	ssyncadd.s32 $0xFFFFD800  }
0x279: {  	[spmem:s3] =	stream.indirect.scatter.add.f32 [tilespmem:s22], [sflag:$0x5], $0x80, s25, s26, $0xb8;
	[tilespmem:$0x1FC00] =	vst v63  }
0x27a: {  	_ =	swait.ge [sflag:s1], $0x2800  }
0x27b: {  	[sflag:s1] =	ssyncset.done $0x0  }
0x27c: {  	s20 =	rddreg [dreg:$0x9];
	[sflag:s1] =	ssyncadd.s32 $0xFFFFD800  }
0x27d: {  	[spmem:s3] =	stream.indirect.scatter.add.f32 [tilespmem:s28], [sflag:$0x6], $0x80, s20, s26, $0xb8;
	[tilespmem:$0x1FC00] =	vst v63  }
0x27e: {  	_ =	swait.ge [sflag:s0], $0x2800  }
0x27f: {  	[sflag:s0] =	ssyncset.done $0x0  }
0x280: {  	s21 =	rddreg [dreg:$0xa];
	[sflag:s0] =	ssyncadd.s32 $0xFFFFD800  }
0x281: {  	[spmem:s3] =	stream.indirect.scatter.add.f32 [tilespmem:s29], [sflag:$0x7], $0x80, s21, s26, $0xb8;
	[tilespmem:$0x1FC00] =	vst v63  }
0x282: {  	_ =	swait.ge [sflag:s6], $0x2800  }
0x283: {  	[sflag:s6] =	ssyncset.done $0x0  }
0x284: {  	s24 =	rddreg [dreg:$0xb];
	[sflag:s6] =	ssyncadd.s32 $0xFFFFD800  }
0x285: {  	[spmem:s3] =	stream.indirect.scatter.add.f32 [tilespmem:s30], [sflag:$0x8], $0x80, s24, s26, $0xb8;
	[tilespmem:$0x1FC00] =	vst v63  }
0x286: {  	_ =	swait.ge [sflag:s7], $0x2800  }
0x287: {  	[sflag:s7] =	ssyncset.done $0x0  }
0x288: {  	s20 =	rddreg [dreg:$0xc];
	[sflag:s7] =	ssyncadd.s32 $0xFFFFD800  }
0x289: {  	[tilespmem:s22], [sflag:$0x1] =	stream.indirect.gather [hbm4b:s2+s26], $0x80, s20, s26, $0xb8;
	[tilespmem:$0x1FC00] =	vst v63  }
0x28a: {  	_ =	swait.ge [sflag:s8], $0x2800  }
0x28b: {  	[sflag:s8] =	ssyncset.done $0x0  }
0x28c: {  	s21 =	rddreg [dreg:$0xd];
	[sflag:s8] =	ssyncadd.s32 $0xFFFFD800  }
0x28d: {  	[tilespmem:s28], [sflag:$0x2] =	stream.indirect.gather [hbm4b:s2+s26], $0x80, s21, s26, $0xb8;
	[tilespmem:$0x1FC00] =	vst v63  }
0x28e: {  	_ =	swait.ge [sflag:s9], $0x2800  }
0x28f: {  	[sflag:s9] =	ssyncset.done $0x0  }
0x290: {  	s24 =	rddreg [dreg:$0xe];
	[sflag:s9] =	ssyncadd.s32 $0xFFFFD800  }
0x291: {  	[tilespmem:s29], [sflag:$0x3] =	stream.indirect.gather [hbm4b:s2+s26], $0x80, s24, s26, $0xb8;
	[tilespmem:$0x1FC00] =	vst v63  }
0x292: {  	_ =	swait.ge [sflag:s10], $0x2800  }
0x293: {  	[sflag:s10] =	ssyncset.done $0x0  }
0x294: {  	s20 =	rddreg [dreg:$0xf];
	[sflag:s10] =	ssyncadd.s32 $0xFFFFD800  }
0x295: {  	[tilespmem:s30], [sflag:$0x4] =	stream.indirect.gather [hbm4b:s2+s26], $0x80, s20, s26, $0xb8;
	[tilespmem:$0x1FC00] =	vst v63  }
0x296: {  	_ =	swait.ge [sflag:s31], $0x2800  }
0x297: {  	[sflag:s31] =	ssyncset.done $0x0  }
0x298: {  	s21 =	rddreg [dreg:$0x10];
	[sflag:s31] =	ssyncadd.s32 $0xFFFFD800  }
0x299: {  	[spmem:s3] =	stream.indirect.scatter.add.f32 [tilespmem:s22], [sflag:$0x5], $0x80, s21, s26, $0xb8;
	[tilespmem:$0x1FC00] =	vst v63  }
0x29a: {  	_ =	swait.ge [sflag:s1], $0x2800  }
0x29b: {  	[sflag:s1] =	ssyncset.done $0x0  }
0x29c: {  	s24 =	rddreg [dreg:$0x11];
	[sflag:s1] =	ssyncadd.s32 $0xFFFFD800  }
0x29d: {  	[spmem:s3] =	stream.indirect.scatter.add.f32 [tilespmem:s28], [sflag:$0x6], $0x80, s24, s26, $0xb8;
	[tilespmem:$0x1FC00] =	vst v63  }
0x29e: {  	_ =	swait.ge [sflag:s0], $0x2800  }
0x29f: {  	[sflag:s0] =	ssyncset.done $0x0  }
0x2a0: {  	s20 =	rddreg [dreg:$0x12];
	[sflag:s0] =	ssyncadd.s32 $0xFFFFD800  }
0x2a1: {  	[spmem:s3] =	stream.indirect.scatter.add.f32 [tilespmem:s29], [sflag:$0x7], $0x80, s20, s26, $0xb8;
	[tilespmem:$0x1FC00] =	vst v63  }
0x2a2: {  	_ =	swait.ge [sflag:s6], $0x2800  }
0x2a3: {  	[sflag:s6] =	ssyncset.done $0x0  }
0x2a4: {  	s21 =	rddreg [dreg:$0x13];
	[sflag:s6] =	ssyncadd.s32 $0xFFFFD800  }
0x2a5: {  	[spmem:s3] =	stream.indirect.scatter.add.f32 [tilespmem:s30], [sflag:$0x8], $0x80, s21, s26, $0xb8;
	[tilespmem:$0x1FC00] =	vst v63  }
0x2a6: {  	_ =	swait.ge [sflag:s7], $0x2800  }
0x2a7: {  	[sflag:s7] =	ssyncset.done $0x0  }
0x2a8: {  	s24 =	rddreg [dreg:$0x14];
	[sflag:s7] =	ssyncadd.s32 $0xFFFFD800  }
0x2a9: {  	[tilespmem:s22], [sflag:$0x1] =	stream.indirect.gather [hbm4b:s2+s26], $0x80, s24, s26, $0xb8;
	[tilespmem:$0x1FC00] =	vst v63  }
0x2aa: {  	_ =	swait.ge [sflag:s8], $0x2800  }
0x2ab: {  	[sflag:s8] =	ssyncset.done $0x0  }
0x2ac: {  	s20 =	rddreg [dreg:$0x15];
	[sflag:s8] =	ssyncadd.s32 $0xFFFFD800  }
0x2ad: {  	[tilespmem:s28], [sflag:$0x2] =	stream.indirect.gather [hbm4b:s2+s26], $0x80, s20, s26, $0xb8;
	[tilespmem:$0x1FC00] =	vst v63  }
0x2ae: {  	_ =	swait.ge [sflag:s9], $0x2800  }
0x2af: {  	[sflag:s9] =	ssyncset.done $0x0  }
0x2b0: {  	s21 =	rddreg [dreg:$0x16];
	[sflag:s9] =	ssyncadd.s32 $0xFFFFD800  }
0x2b1: {  	[tilespmem:s29], [sflag:$0x3] =	stream.indirect.gather [hbm4b:s2+s26], $0x80, s21, s26, $0xb8;
	[tilespmem:$0x1FC00] =	vst v63  }
0x2b2: {  	_ =	swait.ge [sflag:s10], $0x2800  }
0x2b3: {  	[sflag:s10] =	ssyncset.done $0x0  }
0x2b4: {  	s24 =	rddreg [dreg:$0x17];
	[sflag:s10] =	ssyncadd.s32 $0xFFFFD800  }
0x2b5: {  	[tilespmem:s30], [sflag:$0x4] =	stream.indirect.gather [hbm4b:s2+s26], $0x80, s24, s26, $0xb8;
	[tilespmem:$0x1FC00] =	vst v63  }
0x2b6: {  	_ =	swait.ge [sflag:s31], $0x2800  }
0x2b7: {  	[sflag:s31] =	ssyncset.done $0x0  }
0x2b8: {  	s20 =	rddreg [dreg:$0x18];
	[sflag:s31] =	ssyncadd.s32 $0xFFFFD800  }
0x2b9: {  	[spmem:s3] =	stream.indirect.scatter.add.f32 [tilespmem:s22], [sflag:$0x5], $0x80, s20, s26, $0xb8;
	[tilespmem:$0x1FC00] =	vst v63  }
0x2ba: {  	_ =	swait.ge [sflag:s1], $0x2800  }
0x2bb: {  	[sflag:s1] =	ssyncset.done $0x0  }
0x2bc: {  	s21 =	rddreg [dreg:$0x19];
	[sflag:s1] =	ssyncadd.s32 $0xFFFFD800  }
0x2bd: {  	[spmem:s3] =	stream.indirect.scatter.add.f32 [tilespmem:s28], [sflag:$0x6], $0x80, s21, s26, $0xb8;
	[tilespmem:$0x1FC00] =	vst v63  }
0x2be: {  	_ =	swait.ge [sflag:s0], $0x2800  }
0x2bf: {  	[sflag:s0] =	ssyncset.done $0x0  }
0x2c0: {  	s24 =	rddreg [dreg:$0x1a];
	[sflag:s0] =	ssyncadd.s32 $0xFFFFD800  }
0x2c1: {  	[spmem:s3] =	stream.indirect.scatter.add.f32 [tilespmem:s29], [sflag:$0x7], $0x80, s24, s26, $0xb8;
	[tilespmem:$0x1FC00] =	vst v63  }
0x2c2: {  	_ =	swait.ge [sflag:s6], $0x2800  }
0x2c3: {  	[sflag:s6] =	ssyncset.done $0x0  }
0x2c4: {  	s20 =	rddreg [dreg:$0x1b];
	[sflag:s6] =	ssyncadd.s32 $0xFFFFD800  }
0x2c5: {  	[spmem:s3] =	stream.indirect.scatter.add.f32 [tilespmem:s30], [sflag:$0x8], $0x80, s20, s26, $0xb8;
	[tilespmem:$0x1FC00] =	vst v63  }
0x2c6: {  	_ =	swait.ge [sflag:s7], $0x2800  }
0x2c7: {  	[sflag:s7] =	ssyncset.done $0x0  }
0x2c8: {  	s21 =	rddreg [dreg:$0x1c];
	[sflag:s7] =	ssyncadd.s32 $0xFFFFD800  }
0x2c9: {  	[tilespmem:s22], [sflag:$0x1] =	stream.indirect.gather [hbm4b:s2+s26], $0x80, s21, s26, $0xb8;
	[tilespmem:$0x1FC00] =	vst v63  }
0x2ca: {  	_ =	swait.ge [sflag:s8], $0x2800  }
0x2cb: {  	[sflag:s8] =	ssyncset.done $0x0  }
0x2cc: {  	s24 =	rddreg [dreg:$0x1d];
	[sflag:s8] =	ssyncadd.s32 $0xFFFFD800  }
0x2cd: {  	[tilespmem:s28], [sflag:$0x2] =	stream.indirect.gather [hbm4b:s2+s26], $0x80, s24, s26, $0xb8;
	[tilespmem:$0x1FC00] =	vst v63  }
0x2ce: {  	_ =	swait.ge [sflag:s9], $0x2800  }
0x2cf: {  	[sflag:s9] =	ssyncset.done $0x0  }
0x2d0: {  	s20 =	rddreg [dreg:$0x1e];
	[sflag:s9] =	ssyncadd.s32 $0xFFFFD800  }
0x2d1: {  	[tilespmem:s29], [sflag:$0x3] =	stream.indirect.gather [hbm4b:s2+s26], $0x80, s20, s26, $0xb8;
	[tilespmem:$0x1FC00] =	vst v63  }
0x2d2: {  	_ =	swait.ge [sflag:s10], $0x2800  }
0x2d3: {  	[sflag:s10] =	ssyncset.done $0x0  }
0x2d4: {  	s21 =	rddreg [dreg:$0x1f];
	[sflag:s10] =	ssyncadd.s32 $0xFFFFD800  }
0x2d5: {  	[tilespmem:s30], [sflag:$0x4] =	stream.indirect.gather [hbm4b:s2+s26], $0x80, s21, s26, $0xb8;
	[tilespmem:$0x1FC00] =	vst v63  }
0x2d6: {  	_ =	swait.ge [sflag:s31], $0x2800  }
0x2d7: {  	s24 =	sld [smem:$0x7E4]  }
0x2d8: {  	[sflag:s31] =	ssyncset.done $0x0  }
0x2d9: {  	[sflag:s31] =	ssyncadd.s32 $0xFFFFD800  }
0x2da: {  	[spmem:s3] =	stream.indirect.scatter.add.f32 [tilespmem:s22], [sflag:$0x5], $0x80, s24, s26, $0xb8;
	[tilespmem:$0x1FC00] =	vst v63  }
0x2db: {  	_ =	swait.ge [sflag:s1], $0x2800  }
0x2dc: {  	s20 =	sld [smem:$0x7E6]  }
0x2dd: {  	[sflag:s1] =	ssyncset.done $0x0  }
0x2de: {  	[sflag:s1] =	ssyncadd.s32 $0xFFFFD800  }
0x2df: {  	[spmem:s3] =	stream.indirect.scatter.add.f32 [tilespmem:s28], [sflag:$0x6], $0x80, s20, s26, $0xb8;
	[tilespmem:$0x1FC00] =	vst v63  }
0x2e0: {  	_ =	swait.ge [sflag:s0], $0x2800  }
0x2e1: {  	s21 =	sld [smem:$0x7E8]  }
0x2e2: {  	[sflag:s0] =	ssyncset.done $0x0  }
0x2e3: {  	[sflag:s0] =	ssyncadd.s32 $0xFFFFD800  }
0x2e4: {  	[spmem:s3] =	stream.indirect.scatter.add.f32 [tilespmem:s29], [sflag:$0x7], $0x80, s21, s26, $0xb8;
	[tilespmem:$0x1FC00] =	vst v63  }
0x2e5: {  	_ =	swait.ge [sflag:s6], $0x2800  }
0x2e6: {  	s24 =	sld [smem:$0x7EA]  }
0x2e7: {  	[sflag:s6] =	ssyncset.done $0x0  }
0x2e8: {  	[sflag:s6] =	ssyncadd.s32 $0xFFFFD800  }
0x2e9: {  	[spmem:s3] =	stream.indirect.scatter.add.f32 [tilespmem:s30], [sflag:$0x8], $0x80, s24, s26, $0xb8;
	[tilespmem:$0x1FC00] =	vst v63  }
0x2ea: {  	_ =	swait.ge [sflag:s7], $0x2800  }
0x2eb: {  	s20 =	sld [smem:$0x7EC]  }
0x2ec: {  	[sflag:s7] =	ssyncset.done $0x0  }
0x2ed: {  	[sflag:s7] =	ssyncadd.s32 $0xFFFFD800  }
0x2ee: {  	[tilespmem:s22], [sflag:$0x1] =	stream.indirect.gather [hbm4b:s2+s26], $0x80, s20, s26, $0xb8;
	[tilespmem:$0x1FC00] =	vst v63  }
0x2ef: {  	_ =	swait.ge [sflag:s8], $0x2800  }
0x2f0: {  	s21 =	sld [smem:$0x7EE]  }
0x2f1: {  	[sflag:s8] =	ssyncset.done $0x0  }
0x2f2: {  	[sflag:s8] =	ssyncadd.s32 $0xFFFFD800  }
0x2f3: {  	[tilespmem:s28], [sflag:$0x2] =	stream.indirect.gather [hbm4b:s2+s26], $0x80, s21, s26, $0xb8;
	[tilespmem:$0x1FC00] =	vst v63  }
0x2f4: {  	_ =	swait.ge [sflag:s9], $0x2800  }
0x2f5: {  	s24 =	sld [smem:$0x7F0]  }
0x2f6: {  	[sflag:s9] =	ssyncset.done $0x0  }
0x2f7: {  	[sflag:s9] =	ssyncadd.s32 $0xFFFFD800  }
0x2f8: {  	[tilespmem:s29], [sflag:$0x3] =	stream.indirect.gather [hbm4b:s2+s26], $0x80, s24, s26, $0xb8;
	[tilespmem:$0x1FC00] =	vst v63  }
0x2f9: {  	_ =	swait.ge [sflag:s10], $0x2800  }
0x2fa: {  	s20 =	sld [smem:$0x7F2]  }
0x2fb: {  	[sflag:s10] =	ssyncset.done $0x0  }
0x2fc: {  	[sflag:s10] =	ssyncadd.s32 $0xFFFFD800  }
0x2fd: {  	[tilespmem:s30], [sflag:$0x4] =	stream.indirect.gather [hbm4b:s2+s26], $0x80, s20, s26, $0xb8;
	[tilespmem:$0x1FC00] =	vst v63  }
0x2fe: {  	_ =	swait.ge [sflag:s31], $0x2800  }
0x2ff: {  	s21 =	sld [smem:$0x7F4]  }
0x300: {  	[sflag:s31] =	ssyncset.done $0x0  }
0x301: {  	[sflag:s31] =	ssyncadd.s32 $0xFFFFD800  }
0x302: {  	[spmem:s3] =	stream.indirect.scatter.add.f32 [tilespmem:s22], [sflag:$0x5], $0x80, s21, s26, $0xb8;
	[tilespmem:$0x1FC00] =	vst v63  }
0x303: {  	_ =	swait.ge [sflag:s1], $0x2800  }
0x304: {  	s24 =	sld [smem:$0x7F6]  }
0x305: {  	[sflag:s1] =	ssyncset.done $0x0  }
0x306: {  	[sflag:s1] =	ssyncadd.s32 $0xFFFFD800  }
0x307: {  	[spmem:s3] =	stream.indirect.scatter.add.f32 [tilespmem:s28], [sflag:$0x6], $0x80, s24, s26, $0xb8;
	[tilespmem:$0x1FC00] =	vst v63  }
0x308: {  	_ =	swait.ge [sflag:s0], $0x2800  }
0x309: {  	s20 =	sld [smem:$0x7F8]  }
0x30a: {  	[sflag:s0] =	ssyncset.done $0x0  }
0x30b: {  	[sflag:s0] =	ssyncadd.s32 $0xFFFFD800  }
0x30c: {  	[spmem:s3] =	stream.indirect.scatter.add.f32 [tilespmem:s29], [sflag:$0x7], $0x80, s20, s26, $0xb8;
	[tilespmem:$0x1FC00] =	vst v63  }
0x30d: {  	_ =	swait.ge [sflag:s6], $0x2800  }
0x30e: {  	s21 =	sld [smem:$0x7FB]  }
0x30f: {  	[sflag:s6] =	ssyncset.done $0x0  }
0x310: {  	[sflag:s6] =	ssyncadd.s32 $0xFFFFD800  }
0x311: {  	[spmem:s3] =	stream.indirect.scatter.add.f32 [tilespmem:s30], [sflag:$0x8], $0x80, s21, s26, $0xb8;
	[tilespmem:$0x1FC00] =	vst v63  }
0x312: {  	_ =	swait.ge [sflag:s7], $0x2800  }
0x313: {  	s24 =	sld [smem:$0x7FC]  }
0x314: {  	[sflag:s7] =	ssyncset.done $0x0  }
0x315: {  	[sflag:s7] =	ssyncadd.s32 $0xFFFFD800  }
0x316: {  	[tilespmem:s22], [sflag:$0x1] =	stream.indirect.gather [hbm4b:s2+s26], $0x80, s24, s26, $0xb8;
	[tilespmem:$0x1FC00] =	vst v63  }
0x317: {  	_ =	swait.ge [sflag:s8], $0x2800  }
0x318: {  	[sflag:s8] =	ssyncset.done $0x0  }
0x319: {  	[sflag:s8] =	ssyncadd.s32 $0xFFFFD800  }
0x31a: {  	[tilespmem:s28], [sflag:$0x2] =	stream.indirect.gather [hbm4b:s2+s26], $0x80, s11, s26, $0xb8;
	[tilespmem:$0x1FC00] =	vst v63  }
0x31b: {  	_ =	swait.ge [sflag:s9], $0x2800  }
0x31c: {  	[sflag:s9] =	ssyncset.done $0x0  }
0x31d: {  	[sflag:s9] =	ssyncadd.s32 $0xFFFFD800  }
0x31e: {  	[tilespmem:s29], [sflag:$0x3] =	stream.indirect.gather [hbm4b:s2+s26], $0x80, s12, s26, $0xb8;
	[tilespmem:$0x1FC00] =	vst v63  }
0x31f: {  	_ =	swait.ge [sflag:s10], $0x2800  }
0x320: {  	[sflag:s10] =	ssyncset.done $0x0  }
0x321: {  	[sflag:s10] =	ssyncadd.s32 $0xFFFFD800  }
0x322: {  	[tilespmem:s30], [sflag:$0x4] =	stream.indirect.gather [hbm4b:s2+s26], $0x80, s13, s26, $0xb8;
	[tilespmem:$0x1FC00] =	vst v63  }
0x323: {  	_ =	swait.ge [sflag:s31], $0x2800  }
0x324: {  	[sflag:s31] =	ssyncset.done $0x0  }
0x325: {  	[sflag:s31] =	ssyncadd.s32 $0xFFFFD800  }
0x326: {  	[spmem:s3] =	stream.indirect.scatter.add.f32 [tilespmem:s22], [sflag:$0x5], $0x80, s14, s26, $0xb8;
	[tilespmem:$0x1FC00] =	vst v63  }
0x327: {  	_ =	swait.ge [sflag:s1], $0x2800  }
0x328: {  	[sflag:s1] =	ssyncset.done $0x0  }
0x329: {  	[sflag:s1] =	ssyncadd.s32 $0xFFFFD800  }
0x32a: {  	[spmem:s3] =	stream.indirect.scatter.add.f32 [tilespmem:s28], [sflag:$0x6], $0x80, s15, s26, $0xb8;
	[tilespmem:$0x1FC00] =	vst v63  }
0x32b: {  	_ =	swait.ge [sflag:s0], $0x2800  }
0x32c: {  	[sflag:s0] =	ssyncset.done $0x0  }
0x32d: {  	[sflag:s0] =	ssyncadd.s32 $0xFFFFD800  }
0x32e: {  	[spmem:s3] =	stream.indirect.scatter.add.f32 [tilespmem:s29], [sflag:$0x7], $0x80, s16, s26, $0xb8;
	[tilespmem:$0x1FC00] =	vst v63  }
0x32f: {  	_ =	swait.ge [sflag:s6], $0x2800  }
0x330: {  	[sflag:s6] =	ssyncset.done $0x0  }
0x331: {  	[sflag:s6] =	ssyncadd.s32 $0xFFFFD800  }
0x332: {  	[spmem:s3] =	stream.indirect.scatter.add.f32 [tilespmem:s30], [sflag:$0x8], $0x80, s17, s26, $0xb8;
	[tilespmem:$0x1FC00] =	vst v63  }
0x333: {  	_ =	swait.ge [sflag:s7], $0x2800  }
0x334: {  	[sflag:s7] =	ssyncset.done $0x0  }
0x335: {  	[sflag:s7] =	ssyncadd.s32 $0xFFFFD800  }
0x336: {  	[tilespmem:s22], [sflag:$0x1] =	stream.indirect.gather [hbm4b:s2+s26], $0x80, s18, s26, $0xb8;
	[tilespmem:$0x1FC00] =	vst v63  }
0x337: {  	_ =	swait.ge [sflag:s8], $0x2800  }
0x338: {  	[sflag:s8] =	ssyncset.done $0x0  }
0x339: {  	[sflag:s8] =	ssyncadd.s32 $0xFFFFD800  }
0x33a: {  	_ =	swait.ge [sflag:s9], $0x2800  }
0x33b: {  	[sflag:s9] =	ssyncset.done $0x0  }
0x33c: {  	[sflag:s9] =	ssyncadd.s32 $0xFFFFD800  }
0x33d: {  	_ =	swait.ge [sflag:s10], $0x2800  }
0x33e: {  	[sflag:s10] =	ssyncset.done $0x0  }
0x33f: {  	[sflag:s10] =	ssyncadd.s32 $0xFFFFD800  }
0x340: {  	_ =	swait.ge [sflag:s31], $0x2800  }
0x341: {  	[sflag:s31] =	ssyncset.done $0x0  }
0x342: {  	[sflag:s31] =	ssyncadd.s32 $0xFFFFD800  }
0x343: {  	[spmem:s3] =	stream.indirect.scatter.add.f32 [tilespmem:s22], [sflag:$0x5], $0x80, s19, s26, $0xb8;
	[tilespmem:$0x1FC00] =	vst v63  }
0x344: {  	_ =	swait.ge [sflag:s7], $0x2800  }
0x345: {  	[sflag:s7] =	ssyncset.done $0x0  }
0x346: {  	[sflag:s7] =	ssyncadd.s32 $0xFFFFD800  }
0x347: {  	[bflag:$0x0] =	sbarrier.arrive $0xFFFF  }
0x348: {  	s21 =	sld [smem:$0x7F9]  }
0x349: {  	s20 =	stileid.u32;
	s24 =	sld [smem:$0x7FD]  }
0x34a: {  	s5 =	sshll.u32 s20, $0x6  }
0x34b: {  	s5 =	sor.u32 $0x1C09, s5;
	s20 =	sshrl.u32 s21, $0x3  }
0x34c: {  	[hbm:s24], [sflag:s5] =	dma.local [spmem:s20], $0x2780  }
0x34d: {  	_ =	swait.ge [sflag:s23], $0x2780  }
0x34e: {  	s21 =	sld [smem:$0x7DE]  }
0x34f: {  	s24 =	sld [smem:$0x7E0];
	_ =	sdelay $0x1  }
0x350: {  	s20 =	sadd.s32 $0x1, s21  }
0x351: {  	p0 =	sne.s32 s20, s24  }
.Ltmp2:
0x352: {  	_ = 	snop;
	(pc) =	sbr.rel @p0 .LBB2_1-.Ltmp2, $3  }
0x353: {  	_ =	sdelay $0x1  }
0x354: {  	[sflag:s23] =	ssyncset.done $0x0  }
0x355: {  	[sflag:s23] =	ssyncadd.s32 $0xFFFFD880  }
0x356: {  	_ =	sfence.sel $0x180000  }
0x357: {  	[bflag:$0x0] =	sbarrier.arrive $0xFFFF  }
0x358: {  	_ =	strace $0x9000004A  }
0x359: {  	s0 =	stileid.u32;
	[bflag:$0x2] =	sbarrier.arrive $0xFFFF  }
0x35a: {  	p0 =	sne.s32 s0, $0x0;
	s0 =	rddreg [dreg:$0x3]  }
0x35b: {  	s0 =	sadd.s32 @!p0 $0x100000, s0  }
0x35c: {  	[sflag:s0] =	ssyncadd.tile.s32 @!p0 $0x1;
	_ =	shalt  }
.Lfunc_end2:
_tile_overlayer_lowered:
.L_overlay_start_2:
0x35d: {  	(tag) =	ssettag $0x2  }
0x35e: {  	s0 =	rddreg [dreg:$0x0];
	s2 =	stileid.u32  }
0x35f: {  	s1 =	rddreg [dreg:$0x1];
	p0 =	sne.s32 s2, $0x0  }
0x360: {  	s3 =	rddreg [dreg:$0x2];
	[bflag:$0x3] =	sbarrier.arrive $0xFFFF;
	s2 =	simm.s32 @!p0 $0x1C09  }
0x361: {  	[timem:s3], [sflag:s2] =	dma.local @!p0 [hbm:s0], s1  }
0x362: {  	s0 =	simm.s32 @!p0 $0x9  }
0x363: {  	_ =	swait.ge @!p0 [sflag:s0], s1  }
0x364: {  	s1 =	ssub.s32 @!p0 $0x0, s1;
	[sflag:s0] =	ssyncset.done @!p0 $0x0  }
0x365: {  	[sflag:s0] =	ssyncadd.s32 @!p0 s1  }
0x366: {  	[bflag:$0x3] =	sbarrier.arrive $0xFFFF  }
0x367: {  	_ =	shalt  }

// kernel: _run.14.cloned.1.call-start
scs
__scs_entry_jumppad:
0x0: {  	(pc) =	sbr.rel $0x88, $3  }
0x1: {  	(tag) =	ssettag $0x0;
	lr =	simm.s32 $0x1  }
0x2: {  	[smem:$0x3F9B] =	sst lr;
	_ =	strace $0xD0000000  }
0x3: {  	_ = 	snop  }
0x4: {  	_ = 	snop  }
0x5: {  	_ = 	snop  }
0x6: {  	_ = 	snop  }
0x7: {  	_ = 	snop  }
__scs_overlays_trampoline_lowered:
0x8: {  	[smem:$0x3FAA] =	sst s0  }
0x9: {  	[smem:$0x3FAB] =	sst s1  }
0xa: {  	[smem:$0x3FAC] =	sst s2  }
0xb: {  	[smem:$0x3FAD] =	sst s3  }
0xc: {  	[smem:$0x3FAE] =	sst s4  }
0xd: {  	[smem:$0x3FAF] =	sst s5  }
0xe: {  	[smem:$0x3FB0] =	sst s6  }
0xf: {  	[smem:$0x3FB1] =	sst s7  }
0x10: {  	[smem:$0x3FB2] =	sst s8  }
0x11: {  	[smem:$0x3FB3] =	sst s9;
	s0 =	simm.s32 @!p0 $0x0  }
0x12: {  	s1 =	sld [smem:$0x3F99];
	s0 =	simm.s32 @p0 $0x1  }
0x13: {  	[smem:$0x3FB4] =	sst s0;
	s0 =	simm.s32 @!p1 $0x0  }
0x14: {  	s2 =	sld [smem:$0x3F98];
	s0 =	simm.s32 @p1 $0x1  }
0x15: {  	[smem:$0x3FB5] =	sst s0;
	s0 =	simm.s32 @!p2 $0x0  }
0x16: {  	s3 =	sld [smem:$0x3FDB];
	s0 =	simm.s32 @p2 $0x1  }
0x17: {  	s4 =	simm.s32 $0x1BF5;
	[smem:$0x3FB7] =	sst s0  }
0x18: {  	s0 =	sld [smem:$0x3F9A];
	_ =	swait.ge [sflag:s4], $0x0  }
0x19: {  	s7 =	sld [smem:$0x3F9B]  }
0x1a: {  	s8 =	sadd.s32 $0xFFFFE003, lr  }
0x1b: {  	s9 =	sadd.s32 $0xFFFFFEF7, lr;
	s5 =	simm.s32 $0xFFFFFFFF;
	p2 =	slt.u32 s8, $0xFFFFF086  }
0x1c: {  	p1 =	slt.u32 s9, $0xF7A;
	s5 =	simm.s32 @!p2 $0x0  }
0x1d: {  	s5 =	simm.s32 @p1 $0x1;
	p0 =	seq.s32 s7, s2  }
0x1e: {  	s7 =	smul.u32 @!p0 $0xF7A, s2;
	p2 =	seq.s32 @!p0 s5, $0x0  }
0x1f: {  	s9 =	smul.u32 $0xF7A, s1;
	s8 =	simm.s32 @!p0 $0x1BF5;
	p2 =	por !p2, p0  }
0x20: {  	[sflag:s8] =	ssyncset.s32 @!p0 $0xFFFFF086;
	s6 =	sadd.s32 @!p0 s3, s7;
	s7 =	simm.s32 @!p0 $0x108  }
0x21: {  	s3 =	sadd.s32 s3, s9;
	s6 =	sadd.s32 @!p0 $0x88, s6;
	s7 =	simm.s32 @p2 $0x1082  }
0x22: {  	[simem:s7], [sflag:s8] =	dma.local @!p0 [hbm:s6], $0xF7A  }
0x23: {  	s9 =	sor.u32 $0xD0000000, s2;
	s6 =	simm.s32 $0x108;
	_ =	swait.ge @!p0 [sflag:s8], $0x0  }
0x24: {  	s3 =	sadd.s32 $0x88, s3;
	s6 =	simm.s32 @!p1 $0x1082;
	[sflag:s4] =	ssyncset.s32 $0xFFFFF086  }
0x25: {  	[simem:s6], [sflag:s4] =	dma.local [hbm:s3], $0xF7A  }
0x26: {  	[smem:$0x3F9B] =	sst s1;
	(tag) =	ssettag s2;
	_ =	strace s9  }
0x27: {  	s1 =	sld [smem:$0x3FAB]  }
0x28: {  	s2 =	sld [smem:$0x3FAC]  }
0x29: {  	s4 =	sld [smem:$0x3FAE]  }
0x2a: {  	p0 =	seq.s32 s5, $0x0;
	s5 =	sld [smem:$0x3FAF]  }
0x2b: {  	s6 =	sld [smem:$0x3FB0]  }
0x2c: {  	s7 =	sld [smem:$0x3FB1]  }
0x2d: {  	s3 =	simm.s32 $0x108;
	s8 =	sld [smem:$0x3FB2]  }
0x2e: {  	s3 =	simm.s32 @!p0 $0x1082;
	s9 =	sld [smem:$0x3FB3]  }
0x2f: {  	lr =	sadd.s32 s0, s3;
	s0 =	sld [smem:$0x3FAA]  }
0x30: {  	s3 =	sld [smem:$0x3FAD]  }
0x31: {  	[smem:$0x3FB6] =	sst s10  }
0x32: {  	s10 =	sld [smem:$0x3FB4];
	_ =	sdelay $0x3  }
0x33: {  	p0 =	seq.s32 s10, $0x1;
	s10 =	sld [smem:$0x3FB6];
	_ =	sdelay $0x3  }
0x34: {  	[smem:$0x3FB6] =	sst s10  }
0x35: {  	s10 =	sld [smem:$0x3FB5];
	_ =	sdelay $0x3  }
0x36: {  	p1 =	seq.s32 s10, $0x1;
	s10 =	sld [smem:$0x3FB6];
	_ =	sdelay $0x3  }
0x37: {  	[smem:$0x3FB6] =	sst s10  }
0x38: {  	s10 =	sld [smem:$0x3FB7]  }
0x39: {  	_ = 	snop;
	(pc) =	sbr.ind lr, $3  }
0x3a: {  	_ = 	snop  }
0x3b: {  	_ = 	snop  }
0x3c: {  	p2 =	seq.s32 s10, $0x1;
	s10 =	sld [smem:$0x3FB6]  }
0x3d: {  	_ =	shalt  }
0x3e: {  	_ =	shalt  }
0x3f: {  	_ =	shalt  }
0x40: {  	_ =	shalt  }
0x41: {  	_ =	shalt  }
0x42: {  	_ =	shalt  }
0x43: {  	_ =	shalt  }
0x44: {  	_ =	shalt  }
0x45: {  	_ =	shalt  }
0x46: {  	_ =	shalt  }
0x47: {  	_ =	shalt  }
0x48: {  	_ =	shalt  }
0x49: {  	_ =	shalt  }
0x4a: {  	_ =	shalt  }
0x4b: {  	_ =	shalt  }
0x4c: {  	_ =	shalt  }
0x4d: {  	_ =	shalt  }
0x4e: {  	_ =	shalt  }
0x4f: {  	_ =	shalt  }
0x50: {  	_ =	shalt  }
0x51: {  	_ =	shalt  }
0x52: {  	_ =	shalt  }
0x53: {  	_ =	shalt  }
0x54: {  	_ =	shalt  }
0x55: {  	_ =	shalt  }
0x56: {  	_ =	shalt  }
0x57: {  	_ =	shalt  }
0x58: {  	_ =	shalt  }
0x59: {  	_ =	shalt  }
0x5a: {  	_ =	shalt  }
0x5b: {  	_ =	shalt  }
0x5c: {  	_ =	shalt  }
0x5d: {  	_ =	shalt  }
0x5e: {  	_ =	shalt  }
0x5f: {  	_ =	shalt  }
0x60: {  	_ =	shalt  }
0x61: {  	_ =	shalt  }
0x62: {  	_ =	shalt  }
0x63: {  	_ =	shalt  }
0x64: {  	_ =	shalt  }
0x65: {  	_ =	shalt  }
0x66: {  	_ =	shalt  }
0x67: {  	_ =	shalt  }
0x68: {  	_ =	shalt  }
0x69: {  	_ =	shalt  }
0x6a: {  	_ =	shalt  }
0x6b: {  	_ =	shalt  }
0x6c: {  	_ =	shalt  }
0x6d: {  	_ =	shalt  }
0x6e: {  	_ =	shalt  }
0x6f: {  	_ =	shalt  }
0x70: {  	_ =	shalt  }
0x71: {  	_ =	shalt  }
0x72: {  	_ =	shalt  }
0x73: {  	_ =	shalt  }
0x74: {  	_ =	shalt  }
0x75: {  	_ =	shalt  }
0x76: {  	_ =	shalt  }
0x77: {  	_ =	shalt  }
0x78: {  	_ =	shalt  }
0x79: {  	_ =	shalt  }
0x7a: {  	_ =	shalt  }
0x7b: {  	_ =	shalt  }
0x7c: {  	_ =	shalt  }
0x7d: {  	_ =	shalt  }
0x7e: {  	_ =	shalt  }
0x7f: {  	_ =	shalt  }
0x80: {  	_ =	shalt  }
0x81: {  	_ =	shalt  }
0x82: {  	_ =	shalt  }
0x83: {  	_ =	shalt  }
0x84: {  	_ =	shalt  }
0x85: {  	_ =	shalt  }
0x86: {  	_ =	shalt  }
0x87: {  	_ =	shalt  }
.Lfunc_end0:
.L_simem_size_0:
called_computation.2_lowered:
.L_overlay_start_0:
0x88: {  	s2 =	sld [smem:$0x3FD9]  }
0x89: {  	s3 =	sld [smem:$0x3FFE];
	_ =	sdelay $0x1  }
0x8a: {  	s1 =	srdreg.scid  }
0x8b: {  	s0 =	sand.u32 $0x1, s1  }
0x8c: {  	s17 =	sshll.u32 s0, $0xA;
	s2 =	sadd.s32 s3, s2  }
0x8d: {  	s2 =	sadd.s32 s2, s17  }
0x8e: {  	[smem:$0x3FC2] =	sst s2  }
0x8f: {  	_ = 	snop  }
0x90: {  	s2 =	sld [smem:$0x3FD0];
	(tm) =	ssettm $0x1  }
0x91: {  	s18 =	sld [smem:$0x3FFB];
	_ =	sdelay $0x3  }
0x92: {  	_ =	strace s18  }
0x93: {  	s3 =	sld [smem:$0x3FFC];
	_ =	sdelay $0x3  }
0x94: {  	_ =	strace s3  }
0x95: {  	s3 =	sld [smem:$0x3FFD];
	_ =	sdelay $0x3  }
0x96: {  	_ =	strace s3  }
0x97: {  	_ =	strace $0x8FFFFFFF  }
0x98: {  	s19 =	sld [smem:$0x3FDB];
	_ =	sdelay $0x1  }
0x99: {  	s4 =	simm.s32 $_scs_section_size  }
0x9a: {  	s5 =	simm.s32 $_size__tile_overlayer_lowered;
	s6 =	simm.s32 $_tile_overlayer_lowered  }
0x9b: {  	s22 =	simm.s32 $0x1BFF;
	s21 =	sshll.u32 s6, $0x1;
	s3 =	sadd.s32 s4, s19  }
0x9c: {  	s7 =	simm.s32 $0x0;
	s20 =	sshll.u32 s5, $0x1;
	s5 =	sadd.s32 s21, s3  }
0x9d: {  	[timem:s7], [sflag:s22] =	dma.local [hbm:s5], s20  }
0x9e: {  	_ =	swait.ge [sflag:s22], s20  }
0x9f: {  	s4 =	ssub.s32 $0x0, s20;
	[sflag:s22] =	ssyncset.done $0x0  }
0xa0: {  	[sflag:s22] =	ssyncadd.s32 s4;
	_ =	sdelay $0x1  }
0xa1: {  	s23 =	simm.s32 $0x1B8B  }
0xa2: {  	_ =	swait.ge [sflag:s23], $0x1  }
0xa3: {  	[sflag:s23] =	ssyncset.done $0x0  }
0xa4: {  	s25 =	simm.s32 $0x1B8E;
	s24 =	sld [smem:$0x3FFE];
	[sflag:s23] =	ssyncadd.s32 $0xFFFFFFFF  }
0xa5: {  	s26 =	simm.s32 $execute0_lowered;
	[smem:$0x3FD2] =	sst s25  }
0xa6: {  	s5 =	sshll.u32 s26, $0x1;
	_ =	strace $0x8000004C;
	[dreg:$0x1] =	wrdreg $0xFFFFFFFF  }
0xa7: {  	s28 =	simm.s32 $_size_execute0_lowered;
	s3 =	sadd.s32 s3, s5;
	[dreg:$0x0] =	wrdreg $0x0  }
0xa8: {  	s5 =	sshll.u32 s28, $0x1;
	[dreg:$0x2] =	wrdreg s3  }
0xa9: {  	[dreg:$0x3] =	wrdreg s5  }
0xaa: {  	[dreg:$0x4] =	wrdreg $0xC0  }
0xab: {  	_ =	task [dreg:s7], $0x5FFFF  }
0xac: {  	[dreg:$0x1] =	wrdreg $0xFFFFFFFF  }
0xad: {  	[dreg:$0x0] =	wrdreg $0x60  }
0xae: {  	[dreg:$0x2] =	wrdreg s2  }
0xaf: {  	[dreg:$0x3] =	wrdreg s24  }
0xb0: {  	[dreg:$0x4] =	wrdreg $0xC0000  }
0xb1: {  	[dreg:$0x5] =	wrdreg $0x9  }
0xb2: {  	_ =	task.clear_ibuf [dreg:s7], $0x6FFFF;
	_ =	strace $0x9000004C  }
0xb3: {  	s29 =	simm.s32 $0x9;
	_ =	strace $0x8000004E  }
0xb4: {  	_ =	swait.ge [sflag:s29], $0x1  }
0xb5: {  	[sflag:s29] =	ssyncadd.s32 $0xFFFFFFFF  }
0xb6: {  	_ =	strace $0x9000004E  }
0xb7: {  	_ =	sfence  }
0xb8: {  	s30 =	sld [smem:$0x0];
	_ =	sdelay $0x2  }
0xb9: {  	s31 =	sshll.u32 s1, $0xD;
	s1 =	sshrl.u32 s1, $0x2  }
0xba: {  	s3 =	sand.u32 $0x4000, s31;
	s1 =	sadd.s32 s1, s30  }
0xbb: {  	s0 =	sor.u32 s3, s0;
	s1 =	sshll.u32 s1, $0x11  }
0xbc: {  	s0 =	sor.u32 s1, s0  }
0xbd: {  	s0 =	sadd.s32 $0x8F2B, s0  }
0xbe: {  	[sflag:s0] =	ssyncadd.remote.s32 $0x1  }
0xbf: {  	_ =	sfence.sel $0xFFFF  }
0xc0: {  	[dreg:$0x0] =	wrdreg $0xFFFFFFFF;
	(pc) =	sbr.abs _section_cstart, $3  }
0xc1: {  	[dreg:$0x1] =	wrdreg $0xFFFFFFFF  }
0xc2: {  	_ =	task.clear_ibuf [dreg:s7], $0x2FFFF;
	_ =	strace $0x9FFFFFFF  }
0xc3: {  	(tm) =	ssettm $0x7FFFFFFF  }
tec
execute0_lowered:
.L_overlay_start_1:
0x0: {  	(tag) =	ssettag $0x1  }
0x1: {  	s0 =	srdreg.scid;
	s8 =	stileid.u32  }
0x2: {  	s0 =	sand.u32 $0x1, s0;
	s4 =	smul.u32 $0x5000, s8  }
0x3: {  	s2 =	rddreg [dreg:$0x0];
	s1 =	smul.u32 $0x50000, s0  }
0x4: {  	s5 =	rddreg [dreg:$0x1]  }
0x5: {  	s3 =	rddreg [dreg:$0x2];
	s1 =	sadd.s32 s4, s1;
	s4 =	simm.s32 $0x0  }
0x6: {  	s7 =	simm.s32 $0x100;
	[smem:$0x7FF] =	sst s4  }
0x7: {  	s9 =	simm.s32 $0x180;
	_ =	strace $0x8000004D;
	[dreg:$0x7] =	wrdreg s7  }
0x8: {  	s10 =	simm.s32 $0x1080;
	[dreg:$0x8] =	wrdreg s9  }
0x9: {  	s11 =	simm.s32 $0x1100;
	[dreg:$0x9] =	wrdreg s10  }
0xa: {  	s12 =	simm.s32 $0x1180;
	[dreg:$0xa] =	wrdreg s11  }
0xb: {  	s13 =	simm.s32 $0x200;
	[dreg:$0xb] =	wrdreg s12  }
0xc: {  	s14 =	simm.s32 $0x280;
	[dreg:$0xc] =	wrdreg s13  }
0xd: {  	s15 =	simm.s32 $0x300;
	[dreg:$0xd] =	wrdreg s14  }
0xe: {  	s16 =	simm.s32 $0x380;
	[dreg:$0xe] =	wrdreg s15  }
0xf: {  	s17 =	simm.s32 $0x1200;
	[dreg:$0xf] =	wrdreg s16  }
0x10: {  	s18 =	simm.s32 $0x1280;
	[dreg:$0x10] =	wrdreg s17  }
0x11: {  	s20 =	simm.s32 $0x1300;
	[dreg:$0x11] =	wrdreg s18  }
0x12: {  	s21 =	simm.s32 $0x1380;
	[dreg:$0x12] =	wrdreg s20  }
0x13: {  	s22 =	simm.s32 $0x400;
	s23 =	simm.s32 $0x480;
	[dreg:$0x13] =	wrdreg s21  }
0x14: {  	s19 =	smul.u32 $0x27800, s0;
	s0 =	ssub.s32 $0x2, s0;
	[dreg:$0x14] =	wrdreg s22  }
0x15: {  	s25 =	simm.s32 $0x500;
	s24 =	sshrl.u32 s0, $0x1;
	[dreg:$0x15] =	wrdreg s23  }
0x16: {  	s26 =	simm.s32 $0x580;
	s0 =	ssub.s32 s0, s24;
	[dreg:$0x16] =	wrdreg s25  }
0x17: {  	s0 =	smax.u32 s0, $0x1;
	[dreg:$0x17] =	wrdreg s26  }
0x18: {  	s24 =	simm.s32 $0x1700;
	[smem:$0x7E0] =	sst s0  }
0x19: {  	s9 =	simm.s32 $0x1400;
	[smem:$0x7E8] =	sst s24  }
0x1a: {  	s11 =	simm.s32 $0x1480;
	[dreg:$0x18] =	wrdreg s9  }
0x1b: {  	s12 =	simm.s32 $0x1500;
	[dreg:$0x19] =	wrdreg s11  }
0x1c: {  	s13 =	simm.s32 $0x1580;
	[dreg:$0x1a] =	wrdreg s12  }
0x1d: {  	s14 =	simm.s32 $0x600;
	[dreg:$0x1b] =	wrdreg s13  }
0x1e: {  	s15 =	simm.s32 $0x680;
	[dreg:$0x1c] =	wrdreg s14  }
0x1f: {  	s16 =	simm.s32 $0x700;
	[dreg:$0x1d] =	wrdreg s15  }
0x20: {  	s18 =	simm.s32 $0x780;
	[dreg:$0x1e] =	wrdreg s16  }
0x21: {  	s20 =	simm.s32 $0x1600;
	[dreg:$0x1f] =	wrdreg s18  }
0x22: {  	s1 =	sshrl.u32 s1, $0x3;
	s22 =	simm.s32 $0x1680;
	[smem:$0x7E4] =	sst s20  }
0x23: {  	s1 =	sadd.s32 s1, s5;
	s26 =	simm.s32 $0x1780;
	[smem:$0x7E6] =	sst s22  }
0x24: {  	s6 =	sadd.s32 $0x15E00, s1;
	[smem:$0x7EA] =	sst s26  }
0x25: {  	s1 =	sadd.s32 $0x1E00, s1;
	[dreg:$0x4] =	wrdreg s6  }
0x26: {  	s9 =	simm.s32 $0x800;
	[dreg:$0x5] =	wrdreg s1  }
0x27: {  	s11 =	simm.s32 $0x880;
	[smem:$0x7EC] =	sst s9  }
0x28: {  	s7 =	smul.u32 $0x4F000, s8;
	s13 =	simm.s32 $0x900;
	[smem:$0x7EE] =	sst s11  }
0x29: {  	s15 =	simm.s32 $0x980;
	[smem:$0x7F0] =	sst s13  }
0x2a: {  	s6 =	simm.s32 $0x80;
	s10 =	sshrl.u32 s7, $0x2;
	[smem:$0x7F2] =	sst s15  }
0x2b: {  	[dreg:$0x6] =	wrdreg s6;
	s7 =	sadd.s32 s10, s3  }
0x2c: {  	s6 =	sadd.s32 $0x12C00, s7;
	[smem:$0x7F9] =	sst s7  }
0x2d: {  	s28 =	simm.s32 $0x4800;
	s17 =	sadd.s32 $0x1400, s7;
	[smem:$0x7DF] =	sst s6  }
0x2e: {  	s5 =	sadd.s32 s19, s5;
	s19 =	sadd.s32 $0x2800, s7;
	[smem:$0x7E1] =	sst s17  }
0x2f: {  	s29 =	simm.s32 $0x7000;
	s21 =	sadd.s32 $0x3C00, s7;
	[smem:$0x7E2] =	sst s19  }
0x30: {  	s30 =	simm.s32 $0x9800;
	s23 =	sadd.s32 $0x5000, s7;
	[smem:$0x7E3] =	sst s21  }
0x31: {  	s31 =	simm.s32 $0x1;
	s25 =	sadd.s32 $0x6400, s7;
	[smem:$0x7E5] =	sst s23  }
0x32: {  	s0 =	simm.s32 $0x3;
	s10 =	sadd.s32 $0x8C00, s7;
	[smem:$0x7E7] =	sst s25  }
0x33: {  	s5 =	sadd.s32 $0x29E00, s5;
	s12 =	sadd.s32 $0xA000, s7;
	[smem:$0x7EB] =	sst s10  }
0x34: {  	s1 =	simm.s32 $0x2;
	s14 =	sadd.s32 $0xB400, s7;
	[smem:$0x7ED] =	sst s12  }
0x35: {  	s9 =	simm.s32 $0x7;
	s16 =	sadd.s32 $0xC800, s7;
	[smem:$0x7EF] =	sst s14  }
0x36: {  	s11 =	simm.s32 $0xA80;
	s18 =	sadd.s32 $0xDC00, s7;
	[smem:$0x7F1] =	sst s16  }
0x37: {  	s13 =	simm.s32 $0xB80;
	s20 =	sadd.s32 $0xF000, s7;
	[smem:$0x7F3] =	sst s18  }
0x38: {  	s15 =	simm.s32 $0x1A80;
	s22 =	sadd.s32 $0x10400, s7;
	[smem:$0x7F5] =	sst s20  }
0x39: {  	s24 =	sadd.s32 $0x11800, s7;
	s6 =	smul.u32 $0x2780, s8;
	[smem:$0x7F7] =	sst s22  }
0x3a: {  	s8 =	sadd.s32 $0x7800, s7;
	s17 =	simm.s32 $0x1800;
	[smem:$0x7FA] =	sst s24  }
0x3b: {  	s19 =	simm.s32 $0x1880;
	s21 =	simm.s32 $0x1900;
	[smem:$0x7E9] =	sst s8  }
0x3c: {  	s23 =	simm.s32 $0x1980;
	s25 =	simm.s32 $0xA00;
	[smem:$0x7F4] =	sst s17  }
0x3d: {  	s22 =	simm.s32 $0x2000;
	s7 =	simm.s32 $0x5;
	[smem:$0x7F6] =	sst s19  }
0x3e: {  	s10 =	simm.s32 $0x8;
	s12 =	simm.s32 $0xB00;
	[smem:$0x7F8] =	sst s21  }
0x3f: {  	s14 =	simm.s32 $0x1A00;
	s16 =	simm.s32 $0x1B00;
	[smem:$0x7FB] =	sst s23  }
0x40: {  	s18 =	simm.s32 $0xC00;
	s20 =	simm.s32 $0x0;
	[smem:$0x7FC] =	sst s25  }
0x41: {  	s23 =	simm.s32 $0x9;
	s25 =	simm.s32 $0x1000;
	s8 =	simm.s32 $0x6  }
0x42: {  	s17 =	simm.s32 $0x1B80;
	s19 =	simm.s32 $0x1C00;
	s26 =	sadd.s32 s6, s5  }
0x43: {  	v0 =	vimm.f32 $0.0e+00;
	s6 =	simm.s32 $0x4;
	[smem:$0x7FD] =	sst s26;
	s26 =	simm.s32 $0x50  }
.LBB2_1:
0x44: {  	s21 =	simm.s32 $0x0;
	s24 =	simm.s32 $0x200  }
.LBB2_2:
0x45: {  	p0 =	sne.s32 s24, $0x4E00;
	[tilespmem:s21+$0x2070] =	vst v0  }
0x46: {  	[tilespmem:s21+$0x2000] =	vst v0  }
0x47: {  	[tilespmem:s21+$0x2010] =	vst v0  }
.Ltmp0:
0x48: {  	[tilespmem:s21+$0x2020] =	vst v0;
	(pc) =	sbr.rel @p0 .LBB2_2-.Ltmp0, $4  }
0x49: {  	[tilespmem:s21+$0x2030] =	vst v0  }
0x4a: {  	[tilespmem:s21+$0x2040] =	vst v0  }
0x4b: {  	[tilespmem:s21+$0x2050] =	vst v0  }
0x4c: {  	[tilespmem:s21+$0x2060] =	vst v0;
	s21 =	sshra.s32 s24, $0x2;
	s24 =	sadd.s32 $0x200, s24  }
0x4d: {  	[tilespmem:s21+$0x2070] =	vst v0  }
0x4e: {  	[tilespmem:s21+$0x2000] =	vst v0  }
0x4f: {  	[tilespmem:s21+$0x2010] =	vst v0  }
0x50: {  	[tilespmem:s21+$0x2020] =	vst v0  }
0x51: {  	[tilespmem:s21+$0x2030] =	vst v0  }
0x52: {  	[tilespmem:s21+$0x2040] =	vst v0;
	s5 =	sld [smem:$0x7F9]  }
0x53: {  	[tilespmem:s21+$0x2050] =	vst v0  }
0x54: {  	[smem:$0x7DE] =	sst s20;
	[tilespmem:s21+$0x2060] =	vst v0  }
0x55: {  	[spmem:s5] =	stream.linear.scatter [tilespmem:s22], [sflag:$0x9], $0x1400, $0x38;
	[tilespmem:$0x1FC00] =	vst v63  }
0x56: {  	_ =	swait.ge [sflag:s23], $0x1400  }
0x57: {  	s20 =	sld [smem:$0x7E1]  }
0x58: {  	[sflag:s23] =	ssyncset.done $0x0  }
0x59: {  	[sflag:s23] =	ssyncadd.s32 $0xFFFFEC00  }
0x5a: {  	[spmem:s20] =	stream.linear.scatter [tilespmem:s22], [sflag:$0x9], $0x1400, $0x38;
	[tilespmem:$0x1FC00] =	vst v63  }
0x5b: {  	_ =	swait.ge [sflag:s23], $0x1400  }
0x5c: {  	s21 =	sld [smem:$0x7E2]  }
0x5d: {  	[sflag:s23] =	ssyncset.done $0x0  }
0x5e: {  	[sflag:s23] =	ssyncadd.s32 $0xFFFFEC00  }
0x5f: {  	[spmem:s21] =	stream.linear.scatter [tilespmem:s22], [sflag:$0x9], $0x1400, $0x38;
	[tilespmem:$0x1FC00] =	vst v63  }
0x60: {  	_ =	swait.ge [sflag:s23], $0x1400  }
0x61: {  	s24 =	sld [smem:$0x7E3]  }
0x62: {  	[sflag:s23] =	ssyncset.done $0x0  }
0x63: {  	[sflag:s23] =	ssyncadd.s32 $0xFFFFEC00  }
0x64: {  	[spmem:s24] =	stream.linear.scatter [tilespmem:s22], [sflag:$0x9], $0x1400, $0x38;
	[tilespmem:$0x1FC00] =	vst v63  }
0x65: {  	_ =	swait.ge [sflag:s23], $0x1400  }
0x66: {  	s20 =	sld [smem:$0x7E5]  }
0x67: {  	[sflag:s23] =	ssyncset.done $0x0  }
0x68: {  	[sflag:s23] =	ssyncadd.s32 $0xFFFFEC00  }
0x69: {  	[spmem:s20] =	stream.linear.scatter [tilespmem:s22], [sflag:$0x9], $0x1400, $0x38;
	[tilespmem:$0x1FC00] =	vst v63  }
0x6a: {  	_ =	swait.ge [sflag:s23], $0x1400  }
0x6b: {  	s21 =	sld [smem:$0x7E7]  }
0x6c: {  	[sflag:s23] =	ssyncset.done $0x0  }
0x6d: {  	[sflag:s23] =	ssyncadd.s32 $0xFFFFEC00  }
0x6e: {  	[spmem:s21] =	stream.linear.scatter [tilespmem:s22], [sflag:$0x9], $0x1400, $0x38;
	[tilespmem:$0x1FC00] =	vst v63  }
0x6f: {  	_ =	swait.ge [sflag:s23], $0x1400  }
0x70: {  	s24 =	sld [smem:$0x7E9]  }
0x71: {  	[sflag:s23] =	ssyncset.done $0x0  }
0x72: {  	[sflag:s23] =	ssyncadd.s32 $0xFFFFEC00  }
0x73: {  	[spmem:s24] =	stream.linear.scatter [tilespmem:s22], [sflag:$0x9], $0x1400, $0x38;
	[tilespmem:$0x1FC00] =	vst v63  }
0x74: {  	_ =	swait.ge [sflag:s23], $0x1400  }
0x75: {  	s20 =	sld [smem:$0x7EB]  }
0x76: {  	[sflag:s23] =	ssyncset.done $0x0  }
0x77: {  	[sflag:s23] =	ssyncadd.s32 $0xFFFFEC00  }
0x78: {  	[spmem:s20] =	stream.linear.scatter [tilespmem:s22], [sflag:$0x9], $0x1400, $0x38;
	[tilespmem:$0x1FC00] =	vst v63  }
0x79: {  	_ =	swait.ge [sflag:s23], $0x1400  }
0x7a: {  	s21 =	sld [smem:$0x7ED]  }
0x7b: {  	[sflag:s23] =	ssyncset.done $0x0  }
0x7c: {  	[sflag:s23] =	ssyncadd.s32 $0xFFFFEC00  }
0x7d: {  	[spmem:s21] =	stream.linear.scatter [tilespmem:s22], [sflag:$0x9], $0x1400, $0x38;
	[tilespmem:$0x1FC00] =	vst v63  }
0x7e: {  	_ =	swait.ge [sflag:s23], $0x1400  }
0x7f: {  	s24 =	sld [smem:$0x7EF]  }
0x80: {  	[sflag:s23] =	ssyncset.done $0x0  }
0x81: {  	[sflag:s23] =	ssyncadd.s32 $0xFFFFEC00  }
0x82: {  	[spmem:s24] =	stream.linear.scatter [tilespmem:s22], [sflag:$0x9], $0x1400, $0x38;
	[tilespmem:$0x1FC00] =	vst v63  }
0x83: {  	_ =	swait.ge [sflag:s23], $0x1400  }
0x84: {  	s20 =	sld [smem:$0x7F1]  }
0x85: {  	[sflag:s23] =	ssyncset.done $0x0  }
0x86: {  	[sflag:s23] =	ssyncadd.s32 $0xFFFFEC00  }
0x87: {  	[spmem:s20] =	stream.linear.scatter [tilespmem:s22], [sflag:$0x9], $0x1400, $0x38;
	[tilespmem:$0x1FC00] =	vst v63  }
0x88: {  	_ =	swait.ge [sflag:s23], $0x1400  }
0x89: {  	s21 =	sld [smem:$0x7F3]  }
0x8a: {  	[sflag:s23] =	ssyncset.done $0x0  }
0x8b: {  	[sflag:s23] =	ssyncadd.s32 $0xFFFFEC00  }
0x8c: {  	[spmem:s21] =	stream.linear.scatter [tilespmem:s22], [sflag:$0x9], $0x1400, $0x38;
	[tilespmem:$0x1FC00] =	vst v63  }
0x8d: {  	_ =	swait.ge [sflag:s23], $0x1400  }
0x8e: {  	s24 =	sld [smem:$0x7F5]  }
0x8f: {  	[sflag:s23] =	ssyncset.done $0x0  }
0x90: {  	[sflag:s23] =	ssyncadd.s32 $0xFFFFEC00  }
0x91: {  	[spmem:s24] =	stream.linear.scatter [tilespmem:s22], [sflag:$0x9], $0x1400, $0x38;
	[tilespmem:$0x1FC00] =	vst v63  }
0x92: {  	_ =	swait.ge [sflag:s23], $0x1400  }
0x93: {  	s20 =	sld [smem:$0x7F7]  }
0x94: {  	[sflag:s23] =	ssyncset.done $0x0  }
0x95: {  	[sflag:s23] =	ssyncadd.s32 $0xFFFFEC00  }
0x96: {  	[spmem:s20] =	stream.linear.scatter [tilespmem:s22], [sflag:$0x9], $0x1400, $0x38;
	[tilespmem:$0x1FC00] =	vst v63  }
0x97: {  	_ =	swait.ge [sflag:s23], $0x1400  }
0x98: {  	s21 =	sld [smem:$0x7FA]  }
0x99: {  	[sflag:s23] =	ssyncset.done $0x0  }
0x9a: {  	[sflag:s23] =	ssyncadd.s32 $0xFFFFEC00  }
0x9b: {  	[spmem:s21] =	stream.linear.scatter [tilespmem:s22], [sflag:$0x9], $0x1400, $0x38;
	[tilespmem:$0x1FC00] =	vst v63  }
0x9c: {  	_ =	swait.ge [sflag:s23], $0x1400  }
0x9d: {  	s24 =	sld [smem:$0x7DF]  }
0x9e: {  	[sflag:s23] =	ssyncset.done $0x0  }
0x9f: {  	[sflag:s23] =	ssyncadd.s32 $0xFFFFEC00  }
0xa0: {  	[spmem:s24] =	stream.linear.scatter [tilespmem:s22], [sflag:$0x9], $0x1000, $0x38;
	[tilespmem:$0x1FC00] =	vst v63  }
0xa1: {  	_ =	swait.ge [sflag:s23], $0x1000  }
0xa2: {  	[sflag:s23] =	ssyncset.done $0x0  }
0xa3: {  	[sflag:s23] =	ssyncadd.s32 $0xFFFFF000  }
0xa4: {  	[bflag:$0x0] =	sbarrier.arrive $0xFFFF  }
0xa5: {  	s20 =	rddreg [dreg:$0x5]  }
0xa6: {  	s5 =	sadd.s32 $0x0, s20  }
0xa7: {  	[tilespmem:s4], [sflag:$0x9] =	stream.linear.gather [hbm4b:s5+s4], $0xC80, $0x38;
	[tilespmem:$0x1FC00] =	vst v63  }
0xa8: {  	_ =	swait.ge [sflag:s23], $0xC80  }
0xa9: {  	s21 =	rddreg [dreg:$0x4];
	[sflag:s23] =	ssyncset.done $0x0  }
0xaa: {  	[sflag:s23] =	ssyncadd.s32 $0xFFFFF380;
	s5 =	sadd.s32 $0x0, s21  }
0xab: {  	[tilespmem:s25], [sflag:$0x9] =	stream.linear.gather [hbm4b:s5+s4], $0xC80, $0x38;
	[tilespmem:$0x1FC00] =	vst v63  }
0xac: {  	_ =	swait.ge [sflag:s23], $0xC80  }
0xad: {  	[sflag:s23] =	ssyncset.done $0x0  }
0xae: {  	[sflag:s23] =	ssyncadd.s32 $0xFFFFF380  }
0xaf: {  	[tilespmem:s22], [sflag:$0x1] =	stream.indirect.gather [hbm4b:s2+s26], $0x80, s4, s26, $0xb8;
	[tilespmem:$0x1FC00] =	vst v63  }
0xb0: {  	s24 =	rddreg [dreg:$0x6]  }
0xb1: {  	[tilespmem:s28], [sflag:$0x2] =	stream.indirect.gather [hbm4b:s2+s26], $0x80, s24, s26, $0xb8;
	[tilespmem:$0x1FC00] =	vst v63  }
0xb2: {  	s20 =	rddreg [dreg:$0x7]  }
0xb3: {  	[tilespmem:s29], [sflag:$0x3] =	stream.indirect.gather [hbm4b:s2+s26], $0x80, s20, s26, $0xb8;
	[tilespmem:$0x1FC00] =	vst v63  }
0xb4: {  	s24 =	rddreg [dreg:$0x8]  }
0xb5: {  	[tilespmem:s30], [sflag:$0x4] =	stream.indirect.gather [hbm4b:s2+s26], $0x80, s24, s26, $0xb8;
	[tilespmem:$0x1FC00] =	vst v63  }
0xb6: {  	_ =	swait.ge [sflag:s31], $0x2800  }
0xb7: {  	[sflag:s31] =	ssyncset.done $0x0  }
0xb8: {  	[sflag:s31] =	ssyncadd.s32 $0xFFFFD800  }
0xb9: {  	[spmem:s3] =	stream.indirect.scatter.add.f32 [tilespmem:s22], [sflag:$0x5], $0x80, s25, s26, $0xb8;
	[tilespmem:$0x1FC00] =	vst v63  }
0xba: {  	_ =	swait.ge [sflag:s1], $0x2800  }
0xbb: {  	[sflag:s1] =	ssyncset.done $0x0  }
0xbc: {  	s20 =	rddreg [dreg:$0x9];
	[sflag:s1] =	ssyncadd.s32 $0xFFFFD800  }
0xbd: {  	[spmem:s3] =	stream.indirect.scatter.add.f32 [tilespmem:s28], [sflag:$0x6], $0x80, s20, s26, $0xb8;
	[tilespmem:$0x1FC00] =	vst v63  }
0xbe: {  	_ =	swait.ge [sflag:s0], $0x2800  }
0xbf: {  	[sflag:s0] =	ssyncset.done $0x0  }
0xc0: {  	s21 =	rddreg [dreg:$0xa];
	[sflag:s0] =	ssyncadd.s32 $0xFFFFD800  }
0xc1: {  	[spmem:s3] =	stream.indirect.scatter.add.f32 [tilespmem:s29], [sflag:$0x7], $0x80, s21, s26, $0xb8;
	[tilespmem:$0x1FC00] =	vst v63  }
0xc2: {  	_ =	swait.ge [sflag:s6], $0x2800  }
0xc3: {  	[sflag:s6] =	ssyncset.done $0x0  }
0xc4: {  	s24 =	rddreg [dreg:$0xb];
	[sflag:s6] =	ssyncadd.s32 $0xFFFFD800  }
0xc5: {  	[spmem:s3] =	stream.indirect.scatter.add.f32 [tilespmem:s30], [sflag:$0x8], $0x80, s24, s26, $0xb8;
	[tilespmem:$0x1FC00] =	vst v63  }
0xc6: {  	_ =	swait.ge [sflag:s7], $0x2800  }
0xc7: {  	[sflag:s7] =	ssyncset.done $0x0  }
0xc8: {  	s20 =	rddreg [dreg:$0xc];
	[sflag:s7] =	ssyncadd.s32 $0xFFFFD800  }
0xc9: {  	[tilespmem:s22], [sflag:$0x1] =	stream.indirect.gather [hbm4b:s2+s26], $0x80, s20, s26, $0xb8;
	[tilespmem:$0x1FC00] =	vst v63  }
0xca: {  	_ =	swait.ge [sflag:s8], $0x2800  }
0xcb: {  	[sflag:s8] =	ssyncset.done $0x0  }
0xcc: {  	s21 =	rddreg [dreg:$0xd];
	[sflag:s8] =	ssyncadd.s32 $0xFFFFD800  }
0xcd: {  	[tilespmem:s28], [sflag:$0x2] =	stream.indirect.gather [hbm4b:s2+s26], $0x80, s21, s26, $0xb8;
	[tilespmem:$0x1FC00] =	vst v63  }
0xce: {  	_ =	swait.ge [sflag:s9], $0x2800  }
0xcf: {  	[sflag:s9] =	ssyncset.done $0x0  }
0xd0: {  	s24 =	rddreg [dreg:$0xe];
	[sflag:s9] =	ssyncadd.s32 $0xFFFFD800  }
0xd1: {  	[tilespmem:s29], [sflag:$0x3] =	stream.indirect.gather [hbm4b:s2+s26], $0x80, s24, s26, $0xb8;
	[tilespmem:$0x1FC00] =	vst v63  }
0xd2: {  	_ =	swait.ge [sflag:s10], $0x2800  }
0xd3: {  	[sflag:s10] =	ssyncset.done $0x0  }
0xd4: {  	s20 =	rddreg [dreg:$0xf];
	[sflag:s10] =	ssyncadd.s32 $0xFFFFD800  }
0xd5: {  	[tilespmem:s30], [sflag:$0x4] =	stream.indirect.gather [hbm4b:s2+s26], $0x80, s20, s26, $0xb8;
	[tilespmem:$0x1FC00] =	vst v63  }
0xd6: {  	_ =	swait.ge [sflag:s31], $0x2800  }
0xd7: {  	[sflag:s31] =	ssyncset.done $0x0  }
0xd8: {  	s21 =	rddreg [dreg:$0x10];
	[sflag:s31] =	ssyncadd.s32 $0xFFFFD800  }
0xd9: {  	[spmem:s3] =	stream.indirect.scatter.add.f32 [tilespmem:s22], [sflag:$0x5], $0x80, s21, s26, $0xb8;
	[tilespmem:$0x1FC00] =	vst v63  }
0xda: {  	_ =	swait.ge [sflag:s1], $0x2800  }
0xdb: {  	[sflag:s1] =	ssyncset.done $0x0  }
0xdc: {  	s24 =	rddreg [dreg:$0x11];
	[sflag:s1] =	ssyncadd.s32 $0xFFFFD800  }
0xdd: {  	[spmem:s3] =	stream.indirect.scatter.add.f32 [tilespmem:s28], [sflag:$0x6], $0x80, s24, s26, $0xb8;
	[tilespmem:$0x1FC00] =	vst v63  }
0xde: {  	_ =	swait.ge [sflag:s0], $0x2800  }
0xdf: {  	[sflag:s0] =	ssyncset.done $0x0  }
0xe0: {  	s20 =	rddreg [dreg:$0x12];
	[sflag:s0] =	ssyncadd.s32 $0xFFFFD800  }
0xe1: {  	[spmem:s3] =	stream.indirect.scatter.add.f32 [tilespmem:s29], [sflag:$0x7], $0x80, s20, s26, $0xb8;
	[tilespmem:$0x1FC00] =	vst v63  }
0xe2: {  	_ =	swait.ge [sflag:s6], $0x2800  }
0xe3: {  	[sflag:s6] =	ssyncset.done $0x0  }
0xe4: {  	s21 =	rddreg [dreg:$0x13];
	[sflag:s6] =	ssyncadd.s32 $0xFFFFD800  }
0xe5: {  	[spmem:s3] =	stream.indirect.scatter.add.f32 [tilespmem:s30], [sflag:$0x8], $0x80, s21, s26, $0xb8;
	[tilespmem:$0x1FC00] =	vst v63  }
0xe6: {  	_ =	swait.ge [sflag:s7], $0x2800  }
0xe7: {  	[sflag:s7] =	ssyncset.done $0x0  }
0xe8: {  	s24 =	rddreg [dreg:$0x14];
	[sflag:s7] =	ssyncadd.s32 $0xFFFFD800  }
0xe9: {  	[tilespmem:s22], [sflag:$0x1] =	stream.indirect.gather [hbm4b:s2+s26], $0x80, s24, s26, $0xb8;
	[tilespmem:$0x1FC00] =	vst v63  }
0xea: {  	_ =	swait.ge [sflag:s8], $0x2800  }
0xeb: {  	[sflag:s8] =	ssyncset.done $0x0  }
0xec: {  	s20 =	rddreg [dreg:$0x15];
	[sflag:s8] =	ssyncadd.s32 $0xFFFFD800  }
0xed: {  	[tilespmem:s28], [sflag:$0x2] =	stream.indirect.gather [hbm4b:s2+s26], $0x80, s20, s26, $0xb8;
	[tilespmem:$0x1FC00] =	vst v63  }
0xee: {  	_ =	swait.ge [sflag:s9], $0x2800  }
0xef: {  	[sflag:s9] =	ssyncset.done $0x0  }
0xf0: {  	s21 =	rddreg [dreg:$0x16];
	[sflag:s9] =	ssyncadd.s32 $0xFFFFD800  }
0xf1: {  	[tilespmem:s29], [sflag:$0x3] =	stream.indirect.gather [hbm4b:s2+s26], $0x80, s21, s26, $0xb8;
	[tilespmem:$0x1FC00] =	vst v63  }
0xf2: {  	_ =	swait.ge [sflag:s10], $0x2800  }
0xf3: {  	[sflag:s10] =	ssyncset.done $0x0  }
0xf4: {  	s24 =	rddreg [dreg:$0x17];
	[sflag:s10] =	ssyncadd.s32 $0xFFFFD800  }
0xf5: {  	[tilespmem:s30], [sflag:$0x4] =	stream.indirect.gather [hbm4b:s2+s26], $0x80, s24, s26, $0xb8;
	[tilespmem:$0x1FC00] =	vst v63  }
0xf6: {  	_ =	swait.ge [sflag:s31], $0x2800  }
0xf7: {  	[sflag:s31] =	ssyncset.done $0x0  }
0xf8: {  	s20 =	rddreg [dreg:$0x18];
	[sflag:s31] =	ssyncadd.s32 $0xFFFFD800  }
0xf9: {  	[spmem:s3] =	stream.indirect.scatter.add.f32 [tilespmem:s22], [sflag:$0x5], $0x80, s20, s26, $0xb8;
	[tilespmem:$0x1FC00] =	vst v63  }
0xfa: {  	_ =	swait.ge [sflag:s1], $0x2800  }
0xfb: {  	[sflag:s1] =	ssyncset.done $0x0  }
0xfc: {  	s21 =	rddreg [dreg:$0x19];
	[sflag:s1] =	ssyncadd.s32 $0xFFFFD800  }
0xfd: {  	[spmem:s3] =	stream.indirect.scatter.add.f32 [tilespmem:s28], [sflag:$0x6], $0x80, s21, s26, $0xb8;
	[tilespmem:$0x1FC00] =	vst v63  }
0xfe: {  	_ =	swait.ge [sflag:s0], $0x2800  }
0xff: {  	[sflag:s0] =	ssyncset.done $0x0  }
0x100: {  	s24 =	rddreg [dreg:$0x1a];
	[sflag:s0] =	ssyncadd.s32 $0xFFFFD800  }
0x101: {  	[spmem:s3] =	stream.indirect.scatter.add.f32 [tilespmem:s29], [sflag:$0x7], $0x80, s24, s26, $0xb8;
	[tilespmem:$0x1FC00] =	vst v63  }
0x102: {  	_ =	swait.ge [sflag:s6], $0x2800  }
0x103: {  	[sflag:s6] =	ssyncset.done $0x0  }
0x104: {  	s20 =	rddreg [dreg:$0x1b];
	[sflag:s6] =	ssyncadd.s32 $0xFFFFD800  }
0x105: {  	[spmem:s3] =	stream.indirect.scatter.add.f32 [tilespmem:s30], [sflag:$0x8], $0x80, s20, s26, $0xb8;
	[tilespmem:$0x1FC00] =	vst v63  }
0x106: {  	_ =	swait.ge [sflag:s7], $0x2800  }
0x107: {  	[sflag:s7] =	ssyncset.done $0x0  }
0x108: {  	s21 =	rddreg [dreg:$0x1c];
	[sflag:s7] =	ssyncadd.s32 $0xFFFFD800  }
0x109: {  	[tilespmem:s22], [sflag:$0x1] =	stream.indirect.gather [hbm4b:s2+s26], $0x80, s21, s26, $0xb8;
	[tilespmem:$0x1FC00] =	vst v63  }
0x10a: {  	_ =	swait.ge [sflag:s8], $0x2800  }
0x10b: {  	[sflag:s8] =	ssyncset.done $0x0  }
0x10c: {  	s24 =	rddreg [dreg:$0x1d];
	[sflag:s8] =	ssyncadd.s32 $0xFFFFD800  }
0x10d: {  	[tilespmem:s28], [sflag:$0x2] =	stream.indirect.gather [hbm4b:s2+s26], $0x80, s24, s26, $0xb8;
	[tilespmem:$0x1FC00] =	vst v63  }
0x10e: {  	_ =	swait.ge [sflag:s9], $0x2800  }
0x10f: {  	[sflag:s9] =	ssyncset.done $0x0  }
0x110: {  	s20 =	rddreg [dreg:$0x1e];
	[sflag:s9] =	ssyncadd.s32 $0xFFFFD800  }
0x111: {  	[tilespmem:s29], [sflag:$0x3] =	stream.indirect.gather [hbm4b:s2+s26], $0x80, s20, s26, $0xb8;
	[tilespmem:$0x1FC00] =	vst v63  }
0x112: {  	_ =	swait.ge [sflag:s10], $0x2800  }
0x113: {  	[sflag:s10] =	ssyncset.done $0x0  }
0x114: {  	s21 =	rddreg [dreg:$0x1f];
	[sflag:s10] =	ssyncadd.s32 $0xFFFFD800  }
0x115: {  	[tilespmem:s30], [sflag:$0x4] =	stream.indirect.gather [hbm4b:s2+s26], $0x80, s21, s26, $0xb8;
	[tilespmem:$0x1FC00] =	vst v63  }
0x116: {  	_ =	swait.ge [sflag:s31], $0x2800  }
0x117: {  	s24 =	sld [smem:$0x7E4]  }
0x118: {  	[sflag:s31] =	ssyncset.done $0x0  }
0x119: {  	[sflag:s31] =	ssyncadd.s32 $0xFFFFD800  }
0x11a: {  	[spmem:s3] =	stream.indirect.scatter.add.f32 [tilespmem:s22], [sflag:$0x5], $0x80, s24, s26, $0xb8;
	[tilespmem:$0x1FC00] =	vst v63  }
0x11b: {  	_ =	swait.ge [sflag:s1], $0x2800  }
0x11c: {  	s20 =	sld [smem:$0x7E6]  }
0x11d: {  	[sflag:s1] =	ssyncset.done $0x0  }
0x11e: {  	[sflag:s1] =	ssyncadd.s32 $0xFFFFD800  }
0x11f: {  	[spmem:s3] =	stream.indirect.scatter.add.f32 [tilespmem:s28], [sflag:$0x6], $0x80, s20, s26, $0xb8;
	[tilespmem:$0x1FC00] =	vst v63  }
0x120: {  	_ =	swait.ge [sflag:s0], $0x2800  }
0x121: {  	s21 =	sld [smem:$0x7E8]  }
0x122: {  	[sflag:s0] =	ssyncset.done $0x0  }
0x123: {  	[sflag:s0] =	ssyncadd.s32 $0xFFFFD800  }
0x124: {  	[spmem:s3] =	stream.indirect.scatter.add.f32 [tilespmem:s29], [sflag:$0x7], $0x80, s21, s26, $0xb8;
	[tilespmem:$0x1FC00] =	vst v63  }
0x125: {  	_ =	swait.ge [sflag:s6], $0x2800  }
0x126: {  	s24 =	sld [smem:$0x7EA]  }
0x127: {  	[sflag:s6] =	ssyncset.done $0x0  }
0x128: {  	[sflag:s6] =	ssyncadd.s32 $0xFFFFD800  }
0x129: {  	[spmem:s3] =	stream.indirect.scatter.add.f32 [tilespmem:s30], [sflag:$0x8], $0x80, s24, s26, $0xb8;
	[tilespmem:$0x1FC00] =	vst v63  }
0x12a: {  	_ =	swait.ge [sflag:s7], $0x2800  }
0x12b: {  	s20 =	sld [smem:$0x7EC]  }
0x12c: {  	[sflag:s7] =	ssyncset.done $0x0  }
0x12d: {  	[sflag:s7] =	ssyncadd.s32 $0xFFFFD800  }
0x12e: {  	[tilespmem:s22], [sflag:$0x1] =	stream.indirect.gather [hbm4b:s2+s26], $0x80, s20, s26, $0xb8;
	[tilespmem:$0x1FC00] =	vst v63  }
0x12f: {  	_ =	swait.ge [sflag:s8], $0x2800  }
0x130: {  	s21 =	sld [smem:$0x7EE]  }
0x131: {  	[sflag:s8] =	ssyncset.done $0x0  }
0x132: {  	[sflag:s8] =	ssyncadd.s32 $0xFFFFD800  }
0x133: {  	[tilespmem:s28], [sflag:$0x2] =	stream.indirect.gather [hbm4b:s2+s26], $0x80, s21, s26, $0xb8;
	[tilespmem:$0x1FC00] =	vst v63  }
0x134: {  	_ =	swait.ge [sflag:s9], $0x2800  }
0x135: {  	s24 =	sld [smem:$0x7F0]  }
0x136: {  	[sflag:s9] =	ssyncset.done $0x0  }
0x137: {  	[sflag:s9] =	ssyncadd.s32 $0xFFFFD800  }
0x138: {  	[tilespmem:s29], [sflag:$0x3] =	stream.indirect.gather [hbm4b:s2+s26], $0x80, s24, s26, $0xb8;
	[tilespmem:$0x1FC00] =	vst v63  }
0x139: {  	_ =	swait.ge [sflag:s10], $0x2800  }
0x13a: {  	s20 =	sld [smem:$0x7F2]  }
0x13b: {  	[sflag:s10] =	ssyncset.done $0x0  }
0x13c: {  	[sflag:s10] =	ssyncadd.s32 $0xFFFFD800  }
0x13d: {  	[tilespmem:s30], [sflag:$0x4] =	stream.indirect.gather [hbm4b:s2+s26], $0x80, s20, s26, $0xb8;
	[tilespmem:$0x1FC00] =	vst v63  }
0x13e: {  	_ =	swait.ge [sflag:s31], $0x2800  }
0x13f: {  	s21 =	sld [smem:$0x7F4]  }
0x140: {  	[sflag:s31] =	ssyncset.done $0x0  }
0x141: {  	[sflag:s31] =	ssyncadd.s32 $0xFFFFD800  }
0x142: {  	[spmem:s3] =	stream.indirect.scatter.add.f32 [tilespmem:s22], [sflag:$0x5], $0x80, s21, s26, $0xb8;
	[tilespmem:$0x1FC00] =	vst v63  }
0x143: {  	_ =	swait.ge [sflag:s1], $0x2800  }
0x144: {  	s24 =	sld [smem:$0x7F6]  }
0x145: {  	[sflag:s1] =	ssyncset.done $0x0  }
0x146: {  	[sflag:s1] =	ssyncadd.s32 $0xFFFFD800  }
0x147: {  	[spmem:s3] =	stream.indirect.scatter.add.f32 [tilespmem:s28], [sflag:$0x6], $0x80, s24, s26, $0xb8;
	[tilespmem:$0x1FC00] =	vst v63  }
0x148: {  	_ =	swait.ge [sflag:s0], $0x2800  }
0x149: {  	s20 =	sld [smem:$0x7F8]  }
0x14a: {  	[sflag:s0] =	ssyncset.done $0x0  }
0x14b: {  	[sflag:s0] =	ssyncadd.s32 $0xFFFFD800  }
0x14c: {  	[spmem:s3] =	stream.indirect.scatter.add.f32 [tilespmem:s29], [sflag:$0x7], $0x80, s20, s26, $0xb8;
	[tilespmem:$0x1FC00] =	vst v63  }
0x14d: {  	_ =	swait.ge [sflag:s6], $0x2800  }
0x14e: {  	s21 =	sld [smem:$0x7FB]  }
0x14f: {  	[sflag:s6] =	ssyncset.done $0x0  }
0x150: {  	[sflag:s6] =	ssyncadd.s32 $0xFFFFD800  }
0x151: {  	[spmem:s3] =	stream.indirect.scatter.add.f32 [tilespmem:s30], [sflag:$0x8], $0x80, s21, s26, $0xb8;
	[tilespmem:$0x1FC00] =	vst v63  }
0x152: {  	_ =	swait.ge [sflag:s7], $0x2800  }
0x153: {  	s24 =	sld [smem:$0x7FC]  }
0x154: {  	[sflag:s7] =	ssyncset.done $0x0  }
0x155: {  	[sflag:s7] =	ssyncadd.s32 $0xFFFFD800  }
0x156: {  	[tilespmem:s22], [sflag:$0x1] =	stream.indirect.gather [hbm4b:s2+s26], $0x80, s24, s26, $0xb8;
	[tilespmem:$0x1FC00] =	vst v63  }
0x157: {  	_ =	swait.ge [sflag:s8], $0x2800  }
0x158: {  	[sflag:s8] =	ssyncset.done $0x0  }
0x159: {  	[sflag:s8] =	ssyncadd.s32 $0xFFFFD800  }
0x15a: {  	[tilespmem:s28], [sflag:$0x2] =	stream.indirect.gather [hbm4b:s2+s26], $0x80, s11, s26, $0xb8;
	[tilespmem:$0x1FC00] =	vst v63  }
0x15b: {  	_ =	swait.ge [sflag:s9], $0x2800  }
0x15c: {  	[sflag:s9] =	ssyncset.done $0x0  }
0x15d: {  	[sflag:s9] =	ssyncadd.s32 $0xFFFFD800  }
0x15e: {  	[tilespmem:s29], [sflag:$0x3] =	stream.indirect.gather [hbm4b:s2+s26], $0x80, s12, s26, $0xb8;
	[tilespmem:$0x1FC00] =	vst v63  }
0x15f: {  	_ =	swait.ge [sflag:s10], $0x2800  }
0x160: {  	[sflag:s10] =	ssyncset.done $0x0  }
0x161: {  	[sflag:s10] =	ssyncadd.s32 $0xFFFFD800  }
0x162: {  	[tilespmem:s30], [sflag:$0x4] =	stream.indirect.gather [hbm4b:s2+s26], $0x80, s13, s26, $0xb8;
	[tilespmem:$0x1FC00] =	vst v63  }
0x163: {  	_ =	swait.ge [sflag:s31], $0x2800  }
0x164: {  	[sflag:s31] =	ssyncset.done $0x0  }
0x165: {  	[sflag:s31] =	ssyncadd.s32 $0xFFFFD800  }
0x166: {  	[spmem:s3] =	stream.indirect.scatter.add.f32 [tilespmem:s22], [sflag:$0x5], $0x80, s14, s26, $0xb8;
	[tilespmem:$0x1FC00] =	vst v63  }
0x167: {  	_ =	swait.ge [sflag:s1], $0x2800  }
0x168: {  	[sflag:s1] =	ssyncset.done $0x0  }
0x169: {  	[sflag:s1] =	ssyncadd.s32 $0xFFFFD800  }
0x16a: {  	[spmem:s3] =	stream.indirect.scatter.add.f32 [tilespmem:s28], [sflag:$0x6], $0x80, s15, s26, $0xb8;
	[tilespmem:$0x1FC00] =	vst v63  }
0x16b: {  	_ =	swait.ge [sflag:s0], $0x2800  }
0x16c: {  	[sflag:s0] =	ssyncset.done $0x0  }
0x16d: {  	[sflag:s0] =	ssyncadd.s32 $0xFFFFD800  }
0x16e: {  	[spmem:s3] =	stream.indirect.scatter.add.f32 [tilespmem:s29], [sflag:$0x7], $0x80, s16, s26, $0xb8;
	[tilespmem:$0x1FC00] =	vst v63  }
0x16f: {  	_ =	swait.ge [sflag:s6], $0x2800  }
0x170: {  	[sflag:s6] =	ssyncset.done $0x0  }
0x171: {  	[sflag:s6] =	ssyncadd.s32 $0xFFFFD800  }
0x172: {  	[spmem:s3] =	stream.indirect.scatter.add.f32 [tilespmem:s30], [sflag:$0x8], $0x80, s17, s26, $0xb8;
	[tilespmem:$0x1FC00] =	vst v63  }
0x173: {  	_ =	swait.ge [sflag:s7], $0x2800  }
0x174: {  	[sflag:s7] =	ssyncset.done $0x0  }
0x175: {  	[sflag:s7] =	ssyncadd.s32 $0xFFFFD800  }
0x176: {  	[tilespmem:s22], [sflag:$0x1] =	stream.indirect.gather [hbm4b:s2+s26], $0x80, s18, s26, $0xb8;
	[tilespmem:$0x1FC00] =	vst v63  }
0x177: {  	_ =	swait.ge [sflag:s8], $0x2800  }
0x178: {  	[sflag:s8] =	ssyncset.done $0x0  }
0x179: {  	[sflag:s8] =	ssyncadd.s32 $0xFFFFD800  }
0x17a: {  	_ =	swait.ge [sflag:s9], $0x2800  }
0x17b: {  	[sflag:s9] =	ssyncset.done $0x0  }
0x17c: {  	[sflag:s9] =	ssyncadd.s32 $0xFFFFD800  }
0x17d: {  	_ =	swait.ge [sflag:s10], $0x2800  }
0x17e: {  	[sflag:s10] =	ssyncset.done $0x0  }
0x17f: {  	[sflag:s10] =	ssyncadd.s32 $0xFFFFD800  }
0x180: {  	_ =	swait.ge [sflag:s31], $0x2800  }
0x181: {  	[sflag:s31] =	ssyncset.done $0x0  }
0x182: {  	[sflag:s31] =	ssyncadd.s32 $0xFFFFD800  }
0x183: {  	[spmem:s3] =	stream.indirect.scatter.add.f32 [tilespmem:s22], [sflag:$0x5], $0x80, s19, s26, $0xb8;
	[tilespmem:$0x1FC00] =	vst v63  }
0x184: {  	s21 =	simm.s32 $0x200;
	_ =	swait.ge [sflag:s7], $0x2800  }
0x185: {  	s24 =	simm.s32 $0x400;
	s5 =	rddreg [dreg:$0x5];
	[sflag:s7] =	ssyncset.done $0x0  }
.LBB2_4:
0x186: {  	[sflag:s7] =	ssyncadd.s32 $0xFFFFD800;
	s5 =	sadd.s32 s21, s5  }
0x187: {  	[tilespmem:s4], [sflag:$0x9] =	stream.linear.gather [hbm4b:s5+s4], $0xC80, $0x38;
	[tilespmem:$0x1FC00] =	vst v63  }
0x188: {  	_ =	swait.ge [sflag:s23], $0xC80  }
0x189: {  	s5 =	rddreg [dreg:$0x4];
	[sflag:s23] =	ssyncset.done $0x0  }
0x18a: {  	[sflag:s23] =	ssyncadd.s32 $0xFFFFF380;
	s5 =	sadd.s32 s21, s5  }
0x18b: {  	[tilespmem:s25], [sflag:$0x9] =	stream.linear.gather [hbm4b:s5+s4], $0xC80, $0x38;
	[tilespmem:$0x1FC00] =	vst v63  }
0x18c: {  	_ =	swait.ge [sflag:s23], $0xC80  }
0x18d: {  	[sflag:s23] =	ssyncset.done $0x0  }
0x18e: {  	[sflag:s23] =	ssyncadd.s32 $0xFFFFF380  }
0x18f: {  	[tilespmem:s22], [sflag:$0x1] =	stream.indirect.gather [hbm4b:s2+s26], $0x80, s4, s26, $0xb8;
	[tilespmem:$0x1FC00] =	vst v63  }
0x190: {  	s20 =	smov.u32 s24;
	s5 =	rddreg [dreg:$0x6]  }
0x191: {  	[tilespmem:s28], [sflag:$0x2] =	stream.indirect.gather [hbm4b:s2+s26], $0x80, s5, s26, $0xb8;
	[tilespmem:$0x1FC00] =	vst v63  }
0x192: {  	s21 =	smov.u32 s20;
	s20 =	rddreg [dreg:$0x7]  }
0x193: {  	[tilespmem:s29], [sflag:$0x3] =	stream.indirect.gather [hbm4b:s2+s26], $0x80, s20, s26, $0xb8;
	[tilespmem:$0x1FC00] =	vst v63  }
0x194: {  	s5 =	rddreg [dreg:$0x8]  }
0x195: {  	[tilespmem:s30], [sflag:$0x4] =	stream.indirect.gather [hbm4b:s2+s26], $0x80, s5, s26, $0xb8;
	[tilespmem:$0x1FC00] =	vst v63  }
0x196: {  	_ =	swait.ge [sflag:s31], $0x2800  }
0x197: {  	[sflag:s31] =	ssyncset.done $0x0  }
0x198: {  	[sflag:s31] =	ssyncadd.s32 $0xFFFFD800  }
0x199: {  	[spmem:s3] =	stream.indirect.scatter.add.f32 [tilespmem:s22], [sflag:$0x5], $0x80, s25, s26, $0xb8;
	[tilespmem:$0x1FC00] =	vst v63  }
0x19a: {  	_ =	swait.ge [sflag:s1], $0x2800  }
0x19b: {  	[sflag:s1] =	ssyncset.done $0x0  }
0x19c: {  	s20 =	rddreg [dreg:$0x9];
	[sflag:s1] =	ssyncadd.s32 $0xFFFFD800  }
0x19d: {  	[spmem:s3] =	stream.indirect.scatter.add.f32 [tilespmem:s28], [sflag:$0x6], $0x80, s20, s26, $0xb8;
	[tilespmem:$0x1FC00] =	vst v63  }
0x19e: {  	_ =	swait.ge [sflag:s0], $0x2800  }
0x19f: {  	[sflag:s0] =	ssyncset.done $0x0  }
0x1a0: {  	s20 =	rddreg [dreg:$0xa];
	[sflag:s0] =	ssyncadd.s32 $0xFFFFD800  }
0x1a1: {  	[spmem:s3] =	stream.indirect.scatter.add.f32 [tilespmem:s29], [sflag:$0x7], $0x80, s20, s26, $0xb8;
	[tilespmem:$0x1FC00] =	vst v63  }
0x1a2: {  	_ =	swait.ge [sflag:s6], $0x2800  }
0x1a3: {  	[sflag:s6] =	ssyncset.done $0x0  }
0x1a4: {  	s20 =	rddreg [dreg:$0xb];
	[sflag:s6] =	ssyncadd.s32 $0xFFFFD800  }
0x1a5: {  	[spmem:s3] =	stream.indirect.scatter.add.f32 [tilespmem:s30], [sflag:$0x8], $0x80, s20, s26, $0xb8;
	[tilespmem:$0x1FC00] =	vst v63  }
0x1a6: {  	_ =	swait.ge [sflag:s7], $0x2800  }
0x1a7: {  	[sflag:s7] =	ssyncset.done $0x0  }
0x1a8: {  	s20 =	rddreg [dreg:$0xc];
	[sflag:s7] =	ssyncadd.s32 $0xFFFFD800  }
0x1a9: {  	[tilespmem:s22], [sflag:$0x1] =	stream.indirect.gather [hbm4b:s2+s26], $0x80, s20, s26, $0xb8;
	[tilespmem:$0x1FC00] =	vst v63  }
0x1aa: {  	_ =	swait.ge [sflag:s8], $0x2800  }
0x1ab: {  	[sflag:s8] =	ssyncset.done $0x0  }
0x1ac: {  	s20 =	rddreg [dreg:$0xd];
	[sflag:s8] =	ssyncadd.s32 $0xFFFFD800  }
0x1ad: {  	[tilespmem:s28], [sflag:$0x2] =	stream.indirect.gather [hbm4b:s2+s26], $0x80, s20, s26, $0xb8;
	[tilespmem:$0x1FC00] =	vst v63  }
0x1ae: {  	_ =	swait.ge [sflag:s9], $0x2800  }
0x1af: {  	[sflag:s9] =	ssyncset.done $0x0  }
0x1b0: {  	s20 =	rddreg [dreg:$0xe];
	[sflag:s9] =	ssyncadd.s32 $0xFFFFD800  }
0x1b1: {  	[tilespmem:s29], [sflag:$0x3] =	stream.indirect.gather [hbm4b:s2+s26], $0x80, s20, s26, $0xb8;
	[tilespmem:$0x1FC00] =	vst v63  }
0x1b2: {  	_ =	swait.ge [sflag:s10], $0x2800  }
0x1b3: {  	[sflag:s10] =	ssyncset.done $0x0  }
0x1b4: {  	s20 =	rddreg [dreg:$0xf];
	[sflag:s10] =	ssyncadd.s32 $0xFFFFD800  }
0x1b5: {  	[tilespmem:s30], [sflag:$0x4] =	stream.indirect.gather [hbm4b:s2+s26], $0x80, s20, s26, $0xb8;
	[tilespmem:$0x1FC00] =	vst v63  }
0x1b6: {  	_ =	swait.ge [sflag:s31], $0x2800  }
0x1b7: {  	[sflag:s31] =	ssyncset.done $0x0  }
0x1b8: {  	s20 =	rddreg [dreg:$0x10];
	[sflag:s31] =	ssyncadd.s32 $0xFFFFD800  }
0x1b9: {  	[spmem:s3] =	stream.indirect.scatter.add.f32 [tilespmem:s22], [sflag:$0x5], $0x80, s20, s26, $0xb8;
	[tilespmem:$0x1FC00] =	vst v63  }
0x1ba: {  	_ =	swait.ge [sflag:s1], $0x2800  }
0x1bb: {  	[sflag:s1] =	ssyncset.done $0x0  }
0x1bc: {  	s20 =	rddreg [dreg:$0x11];
	[sflag:s1] =	ssyncadd.s32 $0xFFFFD800  }
0x1bd: {  	[spmem:s3] =	stream.indirect.scatter.add.f32 [tilespmem:s28], [sflag:$0x6], $0x80, s20, s26, $0xb8;
	[tilespmem:$0x1FC00] =	vst v63  }
0x1be: {  	_ =	swait.ge [sflag:s0], $0x2800  }
0x1bf: {  	[sflag:s0] =	ssyncset.done $0x0  }
0x1c0: {  	s20 =	rddreg [dreg:$0x12];
	[sflag:s0] =	ssyncadd.s32 $0xFFFFD800  }
0x1c1: {  	[spmem:s3] =	stream.indirect.scatter.add.f32 [tilespmem:s29], [sflag:$0x7], $0x80, s20, s26, $0xb8;
	[tilespmem:$0x1FC00] =	vst v63  }
0x1c2: {  	_ =	swait.ge [sflag:s6], $0x2800  }
0x1c3: {  	[sflag:s6] =	ssyncset.done $0x0  }
0x1c4: {  	s20 =	rddreg [dreg:$0x13];
	[sflag:s6] =	ssyncadd.s32 $0xFFFFD800  }
0x1c5: {  	[spmem:s3] =	stream.indirect.scatter.add.f32 [tilespmem:s30], [sflag:$0x8], $0x80, s20, s26, $0xb8;
	[tilespmem:$0x1FC00] =	vst v63  }
0x1c6: {  	_ =	swait.ge [sflag:s7], $0x2800  }
0x1c7: {  	[sflag:s7] =	ssyncset.done $0x0  }
0x1c8: {  	s20 =	rddreg [dreg:$0x14];
	[sflag:s7] =	ssyncadd.s32 $0xFFFFD800  }
0x1c9: {  	[tilespmem:s22], [sflag:$0x1] =	stream.indirect.gather [hbm4b:s2+s26], $0x80, s20, s26, $0xb8;
	[tilespmem:$0x1FC00] =	vst v63  }
0x1ca: {  	_ =	swait.ge [sflag:s8], $0x2800  }
0x1cb: {  	[sflag:s8] =	ssyncset.done $0x0  }
0x1cc: {  	s20 =	rddreg [dreg:$0x15];
	[sflag:s8] =	ssyncadd.s32 $0xFFFFD800  }
0x1cd: {  	[tilespmem:s28], [sflag:$0x2] =	stream.indirect.gather [hbm4b:s2+s26], $0x80, s20, s26, $0xb8;
	[tilespmem:$0x1FC00] =	vst v63  }
0x1ce: {  	_ =	swait.ge [sflag:s9], $0x2800  }
0x1cf: {  	[sflag:s9] =	ssyncset.done $0x0  }
0x1d0: {  	s20 =	rddreg [dreg:$0x16];
	[sflag:s9] =	ssyncadd.s32 $0xFFFFD800  }
0x1d1: {  	[tilespmem:s29], [sflag:$0x3] =	stream.indirect.gather [hbm4b:s2+s26], $0x80, s20, s26, $0xb8;
	[tilespmem:$0x1FC00] =	vst v63  }
0x1d2: {  	_ =	swait.ge [sflag:s10], $0x2800  }
0x1d3: {  	[sflag:s10] =	ssyncset.done $0x0  }
0x1d4: {  	s20 =	rddreg [dreg:$0x17];
	[sflag:s10] =	ssyncadd.s32 $0xFFFFD800  }
0x1d5: {  	[tilespmem:s30], [sflag:$0x4] =	stream.indirect.gather [hbm4b:s2+s26], $0x80, s20, s26, $0xb8;
	[tilespmem:$0x1FC00] =	vst v63  }
0x1d6: {  	_ =	swait.ge [sflag:s31], $0x2800  }
0x1d7: {  	[sflag:s31] =	ssyncset.done $0x0  }
0x1d8: {  	s20 =	rddreg [dreg:$0x18];
	[sflag:s31] =	ssyncadd.s32 $0xFFFFD800  }
0x1d9: {  	[spmem:s3] =	stream.indirect.scatter.add.f32 [tilespmem:s22], [sflag:$0x5], $0x80, s20, s26, $0xb8;
	[tilespmem:$0x1FC00] =	vst v63  }
0x1da: {  	_ =	swait.ge [sflag:s1], $0x2800  }
0x1db: {  	[sflag:s1] =	ssyncset.done $0x0  }
0x1dc: {  	s20 =	rddreg [dreg:$0x19];
	[sflag:s1] =	ssyncadd.s32 $0xFFFFD800  }
0x1dd: {  	[spmem:s3] =	stream.indirect.scatter.add.f32 [tilespmem:s28], [sflag:$0x6], $0x80, s20, s26, $0xb8;
	[tilespmem:$0x1FC00] =	vst v63  }
0x1de: {  	_ =	swait.ge [sflag:s0], $0x2800  }
0x1df: {  	[sflag:s0] =	ssyncset.done $0x0  }
0x1e0: {  	s20 =	rddreg [dreg:$0x1a];
	[sflag:s0] =	ssyncadd.s32 $0xFFFFD800  }
0x1e1: {  	[spmem:s3] =	stream.indirect.scatter.add.f32 [tilespmem:s29], [sflag:$0x7], $0x80, s20, s26, $0xb8;
	[tilespmem:$0x1FC00] =	vst v63  }
0x1e2: {  	_ =	swait.ge [sflag:s6], $0x2800  }
0x1e3: {  	[sflag:s6] =	ssyncset.done $0x0  }
0x1e4: {  	s20 =	rddreg [dreg:$0x1b];
	[sflag:s6] =	ssyncadd.s32 $0xFFFFD800  }
0x1e5: {  	[spmem:s3] =	stream.indirect.scatter.add.f32 [tilespmem:s30], [sflag:$0x8], $0x80, s20, s26, $0xb8;
	[tilespmem:$0x1FC00] =	vst v63  }
0x1e6: {  	_ =	swait.ge [sflag:s7], $0x2800  }
0x1e7: {  	[sflag:s7] =	ssyncset.done $0x0  }
0x1e8: {  	s20 =	rddreg [dreg:$0x1c];
	[sflag:s7] =	ssyncadd.s32 $0xFFFFD800  }
0x1e9: {  	[tilespmem:s22], [sflag:$0x1] =	stream.indirect.gather [hbm4b:s2+s26], $0x80, s20, s26, $0xb8;
	[tilespmem:$0x1FC00] =	vst v63  }
0x1ea: {  	_ =	swait.ge [sflag:s8], $0x2800  }
0x1eb: {  	[sflag:s8] =	ssyncset.done $0x0  }
0x1ec: {  	s20 =	rddreg [dreg:$0x1d];
	[sflag:s8] =	ssyncadd.s32 $0xFFFFD800  }
0x1ed: {  	[tilespmem:s28], [sflag:$0x2] =	stream.indirect.gather [hbm4b:s2+s26], $0x80, s20, s26, $0xb8;
	[tilespmem:$0x1FC00] =	vst v63  }
0x1ee: {  	_ =	swait.ge [sflag:s9], $0x2800  }
0x1ef: {  	[sflag:s9] =	ssyncset.done $0x0  }
0x1f0: {  	s20 =	rddreg [dreg:$0x1e];
	[sflag:s9] =	ssyncadd.s32 $0xFFFFD800  }
0x1f1: {  	[tilespmem:s29], [sflag:$0x3] =	stream.indirect.gather [hbm4b:s2+s26], $0x80, s20, s26, $0xb8;
	[tilespmem:$0x1FC00] =	vst v63  }
0x1f2: {  	_ =	swait.ge [sflag:s10], $0x2800  }
0x1f3: {  	[sflag:s10] =	ssyncset.done $0x0  }
0x1f4: {  	s20 =	rddreg [dreg:$0x1f];
	[sflag:s10] =	ssyncadd.s32 $0xFFFFD800  }
0x1f5: {  	[tilespmem:s30], [sflag:$0x4] =	stream.indirect.gather [hbm4b:s2+s26], $0x80, s20, s26, $0xb8;
	[tilespmem:$0x1FC00] =	vst v63  }
0x1f6: {  	_ =	swait.ge [sflag:s31], $0x2800  }
0x1f7: {  	s20 =	sld [smem:$0x7E4]  }
0x1f8: {  	[sflag:s31] =	ssyncset.done $0x0  }
0x1f9: {  	[sflag:s31] =	ssyncadd.s32 $0xFFFFD800  }
0x1fa: {  	[spmem:s3] =	stream.indirect.scatter.add.f32 [tilespmem:s22], [sflag:$0x5], $0x80, s20, s26, $0xb8;
	[tilespmem:$0x1FC00] =	vst v63  }
0x1fb: {  	_ =	swait.ge [sflag:s1], $0x2800  }
0x1fc: {  	s20 =	sld [smem:$0x7E6]  }
0x1fd: {  	[sflag:s1] =	ssyncset.done $0x0  }
0x1fe: {  	[sflag:s1] =	ssyncadd.s32 $0xFFFFD800  }
0x1ff: {  	[spmem:s3] =	stream.indirect.scatter.add.f32 [tilespmem:s28], [sflag:$0x6], $0x80, s20, s26, $0xb8;
	[tilespmem:$0x1FC00] =	vst v63  }
0x200: {  	_ =	swait.ge [sflag:s0], $0x2800  }
0x201: {  	s20 =	sld [smem:$0x7E8]  }
0x202: {  	[sflag:s0] =	ssyncset.done $0x0  }
0x203: {  	[sflag:s0] =	ssyncadd.s32 $0xFFFFD800  }
0x204: {  	[spmem:s3] =	stream.indirect.scatter.add.f32 [tilespmem:s29], [sflag:$0x7], $0x80, s20, s26, $0xb8;
	[tilespmem:$0x1FC00] =	vst v63  }
0x205: {  	_ =	swait.ge [sflag:s6], $0x2800  }
0x206: {  	s20 =	sld [smem:$0x7EA]  }
0x207: {  	[sflag:s6] =	ssyncset.done $0x0  }
0x208: {  	[sflag:s6] =	ssyncadd.s32 $0xFFFFD800  }
0x209: {  	[spmem:s3] =	stream.indirect.scatter.add.f32 [tilespmem:s30], [sflag:$0x8], $0x80, s20, s26, $0xb8;
	[tilespmem:$0x1FC00] =	vst v63  }
0x20a: {  	_ =	swait.ge [sflag:s7], $0x2800  }
0x20b: {  	s20 =	sld [smem:$0x7EC]  }
0x20c: {  	[sflag:s7] =	ssyncset.done $0x0  }
0x20d: {  	[sflag:s7] =	ssyncadd.s32 $0xFFFFD800  }
0x20e: {  	[tilespmem:s22], [sflag:$0x1] =	stream.indirect.gather [hbm4b:s2+s26], $0x80, s20, s26, $0xb8;
	[tilespmem:$0x1FC00] =	vst v63  }
0x20f: {  	_ =	swait.ge [sflag:s8], $0x2800  }
0x210: {  	s20 =	sld [smem:$0x7EE]  }
0x211: {  	[sflag:s8] =	ssyncset.done $0x0  }
0x212: {  	[sflag:s8] =	ssyncadd.s32 $0xFFFFD800  }
0x213: {  	[tilespmem:s28], [sflag:$0x2] =	stream.indirect.gather [hbm4b:s2+s26], $0x80, s20, s26, $0xb8;
	[tilespmem:$0x1FC00] =	vst v63  }
0x214: {  	_ =	swait.ge [sflag:s9], $0x2800  }
0x215: {  	s20 =	sld [smem:$0x7F0]  }
0x216: {  	[sflag:s9] =	ssyncset.done $0x0  }
0x217: {  	[sflag:s9] =	ssyncadd.s32 $0xFFFFD800  }
0x218: {  	[tilespmem:s29], [sflag:$0x3] =	stream.indirect.gather [hbm4b:s2+s26], $0x80, s20, s26, $0xb8;
	[tilespmem:$0x1FC00] =	vst v63  }
0x219: {  	_ =	swait.ge [sflag:s10], $0x2800  }
0x21a: {  	s20 =	sld [smem:$0x7F2]  }
0x21b: {  	[sflag:s10] =	ssyncset.done $0x0  }
0x21c: {  	[sflag:s10] =	ssyncadd.s32 $0xFFFFD800  }
0x21d: {  	[tilespmem:s30], [sflag:$0x4] =	stream.indirect.gather [hbm4b:s2+s26], $0x80, s20, s26, $0xb8;
	[tilespmem:$0x1FC00] =	vst v63  }
0x21e: {  	_ =	swait.ge [sflag:s31], $0x2800  }
0x21f: {  	s20 =	sld [smem:$0x7F4]  }
0x220: {  	[sflag:s31] =	ssyncset.done $0x0  }
0x221: {  	[sflag:s31] =	ssyncadd.s32 $0xFFFFD800  }
0x222: {  	[spmem:s3] =	stream.indirect.scatter.add.f32 [tilespmem:s22], [sflag:$0x5], $0x80, s20, s26, $0xb8;
	[tilespmem:$0x1FC00] =	vst v63  }
0x223: {  	_ =	swait.ge [sflag:s1], $0x2800  }
0x224: {  	s20 =	sld [smem:$0x7F6]  }
0x225: {  	[sflag:s1] =	ssyncset.done $0x0  }
0x226: {  	[sflag:s1] =	ssyncadd.s32 $0xFFFFD800  }
0x227: {  	[spmem:s3] =	stream.indirect.scatter.add.f32 [tilespmem:s28], [sflag:$0x6], $0x80, s20, s26, $0xb8;
	[tilespmem:$0x1FC00] =	vst v63  }
0x228: {  	_ =	swait.ge [sflag:s0], $0x2800  }
0x229: {  	s20 =	sld [smem:$0x7F8]  }
0x22a: {  	[sflag:s0] =	ssyncset.done $0x0  }
0x22b: {  	[sflag:s0] =	ssyncadd.s32 $0xFFFFD800  }
0x22c: {  	[spmem:s3] =	stream.indirect.scatter.add.f32 [tilespmem:s29], [sflag:$0x7], $0x80, s20, s26, $0xb8;
	[tilespmem:$0x1FC00] =	vst v63  }
0x22d: {  	_ =	swait.ge [sflag:s6], $0x2800  }
0x22e: {  	s20 =	sld [smem:$0x7FB]  }
0x22f: {  	[sflag:s6] =	ssyncset.done $0x0  }
0x230: {  	[sflag:s6] =	ssyncadd.s32 $0xFFFFD800  }
0x231: {  	[spmem:s3] =	stream.indirect.scatter.add.f32 [tilespmem:s30], [sflag:$0x8], $0x80, s20, s26, $0xb8;
	[tilespmem:$0x1FC00] =	vst v63  }
0x232: {  	_ =	swait.ge [sflag:s7], $0x2800  }
0x233: {  	s20 =	sld [smem:$0x7FC]  }
0x234: {  	[sflag:s7] =	ssyncset.done $0x0  }
0x235: {  	[sflag:s7] =	ssyncadd.s32 $0xFFFFD800  }
0x236: {  	[tilespmem:s22], [sflag:$0x1] =	stream.indirect.gather [hbm4b:s2+s26], $0x80, s20, s26, $0xb8;
	[tilespmem:$0x1FC00] =	vst v63  }
0x237: {  	_ =	swait.ge [sflag:s8], $0x2800  }
0x238: {  	[sflag:s8] =	ssyncset.done $0x0  }
0x239: {  	[sflag:s8] =	ssyncadd.s32 $0xFFFFD800  }
0x23a: {  	[tilespmem:s28], [sflag:$0x2] =	stream.indirect.gather [hbm4b:s2+s26], $0x80, s11, s26, $0xb8;
	[tilespmem:$0x1FC00] =	vst v63  }
0x23b: {  	_ =	swait.ge [sflag:s9], $0x2800  }
0x23c: {  	[sflag:s9] =	ssyncset.done $0x0  }
0x23d: {  	[sflag:s9] =	ssyncadd.s32 $0xFFFFD800  }
0x23e: {  	[tilespmem:s29], [sflag:$0x3] =	stream.indirect.gather [hbm4b:s2+s26], $0x80, s12, s26, $0xb8;
	[tilespmem:$0x1FC00] =	vst v63  }
0x23f: {  	_ =	swait.ge [sflag:s10], $0x2800  }
0x240: {  	[sflag:s10] =	ssyncset.done $0x0  }
0x241: {  	[sflag:s10] =	ssyncadd.s32 $0xFFFFD800  }
0x242: {  	[tilespmem:s30], [sflag:$0x4] =	stream.indirect.gather [hbm4b:s2+s26], $0x80, s13, s26, $0xb8;
	[tilespmem:$0x1FC00] =	vst v63  }
0x243: {  	_ =	swait.ge [sflag:s31], $0x2800  }
0x244: {  	[sflag:s31] =	ssyncset.done $0x0  }
0x245: {  	[sflag:s31] =	ssyncadd.s32 $0xFFFFD800  }
0x246: {  	[spmem:s3] =	stream.indirect.scatter.add.f32 [tilespmem:s22], [sflag:$0x5], $0x80, s14, s26, $0xb8;
	[tilespmem:$0x1FC00] =	vst v63  }
0x247: {  	_ =	swait.ge [sflag:s1], $0x2800  }
0x248: {  	[sflag:s1] =	ssyncset.done $0x0  }
0x249: {  	[sflag:s1] =	ssyncadd.s32 $0xFFFFD800  }
0x24a: {  	[spmem:s3] =	stream.indirect.scatter.add.f32 [tilespmem:s28], [sflag:$0x6], $0x80, s15, s26, $0xb8;
	[tilespmem:$0x1FC00] =	vst v63  }
0x24b: {  	_ =	swait.ge [sflag:s0], $0x2800  }
0x24c: {  	[sflag:s0] =	ssyncset.done $0x0  }
0x24d: {  	[sflag:s0] =	ssyncadd.s32 $0xFFFFD800  }
0x24e: {  	[spmem:s3] =	stream.indirect.scatter.add.f32 [tilespmem:s29], [sflag:$0x7], $0x80, s16, s26, $0xb8;
	[tilespmem:$0x1FC00] =	vst v63  }
0x24f: {  	_ =	swait.ge [sflag:s6], $0x2800  }
0x250: {  	[sflag:s6] =	ssyncset.done $0x0  }
0x251: {  	[sflag:s6] =	ssyncadd.s32 $0xFFFFD800  }
0x252: {  	[spmem:s3] =	stream.indirect.scatter.add.f32 [tilespmem:s30], [sflag:$0x8], $0x80, s17, s26, $0xb8;
	[tilespmem:$0x1FC00] =	vst v63  }
0x253: {  	_ =	swait.ge [sflag:s7], $0x2800  }
0x254: {  	[sflag:s7] =	ssyncset.done $0x0  }
0x255: {  	[sflag:s7] =	ssyncadd.s32 $0xFFFFD800  }
0x256: {  	[tilespmem:s22], [sflag:$0x1] =	stream.indirect.gather [hbm4b:s2+s26], $0x80, s18, s26, $0xb8;
	[tilespmem:$0x1FC00] =	vst v63  }
0x257: {  	_ =	swait.ge [sflag:s8], $0x2800  }
0x258: {  	[sflag:s8] =	ssyncset.done $0x0  }
0x259: {  	[sflag:s8] =	ssyncadd.s32 $0xFFFFD800  }
0x25a: {  	_ =	swait.ge [sflag:s9], $0x2800  }
0x25b: {  	[sflag:s9] =	ssyncset.done $0x0  }
0x25c: {  	[sflag:s9] =	ssyncadd.s32 $0xFFFFD800  }
0x25d: {  	_ =	swait.ge [sflag:s10], $0x2800  }
0x25e: {  	[sflag:s10] =	ssyncset.done $0x0  }
0x25f: {  	[sflag:s10] =	ssyncadd.s32 $0xFFFFD800  }
0x260: {  	p0 =	sne.s32 s24, $0x800;
	_ =	swait.ge [sflag:s31], $0x2800  }
.Ltmp1:
0x261: {  	[sflag:s31] =	ssyncset.done $0x0;
	(pc) =	sbr.rel @p0 .LBB2_4-.Ltmp1, $4  }
0x262: {  	[sflag:s31] =	ssyncadd.s32 $0xFFFFD800  }
0x263: {  	[spmem:s3] =	stream.indirect.scatter.add.f32 [tilespmem:s22], [sflag:$0x5], $0x80, s19, s26, $0xb8;
	[tilespmem:$0x1FC00] =	vst v63  }
0x264: {  	_ =	swait.ge [sflag:s7], $0x2800  }
0x265: {  	s24 =	sadd.s32 $0x200, s24;
	s5 =	rddreg [dreg:$0x5];
	[sflag:s7] =	ssyncset.done $0x0  }
0x266: {  	[sflag:s7] =	ssyncadd.s32 $0xFFFFD800;
	s5 =	sadd.s32 s21, s5  }
0x267: {  	[tilespmem:s4], [sflag:$0x9] =	stream.linear.gather [hbm4b:s5+s4], $0xC80, $0x38;
	[tilespmem:$0x1FC00] =	vst v63  }
0x268: {  	_ =	swait.ge [sflag:s23], $0xC80  }
0x269: {  	s20 =	rddreg [dreg:$0x4];
	[sflag:s23] =	ssyncset.done $0x0  }
0x26a: {  	[sflag:s23] =	ssyncadd.s32 $0xFFFFF380;
	s5 =	sadd.s32 s21, s20  }
0x26b: {  	[tilespmem:s25], [sflag:$0x9] =	stream.linear.gather [hbm4b:s5+s4], $0xC80, $0x38;
	[tilespmem:$0x1FC00] =	vst v63  }
0x26c: {  	_ =	swait.ge [sflag:s23], $0xC80  }
0x26d: {  	[sflag:s23] =	ssyncset.done $0x0  }
0x26e: {  	[sflag:s23] =	ssyncadd.s32 $0xFFFFF380  }
0x26f: {  	[tilespmem:s22], [sflag:$0x1] =	stream.indirect.gather [hbm4b:s2+s26], $0x80, s4, s26, $0xb8;
	[tilespmem:$0x1FC00] =	vst v63  }
0x270: {  	s21 =	rddreg [dreg:$0x6]  }
0x271: {  	[tilespmem:s28], [sflag:$0x2] =	stream.indirect.gather [hbm4b:s2+s26], $0x80, s21, s26, $0xb8;
	[tilespmem:$0x1FC00] =	vst v63  }
0x272: {  	s20 =	rddreg [dreg:$0x7]  }
0x273: {  	[tilespmem:s29], [sflag:$0x3] =	stream.indirect.gather [hbm4b:s2+s26], $0x80, s20, s26, $0xb8;
	[tilespmem:$0x1FC00] =	vst v63  }
0x274: {  	s24 =	rddreg [dreg:$0x8]  }
0x275: {  	[tilespmem:s30], [sflag:$0x4] =	stream.indirect.gather [hbm4b:s2+s26], $0x80, s24, s26, $0xb8;
	[tilespmem:$0x1FC00] =	vst v63  }
0x276: {  	_ =	swait.ge [sflag:s31], $0x2800  }
0x277: {  	[sflag:s31] =	ssyncset.done $0x0  }
0x278: {  	[sflag:s31] =	ssyncadd.s32 $0xFFFFD800  }
0x279: {  	[spmem:s3] =	stream.indirect.scatter.add.f32 [tilespmem:s22], [sflag:$0x5], $0x80, s25, s26, $0xb8;
	[tilespmem:$0x1FC00] =	vst v63  }
0x27a: {  	_ =	swait.ge [sflag:s1], $0x2800  }
0x27b: {  	[sflag:s1] =	ssyncset.done $0x0  }
0x27c: {  	s20 =	rddreg [dreg:$0x9];
	[sflag:s1] =	ssyncadd.s32 $0xFFFFD800  }
0x27d: {  	[spmem:s3] =	stream.indirect.scatter.add.f32 [tilespmem:s28], [sflag:$0x6], $0x80, s20, s26, $0xb8;
	[tilespmem:$0x1FC00] =	vst v63  }
0x27e: {  	_ =	swait.ge [sflag:s0], $0x2800  }
0x27f: {  	[sflag:s0] =	ssyncset.done $0x0  }
0x280: {  	s21 =	rddreg [dreg:$0xa];
	[sflag:s0] =	ssyncadd.s32 $0xFFFFD800  }
0x281: {  	[spmem:s3] =	stream.indirect.scatter.add.f32 [tilespmem:s29], [sflag:$0x7], $0x80, s21, s26, $0xb8;
	[tilespmem:$0x1FC00] =	vst v63  }
0x282: {  	_ =	swait.ge [sflag:s6], $0x2800  }
0x283: {  	[sflag:s6] =	ssyncset.done $0x0  }
0x284: {  	s24 =	rddreg [dreg:$0xb];
	[sflag:s6] =	ssyncadd.s32 $0xFFFFD800  }
0x285: {  	[spmem:s3] =	stream.indirect.scatter.add.f32 [tilespmem:s30], [sflag:$0x8], $0x80, s24, s26, $0xb8;
	[tilespmem:$0x1FC00] =	vst v63  }
0x286: {  	_ =	swait.ge [sflag:s7], $0x2800  }
0x287: {  	[sflag:s7] =	ssyncset.done $0x0  }
0x288: {  	s20 =	rddreg [dreg:$0xc];
	[sflag:s7] =	ssyncadd.s32 $0xFFFFD800  }
0x289: {  	[tilespmem:s22], [sflag:$0x1] =	stream.indirect.gather [hbm4b:s2+s26], $0x80, s20, s26, $0xb8;
	[tilespmem:$0x1FC00] =	vst v63  }
0x28a: {  	_ =	swait.ge [sflag:s8], $0x2800  }
0x28b: {  	[sflag:s8] =	ssyncset.done $0x0  }
0x28c: {  	s21 =	rddreg [dreg:$0xd];
	[sflag:s8] =	ssyncadd.s32 $0xFFFFD800  }
0x28d: {  	[tilespmem:s28], [sflag:$0x2] =	stream.indirect.gather [hbm4b:s2+s26], $0x80, s21, s26, $0xb8;
	[tilespmem:$0x1FC00] =	vst v63  }
0x28e: {  	_ =	swait.ge [sflag:s9], $0x2800  }
0x28f: {  	[sflag:s9] =	ssyncset.done $0x0  }
0x290: {  	s24 =	rddreg [dreg:$0xe];
	[sflag:s9] =	ssyncadd.s32 $0xFFFFD800  }
0x291: {  	[tilespmem:s29], [sflag:$0x3] =	stream.indirect.gather [hbm4b:s2+s26], $0x80, s24, s26, $0xb8;
	[tilespmem:$0x1FC00] =	vst v63  }
0x292: {  	_ =	swait.ge [sflag:s10], $0x2800  }
0x293: {  	[sflag:s10] =	ssyncset.done $0x0  }
0x294: {  	s20 =	rddreg [dreg:$0xf];
	[sflag:s10] =	ssyncadd.s32 $0xFFFFD800  }
0x295: {  	[tilespmem:s30], [sflag:$0x4] =	stream.indirect.gather [hbm4b:s2+s26], $0x80, s20, s26, $0xb8;
	[tilespmem:$0x1FC00] =	vst v63  }
0x296: {  	_ =	swait.ge [sflag:s31], $0x2800  }
0x297: {  	[sflag:s31] =	ssyncset.done $0x0  }
0x298: {  	s21 =	rddreg [dreg:$0x10];
	[sflag:s31] =	ssyncadd.s32 $0xFFFFD800  }
0x299: {  	[spmem:s3] =	stream.indirect.scatter.add.f32 [tilespmem:s22], [sflag:$0x5], $0x80, s21, s26, $0xb8;
	[tilespmem:$0x1FC00] =	vst v63  }
0x29a: {  	_ =	swait.ge [sflag:s1], $0x2800  }
0x29b: {  	[sflag:s1] =	ssyncset.done $0x0  }
0x29c: {  	s24 =	rddreg [dreg:$0x11];
	[sflag:s1] =	ssyncadd.s32 $0xFFFFD800  }
0x29d: {  	[spmem:s3] =	stream.indirect.scatter.add.f32 [tilespmem:s28], [sflag:$0x6], $0x80, s24, s26, $0xb8;
	[tilespmem:$0x1FC00] =	vst v63  }
0x29e: {  	_ =	swait.ge [sflag:s0], $0x2800  }
0x29f: {  	[sflag:s0] =	ssyncset.done $0x0  }
0x2a0: {  	s20 =	rddreg [dreg:$0x12];
	[sflag:s0] =	ssyncadd.s32 $0xFFFFD800  }
0x2a1: {  	[spmem:s3] =	stream.indirect.scatter.add.f32 [tilespmem:s29], [sflag:$0x7], $0x80, s20, s26, $0xb8;
	[tilespmem:$0x1FC00] =	vst v63  }
0x2a2: {  	_ =	swait.ge [sflag:s6], $0x2800  }
0x2a3: {  	[sflag:s6] =	ssyncset.done $0x0  }
0x2a4: {  	s21 =	rddreg [dreg:$0x13];
	[sflag:s6] =	ssyncadd.s32 $0xFFFFD800  }
0x2a5: {  	[spmem:s3] =	stream.indirect.scatter.add.f32 [tilespmem:s30], [sflag:$0x8], $0x80, s21, s26, $0xb8;
	[tilespmem:$0x1FC00] =	vst v63  }
0x2a6: {  	_ =	swait.ge [sflag:s7], $0x2800  }
0x2a7: {  	[sflag:s7] =	ssyncset.done $0x0  }
0x2a8: {  	s24 =	rddreg [dreg:$0x14];
	[sflag:s7] =	ssyncadd.s32 $0xFFFFD800  }
0x2a9: {  	[tilespmem:s22], [sflag:$0x1] =	stream.indirect.gather [hbm4b:s2+s26], $0x80, s24, s26, $0xb8;
	[tilespmem:$0x1FC00] =	vst v63  }
0x2aa: {  	_ =	swait.ge [sflag:s8], $0x2800  }
0x2ab: {  	[sflag:s8] =	ssyncset.done $0x0  }
0x2ac: {  	s20 =	rddreg [dreg:$0x15];
	[sflag:s8] =	ssyncadd.s32 $0xFFFFD800  }
0x2ad: {  	[tilespmem:s28], [sflag:$0x2] =	stream.indirect.gather [hbm4b:s2+s26], $0x80, s20, s26, $0xb8;
	[tilespmem:$0x1FC00] =	vst v63  }
0x2ae: {  	_ =	swait.ge [sflag:s9], $0x2800  }
0x2af: {  	[sflag:s9] =	ssyncset.done $0x0  }
0x2b0: {  	s21 =	rddreg [dreg:$0x16];
	[sflag:s9] =	ssyncadd.s32 $0xFFFFD800  }
0x2b1: {  	[tilespmem:s29], [sflag:$0x3] =	stream.indirect.gather [hbm4b:s2+s26], $0x80, s21, s26, $0xb8;
	[tilespmem:$0x1FC00] =	vst v63  }
0x2b2: {  	_ =	swait.ge [sflag:s10], $0x2800  }
0x2b3: {  	[sflag:s10] =	ssyncset.done $0x0  }
0x2b4: {  	s24 =	rddreg [dreg:$0x17];
	[sflag:s10] =	ssyncadd.s32 $0xFFFFD800  }
0x2b5: {  	[tilespmem:s30], [sflag:$0x4] =	stream.indirect.gather [hbm4b:s2+s26], $0x80, s24, s26, $0xb8;
	[tilespmem:$0x1FC00] =	vst v63  }
0x2b6: {  	_ =	swait.ge [sflag:s31], $0x2800  }
0x2b7: {  	[sflag:s31] =	ssyncset.done $0x0  }
0x2b8: {  	s20 =	rddreg [dreg:$0x18];
	[sflag:s31] =	ssyncadd.s32 $0xFFFFD800  }
0x2b9: {  	[spmem:s3] =	stream.indirect.scatter.add.f32 [tilespmem:s22], [sflag:$0x5], $0x80, s20, s26, $0xb8;
	[tilespmem:$0x1FC00] =	vst v63  }
0x2ba: {  	_ =	swait.ge [sflag:s1], $0x2800  }
0x2bb: {  	[sflag:s1] =	ssyncset.done $0x0  }
0x2bc: {  	s21 =	rddreg [dreg:$0x19];
	[sflag:s1] =	ssyncadd.s32 $0xFFFFD800  }
0x2bd: {  	[spmem:s3] =	stream.indirect.scatter.add.f32 [tilespmem:s28], [sflag:$0x6], $0x80, s21, s26, $0xb8;
	[tilespmem:$0x1FC00] =	vst v63  }
0x2be: {  	_ =	swait.ge [sflag:s0], $0x2800  }
0x2bf: {  	[sflag:s0] =	ssyncset.done $0x0  }
0x2c0: {  	s24 =	rddreg [dreg:$0x1a];
	[sflag:s0] =	ssyncadd.s32 $0xFFFFD800  }
0x2c1: {  	[spmem:s3] =	stream.indirect.scatter.add.f32 [tilespmem:s29], [sflag:$0x7], $0x80, s24, s26, $0xb8;
	[tilespmem:$0x1FC00] =	vst v63  }
0x2c2: {  	_ =	swait.ge [sflag:s6], $0x2800  }
0x2c3: {  	[sflag:s6] =	ssyncset.done $0x0  }
0x2c4: {  	s20 =	rddreg [dreg:$0x1b];
	[sflag:s6] =	ssyncadd.s32 $0xFFFFD800  }
0x2c5: {  	[spmem:s3] =	stream.indirect.scatter.add.f32 [tilespmem:s30], [sflag:$0x8], $0x80, s20, s26, $0xb8;
	[tilespmem:$0x1FC00] =	vst v63  }
0x2c6: {  	_ =	swait.ge [sflag:s7], $0x2800  }
0x2c7: {  	[sflag:s7] =	ssyncset.done $0x0  }
0x2c8: {  	s21 =	rddreg [dreg:$0x1c];
	[sflag:s7] =	ssyncadd.s32 $0xFFFFD800  }
0x2c9: {  	[tilespmem:s22], [sflag:$0x1] =	stream.indirect.gather [hbm4b:s2+s26], $0x80, s21, s26, $0xb8;
	[tilespmem:$0x1FC00] =	vst v63  }
0x2ca: {  	_ =	swait.ge [sflag:s8], $0x2800  }
0x2cb: {  	[sflag:s8] =	ssyncset.done $0x0  }
0x2cc: {  	s24 =	rddreg [dreg:$0x1d];
	[sflag:s8] =	ssyncadd.s32 $0xFFFFD800  }
0x2cd: {  	[tilespmem:s28], [sflag:$0x2] =	stream.indirect.gather [hbm4b:s2+s26], $0x80, s24, s26, $0xb8;
	[tilespmem:$0x1FC00] =	vst v63  }
0x2ce: {  	_ =	swait.ge [sflag:s9], $0x2800  }
0x2cf: {  	[sflag:s9] =	ssyncset.done $0x0  }
0x2d0: {  	s20 =	rddreg [dreg:$0x1e];
	[sflag:s9] =	ssyncadd.s32 $0xFFFFD800  }
0x2d1: {  	[tilespmem:s29], [sflag:$0x3] =	stream.indirect.gather [hbm4b:s2+s26], $0x80, s20, s26, $0xb8;
	[tilespmem:$0x1FC00] =	vst v63  }
0x2d2: {  	_ =	swait.ge [sflag:s10], $0x2800  }
0x2d3: {  	[sflag:s10] =	ssyncset.done $0x0  }
0x2d4: {  	s21 =	rddreg [dreg:$0x1f];
	[sflag:s10] =	ssyncadd.s32 $0xFFFFD800  }
0x2d5: {  	[tilespmem:s30], [sflag:$0x4] =	stream.indirect.gather [hbm4b:s2+s26], $0x80, s21, s26, $0xb8;
	[tilespmem:$0x1FC00] =	vst v63  }
0x2d6: {  	_ =	swait.ge [sflag:s31], $0x2800  }
0x2d7: {  	s24 =	sld [smem:$0x7E4]  }
0x2d8: {  	[sflag:s31] =	ssyncset.done $0x0  }
0x2d9: {  	[sflag:s31] =	ssyncadd.s32 $0xFFFFD800  }
0x2da: {  	[spmem:s3] =	stream.indirect.scatter.add.f32 [tilespmem:s22], [sflag:$0x5], $0x80, s24, s26, $0xb8;
	[tilespmem:$0x1FC00] =	vst v63  }
0x2db: {  	_ =	swait.ge [sflag:s1], $0x2800  }
0x2dc: {  	s20 =	sld [smem:$0x7E6]  }
0x2dd: {  	[sflag:s1] =	ssyncset.done $0x0  }
0x2de: {  	[sflag:s1] =	ssyncadd.s32 $0xFFFFD800  }
0x2df: {  	[spmem:s3] =	stream.indirect.scatter.add.f32 [tilespmem:s28], [sflag:$0x6], $0x80, s20, s26, $0xb8;
	[tilespmem:$0x1FC00] =	vst v63  }
0x2e0: {  	_ =	swait.ge [sflag:s0], $0x2800  }
0x2e1: {  	s21 =	sld [smem:$0x7E8]  }
0x2e2: {  	[sflag:s0] =	ssyncset.done $0x0  }
0x2e3: {  	[sflag:s0] =	ssyncadd.s32 $0xFFFFD800  }
0x2e4: {  	[spmem:s3] =	stream.indirect.scatter.add.f32 [tilespmem:s29], [sflag:$0x7], $0x80, s21, s26, $0xb8;
	[tilespmem:$0x1FC00] =	vst v63  }
0x2e5: {  	_ =	swait.ge [sflag:s6], $0x2800  }
0x2e6: {  	s24 =	sld [smem:$0x7EA]  }
0x2e7: {  	[sflag:s6] =	ssyncset.done $0x0  }
0x2e8: {  	[sflag:s6] =	ssyncadd.s32 $0xFFFFD800  }
0x2e9: {  	[spmem:s3] =	stream.indirect.scatter.add.f32 [tilespmem:s30], [sflag:$0x8], $0x80, s24, s26, $0xb8;
	[tilespmem:$0x1FC00] =	vst v63  }
0x2ea: {  	_ =	swait.ge [sflag:s7], $0x2800  }
0x2eb: {  	s20 =	sld [smem:$0x7EC]  }
0x2ec: {  	[sflag:s7] =	ssyncset.done $0x0  }
0x2ed: {  	[sflag:s7] =	ssyncadd.s32 $0xFFFFD800  }
0x2ee: {  	[tilespmem:s22], [sflag:$0x1] =	stream.indirect.gather [hbm4b:s2+s26], $0x80, s20, s26, $0xb8;
	[tilespmem:$0x1FC00] =	vst v63  }
0x2ef: {  	_ =	swait.ge [sflag:s8], $0x2800  }
0x2f0: {  	s21 =	sld [smem:$0x7EE]  }
0x2f1: {  	[sflag:s8] =	ssyncset.done $0x0  }
0x2f2: {  	[sflag:s8] =	ssyncadd.s32 $0xFFFFD800  }
0x2f3: {  	[tilespmem:s28], [sflag:$0x2] =	stream.indirect.gather [hbm4b:s2+s26], $0x80, s21, s26, $0xb8;
	[tilespmem:$0x1FC00] =	vst v63  }
0x2f4: {  	_ =	swait.ge [sflag:s9], $0x2800  }
0x2f5: {  	s24 =	sld [smem:$0x7F0]  }
0x2f6: {  	[sflag:s9] =	ssyncset.done $0x0  }
0x2f7: {  	[sflag:s9] =	ssyncadd.s32 $0xFFFFD800  }
0x2f8: {  	[tilespmem:s29], [sflag:$0x3] =	stream.indirect.gather [hbm4b:s2+s26], $0x80, s24, s26, $0xb8;
	[tilespmem:$0x1FC00] =	vst v63  }
0x2f9: {  	_ =	swait.ge [sflag:s10], $0x2800  }
0x2fa: {  	s20 =	sld [smem:$0x7F2]  }
0x2fb: {  	[sflag:s10] =	ssyncset.done $0x0  }
0x2fc: {  	[sflag:s10] =	ssyncadd.s32 $0xFFFFD800  }
0x2fd: {  	[tilespmem:s30], [sflag:$0x4] =	stream.indirect.gather [hbm4b:s2+s26], $0x80, s20, s26, $0xb8;
	[tilespmem:$0x1FC00] =	vst v63  }
0x2fe: {  	_ =	swait.ge [sflag:s31], $0x2800  }
0x2ff: {  	s21 =	sld [smem:$0x7F4]  }
0x300: {  	[sflag:s31] =	ssyncset.done $0x0  }
0x301: {  	[sflag:s31] =	ssyncadd.s32 $0xFFFFD800  }
0x302: {  	[spmem:s3] =	stream.indirect.scatter.add.f32 [tilespmem:s22], [sflag:$0x5], $0x80, s21, s26, $0xb8;
	[tilespmem:$0x1FC00] =	vst v63  }
0x303: {  	_ =	swait.ge [sflag:s1], $0x2800  }
0x304: {  	s24 =	sld [smem:$0x7F6]  }
0x305: {  	[sflag:s1] =	ssyncset.done $0x0  }
0x306: {  	[sflag:s1] =	ssyncadd.s32 $0xFFFFD800  }
0x307: {  	[spmem:s3] =	stream.indirect.scatter.add.f32 [tilespmem:s28], [sflag:$0x6], $0x80, s24, s26, $0xb8;
	[tilespmem:$0x1FC00] =	vst v63  }
0x308: {  	_ =	swait.ge [sflag:s0], $0x2800  }
0x309: {  	s20 =	sld [smem:$0x7F8]  }
0x30a: {  	[sflag:s0] =	ssyncset.done $0x0  }
0x30b: {  	[sflag:s0] =	ssyncadd.s32 $0xFFFFD800  }
0x30c: {  	[spmem:s3] =	stream.indirect.scatter.add.f32 [tilespmem:s29], [sflag:$0x7], $0x80, s20, s26, $0xb8;
	[tilespmem:$0x1FC00] =	vst v63  }
0x30d: {  	_ =	swait.ge [sflag:s6], $0x2800  }
0x30e: {  	s21 =	sld [smem:$0x7FB]  }
0x30f: {  	[sflag:s6] =	ssyncset.done $0x0  }
0x310: {  	[sflag:s6] =	ssyncadd.s32 $0xFFFFD800  }
0x311: {  	[spmem:s3] =	stream.indirect.scatter.add.f32 [tilespmem:s30], [sflag:$0x8], $0x80, s21, s26, $0xb8;
	[tilespmem:$0x1FC00] =	vst v63  }
0x312: {  	_ =	swait.ge [sflag:s7], $0x2800  }
0x313: {  	s24 =	sld [smem:$0x7FC]  }
0x314: {  	[sflag:s7] =	ssyncset.done $0x0  }
0x315: {  	[sflag:s7] =	ssyncadd.s32 $0xFFFFD800  }
0x316: {  	[tilespmem:s22], [sflag:$0x1] =	stream.indirect.gather [hbm4b:s2+s26], $0x80, s24, s26, $0xb8;
	[tilespmem:$0x1FC00] =	vst v63  }
0x317: {  	_ =	swait.ge [sflag:s8], $0x2800  }
0x318: {  	[sflag:s8] =	ssyncset.done $0x0  }
0x319: {  	[sflag:s8] =	ssyncadd.s32 $0xFFFFD800  }
0x31a: {  	[tilespmem:s28], [sflag:$0x2] =	stream.indirect.gather [hbm4b:s2+s26], $0x80, s11, s26, $0xb8;
	[tilespmem:$0x1FC00] =	vst v63  }
0x31b: {  	_ =	swait.ge [sflag:s9], $0x2800  }
0x31c: {  	[sflag:s9] =	ssyncset.done $0x0  }
0x31d: {  	[sflag:s9] =	ssyncadd.s32 $0xFFFFD800  }
0x31e: {  	[tilespmem:s29], [sflag:$0x3] =	stream.indirect.gather [hbm4b:s2+s26], $0x80, s12, s26, $0xb8;
	[tilespmem:$0x1FC00] =	vst v63  }
0x31f: {  	_ =	swait.ge [sflag:s10], $0x2800  }
0x320: {  	[sflag:s10] =	ssyncset.done $0x0  }
0x321: {  	[sflag:s10] =	ssyncadd.s32 $0xFFFFD800  }
0x322: {  	[tilespmem:s30], [sflag:$0x4] =	stream.indirect.gather [hbm4b:s2+s26], $0x80, s13, s26, $0xb8;
	[tilespmem:$0x1FC00] =	vst v63  }
0x323: {  	_ =	swait.ge [sflag:s31], $0x2800  }
0x324: {  	[sflag:s31] =	ssyncset.done $0x0  }
0x325: {  	[sflag:s31] =	ssyncadd.s32 $0xFFFFD800  }
0x326: {  	[spmem:s3] =	stream.indirect.scatter.add.f32 [tilespmem:s22], [sflag:$0x5], $0x80, s14, s26, $0xb8;
	[tilespmem:$0x1FC00] =	vst v63  }
0x327: {  	_ =	swait.ge [sflag:s1], $0x2800  }
0x328: {  	[sflag:s1] =	ssyncset.done $0x0  }
0x329: {  	[sflag:s1] =	ssyncadd.s32 $0xFFFFD800  }
0x32a: {  	[spmem:s3] =	stream.indirect.scatter.add.f32 [tilespmem:s28], [sflag:$0x6], $0x80, s15, s26, $0xb8;
	[tilespmem:$0x1FC00] =	vst v63  }
0x32b: {  	_ =	swait.ge [sflag:s0], $0x2800  }
0x32c: {  	[sflag:s0] =	ssyncset.done $0x0  }
0x32d: {  	[sflag:s0] =	ssyncadd.s32 $0xFFFFD800  }
0x32e: {  	[spmem:s3] =	stream.indirect.scatter.add.f32 [tilespmem:s29], [sflag:$0x7], $0x80, s16, s26, $0xb8;
	[tilespmem:$0x1FC00] =	vst v63  }
0x32f: {  	_ =	swait.ge [sflag:s6], $0x2800  }
0x330: {  	[sflag:s6] =	ssyncset.done $0x0  }
0x331: {  	[sflag:s6] =	ssyncadd.s32 $0xFFFFD800  }
0x332: {  	[spmem:s3] =	stream.indirect.scatter.add.f32 [tilespmem:s30], [sflag:$0x8], $0x80, s17, s26, $0xb8;
	[tilespmem:$0x1FC00] =	vst v63  }
0x333: {  	_ =	swait.ge [sflag:s7], $0x2800  }
0x334: {  	[sflag:s7] =	ssyncset.done $0x0  }
0x335: {  	[sflag:s7] =	ssyncadd.s32 $0xFFFFD800  }
0x336: {  	[tilespmem:s22], [sflag:$0x1] =	stream.indirect.gather [hbm4b:s2+s26], $0x80, s18, s26, $0xb8;
	[tilespmem:$0x1FC00] =	vst v63  }
0x337: {  	_ =	swait.ge [sflag:s8], $0x2800  }
0x338: {  	[sflag:s8] =	ssyncset.done $0x0  }
0x339: {  	[sflag:s8] =	ssyncadd.s32 $0xFFFFD800  }
0x33a: {  	_ =	swait.ge [sflag:s9], $0x2800  }
0x33b: {  	[sflag:s9] =	ssyncset.done $0x0  }
0x33c: {  	[sflag:s9] =	ssyncadd.s32 $0xFFFFD800  }
0x33d: {  	_ =	swait.ge [sflag:s10], $0x2800  }
0x33e: {  	[sflag:s10] =	ssyncset.done $0x0  }
0x33f: {  	[sflag:s10] =	ssyncadd.s32 $0xFFFFD800  }
0x340: {  	_ =	swait.ge [sflag:s31], $0x2800  }
0x341: {  	[sflag:s31] =	ssyncset.done $0x0  }
0x342: {  	[sflag:s31] =	ssyncadd.s32 $0xFFFFD800  }
0x343: {  	[spmem:s3] =	stream.indirect.scatter.add.f32 [tilespmem:s22], [sflag:$0x5], $0x80, s19, s26, $0xb8;
	[tilespmem:$0x1FC00] =	vst v63  }
0x344: {  	_ =	swait.ge [sflag:s7], $0x2800  }
0x345: {  	[sflag:s7] =	ssyncset.done $0x0  }
0x346: {  	[sflag:s7] =	ssyncadd.s32 $0xFFFFD800  }
0x347: {  	[bflag:$0x0] =	sbarrier.arrive $0xFFFF  }
0x348: {  	s21 =	sld [smem:$0x7F9]  }
0x349: {  	s20 =	stileid.u32;
	s24 =	sld [smem:$0x7FD]  }
0x34a: {  	s5 =	sshll.u32 s20, $0x6  }
0x34b: {  	s5 =	sor.u32 $0x1C09, s5;
	s20 =	sshrl.u32 s21, $0x3  }
0x34c: {  	[hbm:s24], [sflag:s5] =	dma.local [spmem:s20], $0x2780  }
0x34d: {  	_ =	swait.ge [sflag:s23], $0x2780  }
0x34e: {  	s21 =	sld [smem:$0x7DE]  }
0x34f: {  	s24 =	sld [smem:$0x7E0];
	_ =	sdelay $0x1  }
0x350: {  	s20 =	sadd.s32 $0x1, s21  }
0x351: {  	p0 =	sne.s32 s20, s24  }
.Ltmp2:
0x352: {  	_ = 	snop;
	(pc) =	sbr.rel @p0 .LBB2_1-.Ltmp2, $3  }
0x353: {  	_ =	sdelay $0x1  }
0x354: {  	[sflag:s23] =	ssyncset.done $0x0  }
0x355: {  	[sflag:s23] =	ssyncadd.s32 $0xFFFFD880  }
0x356: {  	_ =	sfence.sel $0x180000  }
0x357: {  	[bflag:$0x0] =	sbarrier.arrive $0xFFFF  }
0x358: {  	_ =	strace $0x9000004D  }
0x359: {  	s0 =	stileid.u32;
	[bflag:$0x2] =	sbarrier.arrive $0xFFFF  }
0x35a: {  	p0 =	sne.s32 s0, $0x0;
	s0 =	rddreg [dreg:$0x3]  }
0x35b: {  	s0 =	sadd.s32 @!p0 $0x100000, s0  }
0x35c: {  	[sflag:s0] =	ssyncadd.tile.s32 @!p0 $0x1;
	_ =	shalt  }
.Lfunc_end2:
_tile_overlayer_lowered:
.L_overlay_start_2:
0x35d: {  	(tag) =	ssettag $0x2  }
0x35e: {  	s0 =	rddreg [dreg:$0x0];
	s2 =	stileid.u32  }
0x35f: {  	s1 =	rddreg [dreg:$0x1];
	p0 =	sne.s32 s2, $0x0  }
0x360: {  	s3 =	rddreg [dreg:$0x2];
	[bflag:$0x3] =	sbarrier.arrive $0xFFFF;
	s2 =	simm.s32 @!p0 $0x1C09  }
0x361: {  	[timem:s3], [sflag:s2] =	dma.local @!p0 [hbm:s0], s1  }
0x362: {  	s0 =	simm.s32 @!p0 $0x9  }
0x363: {  	_ =	swait.ge @!p0 [sflag:s0], s1  }
0x364: {  	s1 =	ssub.s32 @!p0 $0x0, s1;
	[sflag:s0] =	ssyncset.done @!p0 $0x0  }
0x365: {  	[sflag:s0] =	ssyncadd.s32 @!p0 s1  }
0x366: {  	[bflag:$0x3] =	sbarrier.arrive $0xFFFF  }
0x367: {  	_ =	shalt  }

// kernel: _run.8.cloned.1.call-start
scs
__scs_entry_jumppad:
0x0: {  	(pc) =	sbr.rel $0x88, $3  }
0x1: {  	(tag) =	ssettag $0x0;
	lr =	simm.s32 $0x1  }
0x2: {  	[smem:$0x3F9B] =	sst lr;
	_ =	strace $0xD0000000  }
0x3: {  	_ = 	snop  }
0x4: {  	_ = 	snop  }
0x5: {  	_ = 	snop  }
0x6: {  	_ = 	snop  }
0x7: {  	_ = 	snop  }
__scs_overlays_trampoline_lowered:
0x8: {  	[smem:$0x3FAA] =	sst s0  }
0x9: {  	[smem:$0x3FAB] =	sst s1  }
0xa: {  	[smem:$0x3FAC] =	sst s2  }
0xb: {  	[smem:$0x3FAD] =	sst s3  }
0xc: {  	[smem:$0x3FAE] =	sst s4  }
0xd: {  	[smem:$0x3FAF] =	sst s5  }
0xe: {  	[smem:$0x3FB0] =	sst s6  }
0xf: {  	[smem:$0x3FB1] =	sst s7  }
0x10: {  	[smem:$0x3FB2] =	sst s8  }
0x11: {  	[smem:$0x3FB3] =	sst s9;
	s0 =	simm.s32 @!p0 $0x0  }
0x12: {  	s1 =	sld [smem:$0x3F99];
	s0 =	simm.s32 @p0 $0x1  }
0x13: {  	[smem:$0x3FB4] =	sst s0;
	s0 =	simm.s32 @!p1 $0x0  }
0x14: {  	s2 =	sld [smem:$0x3F98];
	s0 =	simm.s32 @p1 $0x1  }
0x15: {  	[smem:$0x3FB5] =	sst s0;
	s0 =	simm.s32 @!p2 $0x0  }
0x16: {  	s3 =	sld [smem:$0x3FDB];
	s0 =	simm.s32 @p2 $0x1  }
0x17: {  	s4 =	simm.s32 $0x1BF5;
	[smem:$0x3FB7] =	sst s0  }
0x18: {  	s0 =	sld [smem:$0x3F9A];
	_ =	swait.ge [sflag:s4], $0x0  }
0x19: {  	s7 =	sld [smem:$0x3F9B]  }
0x1a: {  	s8 =	sadd.s32 $0xFFFFE003, lr  }
0x1b: {  	s9 =	sadd.s32 $0xFFFFFEF7, lr;
	s5 =	simm.s32 $0xFFFFFFFF;
	p2 =	slt.u32 s8, $0xFFFFF086  }
0x1c: {  	p1 =	slt.u32 s9, $0xF7A;
	s5 =	simm.s32 @!p2 $0x0  }
0x1d: {  	s5 =	simm.s32 @p1 $0x1;
	p0 =	seq.s32 s7, s2  }
0x1e: {  	s7 =	smul.u32 @!p0 $0xF7A, s2;
	p2 =	seq.s32 @!p0 s5, $0x0  }
0x1f: {  	s9 =	smul.u32 $0xF7A, s1;
	s8 =	simm.s32 @!p0 $0x1BF5;
	p2 =	por !p2, p0  }
0x20: {  	[sflag:s8] =	ssyncset.s32 @!p0 $0xFFFFF086;
	s6 =	sadd.s32 @!p0 s3, s7;
	s7 =	simm.s32 @!p0 $0x108  }
0x21: {  	s3 =	sadd.s32 s3, s9;
	s6 =	sadd.s32 @!p0 $0x88, s6;
	s7 =	simm.s32 @p2 $0x1082  }
0x22: {  	[simem:s7], [sflag:s8] =	dma.local @!p0 [hbm:s6], $0xF7A  }
0x23: {  	s9 =	sor.u32 $0xD0000000, s2;
	s6 =	simm.s32 $0x108;
	_ =	swait.ge @!p0 [sflag:s8], $0x0  }
0x24: {  	s3 =	sadd.s32 $0x88, s3;
	s6 =	simm.s32 @!p1 $0x1082;
	[sflag:s4] =	ssyncset.s32 $0xFFFFF086  }
0x25: {  	[simem:s6], [sflag:s4] =	dma.local [hbm:s3], $0xF7A  }
0x26: {  	[smem:$0x3F9B] =	sst s1;
	(tag) =	ssettag s2;
	_ =	strace s9  }
0x27: {  	s1 =	sld [smem:$0x3FAB]  }
0x28: {  	s2 =	sld [smem:$0x3FAC]  }
0x29: {  	s4 =	sld [smem:$0x3FAE]  }
0x2a: {  	p0 =	seq.s32 s5, $0x0;
	s5 =	sld [smem:$0x3FAF]  }
0x2b: {  	s6 =	sld [smem:$0x3FB0]  }
0x2c: {  	s7 =	sld [smem:$0x3FB1]  }
0x2d: {  	s3 =	simm.s32 $0x108;
	s8 =	sld [smem:$0x3FB2]  }
0x2e: {  	s3 =	simm.s32 @!p0 $0x1082;
	s9 =	sld [smem:$0x3FB3]  }
0x2f: {  	lr =	sadd.s32 s0, s3;
	s0 =	sld [smem:$0x3FAA]  }
0x30: {  	s3 =	sld [smem:$0x3FAD]  }
0x31: {  	[smem:$0x3FB6] =	sst s10  }
0x32: {  	s10 =	sld [smem:$0x3FB4];
	_ =	sdelay $0x3  }
0x33: {  	p0 =	seq.s32 s10, $0x1;
	s10 =	sld [smem:$0x3FB6];
	_ =	sdelay $0x3  }
0x34: {  	[smem:$0x3FB6] =	sst s10  }
0x35: {  	s10 =	sld [smem:$0x3FB5];
	_ =	sdelay $0x3  }
0x36: {  	p1 =	seq.s32 s10, $0x1;
	s10 =	sld [smem:$0x3FB6];
	_ =	sdelay $0x3  }
0x37: {  	[smem:$0x3FB6] =	sst s10  }
0x38: {  	s10 =	sld [smem:$0x3FB7]  }
0x39: {  	_ = 	snop;
	(pc) =	sbr.ind lr, $3  }
0x3a: {  	_ = 	snop  }
0x3b: {  	_ = 	snop  }
0x3c: {  	p2 =	seq.s32 s10, $0x1;
	s10 =	sld [smem:$0x3FB6]  }
0x3d: {  	_ =	shalt  }
0x3e: {  	_ =	shalt  }
0x3f: {  	_ =	shalt  }
0x40: {  	_ =	shalt  }
0x41: {  	_ =	shalt  }
0x42: {  	_ =	shalt  }
0x43: {  	_ =	shalt  }
0x44: {  	_ =	shalt  }
0x45: {  	_ =	shalt  }
0x46: {  	_ =	shalt  }
0x47: {  	_ =	shalt  }
0x48: {  	_ =	shalt  }
0x49: {  	_ =	shalt  }
0x4a: {  	_ =	shalt  }
0x4b: {  	_ =	shalt  }
0x4c: {  	_ =	shalt  }
0x4d: {  	_ =	shalt  }
0x4e: {  	_ =	shalt  }
0x4f: {  	_ =	shalt  }
0x50: {  	_ =	shalt  }
0x51: {  	_ =	shalt  }
0x52: {  	_ =	shalt  }
0x53: {  	_ =	shalt  }
0x54: {  	_ =	shalt  }
0x55: {  	_ =	shalt  }
0x56: {  	_ =	shalt  }
0x57: {  	_ =	shalt  }
0x58: {  	_ =	shalt  }
0x59: {  	_ =	shalt  }
0x5a: {  	_ =	shalt  }
0x5b: {  	_ =	shalt  }
0x5c: {  	_ =	shalt  }
0x5d: {  	_ =	shalt  }
0x5e: {  	_ =	shalt  }
0x5f: {  	_ =	shalt  }
0x60: {  	_ =	shalt  }
0x61: {  	_ =	shalt  }
0x62: {  	_ =	shalt  }
0x63: {  	_ =	shalt  }
0x64: {  	_ =	shalt  }
0x65: {  	_ =	shalt  }
0x66: {  	_ =	shalt  }
0x67: {  	_ =	shalt  }
0x68: {  	_ =	shalt  }
0x69: {  	_ =	shalt  }
0x6a: {  	_ =	shalt  }
0x6b: {  	_ =	shalt  }
0x6c: {  	_ =	shalt  }
0x6d: {  	_ =	shalt  }
0x6e: {  	_ =	shalt  }
0x6f: {  	_ =	shalt  }
0x70: {  	_ =	shalt  }
0x71: {  	_ =	shalt  }
0x72: {  	_ =	shalt  }
0x73: {  	_ =	shalt  }
0x74: {  	_ =	shalt  }
0x75: {  	_ =	shalt  }
0x76: {  	_ =	shalt  }
0x77: {  	_ =	shalt  }
0x78: {  	_ =	shalt  }
0x79: {  	_ =	shalt  }
0x7a: {  	_ =	shalt  }
0x7b: {  	_ =	shalt  }
0x7c: {  	_ =	shalt  }
0x7d: {  	_ =	shalt  }
0x7e: {  	_ =	shalt  }
0x7f: {  	_ =	shalt  }
0x80: {  	_ =	shalt  }
0x81: {  	_ =	shalt  }
0x82: {  	_ =	shalt  }
0x83: {  	_ =	shalt  }
0x84: {  	_ =	shalt  }
0x85: {  	_ =	shalt  }
0x86: {  	_ =	shalt  }
0x87: {  	_ =	shalt  }
.Lfunc_end0:
.L_simem_size_0:
called_computation_lowered:
.L_overlay_start_0:
0x88: {  	s2 =	sld [smem:$0x3FD9]  }
0x89: {  	s3 =	sld [smem:$0x3FFE];
	_ =	sdelay $0x1  }
0x8a: {  	s1 =	srdreg.scid  }
0x8b: {  	s0 =	sand.u32 $0x1, s1  }
0x8c: {  	s17 =	sshll.u32 s0, $0xA;
	s2 =	sadd.s32 s3, s2  }
0x8d: {  	s2 =	sadd.s32 s2, s17  }
0x8e: {  	[smem:$0x3FC2] =	sst s2  }
0x8f: {  	_ = 	snop  }
0x90: {  	s2 =	sld [smem:$0x3FD0];
	(tm) =	ssettm $0x1  }
0x91: {  	s18 =	sld [smem:$0x3FFB];
	_ =	sdelay $0x3  }
0x92: {  	_ =	strace s18  }
0x93: {  	s3 =	sld [smem:$0x3FFC];
	_ =	sdelay $0x3  }
0x94: {  	_ =	strace s3  }
0x95: {  	s3 =	sld [smem:$0x3FFD];
	_ =	sdelay $0x3  }
0x96: {  	_ =	strace s3  }
0x97: {  	_ =	strace $0x8FFFFFFF  }
0x98: {  	s19 =	sld [smem:$0x3FDB];
	_ =	sdelay $0x1  }
0x99: {  	s4 =	simm.s32 $_scs_section_size  }
0x9a: {  	s5 =	simm.s32 $_size__tile_overlayer_lowered;
	s6 =	simm.s32 $_tile_overlayer_lowered  }
0x9b: {  	s22 =	simm.s32 $0x1BFF;
	s21 =	sshll.u32 s6, $0x1;
	s3 =	sadd.s32 s4, s19  }
0x9c: {  	s7 =	simm.s32 $0x0;
	s20 =	sshll.u32 s5, $0x1;
	s5 =	sadd.s32 s21, s3  }
0x9d: {  	[timem:s7], [sflag:s22] =	dma.local [hbm:s5], s20  }
0x9e: {  	_ =	swait.ge [sflag:s22], s20  }
0x9f: {  	s4 =	ssub.s32 $0x0, s20;
	[sflag:s22] =	ssyncset.done $0x0  }
0xa0: {  	[sflag:s22] =	ssyncadd.s32 s4;
	_ =	sdelay $0x1  }
0xa1: {  	s23 =	simm.s32 $0x1B8B  }
0xa2: {  	_ =	swait.ge [sflag:s23], $0x1  }
0xa3: {  	[sflag:s23] =	ssyncset.done $0x0  }
0xa4: {  	s25 =	simm.s32 $0x1B8E;
	s24 =	sld [smem:$0x3FFE];
	[sflag:s23] =	ssyncadd.s32 $0xFFFFFFFF  }
0xa5: {  	s26 =	simm.s32 $execute0_lowered;
	[smem:$0x3FD2] =	sst s25  }
0xa6: {  	s5 =	sshll.u32 s26, $0x1;
	_ =	strace $0x80000046;
	[dreg:$0x1] =	wrdreg $0xFFFFFFFF  }
0xa7: {  	s28 =	simm.s32 $_size_execute0_lowered;
	s3 =	sadd.s32 s3, s5;
	[dreg:$0x0] =	wrdreg $0x0  }
0xa8: {  	s5 =	sshll.u32 s28, $0x1;
	[dreg:$0x2] =	wrdreg s3  }
0xa9: {  	[dreg:$0x3] =	wrdreg s5  }
0xaa: {  	[dreg:$0x4] =	wrdreg $0xC0  }
0xab: {  	_ =	task [dreg:s7], $0x5FFFF  }
0xac: {  	[dreg:$0x1] =	wrdreg $0xFFFFFFFF  }
0xad: {  	[dreg:$0x0] =	wrdreg $0x60  }
0xae: {  	[dreg:$0x2] =	wrdreg s24  }
0xaf: {  	[dreg:$0x3] =	wrdreg s2  }
0xb0: {  	[dreg:$0x4] =	wrdreg $0x12800  }
0xb1: {  	[dreg:$0x5] =	wrdreg $0x9  }
0xb2: {  	_ =	task.clear_ibuf [dreg:s7], $0x6FFFF;
	_ =	strace $0x90000046  }
0xb3: {  	s29 =	simm.s32 $0x9;
	_ =	strace $0x80000048  }
0xb4: {  	_ =	swait.ge [sflag:s29], $0x1  }
0xb5: {  	[sflag:s29] =	ssyncadd.s32 $0xFFFFFFFF  }
0xb6: {  	_ =	strace $0x90000048  }
0xb7: {  	_ =	sfence  }
0xb8: {  	s30 =	sld [smem:$0x0];
	_ =	sdelay $0x2  }
0xb9: {  	s31 =	sshll.u32 s1, $0xD;
	s1 =	sshrl.u32 s1, $0x2  }
0xba: {  	s3 =	sand.u32 $0x4000, s31;
	s1 =	sadd.s32 s1, s30  }
0xbb: {  	s0 =	sor.u32 s3, s0;
	s1 =	sshll.u32 s1, $0x11  }
0xbc: {  	s0 =	sor.u32 s1, s0  }
0xbd: {  	s0 =	sadd.s32 $0x8F2B, s0  }
0xbe: {  	[sflag:s0] =	ssyncadd.remote.s32 $0x1  }
0xbf: {  	_ =	sfence.sel $0xFFFF  }
0xc0: {  	[dreg:$0x0] =	wrdreg $0xFFFFFFFF;
	(pc) =	sbr.abs _section_cstart, $3  }
0xc1: {  	[dreg:$0x1] =	wrdreg $0xFFFFFFFF  }
0xc2: {  	_ =	task.clear_ibuf [dreg:s7], $0x2FFFF;
	_ =	strace $0x9FFFFFFF  }
0xc3: {  	(tm) =	ssettm $0x7FFFFFFF  }
tec
execute0_lowered:
.L_overlay_start_1:
0x0: {  	(tag) =	ssettag $0x1  }
0x1: {  	s0 =	rddreg [dreg:$0x0]  }
0x2: {  	s1 =	rddreg [dreg:$0x1]  }
0x3: {  	s2 =	rddreg [dreg:$0x2];
	s6 =	stileid.u32  }
0x4: {  	s3 =	srdreg.scid;
	s12 =	simm.s32 $0x0;
	s7 =	simm.s32 $0x1000  }
0x5: {  	s8 =	simm.s32 $0x2;
	s9 =	simm.s32 $0x50;
	s11 =	simm.s32 $0x80  }
0x6: {  	s13 =	simm.s32 $0x100;
	s14 =	simm.s32 $0x180;
	s15 =	simm.s32 $0x200  }
0x7: {  	s16 =	simm.s32 $0x280;
	s17 =	simm.s32 $0x300;
	s18 =	simm.s32 $0x380  }
0x8: {  	s19 =	simm.s32 $0x400;
	s20 =	simm.s32 $0x480;
	s21 =	simm.s32 $0x500  }
0x9: {  	s22 =	simm.s32 $0x580;
	s23 =	simm.s32 $0x600;
	s28 =	simm.s32 $0x800  }
0xa: {  	s29 =	simm.s32 $0x880;
	s30 =	simm.s32 $0x900;
	s31 =	simm.s32 $0x980  }
0xb: {  	s4 =	smul.u32 $0x1400, s6;
	s3 =	sand.u32 $0x1, s3;
	[smem:$0x7FF] =	sst s12  }
0xc: {  	s6 =	smul.u32 $0x280, s6;
	s5 =	ssub.s32 $0x2, s3;
	_ =	strace $0x80000047  }
0xd: {  	p0 =	sne.s32 s3, $0x0;
	s3 =	simm.s32 $0x0;
	s0 =	sadd.s32 s4, s0  }
0xe: {  	s24 =	sshrl.u32 s5, $0x1;
	s10 =	sadd.s32 s6, s2;
	s6 =	sshrl.u32 s6, $0x3  }
0xf: {  	s4 =	ssub.s32 s5, s24;
	s25 =	sadd.s32 $0x1E00, s0;
	[dreg:$0x6] =	wrdreg s10  }
0x10: {  	s0 =	sadd.s32 $0x2800, s0;
	s1 =	sadd.s32 s1, s6;
	[dreg:$0x4] =	wrdreg s25  }
0x11: {  	s24 =	simm.s32 $0x680;
	s5 =	simm.s32 $0xB00;
	[dreg:$0x7] =	wrdreg s1  }
0x12: {  	s6 =	simm.s32 $0x1;
	s26 =	smax.u32 s4, $0x1;
	[dreg:$0x5] =	wrdreg s0  }
0x13: {  	s25 =	simm.s32 $0x700;
	s0 =	simm.s32 $0xA00;
	s1 =	simm.s32 $0xA80  }
0x14: {  	v0 =	vimm.f32 $1.000000000e+00;
	s4 =	simm.s32 $0xC00;
	[dreg:$0x8] =	wrdreg s26;
	s26 =	simm.s32 $0x780  }
.LBB2_1:
0x15: {  	[tilespmem:$0x1000] =	vst v0  }
0x16: {  	[tilespmem:$0x1010] =	vst v0  }
0x17: {  	[tilespmem:$0x1020] =	vst v0  }
0x18: {  	[tilespmem:$0x1030] =	vst v0  }
0x19: {  	[tilespmem:$0x1040] =	vst v0  }
0x1a: {  	[tilespmem:$0x1050] =	vst v0  }
0x1b: {  	[tilespmem:$0x1060] =	vst v0  }
0x1c: {  	[tilespmem:$0x1070] =	vst v0  }
0x1d: {  	[tilespmem:$0x1080] =	vst v0  }
0x1e: {  	[tilespmem:$0x1090] =	vst v0  }
0x1f: {  	[tilespmem:$0x10A0] =	vst v0  }
0x20: {  	[tilespmem:$0x10B0] =	vst v0  }
0x21: {  	[tilespmem:$0x10C0] =	vst v0  }
0x22: {  	[tilespmem:$0x10D0] =	vst v0  }
0x23: {  	[tilespmem:$0x10E0] =	vst v0  }
0x24: {  	[tilespmem:$0x10F0] =	vst v0  }
0x25: {  	[tilespmem:$0x1100] =	vst v0  }
0x26: {  	[tilespmem:$0x1110] =	vst v0  }
0x27: {  	[tilespmem:$0x1120] =	vst v0  }
0x28: {  	[tilespmem:$0x1130] =	vst v0  }
0x29: {  	[tilespmem:$0x1140] =	vst v0  }
0x2a: {  	[tilespmem:$0x1150] =	vst v0  }
0x2b: {  	[tilespmem:$0x1160] =	vst v0  }
0x2c: {  	[tilespmem:$0x1170] =	vst v0  }
0x2d: {  	[tilespmem:$0x1180] =	vst v0  }
0x2e: {  	[tilespmem:$0x1190] =	vst v0  }
0x2f: {  	[tilespmem:$0x11A0] =	vst v0  }
0x30: {  	[tilespmem:$0x11B0] =	vst v0  }
0x31: {  	[tilespmem:$0x11C0] =	vst v0  }
0x32: {  	[tilespmem:$0x11D0] =	vst v0  }
0x33: {  	[tilespmem:$0x11E0] =	vst v0  }
0x34: {  	[tilespmem:$0x11F0] =	vst v0  }
0x35: {  	[tilespmem:$0x1200] =	vst v0  }
0x36: {  	[tilespmem:$0x1210] =	vst v0  }
0x37: {  	[tilespmem:$0x1220] =	vst v0  }
0x38: {  	[tilespmem:$0x1230] =	vst v0  }
0x39: {  	[tilespmem:$0x1240] =	vst v0  }
0x3a: {  	[tilespmem:$0x1250] =	vst v0  }
0x3b: {  	[tilespmem:$0x1260] =	vst v0  }
0x3c: {  	[dreg:$0x9] =	wrdreg s3;
	[tilespmem:$0x1270] =	vst v0  }
0x3d: {  	[spmem:s10] =	stream.linear.scatter [tilespmem:s7], [sflag:$0x2], $0x280, $0x38;
	[tilespmem:$0x1500] =	vst v63  }
0x3e: {  	_ =	swait.ge [sflag:s8], $0x280  }
0x3f: {  	[sflag:s8] =	ssyncset.done $0x0  }
0x40: {  	[sflag:s8] =	ssyncadd.s32 $0xFFFFFD80  }
0x41: {  	[bflag:$0x0] =	sbarrier.arrive $0xFFFF  }
0x42: {  	s10 =	rddreg [dreg:$0x4]  }
0x43: {  	s3 =	sadd.s32 $0x0, s10  }
0x44: {  	[tilespmem:s12], [sflag:$0x2] =	stream.linear.gather [hbm4b:s3+s12], $0xC80, $0x38;
	[tilespmem:$0x1500] =	vst v63  }
0x45: {  	_ =	swait.ge [sflag:s8], $0xC80  }
0x46: {  	[sflag:s8] =	ssyncset.done $0x0  }
0x47: {  	[sflag:s8] =	ssyncadd.s32 $0xFFFFF380  }
0x48: {  	[spmem:s2] =	stream.indirect.scatter.add.f32 [tilespmem:s7], [sflag:$0x1], $0x1, s12, s9, $0xb8;
	[tilespmem:$0x1500] =	vst v63  }
0x49: {  	_ = 	snop  }
0x4a: {  	[spmem:s2] =	stream.indirect.scatter.add.f32 [tilespmem:s7], [sflag:$0x1], $0x1, s11, s9, $0xb8;
	[tilespmem:$0x1500] =	vst v63  }
0x4b: {  	_ = 	snop  }
0x4c: {  	[spmem:s2] =	stream.indirect.scatter.add.f32 [tilespmem:s7], [sflag:$0x1], $0x1, s13, s9, $0xb8;
	[tilespmem:$0x1500] =	vst v63  }
0x4d: {  	_ = 	snop  }
0x4e: {  	[spmem:s2] =	stream.indirect.scatter.add.f32 [tilespmem:s7], [sflag:$0x1], $0x1, s14, s9, $0xb8;
	[tilespmem:$0x1500] =	vst v63  }
0x4f: {  	_ = 	snop  }
0x50: {  	[spmem:s2] =	stream.indirect.scatter.add.f32 [tilespmem:s7], [sflag:$0x1], $0x1, s15, s9, $0xb8;
	[tilespmem:$0x1500] =	vst v63  }
0x51: {  	_ = 	snop  }
0x52: {  	[spmem:s2] =	stream.indirect.scatter.add.f32 [tilespmem:s7], [sflag:$0x1], $0x1, s16, s9, $0xb8;
	[tilespmem:$0x1500] =	vst v63  }
0x53: {  	_ = 	snop  }
0x54: {  	[spmem:s2] =	stream.indirect.scatter.add.f32 [tilespmem:s7], [sflag:$0x1], $0x1, s17, s9, $0xb8;
	[tilespmem:$0x1500] =	vst v63  }
0x55: {  	_ = 	snop  }
0x56: {  	[spmem:s2] =	stream.indirect.scatter.add.f32 [tilespmem:s7], [sflag:$0x1], $0x1, s18, s9, $0xb8;
	[tilespmem:$0x1500] =	vst v63  }
0x57: {  	_ = 	snop  }
0x58: {  	[spmem:s2] =	stream.indirect.scatter.add.f32 [tilespmem:s7], [sflag:$0x1], $0x1, s19, s9, $0xb8;
	[tilespmem:$0x1500] =	vst v63  }
0x59: {  	_ = 	snop  }
0x5a: {  	[spmem:s2] =	stream.indirect.scatter.add.f32 [tilespmem:s7], [sflag:$0x1], $0x1, s20, s9, $0xb8;
	[tilespmem:$0x1500] =	vst v63  }
0x5b: {  	_ = 	snop  }
0x5c: {  	[spmem:s2] =	stream.indirect.scatter.add.f32 [tilespmem:s7], [sflag:$0x1], $0x1, s21, s9, $0xb8;
	[tilespmem:$0x1500] =	vst v63  }
0x5d: {  	_ = 	snop  }
0x5e: {  	[spmem:s2] =	stream.indirect.scatter.add.f32 [tilespmem:s7], [sflag:$0x1], $0x1, s22, s9, $0xb8;
	[tilespmem:$0x1500] =	vst v63  }
0x5f: {  	_ = 	snop  }
0x60: {  	[spmem:s2] =	stream.indirect.scatter.add.f32 [tilespmem:s7], [sflag:$0x1], $0x1, s23, s9, $0xb8;
	[tilespmem:$0x1500] =	vst v63  }
0x61: {  	_ = 	snop  }
0x62: {  	[spmem:s2] =	stream.indirect.scatter.add.f32 [tilespmem:s7], [sflag:$0x1], $0x1, s24, s9, $0xb8;
	[tilespmem:$0x1500] =	vst v63  }
0x63: {  	_ = 	snop  }
0x64: {  	[spmem:s2] =	stream.indirect.scatter.add.f32 [tilespmem:s7], [sflag:$0x1], $0x1, s25, s9, $0xb8;
	[tilespmem:$0x1500] =	vst v63  }
0x65: {  	_ = 	snop  }
0x66: {  	[spmem:s2] =	stream.indirect.scatter.add.f32 [tilespmem:s7], [sflag:$0x1], $0x1, s26, s9, $0xb8;
	[tilespmem:$0x1500] =	vst v63  }
0x67: {  	_ = 	snop  }
0x68: {  	[spmem:s2] =	stream.indirect.scatter.add.f32 [tilespmem:s7], [sflag:$0x1], $0x1, s28, s9, $0xb8;
	[tilespmem:$0x1500] =	vst v63  }
0x69: {  	_ = 	snop  }
0x6a: {  	[spmem:s2] =	stream.indirect.scatter.add.f32 [tilespmem:s7], [sflag:$0x1], $0x1, s29, s9, $0xb8;
	[tilespmem:$0x1500] =	vst v63  }
0x6b: {  	_ = 	snop  }
0x6c: {  	[spmem:s2] =	stream.indirect.scatter.add.f32 [tilespmem:s7], [sflag:$0x1], $0x1, s30, s9, $0xb8;
	[tilespmem:$0x1500] =	vst v63  }
0x6d: {  	_ = 	snop  }
0x6e: {  	[spmem:s2] =	stream.indirect.scatter.add.f32 [tilespmem:s7], [sflag:$0x1], $0x1, s31, s9, $0xb8;
	[tilespmem:$0x1500] =	vst v63  }
0x6f: {  	_ = 	snop  }
0x70: {  	[spmem:s2] =	stream.indirect.scatter.add.f32 [tilespmem:s7], [sflag:$0x1], $0x1, s0, s9, $0xb8;
	[tilespmem:$0x1500] =	vst v63  }
0x71: {  	_ = 	snop  }
0x72: {  	[spmem:s2] =	stream.indirect.scatter.add.f32 [tilespmem:s7], [sflag:$0x1], $0x1, s1, s9, $0xb8;
	[tilespmem:$0x1500] =	vst v63  }
0x73: {  	_ = 	snop  }
0x74: {  	[spmem:s2] =	stream.indirect.scatter.add.f32 [tilespmem:s7], [sflag:$0x1], $0x1, s5, s9, $0xb8;
	[tilespmem:$0x1500] =	vst v63  }
0x75: {  	s26 =	simm.s32 $0xB80  }
0x76: {  	[spmem:s2] =	stream.indirect.scatter.add.f32 [tilespmem:s7], [sflag:$0x1], $0x1, s26, s9, $0xb8;
	[tilespmem:$0x1500] =	vst v63  }
0x77: {  	_ = 	snop  }
0x78: {  	[spmem:s2] =	stream.indirect.scatter.add.f32 [tilespmem:s7], [sflag:$0x1], $0x1, s4, s9, $0xb8;
	[tilespmem:$0x1500] =	vst v63  }
0x79: {  	_ =	swait.ge [sflag:s6], $0x50  }
0x7a: {  	[sflag:s6] =	ssyncset.done $0x0  }
0x7b: {  	[sflag:s6] =	ssyncadd.s32 $0xFFFFFFB0  }
0x7c: {  	_ =	swait.ge [sflag:s6], $0x50  }
0x7d: {  	[sflag:s6] =	ssyncset.done $0x0  }
0x7e: {  	[sflag:s6] =	ssyncadd.s32 $0xFFFFFFB0  }
0x7f: {  	_ =	swait.ge [sflag:s6], $0x50  }
0x80: {  	[sflag:s6] =	ssyncset.done $0x0  }
0x81: {  	[sflag:s6] =	ssyncadd.s32 $0xFFFFFFB0  }
0x82: {  	_ =	swait.ge [sflag:s6], $0x50  }
0x83: {  	[sflag:s6] =	ssyncset.done $0x0  }
0x84: {  	[sflag:s6] =	ssyncadd.s32 $0xFFFFFFB0  }
0x85: {  	_ =	swait.ge [sflag:s6], $0x50  }
0x86: {  	[sflag:s6] =	ssyncset.done $0x0  }
0x87: {  	[sflag:s6] =	ssyncadd.s32 $0xFFFFFFB0  }
0x88: {  	_ =	swait.ge [sflag:s6], $0x50  }
0x89: {  	[sflag:s6] =	ssyncset.done $0x0  }
0x8a: {  	[sflag:s6] =	ssyncadd.s32 $0xFFFFFFB0  }
0x8b: {  	_ =	swait.ge [sflag:s6], $0x50  }
0x8c: {  	[sflag:s6] =	ssyncset.done $0x0  }
0x8d: {  	[sflag:s6] =	ssyncadd.s32 $0xFFFFFFB0  }
0x8e: {  	_ =	swait.ge [sflag:s6], $0x50  }
0x8f: {  	[sflag:s6] =	ssyncset.done $0x0  }
0x90: {  	[sflag:s6] =	ssyncadd.s32 $0xFFFFFFB0  }
0x91: {  	_ =	swait.ge [sflag:s6], $0x50  }
0x92: {  	[sflag:s6] =	ssyncset.done $0x0  }
0x93: {  	[sflag:s6] =	ssyncadd.s32 $0xFFFFFFB0  }
0x94: {  	_ =	swait.ge [sflag:s6], $0x50  }
0x95: {  	[sflag:s6] =	ssyncset.done $0x0  }
0x96: {  	[sflag:s6] =	ssyncadd.s32 $0xFFFFFFB0  }
0x97: {  	_ =	swait.ge [sflag:s6], $0x50  }
0x98: {  	[sflag:s6] =	ssyncset.done $0x0  }
0x99: {  	[sflag:s6] =	ssyncadd.s32 $0xFFFFFFB0  }
0x9a: {  	_ =	swait.ge [sflag:s6], $0x50  }
0x9b: {  	[sflag:s6] =	ssyncset.done $0x0  }
0x9c: {  	[sflag:s6] =	ssyncadd.s32 $0xFFFFFFB0  }
0x9d: {  	_ =	swait.ge [sflag:s6], $0x50  }
0x9e: {  	[sflag:s6] =	ssyncset.done $0x0  }
0x9f: {  	[sflag:s6] =	ssyncadd.s32 $0xFFFFFFB0  }
0xa0: {  	_ =	swait.ge [sflag:s6], $0x50  }
0xa1: {  	[sflag:s6] =	ssyncset.done $0x0  }
0xa2: {  	[sflag:s6] =	ssyncadd.s32 $0xFFFFFFB0  }
0xa3: {  	_ =	swait.ge [sflag:s6], $0x50  }
0xa4: {  	[sflag:s6] =	ssyncset.done $0x0  }
0xa5: {  	[sflag:s6] =	ssyncadd.s32 $0xFFFFFFB0  }
0xa6: {  	_ =	swait.ge [sflag:s6], $0x50  }
0xa7: {  	[sflag:s6] =	ssyncset.done $0x0  }
0xa8: {  	[sflag:s6] =	ssyncadd.s32 $0xFFFFFFB0  }
0xa9: {  	_ =	swait.ge [sflag:s6], $0x50  }
0xaa: {  	[sflag:s6] =	ssyncset.done $0x0  }
0xab: {  	[sflag:s6] =	ssyncadd.s32 $0xFFFFFFB0  }
0xac: {  	_ =	swait.ge [sflag:s6], $0x50  }
0xad: {  	[sflag:s6] =	ssyncset.done $0x0  }
0xae: {  	[sflag:s6] =	ssyncadd.s32 $0xFFFFFFB0  }
0xaf: {  	_ =	swait.ge [sflag:s6], $0x50  }
0xb0: {  	[sflag:s6] =	ssyncset.done $0x0  }
0xb1: {  	[sflag:s6] =	ssyncadd.s32 $0xFFFFFFB0  }
0xb2: {  	_ =	swait.ge [sflag:s6], $0x50  }
0xb3: {  	[sflag:s6] =	ssyncset.done $0x0  }
0xb4: {  	[sflag:s6] =	ssyncadd.s32 $0xFFFFFFB0  }
0xb5: {  	_ =	swait.ge [sflag:s6], $0x50  }
0xb6: {  	[sflag:s6] =	ssyncset.done $0x0  }
0xb7: {  	s10 =	simm.s32 $0x400;
	s3 =	simm.s32 $0x200;
	[sflag:s6] =	ssyncadd.s32 $0xFFFFFFB0  }
0xb8: {  	s13 =	simm.s32 $0x80;
	s14 =	simm.s32 $0x100;
	_ =	swait.ge [sflag:s6], $0x50  }
0xb9: {  	s15 =	simm.s32 $0x180;
	s16 =	simm.s32 $0x200;
	[sflag:s6] =	ssyncset.done $0x0  }
0xba: {  	s17 =	simm.s32 $0x280;
	s18 =	simm.s32 $0x300;
	[sflag:s6] =	ssyncadd.s32 $0xFFFFFFB0  }
0xbb: {  	s19 =	simm.s32 $0x380;
	s20 =	simm.s32 $0x400;
	_ =	swait.ge [sflag:s6], $0x50  }
0xbc: {  	s21 =	simm.s32 $0x480;
	s22 =	simm.s32 $0x500;
	[sflag:s6] =	ssyncset.done $0x0  }
0xbd: {  	s23 =	simm.s32 $0x580;
	s24 =	simm.s32 $0x600;
	[sflag:s6] =	ssyncadd.s32 $0xFFFFFFB0  }
0xbe: {  	s25 =	simm.s32 $0x680;
	s28 =	simm.s32 $0x780;
	_ =	swait.ge [sflag:s6], $0x50  }
0xbf: {  	s29 =	simm.s32 $0x800;
	s30 =	simm.s32 $0x880;
	[sflag:s6] =	ssyncset.done $0x0  }
0xc0: {  	s31 =	simm.s32 $0x900;
	s0 =	simm.s32 $0x980;
	[sflag:s6] =	ssyncadd.s32 $0xFFFFFFB0  }
0xc1: {  	s1 =	simm.s32 $0xA00;
	s5 =	simm.s32 $0xA80;
	_ =	swait.ge [sflag:s6], $0x50  }
0xc2: {  	s26 =	simm.s32 $0x700;
	s11 =	rddreg [dreg:$0x4];
	[sflag:s6] =	ssyncset.done $0x0  }
.LBB2_2:
0xc3: {  	[sflag:s6] =	ssyncadd.s32 $0xFFFFFFB0;
	s11 =	sadd.s32 s3, s11;
	s4 =	simm.s32 $0x0  }
0xc4: {  	[tilespmem:s4], [sflag:$0x2] =	stream.linear.gather [hbm4b:s11+s4], $0xC80, $0x38;
	[tilespmem:$0x1500] =	vst v63  }
0xc5: {  	_ =	swait.ge [sflag:s8], $0xC80  }
0xc6: {  	[sflag:s8] =	ssyncset.done $0x0  }
0xc7: {  	[sflag:s8] =	ssyncadd.s32 $0xFFFFF380  }
0xc8: {  	[spmem:s2] =	stream.indirect.scatter.add.f32 [tilespmem:s7], [sflag:$0x1], $0x1, s4, s9, $0xb8;
	[tilespmem:$0x1500] =	vst v63  }
0xc9: {  	_ = 	snop  }
0xca: {  	[spmem:s2] =	stream.indirect.scatter.add.f32 [tilespmem:s7], [sflag:$0x1], $0x1, s13, s9, $0xb8;
	[tilespmem:$0x1500] =	vst v63  }
0xcb: {  	_ = 	snop  }
0xcc: {  	[spmem:s2] =	stream.indirect.scatter.add.f32 [tilespmem:s7], [sflag:$0x1], $0x1, s14, s9, $0xb8;
	[tilespmem:$0x1500] =	vst v63  }
0xcd: {  	_ = 	snop  }
0xce: {  	[spmem:s2] =	stream.indirect.scatter.add.f32 [tilespmem:s7], [sflag:$0x1], $0x1, s15, s9, $0xb8;
	[tilespmem:$0x1500] =	vst v63  }
0xcf: {  	_ = 	snop  }
0xd0: {  	[spmem:s2] =	stream.indirect.scatter.add.f32 [tilespmem:s7], [sflag:$0x1], $0x1, s16, s9, $0xb8;
	[tilespmem:$0x1500] =	vst v63  }
0xd1: {  	_ = 	snop  }
0xd2: {  	[spmem:s2] =	stream.indirect.scatter.add.f32 [tilespmem:s7], [sflag:$0x1], $0x1, s17, s9, $0xb8;
	[tilespmem:$0x1500] =	vst v63  }
0xd3: {  	_ = 	snop  }
0xd4: {  	[spmem:s2] =	stream.indirect.scatter.add.f32 [tilespmem:s7], [sflag:$0x1], $0x1, s18, s9, $0xb8;
	[tilespmem:$0x1500] =	vst v63  }
0xd5: {  	_ = 	snop  }
0xd6: {  	[spmem:s2] =	stream.indirect.scatter.add.f32 [tilespmem:s7], [sflag:$0x1], $0x1, s19, s9, $0xb8;
	[tilespmem:$0x1500] =	vst v63  }
0xd7: {  	_ = 	snop  }
0xd8: {  	[spmem:s2] =	stream.indirect.scatter.add.f32 [tilespmem:s7], [sflag:$0x1], $0x1, s20, s9, $0xb8;
	[tilespmem:$0x1500] =	vst v63  }
0xd9: {  	_ = 	snop  }
0xda: {  	[spmem:s2] =	stream.indirect.scatter.add.f32 [tilespmem:s7], [sflag:$0x1], $0x1, s21, s9, $0xb8;
	[tilespmem:$0x1500] =	vst v63  }
0xdb: {  	_ = 	snop  }
0xdc: {  	[spmem:s2] =	stream.indirect.scatter.add.f32 [tilespmem:s7], [sflag:$0x1], $0x1, s22, s9, $0xb8;
	[tilespmem:$0x1500] =	vst v63  }
0xdd: {  	_ = 	snop  }
0xde: {  	[spmem:s2] =	stream.indirect.scatter.add.f32 [tilespmem:s7], [sflag:$0x1], $0x1, s23, s9, $0xb8;
	[tilespmem:$0x1500] =	vst v63  }
0xdf: {  	_ = 	snop  }
0xe0: {  	[spmem:s2] =	stream.indirect.scatter.add.f32 [tilespmem:s7], [sflag:$0x1], $0x1, s24, s9, $0xb8;
	[tilespmem:$0x1500] =	vst v63  }
0xe1: {  	_ = 	snop  }
0xe2: {  	[spmem:s2] =	stream.indirect.scatter.add.f32 [tilespmem:s7], [sflag:$0x1], $0x1, s25, s9, $0xb8;
	[tilespmem:$0x1500] =	vst v63  }
0xe3: {  	_ = 	snop  }
0xe4: {  	[spmem:s2] =	stream.indirect.scatter.add.f32 [tilespmem:s7], [sflag:$0x1], $0x1, s26, s9, $0xb8;
	[tilespmem:$0x1500] =	vst v63  }
0xe5: {  	_ = 	snop  }
0xe6: {  	[spmem:s2] =	stream.indirect.scatter.add.f32 [tilespmem:s7], [sflag:$0x1], $0x1, s28, s9, $0xb8;
	[tilespmem:$0x1500] =	vst v63  }
0xe7: {  	_ = 	snop  }
0xe8: {  	[spmem:s2] =	stream.indirect.scatter.add.f32 [tilespmem:s7], [sflag:$0x1], $0x1, s29, s9, $0xb8;
	[tilespmem:$0x1500] =	vst v63  }
0xe9: {  	_ = 	snop  }
0xea: {  	[spmem:s2] =	stream.indirect.scatter.add.f32 [tilespmem:s7], [sflag:$0x1], $0x1, s30, s9, $0xb8;
	[tilespmem:$0x1500] =	vst v63  }
0xeb: {  	_ = 	snop  }
0xec: {  	[spmem:s2] =	stream.indirect.scatter.add.f32 [tilespmem:s7], [sflag:$0x1], $0x1, s31, s9, $0xb8;
	[tilespmem:$0x1500] =	vst v63  }
0xed: {  	_ = 	snop  }
0xee: {  	[spmem:s2] =	stream.indirect.scatter.add.f32 [tilespmem:s7], [sflag:$0x1], $0x1, s0, s9, $0xb8;
	[tilespmem:$0x1500] =	vst v63  }
0xef: {  	_ = 	snop  }
0xf0: {  	[spmem:s2] =	stream.indirect.scatter.add.f32 [tilespmem:s7], [sflag:$0x1], $0x1, s1, s9, $0xb8;
	[tilespmem:$0x1500] =	vst v63  }
0xf1: {  	_ = 	snop  }
0xf2: {  	[spmem:s2] =	stream.indirect.scatter.add.f32 [tilespmem:s7], [sflag:$0x1], $0x1, s5, s9, $0xb8;
	[tilespmem:$0x1500] =	vst v63  }
0xf3: {  	s12 =	smov.u32 s10;
	s11 =	simm.s32 $0xB00  }
0xf4: {  	[spmem:s2] =	stream.indirect.scatter.add.f32 [tilespmem:s7], [sflag:$0x1], $0x1, s11, s9, $0xb8;
	[tilespmem:$0x1500] =	vst v63  }
0xf5: {  	s3 =	smov.u32 s12;
	s12 =	simm.s32 $0xB80  }
0xf6: {  	[spmem:s2] =	stream.indirect.scatter.add.f32 [tilespmem:s7], [sflag:$0x1], $0x1, s12, s9, $0xb8;
	[tilespmem:$0x1500] =	vst v63  }
0xf7: {  	s11 =	simm.s32 $0xC00  }
0xf8: {  	[spmem:s2] =	stream.indirect.scatter.add.f32 [tilespmem:s7], [sflag:$0x1], $0x1, s11, s9, $0xb8;
	[tilespmem:$0x1500] =	vst v63  }
0xf9: {  	_ =	swait.ge [sflag:s6], $0x50  }
0xfa: {  	[sflag:s6] =	ssyncset.done $0x0  }
0xfb: {  	[sflag:s6] =	ssyncadd.s32 $0xFFFFFFB0  }
0xfc: {  	_ =	swait.ge [sflag:s6], $0x50  }
0xfd: {  	[sflag:s6] =	ssyncset.done $0x0  }
0xfe: {  	[sflag:s6] =	ssyncadd.s32 $0xFFFFFFB0  }
0xff: {  	_ =	swait.ge [sflag:s6], $0x50  }
0x100: {  	[sflag:s6] =	ssyncset.done $0x0  }
0x101: {  	[sflag:s6] =	ssyncadd.s32 $0xFFFFFFB0  }
0x102: {  	_ =	swait.ge [sflag:s6], $0x50  }
0x103: {  	[sflag:s6] =	ssyncset.done $0x0  }
0x104: {  	[sflag:s6] =	ssyncadd.s32 $0xFFFFFFB0  }
0x105: {  	_ =	swait.ge [sflag:s6], $0x50  }
0x106: {  	[sflag:s6] =	ssyncset.done $0x0  }
0x107: {  	[sflag:s6] =	ssyncadd.s32 $0xFFFFFFB0  }
0x108: {  	_ =	swait.ge [sflag:s6], $0x50  }
0x109: {  	[sflag:s6] =	ssyncset.done $0x0  }
0x10a: {  	[sflag:s6] =	ssyncadd.s32 $0xFFFFFFB0  }
0x10b: {  	_ =	swait.ge [sflag:s6], $0x50  }
0x10c: {  	[sflag:s6] =	ssyncset.done $0x0  }
0x10d: {  	[sflag:s6] =	ssyncadd.s32 $0xFFFFFFB0  }
0x10e: {  	_ =	swait.ge [sflag:s6], $0x50  }
0x10f: {  	[sflag:s6] =	ssyncset.done $0x0  }
0x110: {  	[sflag:s6] =	ssyncadd.s32 $0xFFFFFFB0  }
0x111: {  	_ =	swait.ge [sflag:s6], $0x50  }
0x112: {  	[sflag:s6] =	ssyncset.done $0x0  }
0x113: {  	[sflag:s6] =	ssyncadd.s32 $0xFFFFFFB0  }
0x114: {  	_ =	swait.ge [sflag:s6], $0x50  }
0x115: {  	[sflag:s6] =	ssyncset.done $0x0  }
0x116: {  	[sflag:s6] =	ssyncadd.s32 $0xFFFFFFB0  }
0x117: {  	_ =	swait.ge [sflag:s6], $0x50  }
0x118: {  	[sflag:s6] =	ssyncset.done $0x0  }
0x119: {  	[sflag:s6] =	ssyncadd.s32 $0xFFFFFFB0  }
0x11a: {  	_ =	swait.ge [sflag:s6], $0x50  }
0x11b: {  	[sflag:s6] =	ssyncset.done $0x0  }
0x11c: {  	[sflag:s6] =	ssyncadd.s32 $0xFFFFFFB0  }
0x11d: {  	_ =	swait.ge [sflag:s6], $0x50  }
0x11e: {  	[sflag:s6] =	ssyncset.done $0x0  }
0x11f: {  	[sflag:s6] =	ssyncadd.s32 $0xFFFFFFB0  }
0x120: {  	_ =	swait.ge [sflag:s6], $0x50  }
0x121: {  	[sflag:s6] =	ssyncset.done $0x0  }
0x122: {  	[sflag:s6] =	ssyncadd.s32 $0xFFFFFFB0  }
0x123: {  	_ =	swait.ge [sflag:s6], $0x50  }
0x124: {  	[sflag:s6] =	ssyncset.done $0x0  }
0x125: {  	[sflag:s6] =	ssyncadd.s32 $0xFFFFFFB0  }
0x126: {  	_ =	swait.ge [sflag:s6], $0x50  }
0x127: {  	[sflag:s6] =	ssyncset.done $0x0  }
0x128: {  	[sflag:s6] =	ssyncadd.s32 $0xFFFFFFB0  }
0x129: {  	_ =	swait.ge [sflag:s6], $0x50  }
0x12a: {  	[sflag:s6] =	ssyncset.done $0x0  }
0x12b: {  	[sflag:s6] =	ssyncadd.s32 $0xFFFFFFB0  }
0x12c: {  	_ =	swait.ge [sflag:s6], $0x50  }
0x12d: {  	[sflag:s6] =	ssyncset.done $0x0  }
0x12e: {  	[sflag:s6] =	ssyncadd.s32 $0xFFFFFFB0  }
0x12f: {  	_ =	swait.ge [sflag:s6], $0x50  }
0x130: {  	[sflag:s6] =	ssyncset.done $0x0  }
0x131: {  	[sflag:s6] =	ssyncadd.s32 $0xFFFFFFB0  }
0x132: {  	_ =	swait.ge [sflag:s6], $0x50  }
0x133: {  	[sflag:s6] =	ssyncset.done $0x0  }
0x134: {  	[sflag:s6] =	ssyncadd.s32 $0xFFFFFFB0  }
0x135: {  	_ =	swait.ge [sflag:s6], $0x50  }
0x136: {  	[sflag:s6] =	ssyncset.done $0x0  }
0x137: {  	[sflag:s6] =	ssyncadd.s32 $0xFFFFFFB0  }
0x138: {  	_ =	swait.ge [sflag:s6], $0x50  }
0x139: {  	[sflag:s6] =	ssyncset.done $0x0  }
0x13a: {  	[sflag:s6] =	ssyncadd.s32 $0xFFFFFFB0  }
0x13b: {  	_ =	swait.ge [sflag:s6], $0x50  }
0x13c: {  	[sflag:s6] =	ssyncset.done $0x0  }
0x13d: {  	p1 =	sne.s32 s10, $0x800;
	[sflag:s6] =	ssyncadd.s32 $0xFFFFFFB0  }
.Ltmp0:
0x13e: {  	_ =	swait.ge [sflag:s6], $0x50;
	(pc) =	sbr.rel @p1 .LBB2_2-.Ltmp0, $4  }
0x13f: {  	[sflag:s6] =	ssyncset.done $0x0  }
0x140: {  	[sflag:s6] =	ssyncadd.s32 $0xFFFFFFB0  }
0x141: {  	_ =	swait.ge [sflag:s6], $0x50  }
0x142: {  	s10 =	sadd.s32 $0x200, s10;
	s11 =	rddreg [dreg:$0x4];
	[sflag:s6] =	ssyncset.done $0x0  }
0x143: {  	[sflag:s6] =	ssyncadd.s32 $0xFFFFFFB0;
	s3 =	sadd.s32 s3, s11  }
0x144: {  	[tilespmem:s4], [sflag:$0x2] =	stream.linear.gather [hbm4b:s3+s4], $0xC80, $0x38;
	[tilespmem:$0x1500] =	vst v63  }
0x145: {  	_ =	swait.ge [sflag:s8], $0xC80  }
0x146: {  	[sflag:s8] =	ssyncset.done $0x0  }
0x147: {  	[sflag:s8] =	ssyncadd.s32 $0xFFFFF380  }
0x148: {  	[spmem:s2] =	stream.indirect.scatter.add.f32 [tilespmem:s7], [sflag:$0x1], $0x1, s4, s9, $0xb8;
	[tilespmem:$0x1500] =	vst v63  }
0x149: {  	_ = 	snop  }
0x14a: {  	[spmem:s2] =	stream.indirect.scatter.add.f32 [tilespmem:s7], [sflag:$0x1], $0x1, s13, s9, $0xb8;
	[tilespmem:$0x1500] =	vst v63  }
0x14b: {  	_ = 	snop  }
0x14c: {  	[spmem:s2] =	stream.indirect.scatter.add.f32 [tilespmem:s7], [sflag:$0x1], $0x1, s14, s9, $0xb8;
	[tilespmem:$0x1500] =	vst v63  }
0x14d: {  	_ = 	snop  }
0x14e: {  	[spmem:s2] =	stream.indirect.scatter.add.f32 [tilespmem:s7], [sflag:$0x1], $0x1, s15, s9, $0xb8;
	[tilespmem:$0x1500] =	vst v63  }
0x14f: {  	_ = 	snop  }
0x150: {  	[spmem:s2] =	stream.indirect.scatter.add.f32 [tilespmem:s7], [sflag:$0x1], $0x1, s16, s9, $0xb8;
	[tilespmem:$0x1500] =	vst v63  }
0x151: {  	_ = 	snop  }
0x152: {  	[spmem:s2] =	stream.indirect.scatter.add.f32 [tilespmem:s7], [sflag:$0x1], $0x1, s17, s9, $0xb8;
	[tilespmem:$0x1500] =	vst v63  }
0x153: {  	_ = 	snop  }
0x154: {  	[spmem:s2] =	stream.indirect.scatter.add.f32 [tilespmem:s7], [sflag:$0x1], $0x1, s18, s9, $0xb8;
	[tilespmem:$0x1500] =	vst v63  }
0x155: {  	_ = 	snop  }
0x156: {  	[spmem:s2] =	stream.indirect.scatter.add.f32 [tilespmem:s7], [sflag:$0x1], $0x1, s19, s9, $0xb8;
	[tilespmem:$0x1500] =	vst v63  }
0x157: {  	_ = 	snop  }
0x158: {  	[spmem:s2] =	stream.indirect.scatter.add.f32 [tilespmem:s7], [sflag:$0x1], $0x1, s20, s9, $0xb8;
	[tilespmem:$0x1500] =	vst v63  }
0x159: {  	_ = 	snop  }
0x15a: {  	[spmem:s2] =	stream.indirect.scatter.add.f32 [tilespmem:s7], [sflag:$0x1], $0x1, s21, s9, $0xb8;
	[tilespmem:$0x1500] =	vst v63  }
0x15b: {  	_ = 	snop  }
0x15c: {  	[spmem:s2] =	stream.indirect.scatter.add.f32 [tilespmem:s7], [sflag:$0x1], $0x1, s22, s9, $0xb8;
	[tilespmem:$0x1500] =	vst v63  }
0x15d: {  	_ = 	snop  }
0x15e: {  	[spmem:s2] =	stream.indirect.scatter.add.f32 [tilespmem:s7], [sflag:$0x1], $0x1, s23, s9, $0xb8;
	[tilespmem:$0x1500] =	vst v63  }
0x15f: {  	_ = 	snop  }
0x160: {  	[spmem:s2] =	stream.indirect.scatter.add.f32 [tilespmem:s7], [sflag:$0x1], $0x1, s24, s9, $0xb8;
	[tilespmem:$0x1500] =	vst v63  }
0x161: {  	_ = 	snop  }
0x162: {  	[spmem:s2] =	stream.indirect.scatter.add.f32 [tilespmem:s7], [sflag:$0x1], $0x1, s25, s9, $0xb8;
	[tilespmem:$0x1500] =	vst v63  }
0x163: {  	_ = 	snop  }
0x164: {  	[spmem:s2] =	stream.indirect.scatter.add.f32 [tilespmem:s7], [sflag:$0x1], $0x1, s26, s9, $0xb8;
	[tilespmem:$0x1500] =	vst v63  }
0x165: {  	_ = 	snop  }
0x166: {  	[spmem:s2] =	stream.indirect.scatter.add.f32 [tilespmem:s7], [sflag:$0x1], $0x1, s28, s9, $0xb8;
	[tilespmem:$0x1500] =	vst v63  }
0x167: {  	_ = 	snop  }
0x168: {  	[spmem:s2] =	stream.indirect.scatter.add.f32 [tilespmem:s7], [sflag:$0x1], $0x1, s29, s9, $0xb8;
	[tilespmem:$0x1500] =	vst v63  }
0x169: {  	_ = 	snop  }
0x16a: {  	[spmem:s2] =	stream.indirect.scatter.add.f32 [tilespmem:s7], [sflag:$0x1], $0x1, s30, s9, $0xb8;
	[tilespmem:$0x1500] =	vst v63  }
0x16b: {  	_ = 	snop  }
0x16c: {  	[spmem:s2] =	stream.indirect.scatter.add.f32 [tilespmem:s7], [sflag:$0x1], $0x1, s31, s9, $0xb8;
	[tilespmem:$0x1500] =	vst v63  }
0x16d: {  	_ = 	snop  }
0x16e: {  	[spmem:s2] =	stream.indirect.scatter.add.f32 [tilespmem:s7], [sflag:$0x1], $0x1, s0, s9, $0xb8;
	[tilespmem:$0x1500] =	vst v63  }
0x16f: {  	_ = 	snop  }
0x170: {  	[spmem:s2] =	stream.indirect.scatter.add.f32 [tilespmem:s7], [sflag:$0x1], $0x1, s1, s9, $0xb8;
	[tilespmem:$0x1500] =	vst v63  }
0x171: {  	_ = 	snop  }
0x172: {  	[spmem:s2] =	stream.indirect.scatter.add.f32 [tilespmem:s7], [sflag:$0x1], $0x1, s5, s9, $0xb8;
	[tilespmem:$0x1500] =	vst v63  }
0x173: {  	s25 =	simm.s32 $0xB00  }
0x174: {  	[spmem:s2] =	stream.indirect.scatter.add.f32 [tilespmem:s7], [sflag:$0x1], $0x1, s25, s9, $0xb8;
	[tilespmem:$0x1500] =	vst v63  }
0x175: {  	_ = 	snop  }
0x176: {  	[spmem:s2] =	stream.indirect.scatter.add.f32 [tilespmem:s7], [sflag:$0x1], $0x1, s12, s9, $0xb8;
	[tilespmem:$0x1500] =	vst v63  }
0x177: {  	s26 =	simm.s32 $0xC00  }
0x178: {  	[spmem:s2] =	stream.indirect.scatter.add.f32 [tilespmem:s7], [sflag:$0x1], $0x1, s26, s9, $0xb8;
	[tilespmem:$0x1500] =	vst v63  }
0x179: {  	_ =	swait.ge [sflag:s6], $0x50  }
0x17a: {  	[sflag:s6] =	ssyncset.done $0x0  }
0x17b: {  	[sflag:s6] =	ssyncadd.s32 $0xFFFFFFB0  }
0x17c: {  	_ =	swait.ge [sflag:s6], $0x50  }
0x17d: {  	[sflag:s6] =	ssyncset.done $0x0  }
0x17e: {  	[sflag:s6] =	ssyncadd.s32 $0xFFFFFFB0  }
0x17f: {  	_ =	swait.ge [sflag:s6], $0x50  }
0x180: {  	[sflag:s6] =	ssyncset.done $0x0  }
0x181: {  	[sflag:s6] =	ssyncadd.s32 $0xFFFFFFB0  }
0x182: {  	_ =	swait.ge [sflag:s6], $0x50  }
0x183: {  	[sflag:s6] =	ssyncset.done $0x0  }
0x184: {  	[sflag:s6] =	ssyncadd.s32 $0xFFFFFFB0  }
0x185: {  	_ =	swait.ge [sflag:s6], $0x50  }
0x186: {  	[sflag:s6] =	ssyncset.done $0x0  }
0x187: {  	[sflag:s6] =	ssyncadd.s32 $0xFFFFFFB0  }
0x188: {  	_ =	swait.ge [sflag:s6], $0x50  }
0x189: {  	[sflag:s6] =	ssyncset.done $0x0  }
0x18a: {  	[sflag:s6] =	ssyncadd.s32 $0xFFFFFFB0  }
0x18b: {  	_ =	swait.ge [sflag:s6], $0x50  }
0x18c: {  	[sflag:s6] =	ssyncset.done $0x0  }
0x18d: {  	[sflag:s6] =	ssyncadd.s32 $0xFFFFFFB0  }
0x18e: {  	_ =	swait.ge [sflag:s6], $0x50  }
0x18f: {  	[sflag:s6] =	ssyncset.done $0x0  }
0x190: {  	[sflag:s6] =	ssyncadd.s32 $0xFFFFFFB0  }
0x191: {  	_ =	swait.ge [sflag:s6], $0x50  }
0x192: {  	[sflag:s6] =	ssyncset.done $0x0  }
0x193: {  	[sflag:s6] =	ssyncadd.s32 $0xFFFFFFB0  }
0x194: {  	_ =	swait.ge [sflag:s6], $0x50  }
0x195: {  	[sflag:s6] =	ssyncset.done $0x0  }
0x196: {  	[sflag:s6] =	ssyncadd.s32 $0xFFFFFFB0  }
0x197: {  	_ =	swait.ge [sflag:s6], $0x50  }
0x198: {  	[sflag:s6] =	ssyncset.done $0x0  }
0x199: {  	[sflag:s6] =	ssyncadd.s32 $0xFFFFFFB0  }
0x19a: {  	_ =	swait.ge [sflag:s6], $0x50  }
0x19b: {  	[sflag:s6] =	ssyncset.done $0x0  }
0x19c: {  	[sflag:s6] =	ssyncadd.s32 $0xFFFFFFB0  }
0x19d: {  	_ =	swait.ge [sflag:s6], $0x50  }
0x19e: {  	[sflag:s6] =	ssyncset.done $0x0  }
0x19f: {  	[sflag:s6] =	ssyncadd.s32 $0xFFFFFFB0  }
0x1a0: {  	_ =	swait.ge [sflag:s6], $0x50  }
0x1a1: {  	[sflag:s6] =	ssyncset.done $0x0  }
0x1a2: {  	[sflag:s6] =	ssyncadd.s32 $0xFFFFFFB0  }
0x1a3: {  	_ =	swait.ge [sflag:s6], $0x50  }
0x1a4: {  	[sflag:s6] =	ssyncset.done $0x0  }
0x1a5: {  	[sflag:s6] =	ssyncadd.s32 $0xFFFFFFB0  }
0x1a6: {  	_ =	swait.ge [sflag:s6], $0x50  }
0x1a7: {  	[sflag:s6] =	ssyncset.done $0x0  }
0x1a8: {  	[sflag:s6] =	ssyncadd.s32 $0xFFFFFFB0  }
0x1a9: {  	_ =	swait.ge [sflag:s6], $0x50  }
0x1aa: {  	[sflag:s6] =	ssyncset.done $0x0  }
0x1ab: {  	[sflag:s6] =	ssyncadd.s32 $0xFFFFFFB0  }
0x1ac: {  	_ =	swait.ge [sflag:s6], $0x50  }
0x1ad: {  	[sflag:s6] =	ssyncset.done $0x0  }
0x1ae: {  	[sflag:s6] =	ssyncadd.s32 $0xFFFFFFB0  }
0x1af: {  	_ =	swait.ge [sflag:s6], $0x50  }
0x1b0: {  	[sflag:s6] =	ssyncset.done $0x0  }
0x1b1: {  	[sflag:s6] =	ssyncadd.s32 $0xFFFFFFB0  }
0x1b2: {  	_ =	swait.ge [sflag:s6], $0x50  }
0x1b3: {  	[sflag:s6] =	ssyncset.done $0x0  }
0x1b4: {  	[sflag:s6] =	ssyncadd.s32 $0xFFFFFFB0  }
0x1b5: {  	_ =	swait.ge [sflag:s6], $0x50  }
0x1b6: {  	p2 =	por $0x1, $0x1;
	[sflag:s6] =	ssyncset.done $0x0  }
0x1b7: {  	p1 =	por $0x0, $0x0;
	s11 =	simm.s32 $0x80;
	[sflag:s6] =	ssyncadd.s32 $0xFFFFFFB0  }
0x1b8: {  	s3 =	simm.s32 $0x200;
	s13 =	simm.s32 $0x100;
	_ =	swait.ge [sflag:s6], $0x50  }
0x1b9: {  	s14 =	simm.s32 $0x180;
	s15 =	simm.s32 $0x200;
	[sflag:s6] =	ssyncset.done $0x0  }
0x1ba: {  	s16 =	simm.s32 $0x280;
	s17 =	simm.s32 $0x300;
	[sflag:s6] =	ssyncadd.s32 $0xFFFFFFB0  }
0x1bb: {  	s18 =	simm.s32 $0x380;
	s19 =	simm.s32 $0x400;
	_ =	swait.ge [sflag:s6], $0x50  }
0x1bc: {  	s20 =	simm.s32 $0x480;
	s21 =	simm.s32 $0x500;
	[sflag:s6] =	ssyncset.done $0x0  }
0x1bd: {  	s22 =	simm.s32 $0x580;
	s23 =	simm.s32 $0x600;
	[sflag:s6] =	ssyncadd.s32 $0xFFFFFFB0  }
0x1be: {  	s24 =	simm.s32 $0x680;
	s28 =	simm.s32 $0x800;
	_ =	swait.ge [sflag:s6], $0x50  }
.Ltmp1:
0x1bf: {  	s29 =	simm.s32 $0x880;
	[sflag:s6] =	ssyncset.done $0x0;
	(pc) =	sbr.rel @!p2 .LBB2_4-.Ltmp1, $4  }
0x1c0: {  	s30 =	simm.s32 $0x900;
	s31 =	simm.s32 $0x980;
	[sflag:s6] =	ssyncadd.s32 $0xFFFFFFB0  }
0x1c1: {  	s0 =	simm.s32 $0xA00;
	s1 =	simm.s32 $0xA80;
	_ =	swait.ge [sflag:s6], $0x50  }
0x1c2: {  	s5 =	simm.s32 $0xB00;
	s25 =	simm.s32 $0x700;
	[sflag:s6] =	ssyncset.done $0x0  }
0x1c3: {  	s26 =	simm.s32 $0x780;
	s10 =	rddreg [dreg:$0x5];
	[sflag:s6] =	ssyncadd.s32 $0xFFFFFFB0  }
0x1c4: {  	s4 =	sadd.s32 $0x0, s10;
	s12 =	simm.s32 $0x0  }
0x1c5: {  	[tilespmem:s12], [sflag:$0x2] =	stream.linear.gather [hbm4b:s4+s12], $0xC80, $0x38;
	[tilespmem:$0x1500] =	vst v63  }
0x1c6: {  	_ =	swait.ge [sflag:s8], $0xC80  }
0x1c7: {  	[sflag:s8] =	ssyncset.done $0x0  }
0x1c8: {  	[sflag:s8] =	ssyncadd.s32 $0xFFFFF380  }
0x1c9: {  	[spmem:s2] =	stream.indirect.scatter.add.f32 [tilespmem:s7], [sflag:$0x1], $0x1, s12, s9, $0xb8;
	[tilespmem:$0x1500] =	vst v63  }
0x1ca: {  	_ = 	snop  }
0x1cb: {  	[spmem:s2] =	stream.indirect.scatter.add.f32 [tilespmem:s7], [sflag:$0x1], $0x1, s11, s9, $0xb8;
	[tilespmem:$0x1500] =	vst v63  }
0x1cc: {  	_ = 	snop  }
0x1cd: {  	[spmem:s2] =	stream.indirect.scatter.add.f32 [tilespmem:s7], [sflag:$0x1], $0x1, s13, s9, $0xb8;
	[tilespmem:$0x1500] =	vst v63  }
0x1ce: {  	_ = 	snop  }
0x1cf: {  	[spmem:s2] =	stream.indirect.scatter.add.f32 [tilespmem:s7], [sflag:$0x1], $0x1, s14, s9, $0xb8;
	[tilespmem:$0x1500] =	vst v63  }
0x1d0: {  	_ = 	snop  }
0x1d1: {  	[spmem:s2] =	stream.indirect.scatter.add.f32 [tilespmem:s7], [sflag:$0x1], $0x1, s15, s9, $0xb8;
	[tilespmem:$0x1500] =	vst v63  }
0x1d2: {  	_ = 	snop  }
0x1d3: {  	[spmem:s2] =	stream.indirect.scatter.add.f32 [tilespmem:s7], [sflag:$0x1], $0x1, s16, s9, $0xb8;
	[tilespmem:$0x1500] =	vst v63  }
0x1d4: {  	_ = 	snop  }
0x1d5: {  	[spmem:s2] =	stream.indirect.scatter.add.f32 [tilespmem:s7], [sflag:$0x1], $0x1, s17, s9, $0xb8;
	[tilespmem:$0x1500] =	vst v63  }
0x1d6: {  	_ = 	snop  }
0x1d7: {  	[spmem:s2] =	stream.indirect.scatter.add.f32 [tilespmem:s7], [sflag:$0x1], $0x1, s18, s9, $0xb8;
	[tilespmem:$0x1500] =	vst v63  }
0x1d8: {  	_ = 	snop  }
0x1d9: {  	[spmem:s2] =	stream.indirect.scatter.add.f32 [tilespmem:s7], [sflag:$0x1], $0x1, s19, s9, $0xb8;
	[tilespmem:$0x1500] =	vst v63  }
0x1da: {  	_ = 	snop  }
0x1db: {  	[spmem:s2] =	stream.indirect.scatter.add.f32 [tilespmem:s7], [sflag:$0x1], $0x1, s20, s9, $0xb8;
	[tilespmem:$0x1500] =	vst v63  }
0x1dc: {  	_ = 	snop  }
0x1dd: {  	[spmem:s2] =	stream.indirect.scatter.add.f32 [tilespmem:s7], [sflag:$0x1], $0x1, s21, s9, $0xb8;
	[tilespmem:$0x1500] =	vst v63  }
0x1de: {  	_ = 	snop  }
0x1df: {  	[spmem:s2] =	stream.indirect.scatter.add.f32 [tilespmem:s7], [sflag:$0x1], $0x1, s22, s9, $0xb8;
	[tilespmem:$0x1500] =	vst v63  }
0x1e0: {  	_ = 	snop  }
0x1e1: {  	[spmem:s2] =	stream.indirect.scatter.add.f32 [tilespmem:s7], [sflag:$0x1], $0x1, s23, s9, $0xb8;
	[tilespmem:$0x1500] =	vst v63  }
0x1e2: {  	_ = 	snop  }
0x1e3: {  	[spmem:s2] =	stream.indirect.scatter.add.f32 [tilespmem:s7], [sflag:$0x1], $0x1, s24, s9, $0xb8;
	[tilespmem:$0x1500] =	vst v63  }
0x1e4: {  	_ = 	snop  }
0x1e5: {  	[spmem:s2] =	stream.indirect.scatter.add.f32 [tilespmem:s7], [sflag:$0x1], $0x1, s25, s9, $0xb8;
	[tilespmem:$0x1500] =	vst v63  }
0x1e6: {  	_ = 	snop  }
0x1e7: {  	[spmem:s2] =	stream.indirect.scatter.add.f32 [tilespmem:s7], [sflag:$0x1], $0x1, s26, s9, $0xb8;
	[tilespmem:$0x1500] =	vst v63  }
0x1e8: {  	_ = 	snop  }
0x1e9: {  	[spmem:s2] =	stream.indirect.scatter.add.f32 [tilespmem:s7], [sflag:$0x1], $0x1, s28, s9, $0xb8;
	[tilespmem:$0x1500] =	vst v63  }
0x1ea: {  	_ = 	snop  }
0x1eb: {  	[spmem:s2] =	stream.indirect.scatter.add.f32 [tilespmem:s7], [sflag:$0x1], $0x1, s29, s9, $0xb8;
	[tilespmem:$0x1500] =	vst v63  }
0x1ec: {  	_ = 	snop  }
0x1ed: {  	[spmem:s2] =	stream.indirect.scatter.add.f32 [tilespmem:s7], [sflag:$0x1], $0x1, s30, s9, $0xb8;
	[tilespmem:$0x1500] =	vst v63  }
0x1ee: {  	_ = 	snop  }
0x1ef: {  	[spmem:s2] =	stream.indirect.scatter.add.f32 [tilespmem:s7], [sflag:$0x1], $0x1, s31, s9, $0xb8;
	[tilespmem:$0x1500] =	vst v63  }
0x1f0: {  	_ = 	snop  }
0x1f1: {  	[spmem:s2] =	stream.indirect.scatter.add.f32 [tilespmem:s7], [sflag:$0x1], $0x1, s0, s9, $0xb8;
	[tilespmem:$0x1500] =	vst v63  }
0x1f2: {  	_ = 	snop  }
0x1f3: {  	[spmem:s2] =	stream.indirect.scatter.add.f32 [tilespmem:s7], [sflag:$0x1], $0x1, s1, s9, $0xb8;
	[tilespmem:$0x1500] =	vst v63  }
0x1f4: {  	_ = 	snop  }
0x1f5: {  	[spmem:s2] =	stream.indirect.scatter.add.f32 [tilespmem:s7], [sflag:$0x1], $0x1, s5, s9, $0xb8;
	[tilespmem:$0x1500] =	vst v63  }
0x1f6: {  	s10 =	simm.s32 $0xB80  }
0x1f7: {  	[spmem:s2] =	stream.indirect.scatter.add.f32 [tilespmem:s7], [sflag:$0x1], $0x1, s10, s9, $0xb8;
	[tilespmem:$0x1500] =	vst v63  }
0x1f8: {  	s10 =	simm.s32 $0xC00  }
0x1f9: {  	[spmem:s2] =	stream.indirect.scatter.add.f32 [tilespmem:s7], [sflag:$0x1], $0x1, s10, s9, $0xb8;
	[tilespmem:$0x1500] =	vst v63  }
0x1fa: {  	_ =	swait.ge [sflag:s6], $0x50  }
0x1fb: {  	[sflag:s6] =	ssyncset.done $0x0  }
0x1fc: {  	[sflag:s6] =	ssyncadd.s32 $0xFFFFFFB0  }
0x1fd: {  	_ =	swait.ge [sflag:s6], $0x50  }
0x1fe: {  	[sflag:s6] =	ssyncset.done $0x0  }
0x1ff: {  	[sflag:s6] =	ssyncadd.s32 $0xFFFFFFB0  }
0x200: {  	_ =	swait.ge [sflag:s6], $0x50  }
0x201: {  	[sflag:s6] =	ssyncset.done $0x0  }
0x202: {  	[sflag:s6] =	ssyncadd.s32 $0xFFFFFFB0  }
0x203: {  	_ =	swait.ge [sflag:s6], $0x50  }
0x204: {  	[sflag:s6] =	ssyncset.done $0x0  }
0x205: {  	[sflag:s6] =	ssyncadd.s32 $0xFFFFFFB0  }
0x206: {  	_ =	swait.ge [sflag:s6], $0x50  }
0x207: {  	[sflag:s6] =	ssyncset.done $0x0  }
0x208: {  	[sflag:s6] =	ssyncadd.s32 $0xFFFFFFB0  }
0x209: {  	_ =	swait.ge [sflag:s6], $0x50  }
0x20a: {  	[sflag:s6] =	ssyncset.done $0x0  }
0x20b: {  	[sflag:s6] =	ssyncadd.s32 $0xFFFFFFB0  }
0x20c: {  	_ =	swait.ge [sflag:s6], $0x50  }
0x20d: {  	[sflag:s6] =	ssyncset.done $0x0  }
0x20e: {  	[sflag:s6] =	ssyncadd.s32 $0xFFFFFFB0  }
0x20f: {  	_ =	swait.ge [sflag:s6], $0x50  }
0x210: {  	[sflag:s6] =	ssyncset.done $0x0  }
0x211: {  	[sflag:s6] =	ssyncadd.s32 $0xFFFFFFB0  }
0x212: {  	_ =	swait.ge [sflag:s6], $0x50  }
0x213: {  	[sflag:s6] =	ssyncset.done $0x0  }
0x214: {  	[sflag:s6] =	ssyncadd.s32 $0xFFFFFFB0  }
0x215: {  	_ =	swait.ge [sflag:s6], $0x50  }
0x216: {  	[sflag:s6] =	ssyncset.done $0x0  }
0x217: {  	[sflag:s6] =	ssyncadd.s32 $0xFFFFFFB0  }
0x218: {  	_ =	swait.ge [sflag:s6], $0x50  }
0x219: {  	[sflag:s6] =	ssyncset.done $0x0  }
0x21a: {  	[sflag:s6] =	ssyncadd.s32 $0xFFFFFFB0  }
0x21b: {  	_ =	swait.ge [sflag:s6], $0x50  }
0x21c: {  	[sflag:s6] =	ssyncset.done $0x0  }
0x21d: {  	[sflag:s6] =	ssyncadd.s32 $0xFFFFFFB0  }
0x21e: {  	_ =	swait.ge [sflag:s6], $0x50  }
0x21f: {  	[sflag:s6] =	ssyncset.done $0x0  }
0x220: {  	[sflag:s6] =	ssyncadd.s32 $0xFFFFFFB0  }
0x221: {  	_ =	swait.ge [sflag:s6], $0x50  }
0x222: {  	[sflag:s6] =	ssyncset.done $0x0  }
0x223: {  	[sflag:s6] =	ssyncadd.s32 $0xFFFFFFB0  }
0x224: {  	_ =	swait.ge [sflag:s6], $0x50  }
0x225: {  	[sflag:s6] =	ssyncset.done $0x0  }
0x226: {  	[sflag:s6] =	ssyncadd.s32 $0xFFFFFFB0  }
0x227: {  	_ =	swait.ge [sflag:s6], $0x50  }
0x228: {  	[sflag:s6] =	ssyncset.done $0x0  }
0x229: {  	[sflag:s6] =	ssyncadd.s32 $0xFFFFFFB0  }
0x22a: {  	_ =	swait.ge [sflag:s6], $0x50  }
0x22b: {  	[sflag:s6] =	ssyncset.done $0x0  }
0x22c: {  	[sflag:s6] =	ssyncadd.s32 $0xFFFFFFB0  }
0x22d: {  	_ =	swait.ge [sflag:s6], $0x50  }
0x22e: {  	[sflag:s6] =	ssyncset.done $0x0  }
0x22f: {  	[sflag:s6] =	ssyncadd.s32 $0xFFFFFFB0  }
0x230: {  	_ =	swait.ge [sflag:s6], $0x50  }
0x231: {  	[sflag:s6] =	ssyncset.done $0x0  }
0x232: {  	[sflag:s6] =	ssyncadd.s32 $0xFFFFFFB0  }
0x233: {  	_ =	swait.ge [sflag:s6], $0x50  }
0x234: {  	[sflag:s6] =	ssyncset.done $0x0  }
0x235: {  	[sflag:s6] =	ssyncadd.s32 $0xFFFFFFB0  }
0x236: {  	_ =	swait.ge [sflag:s6], $0x50  }
0x237: {  	[sflag:s6] =	ssyncset.done $0x0  }
0x238: {  	[sflag:s6] =	ssyncadd.s32 $0xFFFFFFB0  }
0x239: {  	_ =	swait.ge [sflag:s6], $0x50  }
0x23a: {  	[sflag:s6] =	ssyncset.done $0x0  }
0x23b: {  	[sflag:s6] =	ssyncadd.s32 $0xFFFFFFB0  }
0x23c: {  	_ =	swait.ge [sflag:s6], $0x50  }
0x23d: {  	[sflag:s6] =	ssyncset.done $0x0  }
0x23e: {  	p2 =	por $0x1, $0x1;
	[sflag:s6] =	ssyncadd.s32 $0xFFFFFFB0  }
.Ltmp2:
0x23f: {  	_ =	swait.ge [sflag:s6], $0x50;
	(pc) =	sbr.rel @!p2 .LBB2_6-.Ltmp2, $4  }
0x240: {  	[sflag:s6] =	ssyncset.done $0x0  }
0x241: {  	[sflag:s6] =	ssyncadd.s32 $0xFFFFFFB0  }
0x242: {  	p1 =	por $0x1, $0x1;
	_ =	swait.ge [sflag:s6], $0x50  }
0x243: {  	s4 =	simm.s32 $0x400;
	s10 =	rddreg [dreg:$0x5];
	[sflag:s6] =	ssyncset.done $0x0  }
.LBB2_7:
0x244: {  	[sflag:s6] =	ssyncadd.s32 $0xFFFFFFB0;
	s10 =	sadd.s32 s3, s10  }
0x245: {  	[tilespmem:s12], [sflag:$0x2] =	stream.linear.gather [hbm4b:s10+s12], $0xC80, $0x38;
	[tilespmem:$0x1500] =	vst v63  }
0x246: {  	_ =	swait.ge [sflag:s8], $0xC80  }
0x247: {  	[sflag:s8] =	ssyncset.done $0x0  }
0x248: {  	s11 =	smov.u32 s4;
	[sflag:s8] =	ssyncadd.s32 $0xFFFFF380  }
0x249: {  	[spmem:s2] =	stream.indirect.scatter.add.f32 [tilespmem:s7], [sflag:$0x1], $0x1, s12, s9, $0xb8;
	[tilespmem:$0x1500] =	vst v63  }
0x24a: {  	s3 =	smov.u32 s11;
	s11 =	simm.s32 $0x80  }
0x24b: {  	[spmem:s2] =	stream.indirect.scatter.add.f32 [tilespmem:s7], [sflag:$0x1], $0x1, s11, s9, $0xb8;
	[tilespmem:$0x1500] =	vst v63  }
0x24c: {  	_ = 	snop  }
0x24d: {  	[spmem:s2] =	stream.indirect.scatter.add.f32 [tilespmem:s7], [sflag:$0x1], $0x1, s13, s9, $0xb8;
	[tilespmem:$0x1500] =	vst v63  }
0x24e: {  	_ = 	snop  }
0x24f: {  	[spmem:s2] =	stream.indirect.scatter.add.f32 [tilespmem:s7], [sflag:$0x1], $0x1, s14, s9, $0xb8;
	[tilespmem:$0x1500] =	vst v63  }
0x250: {  	_ = 	snop  }
0x251: {  	[spmem:s2] =	stream.indirect.scatter.add.f32 [tilespmem:s7], [sflag:$0x1], $0x1, s15, s9, $0xb8;
	[tilespmem:$0x1500] =	vst v63  }
0x252: {  	_ = 	snop  }
0x253: {  	[spmem:s2] =	stream.indirect.scatter.add.f32 [tilespmem:s7], [sflag:$0x1], $0x1, s16, s9, $0xb8;
	[tilespmem:$0x1500] =	vst v63  }
0x254: {  	_ = 	snop  }
0x255: {  	[spmem:s2] =	stream.indirect.scatter.add.f32 [tilespmem:s7], [sflag:$0x1], $0x1, s17, s9, $0xb8;
	[tilespmem:$0x1500] =	vst v63  }
0x256: {  	_ = 	snop  }
0x257: {  	[spmem:s2] =	stream.indirect.scatter.add.f32 [tilespmem:s7], [sflag:$0x1], $0x1, s18, s9, $0xb8;
	[tilespmem:$0x1500] =	vst v63  }
0x258: {  	_ = 	snop  }
0x259: {  	[spmem:s2] =	stream.indirect.scatter.add.f32 [tilespmem:s7], [sflag:$0x1], $0x1, s19, s9, $0xb8;
	[tilespmem:$0x1500] =	vst v63  }
0x25a: {  	_ = 	snop  }
0x25b: {  	[spmem:s2] =	stream.indirect.scatter.add.f32 [tilespmem:s7], [sflag:$0x1], $0x1, s20, s9, $0xb8;
	[tilespmem:$0x1500] =	vst v63  }
0x25c: {  	_ = 	snop  }
0x25d: {  	[spmem:s2] =	stream.indirect.scatter.add.f32 [tilespmem:s7], [sflag:$0x1], $0x1, s21, s9, $0xb8;
	[tilespmem:$0x1500] =	vst v63  }
0x25e: {  	_ = 	snop  }
0x25f: {  	[spmem:s2] =	stream.indirect.scatter.add.f32 [tilespmem:s7], [sflag:$0x1], $0x1, s22, s9, $0xb8;
	[tilespmem:$0x1500] =	vst v63  }
0x260: {  	_ = 	snop  }
0x261: {  	[spmem:s2] =	stream.indirect.scatter.add.f32 [tilespmem:s7], [sflag:$0x1], $0x1, s23, s9, $0xb8;
	[tilespmem:$0x1500] =	vst v63  }
0x262: {  	_ = 	snop  }
0x263: {  	[spmem:s2] =	stream.indirect.scatter.add.f32 [tilespmem:s7], [sflag:$0x1], $0x1, s24, s9, $0xb8;
	[tilespmem:$0x1500] =	vst v63  }
0x264: {  	_ = 	snop  }
0x265: {  	[spmem:s2] =	stream.indirect.scatter.add.f32 [tilespmem:s7], [sflag:$0x1], $0x1, s25, s9, $0xb8;
	[tilespmem:$0x1500] =	vst v63  }
0x266: {  	_ = 	snop  }
0x267: {  	[spmem:s2] =	stream.indirect.scatter.add.f32 [tilespmem:s7], [sflag:$0x1], $0x1, s26, s9, $0xb8;
	[tilespmem:$0x1500] =	vst v63  }
0x268: {  	_ = 	snop  }
0x269: {  	[spmem:s2] =	stream.indirect.scatter.add.f32 [tilespmem:s7], [sflag:$0x1], $0x1, s28, s9, $0xb8;
	[tilespmem:$0x1500] =	vst v63  }
0x26a: {  	_ = 	snop  }
0x26b: {  	[spmem:s2] =	stream.indirect.scatter.add.f32 [tilespmem:s7], [sflag:$0x1], $0x1, s29, s9, $0xb8;
	[tilespmem:$0x1500] =	vst v63  }
0x26c: {  	_ = 	snop  }
0x26d: {  	[spmem:s2] =	stream.indirect.scatter.add.f32 [tilespmem:s7], [sflag:$0x1], $0x1, s30, s9, $0xb8;
	[tilespmem:$0x1500] =	vst v63  }
0x26e: {  	_ = 	snop  }
0x26f: {  	[spmem:s2] =	stream.indirect.scatter.add.f32 [tilespmem:s7], [sflag:$0x1], $0x1, s31, s9, $0xb8;
	[tilespmem:$0x1500] =	vst v63  }
0x270: {  	_ = 	snop  }
0x271: {  	[spmem:s2] =	stream.indirect.scatter.add.f32 [tilespmem:s7], [sflag:$0x1], $0x1, s0, s9, $0xb8;
	[tilespmem:$0x1500] =	vst v63  }
0x272: {  	_ = 	snop  }
0x273: {  	[spmem:s2] =	stream.indirect.scatter.add.f32 [tilespmem:s7], [sflag:$0x1], $0x1, s1, s9, $0xb8;
	[tilespmem:$0x1500] =	vst v63  }
0x274: {  	_ = 	snop  }
0x275: {  	[spmem:s2] =	stream.indirect.scatter.add.f32 [tilespmem:s7], [sflag:$0x1], $0x1, s5, s9, $0xb8;
	[tilespmem:$0x1500] =	vst v63  }
0x276: {  	s10 =	simm.s32 $0xB80  }
0x277: {  	[spmem:s2] =	stream.indirect.scatter.add.f32 [tilespmem:s7], [sflag:$0x1], $0x1, s10, s9, $0xb8;
	[tilespmem:$0x1500] =	vst v63  }
0x278: {  	s10 =	simm.s32 $0xC00  }
0x279: {  	[spmem:s2] =	stream.indirect.scatter.add.f32 [tilespmem:s7], [sflag:$0x1], $0x1, s10, s9, $0xb8;
	[tilespmem:$0x1500] =	vst v63  }
0x27a: {  	_ =	swait.ge [sflag:s6], $0x50  }
0x27b: {  	[sflag:s6] =	ssyncset.done $0x0  }
0x27c: {  	[sflag:s6] =	ssyncadd.s32 $0xFFFFFFB0  }
0x27d: {  	_ =	swait.ge [sflag:s6], $0x50  }
0x27e: {  	[sflag:s6] =	ssyncset.done $0x0  }
0x27f: {  	[sflag:s6] =	ssyncadd.s32 $0xFFFFFFB0  }
0x280: {  	_ =	swait.ge [sflag:s6], $0x50  }
0x281: {  	[sflag:s6] =	ssyncset.done $0x0  }
0x282: {  	[sflag:s6] =	ssyncadd.s32 $0xFFFFFFB0  }
0x283: {  	_ =	swait.ge [sflag:s6], $0x50  }
0x284: {  	[sflag:s6] =	ssyncset.done $0x0  }
0x285: {  	[sflag:s6] =	ssyncadd.s32 $0xFFFFFFB0  }
0x286: {  	_ =	swait.ge [sflag:s6], $0x50  }
0x287: {  	[sflag:s6] =	ssyncset.done $0x0  }
0x288: {  	[sflag:s6] =	ssyncadd.s32 $0xFFFFFFB0  }
0x289: {  	_ =	swait.ge [sflag:s6], $0x50  }
0x28a: {  	[sflag:s6] =	ssyncset.done $0x0  }
0x28b: {  	[sflag:s6] =	ssyncadd.s32 $0xFFFFFFB0  }
0x28c: {  	_ =	swait.ge [sflag:s6], $0x50  }
0x28d: {  	[sflag:s6] =	ssyncset.done $0x0  }
0x28e: {  	[sflag:s6] =	ssyncadd.s32 $0xFFFFFFB0  }
0x28f: {  	_ =	swait.ge [sflag:s6], $0x50  }
0x290: {  	[sflag:s6] =	ssyncset.done $0x0  }
0x291: {  	[sflag:s6] =	ssyncadd.s32 $0xFFFFFFB0  }
0x292: {  	_ =	swait.ge [sflag:s6], $0x50  }
0x293: {  	[sflag:s6] =	ssyncset.done $0x0  }
0x294: {  	[sflag:s6] =	ssyncadd.s32 $0xFFFFFFB0  }
0x295: {  	_ =	swait.ge [sflag:s6], $0x50  }
0x296: {  	[sflag:s6] =	ssyncset.done $0x0  }
0x297: {  	[sflag:s6] =	ssyncadd.s32 $0xFFFFFFB0  }
0x298: {  	_ =	swait.ge [sflag:s6], $0x50  }
0x299: {  	[sflag:s6] =	ssyncset.done $0x0  }
0x29a: {  	[sflag:s6] =	ssyncadd.s32 $0xFFFFFFB0  }
0x29b: {  	_ =	swait.ge [sflag:s6], $0x50  }
0x29c: {  	[sflag:s6] =	ssyncset.done $0x0  }
0x29d: {  	[sflag:s6] =	ssyncadd.s32 $0xFFFFFFB0  }
0x29e: {  	_ =	swait.ge [sflag:s6], $0x50  }
0x29f: {  	[sflag:s6] =	ssyncset.done $0x0  }
0x2a0: {  	[sflag:s6] =	ssyncadd.s32 $0xFFFFFFB0  }
0x2a1: {  	_ =	swait.ge [sflag:s6], $0x50  }
0x2a2: {  	[sflag:s6] =	ssyncset.done $0x0  }
0x2a3: {  	[sflag:s6] =	ssyncadd.s32 $0xFFFFFFB0  }
0x2a4: {  	_ =	swait.ge [sflag:s6], $0x50  }
0x2a5: {  	[sflag:s6] =	ssyncset.done $0x0  }
0x2a6: {  	[sflag:s6] =	ssyncadd.s32 $0xFFFFFFB0  }
0x2a7: {  	_ =	swait.ge [sflag:s6], $0x50  }
0x2a8: {  	[sflag:s6] =	ssyncset.done $0x0  }
0x2a9: {  	[sflag:s6] =	ssyncadd.s32 $0xFFFFFFB0  }
0x2aa: {  	_ =	swait.ge [sflag:s6], $0x50  }
0x2ab: {  	[sflag:s6] =	ssyncset.done $0x0  }
0x2ac: {  	[sflag:s6] =	ssyncadd.s32 $0xFFFFFFB0  }
0x2ad: {  	_ =	swait.ge [sflag:s6], $0x50  }
0x2ae: {  	[sflag:s6] =	ssyncset.done $0x0  }
0x2af: {  	[sflag:s6] =	ssyncadd.s32 $0xFFFFFFB0  }
0x2b0: {  	_ =	swait.ge [sflag:s6], $0x50  }
0x2b1: {  	[sflag:s6] =	ssyncset.done $0x0  }
0x2b2: {  	[sflag:s6] =	ssyncadd.s32 $0xFFFFFFB0  }
0x2b3: {  	_ =	swait.ge [sflag:s6], $0x50  }
0x2b4: {  	[sflag:s6] =	ssyncset.done $0x0  }
0x2b5: {  	[sflag:s6] =	ssyncadd.s32 $0xFFFFFFB0  }
0x2b6: {  	_ =	swait.ge [sflag:s6], $0x50  }
0x2b7: {  	[sflag:s6] =	ssyncset.done $0x0  }
0x2b8: {  	[sflag:s6] =	ssyncadd.s32 $0xFFFFFFB0  }
0x2b9: {  	_ =	swait.ge [sflag:s6], $0x50  }
0x2ba: {  	[sflag:s6] =	ssyncset.done $0x0  }
0x2bb: {  	[sflag:s6] =	ssyncadd.s32 $0xFFFFFFB0  }
0x2bc: {  	_ =	swait.ge [sflag:s6], $0x50  }
0x2bd: {  	[sflag:s6] =	ssyncset.done $0x0  }
0x2be: {  	p2 =	sne.s32 s4, $0x800;
	[sflag:s6] =	ssyncadd.s32 $0xFFFFFFB0  }
.Ltmp3:
0x2bf: {  	_ =	swait.ge [sflag:s6], $0x50;
	(pc) =	sbr.rel @p2 .LBB2_7-.Ltmp3, $4  }
0x2c0: {  	[sflag:s6] =	ssyncset.done $0x0  }
0x2c1: {  	[sflag:s6] =	ssyncadd.s32 $0xFFFFFFB0  }
0x2c2: {  	_ =	swait.ge [sflag:s6], $0x50  }
0x2c3: {  	s4 =	sadd.s32 $0x200, s4;
	s10 =	rddreg [dreg:$0x5];
	[sflag:s6] =	ssyncset.done $0x0  }
0x2c4: {  	s4 =	smov.u32 s3  }
.LBB2_9:
0x2c5: {  	[sflag:s6] =	ssyncadd.s32 @p1 $0xFFFFFFB0;
	s3 =	sadd.s32 s4, s10  }
0x2c6: {  	[tilespmem:s12], [sflag:$0x2] =	stream.linear.gather [hbm4b:s3+s12], $0xC80, $0x38;
	[tilespmem:$0x1500] =	vst v63  }
0x2c7: {  	_ =	swait.ge [sflag:s8], $0xC80  }
0x2c8: {  	[sflag:s8] =	ssyncset.done $0x0  }
0x2c9: {  	[sflag:s8] =	ssyncadd.s32 $0xFFFFF380  }
0x2ca: {  	[spmem:s2] =	stream.indirect.scatter.add.f32 [tilespmem:s7], [sflag:$0x1], $0x1, s12, s9, $0xb8;
	[tilespmem:$0x1500] =	vst v63  }
0x2cb: {  	_ = 	snop  }
0x2cc: {  	[spmem:s2] =	stream.indirect.scatter.add.f32 [tilespmem:s7], [sflag:$0x1], $0x1, s11, s9, $0xb8;
	[tilespmem:$0x1500] =	vst v63  }
0x2cd: {  	_ = 	snop  }
0x2ce: {  	[spmem:s2] =	stream.indirect.scatter.add.f32 [tilespmem:s7], [sflag:$0x1], $0x1, s13, s9, $0xb8;
	[tilespmem:$0x1500] =	vst v63  }
0x2cf: {  	_ = 	snop  }
0x2d0: {  	[spmem:s2] =	stream.indirect.scatter.add.f32 [tilespmem:s7], [sflag:$0x1], $0x1, s14, s9, $0xb8;
	[tilespmem:$0x1500] =	vst v63  }
0x2d1: {  	_ = 	snop  }
0x2d2: {  	[spmem:s2] =	stream.indirect.scatter.add.f32 [tilespmem:s7], [sflag:$0x1], $0x1, s15, s9, $0xb8;
	[tilespmem:$0x1500] =	vst v63  }
0x2d3: {  	_ = 	snop  }
0x2d4: {  	[spmem:s2] =	stream.indirect.scatter.add.f32 [tilespmem:s7], [sflag:$0x1], $0x1, s16, s9, $0xb8;
	[tilespmem:$0x1500] =	vst v63  }
0x2d5: {  	_ = 	snop  }
0x2d6: {  	[spmem:s2] =	stream.indirect.scatter.add.f32 [tilespmem:s7], [sflag:$0x1], $0x1, s17, s9, $0xb8;
	[tilespmem:$0x1500] =	vst v63  }
0x2d7: {  	_ = 	snop  }
0x2d8: {  	[spmem:s2] =	stream.indirect.scatter.add.f32 [tilespmem:s7], [sflag:$0x1], $0x1, s18, s9, $0xb8;
	[tilespmem:$0x1500] =	vst v63  }
0x2d9: {  	_ = 	snop  }
0x2da: {  	[spmem:s2] =	stream.indirect.scatter.add.f32 [tilespmem:s7], [sflag:$0x1], $0x1, s19, s9, $0xb8;
	[tilespmem:$0x1500] =	vst v63  }
0x2db: {  	_ = 	snop  }
0x2dc: {  	[spmem:s2] =	stream.indirect.scatter.add.f32 [tilespmem:s7], [sflag:$0x1], $0x1, s20, s9, $0xb8;
	[tilespmem:$0x1500] =	vst v63  }
0x2dd: {  	_ = 	snop  }
0x2de: {  	[spmem:s2] =	stream.indirect.scatter.add.f32 [tilespmem:s7], [sflag:$0x1], $0x1, s21, s9, $0xb8;
	[tilespmem:$0x1500] =	vst v63  }
0x2df: {  	_ = 	snop  }
0x2e0: {  	[spmem:s2] =	stream.indirect.scatter.add.f32 [tilespmem:s7], [sflag:$0x1], $0x1, s22, s9, $0xb8;
	[tilespmem:$0x1500] =	vst v63  }
0x2e1: {  	_ = 	snop  }
0x2e2: {  	[spmem:s2] =	stream.indirect.scatter.add.f32 [tilespmem:s7], [sflag:$0x1], $0x1, s23, s9, $0xb8;
	[tilespmem:$0x1500] =	vst v63  }
0x2e3: {  	_ = 	snop  }
0x2e4: {  	[spmem:s2] =	stream.indirect.scatter.add.f32 [tilespmem:s7], [sflag:$0x1], $0x1, s24, s9, $0xb8;
	[tilespmem:$0x1500] =	vst v63  }
0x2e5: {  	_ = 	snop  }
0x2e6: {  	[spmem:s2] =	stream.indirect.scatter.add.f32 [tilespmem:s7], [sflag:$0x1], $0x1, s25, s9, $0xb8;
	[tilespmem:$0x1500] =	vst v63  }
0x2e7: {  	_ = 	snop  }
0x2e8: {  	[spmem:s2] =	stream.indirect.scatter.add.f32 [tilespmem:s7], [sflag:$0x1], $0x1, s26, s9, $0xb8;
	[tilespmem:$0x1500] =	vst v63  }
0x2e9: {  	_ = 	snop  }
0x2ea: {  	[spmem:s2] =	stream.indirect.scatter.add.f32 [tilespmem:s7], [sflag:$0x1], $0x1, s28, s9, $0xb8;
	[tilespmem:$0x1500] =	vst v63  }
0x2eb: {  	_ = 	snop  }
0x2ec: {  	[spmem:s2] =	stream.indirect.scatter.add.f32 [tilespmem:s7], [sflag:$0x1], $0x1, s29, s9, $0xb8;
	[tilespmem:$0x1500] =	vst v63  }
0x2ed: {  	_ = 	snop  }
0x2ee: {  	[spmem:s2] =	stream.indirect.scatter.add.f32 [tilespmem:s7], [sflag:$0x1], $0x1, s30, s9, $0xb8;
	[tilespmem:$0x1500] =	vst v63  }
0x2ef: {  	_ = 	snop  }
0x2f0: {  	[spmem:s2] =	stream.indirect.scatter.add.f32 [tilespmem:s7], [sflag:$0x1], $0x1, s31, s9, $0xb8;
	[tilespmem:$0x1500] =	vst v63  }
0x2f1: {  	_ = 	snop  }
0x2f2: {  	[spmem:s2] =	stream.indirect.scatter.add.f32 [tilespmem:s7], [sflag:$0x1], $0x1, s0, s9, $0xb8;
	[tilespmem:$0x1500] =	vst v63  }
0x2f3: {  	_ = 	snop  }
0x2f4: {  	[spmem:s2] =	stream.indirect.scatter.add.f32 [tilespmem:s7], [sflag:$0x1], $0x1, s1, s9, $0xb8;
	[tilespmem:$0x1500] =	vst v63  }
0x2f5: {  	_ = 	snop  }
0x2f6: {  	[spmem:s2] =	stream.indirect.scatter.add.f32 [tilespmem:s7], [sflag:$0x1], $0x1, s5, s9, $0xb8;
	[tilespmem:$0x1500] =	vst v63  }
0x2f7: {  	s10 =	simm.s32 $0xB80  }
0x2f8: {  	[spmem:s2] =	stream.indirect.scatter.add.f32 [tilespmem:s7], [sflag:$0x1], $0x1, s10, s9, $0xb8;
	[tilespmem:$0x1500] =	vst v63  }
0x2f9: {  	s11 =	simm.s32 $0xC00  }
0x2fa: {  	[spmem:s2] =	stream.indirect.scatter.add.f32 [tilespmem:s7], [sflag:$0x1], $0x1, s11, s9, $0xb8;
	[tilespmem:$0x1500] =	vst v63  }
0x2fb: {  	_ =	swait.ge [sflag:s6], $0x50  }
0x2fc: {  	[sflag:s6] =	ssyncset.done $0x0  }
0x2fd: {  	[sflag:s6] =	ssyncadd.s32 $0xFFFFFFB0  }
0x2fe: {  	_ =	swait.ge [sflag:s6], $0x50  }
0x2ff: {  	[sflag:s6] =	ssyncset.done $0x0  }
0x300: {  	[sflag:s6] =	ssyncadd.s32 $0xFFFFFFB0  }
0x301: {  	_ =	swait.ge [sflag:s6], $0x50  }
0x302: {  	[sflag:s6] =	ssyncset.done $0x0  }
0x303: {  	[sflag:s6] =	ssyncadd.s32 $0xFFFFFFB0  }
0x304: {  	_ =	swait.ge [sflag:s6], $0x50  }
0x305: {  	[sflag:s6] =	ssyncset.done $0x0  }
0x306: {  	[sflag:s6] =	ssyncadd.s32 $0xFFFFFFB0  }
0x307: {  	_ =	swait.ge [sflag:s6], $0x50  }
0x308: {  	[sflag:s6] =	ssyncset.done $0x0  }
0x309: {  	[sflag:s6] =	ssyncadd.s32 $0xFFFFFFB0  }
0x30a: {  	_ =	swait.ge [sflag:s6], $0x50  }
0x30b: {  	[sflag:s6] =	ssyncset.done $0x0  }
0x30c: {  	[sflag:s6] =	ssyncadd.s32 $0xFFFFFFB0  }
0x30d: {  	_ =	swait.ge [sflag:s6], $0x50  }
0x30e: {  	[sflag:s6] =	ssyncset.done $0x0  }
0x30f: {  	[sflag:s6] =	ssyncadd.s32 $0xFFFFFFB0  }
0x310: {  	_ =	swait.ge [sflag:s6], $0x50  }
0x311: {  	[sflag:s6] =	ssyncset.done $0x0  }
0x312: {  	[sflag:s6] =	ssyncadd.s32 $0xFFFFFFB0  }
0x313: {  	_ =	swait.ge [sflag:s6], $0x50  }
0x314: {  	[sflag:s6] =	ssyncset.done $0x0  }
0x315: {  	[sflag:s6] =	ssyncadd.s32 $0xFFFFFFB0  }
0x316: {  	_ =	swait.ge [sflag:s6], $0x50  }
0x317: {  	[sflag:s6] =	ssyncset.done $0x0  }
0x318: {  	[sflag:s6] =	ssyncadd.s32 $0xFFFFFFB0  }
0x319: {  	_ =	swait.ge [sflag:s6], $0x50  }
0x31a: {  	[sflag:s6] =	ssyncset.done $0x0  }
0x31b: {  	[sflag:s6] =	ssyncadd.s32 $0xFFFFFFB0  }
0x31c: {  	_ =	swait.ge [sflag:s6], $0x50  }
0x31d: {  	[sflag:s6] =	ssyncset.done $0x0  }
0x31e: {  	[sflag:s6] =	ssyncadd.s32 $0xFFFFFFB0  }
0x31f: {  	_ =	swait.ge [sflag:s6], $0x50  }
0x320: {  	[sflag:s6] =	ssyncset.done $0x0  }
0x321: {  	[sflag:s6] =	ssyncadd.s32 $0xFFFFFFB0  }
0x322: {  	_ =	swait.ge [sflag:s6], $0x50  }
0x323: {  	[sflag:s6] =	ssyncset.done $0x0  }
0x324: {  	[sflag:s6] =	ssyncadd.s32 $0xFFFFFFB0  }
0x325: {  	_ =	swait.ge [sflag:s6], $0x50  }
0x326: {  	[sflag:s6] =	ssyncset.done $0x0  }
0x327: {  	[sflag:s6] =	ssyncadd.s32 $0xFFFFFFB0  }
0x328: {  	_ =	swait.ge [sflag:s6], $0x50  }
0x329: {  	[sflag:s6] =	ssyncset.done $0x0  }
0x32a: {  	[sflag:s6] =	ssyncadd.s32 $0xFFFFFFB0  }
0x32b: {  	_ =	swait.ge [sflag:s6], $0x50  }
0x32c: {  	[sflag:s6] =	ssyncset.done $0x0  }
0x32d: {  	[sflag:s6] =	ssyncadd.s32 $0xFFFFFFB0  }
0x32e: {  	_ =	swait.ge [sflag:s6], $0x50  }
0x32f: {  	[sflag:s6] =	ssyncset.done $0x0  }
0x330: {  	[sflag:s6] =	ssyncadd.s32 $0xFFFFFFB0  }
0x331: {  	_ =	swait.ge [sflag:s6], $0x50  }
0x332: {  	[sflag:s6] =	ssyncset.done $0x0  }
0x333: {  	[sflag:s6] =	ssyncadd.s32 $0xFFFFFFB0  }
0x334: {  	_ =	swait.ge [sflag:s6], $0x50  }
0x335: {  	[sflag:s6] =	ssyncset.done $0x0  }
0x336: {  	[sflag:s6] =	ssyncadd.s32 $0xFFFFFFB0  }
0x337: {  	_ =	swait.ge [sflag:s6], $0x50  }
0x338: {  	[sflag:s6] =	ssyncset.done $0x0  }
0x339: {  	[sflag:s6] =	ssyncadd.s32 $0xFFFFFFB0  }
0x33a: {  	_ =	swait.ge [sflag:s6], $0x50  }
0x33b: {  	[sflag:s6] =	ssyncset.done $0x0  }
0x33c: {  	[sflag:s6] =	ssyncadd.s32 $0xFFFFFFB0  }
0x33d: {  	_ =	swait.ge [sflag:s6], $0x50  }
0x33e: {  	[sflag:s6] =	ssyncset.done $0x0  }
0x33f: {  	[sflag:s6] =	ssyncadd.s32 $0xFFFFFFB0  }
0x340: {  	_ =	swait.ge [sflag:s6], $0x50  }
0x341: {  	[sflag:s6] =	ssyncset.done $0x0  }
0x342: {  	[sflag:s6] =	ssyncadd.s32 $0xFFFFFFB0  }
0x343: {  	_ =	swait.ge [sflag:s6], $0x50  }
0x344: {  	[sflag:s6] =	ssyncset.done $0x0  }
0x345: {  	[sflag:s6] =	ssyncadd.s32 $0xFFFFFFB0  }
0x346: {  	s3 =	stileid.u32;
	[bflag:$0x0] =	sbarrier.arrive $0xFFFF  }
0x347: {  	s3 =	sshll.u32 @!p0 s3, $0x6;
	s10 =	rddreg [dreg:$0x6]  }
0x348: {  	s3 =	sor.u32 @!p0 $0x1C02, s3;
	s11 =	rddreg [dreg:$0x7];
	s4 =	sshrl.u32 @!p0 s10, $0x3  }
0x349: {  	[hbm:s11], [sflag:s3] =	dma.local @!p0 [spmem:s4], $0x50  }
0x34a: {  	s11 =	simm.s32 @!p0 $0x2  }
0x34b: {  	_ =	swait.ge @!p0 [sflag:s11], $0x50  }
0x34c: {  	s4 =	rddreg [dreg:$0x9]  }
0x34d: {  	s3 =	sadd.s32 $0x1, s4;
	s4 =	rddreg [dreg:$0x8]  }
0x34e: {  	p1 =	sne.s32 s3, s4  }
.Ltmp4:
0x34f: {  	_ = 	snop;
	(pc) =	sbr.rel @p1 .LBB2_1-.Ltmp4, $4  }
.Ltmp5:
0x350: {  	_ = 	snop;
	(pc) =	sbr.rel @!p1 .LBB2_10-.Ltmp5, $4  }
0x351: {  	_ = 	snop  }
0x352: {  	[sflag:s11] =	ssyncset.done @!p0 $0x0  }
0x353: {  	[sflag:s11] =	ssyncadd.s32 @!p0 $0xFFFFFFB0;
	s11 =	simm.s32 $0x80;
	s4 =	simm.s32 $0xC00  }
0x354: {  	_ = 	snop  }
.LBB2_4:
.Ltmp6:
0x355: {  	(pc) =	sbr.rel .LBB2_9-.Ltmp6, $2  }
0x356: {  	_ =	sdelay $0x2  }
0x357: {  	s12 =	simm.s32 $0x0  }
.LBB2_6:
.Ltmp7:
0x358: {  	(pc) =	sbr.rel .LBB2_9-.Ltmp7, $2  }
0x359: {  	_ =	sdelay $0x2  }
0x35a: {  	s4 =	simm.s32 $0x200  }
.LBB2_10:
0x35b: {  	_ =	sfence.sel $0x180000  }
0x35c: {  	[bflag:$0x0] =	sbarrier.arrive $0xFFFF  }
0x35d: {  	_ =	strace $0x90000047  }
0x35e: {  	s0 =	stileid.u32;
	[bflag:$0x2] =	sbarrier.arrive $0xFFFF  }
0x35f: {  	p0 =	sne.s32 s0, $0x0;
	s0 =	rddreg [dreg:$0x3]  }
0x360: {  	s0 =	sadd.s32 @!p0 $0x100000, s0  }
0x361: {  	[sflag:s0] =	ssyncadd.tile.s32 @!p0 $0x1;
	_ =	shalt  }
.Lfunc_end2:
_tile_overlayer_lowered:
.L_overlay_start_2:
0x362: {  	(tag) =	ssettag $0x2  }
0x363: {  	s0 =	rddreg [dreg:$0x0];
	s2 =	stileid.u32  }
0x364: {  	s1 =	rddreg [dreg:$0x1];
	p0 =	sne.s32 s2, $0x0  }
0x365: {  	s3 =	rddreg [dreg:$0x2];
	[bflag:$0x3] =	sbarrier.arrive $0xFFFF;
	s2 =	simm.s32 @!p0 $0x1C02  }
0x366: {  	[timem:s3], [sflag:s2] =	dma.local @!p0 [hbm:s0], s1  }
0x367: {  	s0 =	simm.s32 @!p0 $0x2  }
0x368: {  	_ =	swait.ge @!p0 [sflag:s0], s1  }
0x369: {  	s1 =	ssub.s32 @!p0 $0x0, s1;
	[sflag:s0] =	ssyncset.done @!p0 $0x0  }
0x36a: {  	[sflag:s0] =	ssyncadd.s32 @!p0 s1  }
0x36b: {  	[bflag:$0x3] =	sbarrier.arrive $0xFFFF  }
0x36c: {  	_ =	shalt  }

</sc_bundles>
